<compile_context>
chip_gen: v7x
topology: tpu7x:2x2x1
jax: 0.10.2.dev20260603
libtpu: 0.0.44.dev20260713+nightly
codegen_flags: <defaults>
</compile_context>

<pallas_src>
import jax
import jax.numpy as jnp
from jax import lax
from jax.experimental import pallas as pl
from jax.experimental.pallas import tpu as pltpu
from jax.experimental.pallas import tpu_sc as plsc

B, S, D = 16, 2048, 1024
REMAIN = 1024
NC, NS, L = 2, 16, 16
NW = NC * NS
RPW = (B * REMAIN) // NW
K = 16
NCHUNK = RPW // K


def _sc_body(val_hbm, gt_hbm, pos_hbm, idx_hbm, out_hbm,
             idx_b, iv_b, ip_b, vbuf0, pbuf0, vbuf1, pbuf1, vbuf2, pbuf2,
             gbuf, sem_v0, sem_p0, sem_v1, sem_p1, sem_v2, sem_p2,
             sem_o, sem_g):
    cid = lax.axis_index("c")
    sid = lax.axis_index("s")
    w = sid * NC + cid
    b = w // 2
    h = w % 2
    out_base = (1 + h * RPW) * B + b
    lane = lax.broadcasted_iota(jnp.int32, (L,), 0)

    pltpu.sync_copy(idx_hbm.at[b // 8, pl.ds(h * 4, 4), b % 8], idx_b)

    is_gt_worker = h == b % 2

    @pl.when(is_gt_worker)
    def _():
        pltpu.async_copy(gt_hbm, gbuf.at[pl.ds(0, 1)], sem_g)
        pltpu.async_copy(pos_hbm.at[pl.ds(0, 1)], gbuf.at[pl.ds(1, 1)], sem_g)

    def ixbody(i, _):
        v = idx_b[i // 8, pl.ds((i % 8) * L, L)]
        iv_b[pl.ds(i * L, L)] = v + b * S
        ip_b[pl.ds(i * L, L)] = v + 1
        return 0

    lax.fori_loop(0, RPW // L, ixbody, 0)

    def fetch(cix, vbuf, pbuf, sem_v, sem_p):
        iv = iv_b.at[pl.ds(cix * K, K)]
        ip = ip_b.at[pl.ds(cix * K, K)]
        pltpu.async_copy(val_hbm.at[iv], vbuf, sem_v)
        pltpu.async_copy(pos_hbm.at[ip], pbuf, sem_p)

    def drain(cix, vbuf, pbuf, sem_v, sem_p):
        iv = iv_b.at[pl.ds(cix * K, K)]
        ip = ip_b.at[pl.ds(cix * K, K)]
        pltpu.make_async_copy(val_hbm.at[iv], vbuf, sem_v).wait()
        pltpu.make_async_copy(pos_hbm.at[ip], pbuf, sem_p).wait()

    def process(cix, vbuf, pbuf):
        def addrow(r, _):
            for cc in range(D // L):
                plsc.addupdate(vbuf.at[r, pl.ds(cc * L, L)],
                               pbuf[r, pl.ds(cc * L, L)])
            return 0

        lax.fori_loop(0, K, addrow, 0)
        oi = out_base + (cix * K + lane) * B
        pltpu.async_copy(vbuf, out_hbm.at[oi], sem_o).wait()

    slots = ((vbuf0, pbuf0, sem_v0, sem_p0),
             (vbuf1, pbuf1, sem_v1, sem_p1),
             (vbuf2, pbuf2, sem_v2, sem_p2))
    RING = 3
    fetch(0, *slots[0])
    fetch(1, *slots[1])

    def trio(i, _):
        for sub in range(RING):
            cix = i * RING + sub
            drain(cix, *slots[sub])

            @pl.when(cix + 2 < NCHUNK)
            def _():
                fetch(cix + 2, *slots[(sub + 2) % RING])

            process(cix, *slots[sub][:2])
        return 0

    lax.fori_loop(0, NCHUNK // RING, trio, 0)
    for cix in range(NCHUNK - NCHUNK % RING, NCHUNK):
        drain(cix, *slots[cix % RING])
        process(cix, *slots[cix % RING][:2])

    @pl.when(is_gt_worker)
    def _():
        pltpu.make_async_copy(gt_hbm, gbuf.at[pl.ds(0, 1)], sem_g).wait()
        pltpu.make_async_copy(pos_hbm.at[pl.ds(0, 1)],
                              gbuf.at[pl.ds(1, 1)], sem_g).wait()

        def gtadd(i, _):
            plsc.addupdate(gbuf.at[0, pl.ds(i * L, L)],
                           gbuf[1, pl.ds(i * L, L)])
            return 0

        lax.fori_loop(0, D // L, gtadd, 0)

        def gtdup(r, _):
            for cc in range(D // L):
                vbuf0[r, pl.ds(cc * L, L)] = gbuf[0, pl.ds(cc * L, L)]
            return 0

        lax.fori_loop(0, L, gtdup, 0)
        pltpu.async_copy(vbuf0, out_hbm.at[lane * 0 + b], sem_o).wait()


@jax.jit
def _sc_gather(valf, gt, pos, idx):
    mesh = plsc.VectorSubcoreMesh(core_axis_name="c", subcore_axis_name="s",
                                  num_cores=NC, num_subcores=NS)
    fn = pl.kernel(
        _sc_body,
        out_type=jax.ShapeDtypeStruct(((REMAIN + 1) * B, D), jnp.float32),
        mesh=mesh,
        scratch_types=[
            pltpu.VMEM((RPW // 128, 128), jnp.int32),
            pltpu.VMEM((RPW,), jnp.int32),
            pltpu.VMEM((RPW,), jnp.int32),
            pltpu.VMEM((K, D), jnp.float32),
            pltpu.VMEM((K, D), jnp.float32),
            pltpu.VMEM((K, D), jnp.float32),
            pltpu.VMEM((K, D), jnp.float32),
            pltpu.VMEM((K, D), jnp.float32),
            pltpu.VMEM((K, D), jnp.float32),
            pltpu.VMEM((2, D), jnp.float32),
            pltpu.SemaphoreType.DMA,
            pltpu.SemaphoreType.DMA,
            pltpu.SemaphoreType.DMA,
            pltpu.SemaphoreType.DMA,
            pltpu.SemaphoreType.DMA,
            pltpu.SemaphoreType.DMA,
            pltpu.SemaphoreType.DMA,
            pltpu.SemaphoreType.DMA,
        ],
    )
    return fn(valf, gt, pos, idx)


def kernel(val, global_token, pos_emb, remain_idx):
    idx4 = (remain_idx.astype(jnp.int32)
            .reshape(B // 8, 8, REMAIN // 128, 128).transpose(0, 2, 1, 3))
    valf = val.reshape(B * S, D)
    out = _sc_gather(valf, global_token, pos_emb, idx4)
    return out.reshape(REMAIN + 1, B, D).transpose(1, 0, 2)

# --- scband reference (transcript-rebuilt; emitter-appended) ---
"""Pipeline reference for scband-temporal-remain-4715874091624 (READ-ONLY COPY).

The authoritative reference and input builder live on the scoring server;
editing this copy changes nothing except your own understanding.
"""

import jax, jax.numpy as jnp
import numpy as np

B, S, D = 16, 2048, 1024
REMAIN = 1024

def setup_inputs(seed: int = 0) -> dict:
    key = jax.random.key(seed)
    k1, k2, k3, k4 = jax.random.split(key, 4)
    val = jax.random.normal(k1, (B, S, D), dtype=jnp.float32)
    global_token = jax.random.normal(k2, (1, D), dtype=jnp.float32)
    pos_emb = jax.random.normal(k3, (S + 1, D), dtype=jnp.float32)
    remain_idx = jax.random.randint(k4, (B, REMAIN), 0, S, dtype=jnp.int64)
    return {"val": val, "global_token": global_token, "pos_emb": pos_emb, "remain_idx": remain_idx}

def reference(val, global_token, pos_emb, remain_idx):
    b, s, d = val.shape
    # global_token.unsqueeze(0).repeat(B,1,1)
    gt = jnp.broadcast_to(global_token[None, :, :], (b, 1, d))
    v = jnp.concatenate([gt, val], axis=1)  # [B, S+1, D]
    # pos_enc: additive learned positional encoding
    v = v + pos_emb[None, :, :]
    gt2 = v[:, :1, :]
    v = v[:, 1:, :]
    # gather along dim=1 with idx repeated over feature dim
    idx = jnp.broadcast_to(remain_idx[:, :, None], (b, remain_idx.shape[1], d))
    gathered = jnp.take_along_axis(v, idx, axis=1)
    out = jnp.concatenate([gt2, gathered], axis=1)  # [B, REMAIN+1, D]
    return out

if False:  # reference __main__ guard neutralized (emitter)
    out = reference(**setup_inputs())
    print(out.shape)

if __name__ == "__main__":
    import jax
    _d = setup_inputs()
    print(jax.jit(kernel)(*tuple(_d.values())))

</pallas_src>

<mosaic_0001>
#map = affine_map<(d0, d1) -> (0, 0)>
#map1 = affine_map<(d0, d1) -> (0, 0, 0, 0)>
module attributes {stable_mosaic.version = 14 : i64} {
  func.func @_sc_body(%arg0: i32, %arg1: i32, %arg2: memref<32768x1024xf32, #tpu.memory_space<hbm>>, %arg3: memref<1x1024xf32, #tpu.memory_space<hbm>>, %arg4: memref<2049x1024xf32, #tpu.memory_space<hbm>>, %arg5: memref<2x8x8x128xi32, #tpu.memory_space<hbm>>, %arg6: memref<16400x1024xf32, #tpu.memory_space<hbm>>, %arg7: memref<4x128xi32, #tpu.memory_space<vmem>>, %arg8: memref<512xi32, #tpu.memory_space<vmem>>, %arg9: memref<512xi32, #tpu.memory_space<vmem>>, %arg10: memref<16x1024xf32, #tpu.memory_space<vmem>>, %arg11: memref<16x1024xf32, #tpu.memory_space<vmem>>, %arg12: memref<16x1024xf32, #tpu.memory_space<vmem>>, %arg13: memref<16x1024xf32, #tpu.memory_space<vmem>>, %arg14: memref<16x1024xf32, #tpu.memory_space<vmem>>, %arg15: memref<16x1024xf32, #tpu.memory_space<vmem>>, %arg16: memref<2x1024xf32, #tpu.memory_space<vmem>>, %arg17: memref<!tpu.dma_semaphore, #tpu.memory_space<semaphore_mem>>, %arg18: memref<!tpu.dma_semaphore, #tpu.memory_space<semaphore_mem>>, %arg19: memref<!tpu.dma_semaphore, #tpu.memory_space<semaphore_mem>>, %arg20: memref<!tpu.dma_semaphore, #tpu.memory_space<semaphore_mem>>, %arg21: memref<!tpu.dma_semaphore, #tpu.memory_space<semaphore_mem>>, %arg22: memref<!tpu.dma_semaphore, #tpu.memory_space<semaphore_mem>>, %arg23: memref<!tpu.dma_semaphore, #tpu.memory_space<semaphore_mem>>, %arg24: memref<!tpu.dma_semaphore, #tpu.memory_space<semaphore_mem>>) attributes {dimension_semantics = [#tpu.dimension_semantics<core_parallel>, #tpu.dimension_semantics<subcore_parallel>], iteration_bounds = array<i64: 2, 16>, scalar_prefetch = 0 : i64, scratch_operands = 18 : i64, tpu.core_type = #tpu.core_type<sc_vector_subcore>, window_params = [{transform_indices = #map}, {transform_indices = #map}, {transform_indices = #map}, {transform_indices = #map1}, {transform_indices = #map}]} {
    %mul3A = arith.constant 2 : i32
    %mul3A_0 = arith.muli %arg1, %mul3A : i32
    %add3A = arith.addi %mul3A_0, %arg0 : i32
    %jit3A = arith.constant 2 : i32
    %div3A = arith.divsi %add3A, %jit3A : i32
    %sign3A = arith.constant 0 : i32
    %sign3A_1 = arith.cmpi sgt, %add3A, %sign3A : i32
    %sign3A_2 = arith.extui %sign3A_1 : i1 to i32
    %sign3A_3 = arith.constant 0 : i32
    %sign3A_4 = arith.cmpi slt, %add3A, %sign3A_3 : i32
    %sign3A_5 = arith.extui %sign3A_4 : i1 to i32
    %sign3A_6 = arith.subi %sign3A_2, %sign3A_5 : i32
    %sign3A_7 = arith.constant 0 : i32
    %sign3A_8 = arith.cmpi sgt, %jit3A, %sign3A_7 : i32
    %sign3A_9 = arith.extui %sign3A_8 : i1 to i32
    %sign3A_10 = arith.constant 0 : i32
    %sign3A_11 = arith.cmpi slt, %jit3A, %sign3A_10 : i32
    %sign3A_12 = arith.extui %sign3A_11 : i1 to i32
    %sign3A_13 = arith.subi %sign3A_9, %sign3A_12 : i32
    %ne3A = arith.cmpi ne, %sign3A_6, %sign3A_13 : i32
    %rem3A = arith.remsi %add3A, %jit3A : i32
    %ne3A_14 = arith.constant 0 : i32
    %ne3A_15 = arith.cmpi ne, %rem3A, %ne3A_14 : i32
    %and3A = arith.andi %ne3A, %ne3A_15 : i1
    %sub3A = arith.constant 1 : i32
    %sub3A_16 = arith.subi %div3A, %sub3A : i32
    %select_n3A = arith.select %and3A, %sub3A_16, %div3A : i32
    %jit3A_17 = arith.constant 2 : i32
    %eq3A = arith.constant 0 : i32
    %eq3A_18 = arith.cmpi eq, %jit3A_17, %eq3A : i32
    %jit3A_19 = arith.constant 1 : i32
    %select_n3A_20 = arith.select %eq3A_18, %jit3A_19, %jit3A_17 : i32
    %rem3A_21 = arith.remsi %add3A, %select_n3A_20 : i32
    %ne3A_22 = arith.constant 0 : i32
    %ne3A_23 = arith.cmpi ne, %rem3A_21, %ne3A_22 : i32
    %lt3A = arith.constant 0 : i32
    %lt3A_24 = arith.cmpi slt, %rem3A_21, %lt3A : i32
    %lt3A_25 = arith.constant 0 : i32
    %lt3A_26 = arith.cmpi slt, %select_n3A_20, %lt3A_25 : i32
    %ne3A_27 = arith.xori %lt3A_24, %lt3A_26 : i1
    %and3A_28 = arith.andi %ne3A_27, %ne3A_23 : i1
    %add3A_29 = arith.addi %rem3A_21, %select_n3A_20 : i32
    %select_n3A_30 = arith.select %and3A_28, %add3A_29, %rem3A_21 : i32
    %mul3A_31 = arith.constant 512 : i32
    %mul3A_32 = arith.muli %select_n3A_30, %mul3A_31 : i32
    %add3A_33 = arith.constant 1 : i32
    %add3A_34 = arith.addi %add3A_33, %mul3A_32 : i32
    %mul3A_35 = arith.constant 16 : i32
    %mul3A_36 = arith.muli %add3A_34, %mul3A_35 : i32
    %add3A_37 = arith.addi %mul3A_36, %select_n3A : i32
    %iota3A = tpu.iota {dimensions = array<i32: 0>} : vector<16xi32>
    %jit3A_38 = arith.constant 8 : i32
    %div3A_39 = arith.divsi %select_n3A, %jit3A_38 : i32
    %sign3A_40 = arith.constant 0 : i32
    %sign3A_41 = arith.cmpi sgt, %select_n3A, %sign3A_40 : i32
    %sign3A_42 = arith.extui %sign3A_41 : i1 to i32
    %sign3A_43 = arith.constant 0 : i32
    %sign3A_44 = arith.cmpi slt, %select_n3A, %sign3A_43 : i32
    %sign3A_45 = arith.extui %sign3A_44 : i1 to i32
    %sign3A_46 = arith.subi %sign3A_42, %sign3A_45 : i32
    %sign3A_47 = arith.constant 0 : i32
    %sign3A_48 = arith.cmpi sgt, %jit3A_38, %sign3A_47 : i32
    %sign3A_49 = arith.extui %sign3A_48 : i1 to i32
    %sign3A_50 = arith.constant 0 : i32
    %sign3A_51 = arith.cmpi slt, %jit3A_38, %sign3A_50 : i32
    %sign3A_52 = arith.extui %sign3A_51 : i1 to i32
    %sign3A_53 = arith.subi %sign3A_49, %sign3A_52 : i32
    %ne3A_54 = arith.cmpi ne, %sign3A_46, %sign3A_53 : i32
    %rem3A_55 = arith.remsi %select_n3A, %jit3A_38 : i32
    %ne3A_56 = arith.constant 0 : i32
    %ne3A_57 = arith.cmpi ne, %rem3A_55, %ne3A_56 : i32
    %and3A_58 = arith.andi %ne3A_54, %ne3A_57 : i1
    %sub3A_59 = arith.constant 1 : i32
    %sub3A_60 = arith.subi %div3A_39, %sub3A_59 : i32
    %select_n3A_61 = arith.select %and3A_58, %sub3A_60, %div3A_39 : i32
    %mul3A_62 = arith.constant 4 : i32
    %mul3A_63 = arith.muli %select_n3A_30, %mul3A_62 : i32
    %jit3A_64 = arith.constant 8 : i32
    %eq3A_65 = arith.constant 0 : i32
    %eq3A_66 = arith.cmpi eq, %jit3A_64, %eq3A_65 : i32
    %jit3A_67 = arith.constant 1 : i32
    %select_n3A_68 = arith.select %eq3A_66, %jit3A_67, %jit3A_64 : i32
    %rem3A_69 = arith.remsi %select_n3A, %select_n3A_68 : i32
    %ne3A_70 = arith.constant 0 : i32
    %ne3A_71 = arith.cmpi ne, %rem3A_69, %ne3A_70 : i32
    %lt3A_72 = arith.constant 0 : i32
    %lt3A_73 = arith.cmpi slt, %rem3A_69, %lt3A_72 : i32
    %lt3A_74 = arith.constant 0 : i32
    %lt3A_75 = arith.cmpi slt, %select_n3A_68, %lt3A_74 : i32
    %ne3A_76 = arith.xori %lt3A_73, %lt3A_75 : i1
    %and3A_77 = arith.andi %ne3A_76, %ne3A_71 : i1
    %add3A_78 = arith.addi %rem3A_69, %select_n3A_68 : i32
    %select_n3A_79 = arith.select %and3A_77, %add3A_78, %rem3A_69 : i32
    "tpu.region"() ({
      %run_scoped3A = tpu.sem_alloc : memref<!tpu.dma_semaphore, #tpu.memory_space<semaphore_mem>>
      %dma_start3A_194 = arith.constant 0 : i32
      %dma_start3A_195 = tpu.memref_slice %arg5[%select_n3A_61, %mul3A_63, %select_n3A_79, %dma_start3A_194] : memref<2x8x8x128xi32, #tpu.memory_space<hbm>> -> memref<1x4x1x128xi32, #tpu.memory_space<hbm>>
      %dma_start3A_196 = tpu.memref_squeeze %dma_start3A_195 : memref<1x4x1x128xi32, #tpu.memory_space<hbm>> -> memref<4x128xi32, #tpu.memory_space<hbm>>
      %dma_start3A_197 = arith.constant 0 : i32
      %dma_start3A_198 = tpu.memref_slice %arg5[%select_n3A_61, %mul3A_63, %select_n3A_79, %dma_start3A_197] : memref<2x8x8x128xi32, #tpu.memory_space<hbm>> -> memref<1x4x1x128xi32, #tpu.memory_space<hbm>>
      %dma_start3A_199 = tpu.memref_squeeze %dma_start3A_198 : memref<1x4x1x128xi32, #tpu.memory_space<hbm>> -> memref<4x128xi32, #tpu.memory_space<hbm>>
      tpu.enqueue_dma source(%dma_start3A_199 : memref<4x128xi32, #tpu.memory_space<hbm>>) target(%arg7 : memref<4x128xi32, #tpu.memory_space<vmem>>) target_semaphore(%run_scoped3A : memref<!tpu.dma_semaphore, #tpu.memory_space<semaphore_mem>>)
      %dma_wait3A_200 = arith.constant 0 : i32
      %dma_wait3A_201 = tpu.memref_slice %arg5[%select_n3A_61, %mul3A_63, %select_n3A_79, %dma_wait3A_200] : memref<2x8x8x128xi32, #tpu.memory_space<hbm>> -> memref<1x4x1x128xi32, #tpu.memory_space<hbm>>
      %dma_wait3A_202 = tpu.memref_squeeze %dma_wait3A_201 : memref<1x4x1x128xi32, #tpu.memory_space<hbm>> -> memref<4x128xi32, #tpu.memory_space<hbm>>
      %dma_wait3A_203 = arith.constant 0 : i32
      %dma_wait3A_204 = tpu.memref_slice %arg5[%select_n3A_61, %mul3A_63, %select_n3A_79, %dma_wait3A_203] : memref<2x8x8x128xi32, #tpu.memory_space<hbm>> -> memref<1x4x1x128xi32, #tpu.memory_space<hbm>>
      %dma_wait3A_205 = tpu.memref_squeeze %dma_wait3A_204 : memref<1x4x1x128xi32, #tpu.memory_space<hbm>> -> memref<4x128xi32, #tpu.memory_space<hbm>>
      tpu.wait_dma2 semaphore(%run_scoped3A : memref<!tpu.dma_semaphore, #tpu.memory_space<semaphore_mem>>) src(%dma_wait3A_205 : memref<4x128xi32, #tpu.memory_space<hbm>>) dst(%arg7 : memref<4x128xi32, #tpu.memory_space<vmem>>)
      tpu.yield
    }) : () -> ()
    %jit3A_80 = arith.constant 2 : i32
    %eq3A_81 = arith.constant 0 : i32
    %eq3A_82 = arith.cmpi eq, %jit3A_80, %eq3A_81 : i32
    %jit3A_83 = arith.constant 1 : i32
    %select_n3A_84 = arith.select %eq3A_82, %jit3A_83, %jit3A_80 : i32
    %rem3A_85 = arith.remsi %select_n3A, %select_n3A_84 : i32
    %ne3A_86 = arith.constant 0 : i32
    %ne3A_87 = arith.cmpi ne, %rem3A_85, %ne3A_86 : i32
    %lt3A_88 = arith.constant 0 : i32
    %lt3A_89 = arith.cmpi slt, %rem3A_85, %lt3A_88 : i32
    %lt3A_90 = arith.constant 0 : i32
    %lt3A_91 = arith.cmpi slt, %select_n3A_84, %lt3A_90 : i32
    %ne3A_92 = arith.xori %lt3A_89, %lt3A_91 : i1
    %and3A_93 = arith.andi %ne3A_92, %ne3A_87 : i1
    %add3A_94 = arith.addi %rem3A_85, %select_n3A_84 : i32
    %select_n3A_95 = arith.select %and3A_93, %add3A_94, %rem3A_85 : i32
    %eq3A_96 = arith.cmpi eq, %select_n3A_30, %select_n3A_95 : i32
    %convert_element_type3A = arith.extui %eq3A_96 : i1 to i32
    %cond3A = arith.constant 0 : i32
    %cond3A_97 = arith.cmpi ne, %convert_element_type3A, %cond3A : i32
    scf.if %cond3A_97 {
      %dma_start3A_194 = arith.constant 0 : i32
      %dma_start3A_195 = arith.constant 0 : i32
      %dma_start3A_196 = tpu.memref_slice %arg16[%dma_start3A_194, %dma_start3A_195] : memref<2x1024xf32, #tpu.memory_space<vmem>> -> memref<1x1024xf32, #tpu.memory_space<vmem>>
      %dma_start3A_197 = arith.constant 0 : i32
      %dma_start3A_198 = arith.constant 0 : i32
      %dma_start3A_199 = tpu.memref_slice %arg16[%dma_start3A_197, %dma_start3A_198] : memref<2x1024xf32, #tpu.memory_space<vmem>> -> memref<1x1024xf32, #tpu.memory_space<vmem>>
      tpu.enqueue_dma source(%arg3 : memref<1x1024xf32, #tpu.memory_space<hbm>>) target(%dma_start3A_199 : memref<1x1024xf32, #tpu.memory_space<vmem>>) target_semaphore(%arg24 : memref<!tpu.dma_semaphore, #tpu.memory_space<semaphore_mem>>)
      %dma_start3A_200 = arith.constant 1 : i32
      %dma_start3A_201 = arith.constant 0 : i32
      %dma_start3A_202 = tpu.memref_slice %arg16[%dma_start3A_200, %dma_start3A_201] : memref<2x1024xf32, #tpu.memory_space<vmem>> -> memref<1x1024xf32, #tpu.memory_space<vmem>>
      %dma_start3A_203 = arith.constant 0 : i32
      %dma_start3A_204 = arith.constant 0 : i32
      %dma_start3A_205 = tpu.memref_slice %arg4[%dma_start3A_203, %dma_start3A_204] : memref<2049x1024xf32, #tpu.memory_space<hbm>> -> memref<1x1024xf32, #tpu.memory_space<hbm>>
      %dma_start3A_206 = arith.constant 1 : i32
      %dma_start3A_207 = arith.constant 0 : i32
      %dma_start3A_208 = tpu.memref_slice %arg16[%dma_start3A_206, %dma_start3A_207] : memref<2x1024xf32, #tpu.memory_space<vmem>> -> memref<1x1024xf32, #tpu.memory_space<vmem>>
      %dma_start3A_209 = arith.constant 0 : i32
      %dma_start3A_210 = arith.constant 0 : i32
      %dma_start3A_211 = tpu.memref_slice %arg4[%dma_start3A_209, %dma_start3A_210] : memref<2049x1024xf32, #tpu.memory_space<hbm>> -> memref<1x1024xf32, #tpu.memory_space<hbm>>
      tpu.enqueue_dma source(%dma_start3A_211 : memref<1x1024xf32, #tpu.memory_space<hbm>>) target(%dma_start3A_208 : memref<1x1024xf32, #tpu.memory_space<vmem>>) target_semaphore(%arg24 : memref<!tpu.dma_semaphore, #tpu.memory_space<semaphore_mem>>)
    } else {
    }
    %scan3A = arith.constant 0 : i32
    %scan3A_98 = arith.constant 0 : i32
    %scan3A_99 = arith.constant 32 : i32
    %scan3A_100 = arith.addi %scan3A_98, %scan3A_99 : i32
    %scan3A_101 = arith.constant 1 : i32
    %scan3A_102 = scf.for %scan3A_194 = %scan3A_98 to %scan3A_100 step %scan3A_101 iter_args(%scan3A_195 = %scan3A) -> (i32)  : i32 {
      %jit3A_196 = arith.constant 8 : i32
      %div3A_197 = arith.divsi %scan3A_194, %jit3A_196 : i32
      %sign3A_198 = arith.constant 0 : i32
      %sign3A_199 = arith.cmpi sgt, %scan3A_194, %sign3A_198 : i32
      %sign3A_200 = arith.extui %sign3A_199 : i1 to i32
      %sign3A_201 = arith.constant 0 : i32
      %sign3A_202 = arith.cmpi slt, %scan3A_194, %sign3A_201 : i32
      %sign3A_203 = arith.extui %sign3A_202 : i1 to i32
      %sign3A_204 = arith.subi %sign3A_200, %sign3A_203 : i32
      %sign3A_205 = arith.constant 0 : i32
      %sign3A_206 = arith.cmpi sgt, %jit3A_196, %sign3A_205 : i32
      %sign3A_207 = arith.extui %sign3A_206 : i1 to i32
      %sign3A_208 = arith.constant 0 : i32
      %sign3A_209 = arith.cmpi slt, %jit3A_196, %sign3A_208 : i32
      %sign3A_210 = arith.extui %sign3A_209 : i1 to i32
      %sign3A_211 = arith.subi %sign3A_207, %sign3A_210 : i32
      %ne3A_212 = arith.cmpi ne, %sign3A_204, %sign3A_211 : i32
      %rem3A_213 = arith.remsi %scan3A_194, %jit3A_196 : i32
      %ne3A_214 = arith.constant 0 : i32
      %ne3A_215 = arith.cmpi ne, %rem3A_213, %ne3A_214 : i32
      %and3A_216 = arith.andi %ne3A_212, %ne3A_215 : i1
      %sub3A_217 = arith.constant 1 : i32
      %sub3A_218 = arith.subi %div3A_197, %sub3A_217 : i32
      %select_n3A_219 = arith.select %and3A_216, %sub3A_218, %div3A_197 : i32
      %jit3A_220 = arith.constant 8 : i32
      %eq3A_221 = arith.constant 0 : i32
      %eq3A_222 = arith.cmpi eq, %jit3A_220, %eq3A_221 : i32
      %jit3A_223 = arith.constant 1 : i32
      %select_n3A_224 = arith.select %eq3A_222, %jit3A_223, %jit3A_220 : i32
      %rem3A_225 = arith.remsi %scan3A_194, %select_n3A_224 : i32
      %ne3A_226 = arith.constant 0 : i32
      %ne3A_227 = arith.cmpi ne, %rem3A_225, %ne3A_226 : i32
      %lt3A_228 = arith.constant 0 : i32
      %lt3A_229 = arith.cmpi slt, %rem3A_225, %lt3A_228 : i32
      %lt3A_230 = arith.constant 0 : i32
      %lt3A_231 = arith.cmpi slt, %select_n3A_224, %lt3A_230 : i32
      %ne3A_232 = arith.xori %lt3A_229, %lt3A_231 : i1
      %and3A_233 = arith.andi %ne3A_232, %ne3A_227 : i1
      %add3A_234 = arith.addi %rem3A_225, %select_n3A_224 : i32
      %select_n3A_235 = arith.select %and3A_233, %add3A_234, %rem3A_225 : i32
      %mul3A_236 = arith.constant 16 : i32
      %mul3A_237 = arith.muli %select_n3A_235, %mul3A_236 : i32
      %get3A = arith.index_cast %select_n3A_219 : i32 to index
      %get3A_238 = arith.index_cast %mul3A_237 : i32 to index
      %get3A_239 = tpu.vector_load %arg7[%get3A, %get3A_238] {strides = array<i32>} : memref<4x128xi32, #tpu.memory_space<vmem>>, vector<1x16xi32>,
      %get3A_240 = vector.shape_cast %get3A_239 : vector<1x16xi32> to vector<16xi32>
      %mul3A_241 = arith.constant 2048 : i32
      %mul3A_242 = arith.muli %select_n3A, %mul3A_241 : i32
      %add3A_243 = vector.broadcast %mul3A_242 : i32 to vector<16xi32>
      %add3A_244 = arith.addi %get3A_240, %add3A_243 : vector<16xi32>
      %mul3A_245 = arith.constant 16 : i32
      %mul3A_246 = arith.muli %scan3A_194, %mul3A_245 : i32
      %swap3A = arith.index_cast %mul3A_246 : i32 to index
      %swap3A_247 = tpu.vector_load %arg8[%swap3A] {strides = array<i32>} : memref<512xi32, #tpu.memory_space<vmem>>, vector<16xi32>,
      %swap3A_248 = vector.shape_cast %swap3A_247 : vector<16xi32> to vector<16xi32>
      %swap3A_249 = vector.shape_cast %add3A_244 : vector<16xi32> to vector<16xi32>
      tpu.vector_store %arg8[%swap3A], %swap3A_249 {strides = array<i32>} : memref<512xi32, #tpu.memory_space<vmem>>, vector<16xi32>,
      %add3A_250 = arith.constant 1 : i32
      %add3A_251 = vector.broadcast %add3A_250 : i32 to vector<16xi32>
      %add3A_252 = arith.addi %get3A_240, %add3A_251 : vector<16xi32>
      %mul3A_253 = arith.constant 16 : i32
      %mul3A_254 = arith.muli %scan3A_194, %mul3A_253 : i32
      %swap3A_255 = arith.index_cast %mul3A_254 : i32 to index
      %swap3A_256 = tpu.vector_load %arg9[%swap3A_255] {strides = array<i32>} : memref<512xi32, #tpu.memory_space<vmem>>, vector<16xi32>,
      %swap3A_257 = vector.shape_cast %swap3A_256 : vector<16xi32> to vector<16xi32>
      %swap3A_258 = vector.shape_cast %add3A_252 : vector<16xi32> to vector<16xi32>
      tpu.vector_store %arg9[%swap3A_255], %swap3A_258 {strides = array<i32>} : memref<512xi32, #tpu.memory_space<vmem>>, vector<16xi32>,
      %scan3A_259 = arith.constant 0 : i32
      scf.yield %scan3A_259 : i32
    }
    %scan3A_103 = arith.constant 32 : i32
    %dma_start3A = arith.constant 0 : i32
    %dma_start3A_104 = tpu.memref_slice %arg8[%dma_start3A] : memref<512xi32, #tpu.memory_space<vmem>> -> memref<16xi32, #tpu.memory_space<vmem>>
    %dma_start3A_105 = arith.constant 0 : i32
    %dma_start3A_106 = arith.constant 0 : i32
    %dma_start3A_107 = tpu.memref_slice %arg2[%dma_start3A_105, %dma_start3A_106] : memref<32768x1024xf32, #tpu.memory_space<hbm>> -> memref<32768x1024xf32, #tpu.memory_space<hbm>>
    tpu.enqueue_indirect_dma source(%dma_start3A_107 : memref<32768x1024xf32, #tpu.memory_space<hbm>>) target(%arg10 : memref<16x1024xf32, #tpu.memory_space<vmem>>) offsets(%dma_start3A_104 : memref<16xi32, #tpu.memory_space<vmem>>) semaphore(%arg17 : memref<!tpu.dma_semaphore, #tpu.memory_space<semaphore_mem>>)
    %dma_start3A_108 = arith.constant 0 : i32
    %dma_start3A_109 = tpu.memref_slice %arg9[%dma_start3A_108] : memref<512xi32, #tpu.memory_space<vmem>> -> memref<16xi32, #tpu.memory_space<vmem>>
    %dma_start3A_110 = arith.constant 0 : i32
    %dma_start3A_111 = arith.constant 0 : i32
    %dma_start3A_112 = tpu.memref_slice %arg4[%dma_start3A_110, %dma_start3A_111] : memref<2049x1024xf32, #tpu.memory_space<hbm>> -> memref<2049x1024xf32, #tpu.memory_space<hbm>>
    tpu.enqueue_indirect_dma source(%dma_start3A_112 : memref<2049x1024xf32, #tpu.memory_space<hbm>>) target(%arg11 : memref<16x1024xf32, #tpu.memory_space<vmem>>) offsets(%dma_start3A_109 : memref<16xi32, #tpu.memory_space<vmem>>) semaphore(%arg18 : memref<!tpu.dma_semaphore, #tpu.memory_space<semaphore_mem>>)
    %dma_start3A_113 = arith.constant 16 : i32
    %dma_start3A_114 = tpu.memref_slice %arg8[%dma_start3A_113] : memref<512xi32, #tpu.memory_space<vmem>> -> memref<16xi32, #tpu.memory_space<vmem>>
    %dma_start3A_115 = arith.constant 0 : i32
    %dma_start3A_116 = arith.constant 0 : i32
    %dma_start3A_117 = tpu.memref_slice %arg2[%dma_start3A_115, %dma_start3A_116] : memref<32768x1024xf32, #tpu.memory_space<hbm>> -> memref<32768x1024xf32, #tpu.memory_space<hbm>>
    tpu.enqueue_indirect_dma source(%dma_start3A_117 : memref<32768x1024xf32, #tpu.memory_space<hbm>>) target(%arg12 : memref<16x1024xf32, #tpu.memory_space<vmem>>) offsets(%dma_start3A_114 : memref<16xi32, #tpu.memory_space<vmem>>) semaphore(%arg19 : memref<!tpu.dma_semaphore, #tpu.memory_space<semaphore_mem>>)
    %dma_start3A_118 = arith.constant 16 : i32
    %dma_start3A_119 = tpu.memref_slice %arg9[%dma_start3A_118] : memref<512xi32, #tpu.memory_space<vmem>> -> memref<16xi32, #tpu.memory_space<vmem>>
    %dma_start3A_120 = arith.constant 0 : i32
    %dma_start3A_121 = arith.constant 0 : i32
    %dma_start3A_122 = tpu.memref_slice %arg4[%dma_start3A_120, %dma_start3A_121] : memref<2049x1024xf32, #tpu.memory_space<hbm>> -> memref<2049x1024xf32, #tpu.memory_space<hbm>>
    tpu.enqueue_indirect_dma source(%dma_start3A_122 : memref<2049x1024xf32, #tpu.memory_space<hbm>>) target(%arg13 : memref<16x1024xf32, #tpu.memory_space<vmem>>) offsets(%dma_start3A_119 : memref<16xi32, #tpu.memory_space<vmem>>) semaphore(%arg20 : memref<!tpu.dma_semaphore, #tpu.memory_space<semaphore_mem>>)
    %scan3A_123 = arith.constant 0 : i32
    %scan3A_124 = arith.constant 0 : i32
    %scan3A_125 = arith.constant 10 : i32
    %scan3A_126 = arith.addi %scan3A_124, %scan3A_125 : i32
    %scan3A_127 = arith.constant 1 : i32
    %scan3A_128 = scf.for %scan3A_194 = %scan3A_124 to %scan3A_126 step %scan3A_127 iter_args(%scan3A_195 = %scan3A_123) -> (i32)  : i32 {
      %mul3A_196 = arith.constant 3 : i32
      %mul3A_197 = arith.muli %scan3A_194, %mul3A_196 : i32
      %add3A_198 = arith.constant 0 : i32
      %add3A_199 = arith.addi %mul3A_197, %add3A_198 : i32
      %mul3A_200 = arith.constant 16 : i32
      %mul3A_201 = arith.muli %add3A_199, %mul3A_200 : i32
      %mul3A_202 = arith.constant 16 : i32
      %mul3A_203 = arith.muli %add3A_199, %mul3A_202 : i32
      %dma_wait3A_204 = tpu.memref_slice %arg8[%mul3A_201] : memref<512xi32, #tpu.memory_space<vmem>> -> memref<16xi32, #tpu.memory_space<vmem>>
      %dma_wait3A_205 = arith.constant 0 : i32
      %dma_wait3A_206 = arith.constant 0 : i32
      %dma_wait3A_207 = tpu.memref_slice %arg2[%dma_wait3A_205, %dma_wait3A_206] : memref<32768x1024xf32, #tpu.memory_space<hbm>> -> memref<32768x1024xf32, #tpu.memory_space<hbm>>
      tpu.wait_indirect_dma semaphore(%arg17 : memref<!tpu.dma_semaphore, #tpu.memory_space<semaphore_mem>>) src(%dma_wait3A_207 : memref<32768x1024xf32, #tpu.memory_space<hbm>>) dst(%arg10 : memref<16x1024xf32, #tpu.memory_space<vmem>>)
      %dma_wait3A_208 = tpu.memref_slice %arg9[%mul3A_203] : memref<512xi32, #tpu.memory_space<vmem>> -> memref<16xi32, #tpu.memory_space<vmem>>
      %dma_wait3A_209 = arith.constant 0 : i32
      %dma_wait3A_210 = arith.constant 0 : i32
      %dma_wait3A_211 = tpu.memref_slice %arg4[%dma_wait3A_209, %dma_wait3A_210] : memref<2049x1024xf32, #tpu.memory_space<hbm>> -> memref<2049x1024xf32, #tpu.memory_space<hbm>>
      tpu.wait_indirect_dma semaphore(%arg18 : memref<!tpu.dma_semaphore, #tpu.memory_space<semaphore_mem>>) src(%dma_wait3A_211 : memref<2049x1024xf32, #tpu.memory_space<hbm>>) dst(%arg11 : memref<16x1024xf32, #tpu.memory_space<vmem>>)
      %add3A_212 = arith.constant 2 : i32
      %add3A_213 = arith.addi %add3A_199, %add3A_212 : i32
      %lt3A_214 = arith.constant 32 : i32
      %lt3A_215 = arith.cmpi slt, %add3A_213, %lt3A_214 : i32
      %convert_element_type3A_216 = arith.extui %lt3A_215 : i1 to i32
      %cond3A_217 = arith.constant 0 : i32
      %cond3A_218 = arith.cmpi ne, %convert_element_type3A_216, %cond3A_217 : i32
      scf.if %cond3A_218 {
        %add3A_332 = arith.constant 2 : i32
        %add3A_333 = arith.addi %add3A_199, %add3A_332 : i32
        %mul3A_334 = arith.constant 16 : i32
        %mul3A_335 = arith.muli %add3A_333, %mul3A_334 : i32
        %mul3A_336 = arith.constant 16 : i32
        %mul3A_337 = arith.muli %add3A_333, %mul3A_336 : i32
        %dma_start3A_338 = tpu.memref_slice %arg8[%mul3A_335] : memref<512xi32, #tpu.memory_space<vmem>> -> memref<16xi32, #tpu.memory_space<vmem>>
        %dma_start3A_339 = arith.constant 0 : i32
        %dma_start3A_340 = arith.constant 0 : i32
        %dma_start3A_341 = tpu.memref_slice %arg2[%dma_start3A_339, %dma_start3A_340] : memref<32768x1024xf32, #tpu.memory_space<hbm>> -> memref<32768x1024xf32, #tpu.memory_space<hbm>>
        tpu.enqueue_indirect_dma source(%dma_start3A_341 : memref<32768x1024xf32, #tpu.memory_space<hbm>>) target(%arg14 : memref<16x1024xf32, #tpu.memory_space<vmem>>) offsets(%dma_start3A_338 : memref<16xi32, #tpu.memory_space<vmem>>) semaphore(%arg21 : memref<!tpu.dma_semaphore, #tpu.memory_space<semaphore_mem>>)
        %dma_start3A_342 = tpu.memref_slice %arg9[%mul3A_337] : memref<512xi32, #tpu.memory_space<vmem>> -> memref<16xi32, #tpu.memory_space<vmem>>
        %dma_start3A_343 = arith.constant 0 : i32
        %dma_start3A_344 = arith.constant 0 : i32
        %dma_start3A_345 = tpu.memref_slice %arg4[%dma_start3A_343, %dma_start3A_344] : memref<2049x1024xf32, #tpu.memory_space<hbm>> -> memref<2049x1024xf32, #tpu.memory_space<hbm>>
        tpu.enqueue_indirect_dma source(%dma_start3A_345 : memref<2049x1024xf32, #tpu.memory_space<hbm>>) target(%arg15 : memref<16x1024xf32, #tpu.memory_space<vmem>>) offsets(%dma_start3A_342 : memref<16xi32, #tpu.memory_space<vmem>>) semaphore(%arg22 : memref<!tpu.dma_semaphore, #tpu.memory_space<semaphore_mem>>)
      } else {
      }
      %scan3A_219 = arith.constant 0 : i32
      %scan3A_220 = arith.constant 0 : i32
      %scan3A_221 = arith.constant 16 : i32
      %scan3A_222 = arith.addi %scan3A_220, %scan3A_221 : i32
      %scan3A_223 = arith.constant 1 : i32
      %scan3A_224 = scf.for %scan3A_332 = %scan3A_220 to %scan3A_222 step %scan3A_223 iter_args(%scan3A_333 = %scan3A_219) -> (i32)  : i32 {
        %get3A = arith.index_cast %scan3A_332 : i32 to index
        %get3A_334 = arith.constant 0 : index
        %get3A_335 = tpu.vector_load %arg11[%get3A, %get3A_334] {strides = array<i32>} : memref<16x1024xf32, #tpu.memory_space<vmem>>, vector<1x16xf32>,
        %get3A_336 = vector.shape_cast %get3A_335 : vector<1x16xf32> to vector<16xf32>
        %swap3A = arith.index_cast %scan3A_332 : i32 to index
        %swap3A_337 = arith.constant 0 : index
        %swap3A_338 = tpu.vector_load %arg10[%swap3A, %swap3A_337] {strides = array<i32>} : memref<16x1024xf32, #tpu.memory_space<vmem>>, vector<1x16xf32>,
        %swap3A_339 = vector.shape_cast %swap3A_338 : vector<1x16xf32> to vector<16xf32>
        %swap3A_340 = vector.shape_cast %get3A_336 : vector<16xf32> to vector<1x16xf32>
        tpu.vector_store %arg10[%swap3A, %swap3A_337], %swap3A_340 {add = true, strides = array<i32>} : memref<16x1024xf32, #tpu.memory_space<vmem>>, vector<1x16xf32>,
        %get3A_341 = arith.index_cast %scan3A_332 : i32 to index
        %get3A_342 = arith.constant 16 : index
        %get3A_343 = tpu.vector_load %arg11[%get3A_341, %get3A_342] {strides = array<i32>} : memref<16x1024xf32, #tpu.memory_space<vmem>>, vector<1x16xf32>,
        %get3A_344 = vector.shape_cast %get3A_343 : vector<1x16xf32> to vector<16xf32>
        %swap3A_345 = arith.index_cast %scan3A_332 : i32 to index
        %swap3A_346 = arith.constant 16 : index
        %swap3A_347 = tpu.vector_load %arg10[%swap3A_345, %swap3A_346] {strides = array<i32>} : memref<16x1024xf32, #tpu.memory_space<vmem>>, vector<1x16xf32>,
        %swap3A_348 = vector.shape_cast %swap3A_347 : vector<1x16xf32> to vector<16xf32>
        %swap3A_349 = vector.shape_cast %get3A_344 : vector<16xf32> to vector<1x16xf32>
        tpu.vector_store %arg10[%swap3A_345, %swap3A_346], %swap3A_349 {add = true, strides = array<i32>} : memref<16x1024xf32, #tpu.memory_space<vmem>>, vector<1x16xf32>,
        %get3A_350 = arith.index_cast %scan3A_332 : i32 to index
        %get3A_351 = arith.constant 32 : index
        %get3A_352 = tpu.vector_load %arg11[%get3A_350, %get3A_351] {strides = array<i32>} : memref<16x1024xf32, #tpu.memory_space<vmem>>, vector<1x16xf32>,
        %get3A_353 = vector.shape_cast %get3A_352 : vector<1x16xf32> to vector<16xf32>
        %swap3A_354 = arith.index_cast %scan3A_332 : i32 to index
        %swap3A_355 = arith.constant 32 : index
        %swap3A_356 = tpu.vector_load %arg10[%swap3A_354, %swap3A_355] {strides = array<i32>} : memref<16x1024xf32, #tpu.memory_space<vmem>>, vector<1x16xf32>,
        %swap3A_357 = vector.shape_cast %swap3A_356 : vector<1x16xf32> to vector<16xf32>
        %swap3A_358 = vector.shape_cast %get3A_353 : vector<16xf32> to vector<1x16xf32>
        tpu.vector_store %arg10[%swap3A_354, %swap3A_355], %swap3A_358 {add = true, strides = array<i32>} : memref<16x1024xf32, #tpu.memory_space<vmem>>, vector<1x16xf32>,
        %get3A_359 = arith.index_cast %scan3A_332 : i32 to index
        %get3A_360 = arith.constant 48 : index
        %get3A_361 = tpu.vector_load %arg11[%get3A_359, %get3A_360] {strides = array<i32>} : memref<16x1024xf32, #tpu.memory_space<vmem>>, vector<1x16xf32>,
        %get3A_362 = vector.shape_cast %get3A_361 : vector<1x16xf32> to vector<16xf32>
        %swap3A_363 = arith.index_cast %scan3A_332 : i32 to index
        %swap3A_364 = arith.constant 48 : index
        %swap3A_365 = tpu.vector_load %arg10[%swap3A_363, %swap3A_364] {strides = array<i32>} : memref<16x1024xf32, #tpu.memory_space<vmem>>, vector<1x16xf32>,
        %swap3A_366 = vector.shape_cast %swap3A_365 : vector<1x16xf32> to vector<16xf32>
        %swap3A_367 = vector.shape_cast %get3A_362 : vector<16xf32> to vector<1x16xf32>
        tpu.vector_store %arg10[%swap3A_363, %swap3A_364], %swap3A_367 {add = true, strides = array<i32>} : memref<16x1024xf32, #tpu.memory_space<vmem>>, vector<1x16xf32>,
        %get3A_368 = arith.index_cast %scan3A_332 : i32 to index
        %get3A_369 = arith.constant 64 : index
        %get3A_370 = tpu.vector_load %arg11[%get3A_368, %get3A_369] {strides = array<i32>} : memref<16x1024xf32, #tpu.memory_space<vmem>>, vector<1x16xf32>,
        %get3A_371 = vector.shape_cast %get3A_370 : vector<1x16xf32> to vector<16xf32>
        %swap3A_372 = arith.index_cast %scan3A_332 : i32 to index
        %swap3A_373 = arith.constant 64 : index
        %swap3A_374 = tpu.vector_load %arg10[%swap3A_372, %swap3A_373] {strides = array<i32>} : memref<16x1024xf32, #tpu.memory_space<vmem>>, vector<1x16xf32>,
        %swap3A_375 = vector.shape_cast %swap3A_374 : vector<1x16xf32> to vector<16xf32>
        %swap3A_376 = vector.shape_cast %get3A_371 : vector<16xf32> to vector<1x16xf32>
        tpu.vector_store %arg10[%swap3A_372, %swap3A_373], %swap3A_376 {add = true, strides = array<i32>} : memref<16x1024xf32, #tpu.memory_space<vmem>>, vector<1x16xf32>,
        %get3A_377 = arith.index_cast %scan3A_332 : i32 to index
        %get3A_378 = arith.constant 80 : index
        %get3A_379 = tpu.vector_load %arg11[%get3A_377, %get3A_378] {strides = array<i32>} : memref<16x1024xf32, #tpu.memory_space<vmem>>, vector<1x16xf32>,
        %get3A_380 = vector.shape_cast %get3A_379 : vector<1x16xf32> to vector<16xf32>
        %swap3A_381 = arith.index_cast %scan3A_332 : i32 to index
        %swap3A_382 = arith.constant 80 : index
        %swap3A_383 = tpu.vector_load %arg10[%swap3A_381, %swap3A_382] {strides = array<i32>} : memref<16x1024xf32, #tpu.memory_space<vmem>>, vector<1x16xf32>,
        %swap3A_384 = vector.shape_cast %swap3A_383 : vector<1x16xf32> to vector<16xf32>
        %swap3A_385 = vector.shape_cast %get3A_380 : vector<16xf32> to vector<1x16xf32>
        tpu.vector_store %arg10[%swap3A_381, %swap3A_382], %swap3A_385 {add = true, strides = array<i32>} : memref<16x1024xf32, #tpu.memory_space<vmem>>, vector<1x16xf32>,
        %get3A_386 = arith.index_cast %scan3A_332 : i32 to index
        %get3A_387 = arith.constant 96 : index
        %get3A_388 = tpu.vector_load %arg11[%get3A_386, %get3A_387] {strides = array<i32>} : memref<16x1024xf32, #tpu.memory_space<vmem>>, vector<1x16xf32>,
        %get3A_389 = vector.shape_cast %get3A_388 : vector<1x16xf32> to vector<16xf32>
        %swap3A_390 = arith.index_cast %scan3A_332 : i32 to index
        %swap3A_391 = arith.constant 96 : index
        %swap3A_392 = tpu.vector_load %arg10[%swap3A_390, %swap3A_391] {strides = array<i32>} : memref<16x1024xf32, #tpu.memory_space<vmem>>, vector<1x16xf32>,
        %swap3A_393 = vector.shape_cast %swap3A_392 : vector<1x16xf32> to vector<16xf32>
        %swap3A_394 = vector.shape_cast %get3A_389 : vector<16xf32> to vector<1x16xf32>
        tpu.vector_store %arg10[%swap3A_390, %swap3A_391], %swap3A_394 {add = true, strides = array<i32>} : memref<16x1024xf32, #tpu.memory_space<vmem>>, vector<1x16xf32>,
        %get3A_395 = arith.index_cast %scan3A_332 : i32 to index
        %get3A_396 = arith.constant 112 : index
        %get3A_397 = tpu.vector_load %arg11[%get3A_395, %get3A_396] {strides = array<i32>} : memref<16x1024xf32, #tpu.memory_space<vmem>>, vector<1x16xf32>,
        %get3A_398 = vector.shape_cast %get3A_397 : vector<1x16xf32> to vector<16xf32>
        %swap3A_399 = arith.index_cast %scan3A_332 : i32 to index
        %swap3A_400 = arith.constant 112 : index
        %swap3A_401 = tpu.vector_load %arg10[%swap3A_399, %swap3A_400] {strides = array<i32>} : memref<16x1024xf32, #tpu.memory_space<vmem>>, vector<1x16xf32>,
        %swap3A_402 = vector.shape_cast %swap3A_401 : vector<1x16xf32> to vector<16xf32>
        %swap3A_403 = vector.shape_cast %get3A_398 : vector<16xf32> to vector<1x16xf32>
        tpu.vector_store %arg10[%swap3A_399, %swap3A_400], %swap3A_403 {add = true, strides = array<i32>} : memref<16x1024xf32, #tpu.memory_space<vmem>>, vector<1x16xf32>,
        %get3A_404 = arith.index_cast %scan3A_332 : i32 to index
        %get3A_405 = arith.constant 128 : index
        %get3A_406 = tpu.vector_load %arg11[%get3A_404, %get3A_405] {strides = array<i32>} : memref<16x1024xf32, #tpu.memory_space<vmem>>, vector<1x16xf32>,
        %get3A_407 = vector.shape_cast %get3A_406 : vector<1x16xf32> to vector<16xf32>
        %swap3A_408 = arith.index_cast %scan3A_332 : i32 to index
        %swap3A_409 = arith.constant 128 : index
        %swap3A_410 = tpu.vector_load %arg10[%swap3A_408, %swap3A_409] {strides = array<i32>} : memref<16x1024xf32, #tpu.memory_space<vmem>>, vector<1x16xf32>,
        %swap3A_411 = vector.shape_cast %swap3A_410 : vector<1x16xf32> to vector<16xf32>
        %swap3A_412 = vector.shape_cast %get3A_407 : vector<16xf32> to vector<1x16xf32>
        tpu.vector_store %arg10[%swap3A_408, %swap3A_409], %swap3A_412 {add = true, strides = array<i32>} : memref<16x1024xf32, #tpu.memory_space<vmem>>, vector<1x16xf32>,
        %get3A_413 = arith.index_cast %scan3A_332 : i32 to index
        %get3A_414 = arith.constant 144 : index
        %get3A_415 = tpu.vector_load %arg11[%get3A_413, %get3A_414] {strides = array<i32>} : memref<16x1024xf32, #tpu.memory_space<vmem>>, vector<1x16xf32>,
        %get3A_416 = vector.shape_cast %get3A_415 : vector<1x16xf32> to vector<16xf32>
        %swap3A_417 = arith.index_cast %scan3A_332 : i32 to index
        %swap3A_418 = arith.constant 144 : index
        %swap3A_419 = tpu.vector_load %arg10[%swap3A_417, %swap3A_418] {strides = array<i32>} : memref<16x1024xf32, #tpu.memory_space<vmem>>, vector<1x16xf32>,
        %swap3A_420 = vector.shape_cast %swap3A_419 : vector<1x16xf32> to vector<16xf32>
        %swap3A_421 = vector.shape_cast %get3A_416 : vector<16xf32> to vector<1x16xf32>
        tpu.vector_store %arg10[%swap3A_417, %swap3A_418], %swap3A_421 {add = true, strides = array<i32>} : memref<16x1024xf32, #tpu.memory_space<vmem>>, vector<1x16xf32>,
        %get3A_422 = arith.index_cast %scan3A_332 : i32 to index
        %get3A_423 = arith.constant 160 : index
        %get3A_424 = tpu.vector_load %arg11[%get3A_422, %get3A_423] {strides = array<i32>} : memref<16x1024xf32, #tpu.memory_space<vmem>>, vector<1x16xf32>,
        %get3A_425 = vector.shape_cast %get3A_424 : vector<1x16xf32> to vector<16xf32>
        %swap3A_426 = arith.index_cast %scan3A_332 : i32 to index
        %swap3A_427 = arith.constant 160 : index
        %swap3A_428 = tpu.vector_load %arg10[%swap3A_426, %swap3A_427] {strides = array<i32>} : memref<16x1024xf32, #tpu.memory_space<vmem>>, vector<1x16xf32>,
        %swap3A_429 = vector.shape_cast %swap3A_428 : vector<1x16xf32> to vector<16xf32>
        %swap3A_430 = vector.shape_cast %get3A_425 : vector<16xf32> to vector<1x16xf32>
        tpu.vector_store %arg10[%swap3A_426, %swap3A_427], %swap3A_430 {add = true, strides = array<i32>} : memref<16x1024xf32, #tpu.memory_space<vmem>>, vector<1x16xf32>,
        %get3A_431 = arith.index_cast %scan3A_332 : i32 to index
        %get3A_432 = arith.constant 176 : index
        %get3A_433 = tpu.vector_load %arg11[%get3A_431, %get3A_432] {strides = array<i32>} : memref<16x1024xf32, #tpu.memory_space<vmem>>, vector<1x16xf32>,
        %get3A_434 = vector.shape_cast %get3A_433 : vector<1x16xf32> to vector<16xf32>
        %swap3A_435 = arith.index_cast %scan3A_332 : i32 to index
        %swap3A_436 = arith.constant 176 : index
        %swap3A_437 = tpu.vector_load %arg10[%swap3A_435, %swap3A_436] {strides = array<i32>} : memref<16x1024xf32, #tpu.memory_space<vmem>>, vector<1x16xf32>,
        %swap3A_438 = vector.shape_cast %swap3A_437 : vector<1x16xf32> to vector<16xf32>
        %swap3A_439 = vector.shape_cast %get3A_434 : vector<16xf32> to vector<1x16xf32>
        tpu.vector_store %arg10[%swap3A_435, %swap3A_436], %swap3A_439 {add = true, strides = array<i32>} : memref<16x1024xf32, #tpu.memory_space<vmem>>, vector<1x16xf32>,
        %get3A_440 = arith.index_cast %scan3A_332 : i32 to index
        %get3A_441 = arith.constant 192 : index
        %get3A_442 = tpu.vector_load %arg11[%get3A_440, %get3A_441] {strides = array<i32>} : memref<16x1024xf32, #tpu.memory_space<vmem>>, vector<1x16xf32>,
        %get3A_443 = vector.shape_cast %get3A_442 : vector<1x16xf32> to vector<16xf32>
        %swap3A_444 = arith.index_cast %scan3A_332 : i32 to index
        %swap3A_445 = arith.constant 192 : index
        %swap3A_446 = tpu.vector_load %arg10[%swap3A_444, %swap3A_445] {strides = array<i32>} : memref<16x1024xf32, #tpu.memory_space<vmem>>, vector<1x16xf32>,
        %swap3A_447 = vector.shape_cast %swap3A_446 : vector<1x16xf32> to vector<16xf32>
        %swap3A_448 = vector.shape_cast %get3A_443 : vector<16xf32> to vector<1x16xf32>
        tpu.vector_store %arg10[%swap3A_444, %swap3A_445], %swap3A_448 {add = true, strides = array<i32>} : memref<16x1024xf32, #tpu.memory_space<vmem>>, vector<1x16xf32>,
        %get3A_449 = arith.index_cast %scan3A_332 : i32 to index
        %get3A_450 = arith.constant 208 : index
        %get3A_451 = tpu.vector_load %arg11[%get3A_449, %get3A_450] {strides = array<i32>} : memref<16x1024xf32, #tpu.memory_space<vmem>>, vector<1x16xf32>,
        %get3A_452 = vector.shape_cast %get3A_451 : vector<1x16xf32> to vector<16xf32>
        %swap3A_453 = arith.index_cast %scan3A_332 : i32 to index
        %swap3A_454 = arith.constant 208 : index
        %swap3A_455 = tpu.vector_load %arg10[%swap3A_453, %swap3A_454] {strides = array<i32>} : memref<16x1024xf32, #tpu.memory_space<vmem>>, vector<1x16xf32>,
        %swap3A_456 = vector.shape_cast %swap3A_455 : vector<1x16xf32> to vector<16xf32>
        %swap3A_457 = vector.shape_cast %get3A_452 : vector<16xf32> to vector<1x16xf32>
        tpu.vector_store %arg10[%swap3A_453, %swap3A_454], %swap3A_457 {add = true, strides = array<i32>} : memref<16x1024xf32, #tpu.memory_space<vmem>>, vector<1x16xf32>,
        %get3A_458 = arith.index_cast %scan3A_332 : i32 to index
        %get3A_459 = arith.constant 224 : index
        %get3A_460 = tpu.vector_load %arg11[%get3A_458, %get3A_459] {strides = array<i32>} : memref<16x1024xf32, #tpu.memory_space<vmem>>, vector<1x16xf32>,
        %get3A_461 = vector.shape_cast %get3A_460 : vector<1x16xf32> to vector<16xf32>
        %swap3A_462 = arith.index_cast %scan3A_332 : i32 to index
        %swap3A_463 = arith.constant 224 : index
        %swap3A_464 = tpu.vector_load %arg10[%swap3A_462, %swap3A_463] {strides = array<i32>} : memref<16x1024xf32, #tpu.memory_space<vmem>>, vector<1x16xf32>,
        %swap3A_465 = vector.shape_cast %swap3A_464 : vector<1x16xf32> to vector<16xf32>
        %swap3A_466 = vector.shape_cast %get3A_461 : vector<16xf32> to vector<1x16xf32>
        tpu.vector_store %arg10[%swap3A_462, %swap3A_463], %swap3A_466 {add = true, strides = array<i32>} : memref<16x1024xf32, #tpu.memory_space<vmem>>, vector<1x16xf32>,
        %get3A_467 = arith.index_cast %scan3A_332 : i32 to index
        %get3A_468 = arith.constant 240 : index
        %get3A_469 = tpu.vector_load %arg11[%get3A_467, %get3A_468] {strides = array<i32>} : memref<16x1024xf32, #tpu.memory_space<vmem>>, vector<1x16xf32>,
        %get3A_470 = vector.shape_cast %get3A_469 : vector<1x16xf32> to vector<16xf32>
        %swap3A_471 = arith.index_cast %scan3A_332 : i32 to index
        %swap3A_472 = arith.constant 240 : index
        %swap3A_473 = tpu.vector_load %arg10[%swap3A_471, %swap3A_472] {strides = array<i32>} : memref<16x1024xf32, #tpu.memory_space<vmem>>, vector<1x16xf32>,
        %swap3A_474 = vector.shape_cast %swap3A_473 : vector<1x16xf32> to vector<16xf32>
        %swap3A_475 = vector.shape_cast %get3A_470 : vector<16xf32> to vector<1x16xf32>
        tpu.vector_store %arg10[%swap3A_471, %swap3A_472], %swap3A_475 {add = true, strides = array<i32>} : memref<16x1024xf32, #tpu.memory_space<vmem>>, vector<1x16xf32>,
        %get3A_476 = arith.index_cast %scan3A_332 : i32 to index
        %get3A_477 = arith.constant 256 : index
        %get3A_478 = tpu.vector_load %arg11[%get3A_476, %get3A_477] {strides = array<i32>} : memref<16x1024xf32, #tpu.memory_space<vmem>>, vector<1x16xf32>,
        %get3A_479 = vector.shape_cast %get3A_478 : vector<1x16xf32> to vector<16xf32>
        %swap3A_480 = arith.index_cast %scan3A_332 : i32 to index
        %swap3A_481 = arith.constant 256 : index
        %swap3A_482 = tpu.vector_load %arg10[%swap3A_480, %swap3A_481] {strides = array<i32>} : memref<16x1024xf32, #tpu.memory_space<vmem>>, vector<1x16xf32>,
        %swap3A_483 = vector.shape_cast %swap3A_482 : vector<1x16xf32> to vector<16xf32>
        %swap3A_484 = vector.shape_cast %get3A_479 : vector<16xf32> to vector<1x16xf32>
        tpu.vector_store %arg10[%swap3A_480, %swap3A_481], %swap3A_484 {add = true, strides = array<i32>} : memref<16x1024xf32, #tpu.memory_space<vmem>>, vector<1x16xf32>,
        %get3A_485 = arith.index_cast %scan3A_332 : i32 to index
        %get3A_486 = arith.constant 272 : index
        %get3A_487 = tpu.vector_load %arg11[%get3A_485, %get3A_486] {strides = array<i32>} : memref<16x1024xf32, #tpu.memory_space<vmem>>, vector<1x16xf32>,
        %get3A_488 = vector.shape_cast %get3A_487 : vector<1x16xf32> to vector<16xf32>
        %swap3A_489 = arith.index_cast %scan3A_332 : i32 to index
        %swap3A_490 = arith.constant 272 : index
        %swap3A_491 = tpu.vector_load %arg10[%swap3A_489, %swap3A_490] {strides = array<i32>} : memref<16x1024xf32, #tpu.memory_space<vmem>>, vector<1x16xf32>,
        %swap3A_492 = vector.shape_cast %swap3A_491 : vector<1x16xf32> to vector<16xf32>
        %swap3A_493 = vector.shape_cast %get3A_488 : vector<16xf32> to vector<1x16xf32>
        tpu.vector_store %arg10[%swap3A_489, %swap3A_490], %swap3A_493 {add = true, strides = array<i32>} : memref<16x1024xf32, #tpu.memory_space<vmem>>, vector<1x16xf32>,
        %get3A_494 = arith.index_cast %scan3A_332 : i32 to index
        %get3A_495 = arith.constant 288 : index
        %get3A_496 = tpu.vector_load %arg11[%get3A_494, %get3A_495] {strides = array<i32>} : memref<16x1024xf32, #tpu.memory_space<vmem>>, vector<1x16xf32>,
        %get3A_497 = vector.shape_cast %get3A_496 : vector<1x16xf32> to vector<16xf32>
        %swap3A_498 = arith.index_cast %scan3A_332 : i32 to index
        %swap3A_499 = arith.constant 288 : index
        %swap3A_500 = tpu.vector_load %arg10[%swap3A_498, %swap3A_499] {strides = array<i32>} : memref<16x1024xf32, #tpu.memory_space<vmem>>, vector<1x16xf32>,
        %swap3A_501 = vector.shape_cast %swap3A_500 : vector<1x16xf32> to vector<16xf32>
        %swap3A_502 = vector.shape_cast %get3A_497 : vector<16xf32> to vector<1x16xf32>
        tpu.vector_store %arg10[%swap3A_498, %swap3A_499], %swap3A_502 {add = true, strides = array<i32>} : memref<16x1024xf32, #tpu.memory_space<vmem>>, vector<1x16xf32>,
        %get3A_503 = arith.index_cast %scan3A_332 : i32 to index
        %get3A_504 = arith.constant 304 : index
        %get3A_505 = tpu.vector_load %arg11[%get3A_503, %get3A_504] {strides = array<i32>} : memref<16x1024xf32, #tpu.memory_space<vmem>>, vector<1x16xf32>,
        %get3A_506 = vector.shape_cast %get3A_505 : vector<1x16xf32> to vector<16xf32>
        %swap3A_507 = arith.index_cast %scan3A_332 : i32 to index
        %swap3A_508 = arith.constant 304 : index
        %swap3A_509 = tpu.vector_load %arg10[%swap3A_507, %swap3A_508] {strides = array<i32>} : memref<16x1024xf32, #tpu.memory_space<vmem>>, vector<1x16xf32>,
        %swap3A_510 = vector.shape_cast %swap3A_509 : vector<1x16xf32> to vector<16xf32>
        %swap3A_511 = vector.shape_cast %get3A_506 : vector<16xf32> to vector<1x16xf32>
        tpu.vector_store %arg10[%swap3A_507, %swap3A_508], %swap3A_511 {add = true, strides = array<i32>} : memref<16x1024xf32, #tpu.memory_space<vmem>>, vector<1x16xf32>,
        %get3A_512 = arith.index_cast %scan3A_332 : i32 to index
        %get3A_513 = arith.constant 320 : index
        %get3A_514 = tpu.vector_load %arg11[%get3A_512, %get3A_513] {strides = array<i32>} : memref<16x1024xf32, #tpu.memory_space<vmem>>, vector<1x16xf32>,
        %get3A_515 = vector.shape_cast %get3A_514 : vector<1x16xf32> to vector<16xf32>
        %swap3A_516 = arith.index_cast %scan3A_332 : i32 to index
        %swap3A_517 = arith.constant 320 : index
        %swap3A_518 = tpu.vector_load %arg10[%swap3A_516, %swap3A_517] {strides = array<i32>} : memref<16x1024xf32, #tpu.memory_space<vmem>>, vector<1x16xf32>,
        %swap3A_519 = vector.shape_cast %swap3A_518 : vector<1x16xf32> to vector<16xf32>
        %swap3A_520 = vector.shape_cast %get3A_515 : vector<16xf32> to vector<1x16xf32>
        tpu.vector_store %arg10[%swap3A_516, %swap3A_517], %swap3A_520 {add = true, strides = array<i32>} : memref<16x1024xf32, #tpu.memory_space<vmem>>, vector<1x16xf32>,
        %get3A_521 = arith.index_cast %scan3A_332 : i32 to index
        %get3A_522 = arith.constant 336 : index
        %get3A_523 = tpu.vector_load %arg11[%get3A_521, %get3A_522] {strides = array<i32>} : memref<16x1024xf32, #tpu.memory_space<vmem>>, vector<1x16xf32>,
        %get3A_524 = vector.shape_cast %get3A_523 : vector<1x16xf32> to vector<16xf32>
        %swap3A_525 = arith.index_cast %scan3A_332 : i32 to index
        %swap3A_526 = arith.constant 336 : index
        %swap3A_527 = tpu.vector_load %arg10[%swap3A_525, %swap3A_526] {strides = array<i32>} : memref<16x1024xf32, #tpu.memory_space<vmem>>, vector<1x16xf32>,
        %swap3A_528 = vector.shape_cast %swap3A_527 : vector<1x16xf32> to vector<16xf32>
        %swap3A_529 = vector.shape_cast %get3A_524 : vector<16xf32> to vector<1x16xf32>
        tpu.vector_store %arg10[%swap3A_525, %swap3A_526], %swap3A_529 {add = true, strides = array<i32>} : memref<16x1024xf32, #tpu.memory_space<vmem>>, vector<1x16xf32>,
        %get3A_530 = arith.index_cast %scan3A_332 : i32 to index
        %get3A_531 = arith.constant 352 : index
        %get3A_532 = tpu.vector_load %arg11[%get3A_530, %get3A_531] {strides = array<i32>} : memref<16x1024xf32, #tpu.memory_space<vmem>>, vector<1x16xf32>,
        %get3A_533 = vector.shape_cast %get3A_532 : vector<1x16xf32> to vector<16xf32>
        %swap3A_534 = arith.index_cast %scan3A_332 : i32 to index
        %swap3A_535 = arith.constant 352 : index
        %swap3A_536 = tpu.vector_load %arg10[%swap3A_534, %swap3A_535] {strides = array<i32>} : memref<16x1024xf32, #tpu.memory_space<vmem>>, vector<1x16xf32>,
        %swap3A_537 = vector.shape_cast %swap3A_536 : vector<1x16xf32> to vector<16xf32>
        %swap3A_538 = vector.shape_cast %get3A_533 : vector<16xf32> to vector<1x16xf32>
        tpu.vector_store %arg10[%swap3A_534, %swap3A_535], %swap3A_538 {add = true, strides = array<i32>} : memref<16x1024xf32, #tpu.memory_space<vmem>>, vector<1x16xf32>,
        %get3A_539 = arith.index_cast %scan3A_332 : i32 to index
        %get3A_540 = arith.constant 368 : index
        %get3A_541 = tpu.vector_load %arg11[%get3A_539, %get3A_540] {strides = array<i32>} : memref<16x1024xf32, #tpu.memory_space<vmem>>, vector<1x16xf32>,
        %get3A_542 = vector.shape_cast %get3A_541 : vector<1x16xf32> to vector<16xf32>
        %swap3A_543 = arith.index_cast %scan3A_332 : i32 to index
        %swap3A_544 = arith.constant 368 : index
        %swap3A_545 = tpu.vector_load %arg10[%swap3A_543, %swap3A_544] {strides = array<i32>} : memref<16x1024xf32, #tpu.memory_space<vmem>>, vector<1x16xf32>,
        %swap3A_546 = vector.shape_cast %swap3A_545 : vector<1x16xf32> to vector<16xf32>
        %swap3A_547 = vector.shape_cast %get3A_542 : vector<16xf32> to vector<1x16xf32>
        tpu.vector_store %arg10[%swap3A_543, %swap3A_544], %swap3A_547 {add = true, strides = array<i32>} : memref<16x1024xf32, #tpu.memory_space<vmem>>, vector<1x16xf32>,
        %get3A_548 = arith.index_cast %scan3A_332 : i32 to index
        %get3A_549 = arith.constant 384 : index
        %get3A_550 = tpu.vector_load %arg11[%get3A_548, %get3A_549] {strides = array<i32>} : memref<16x1024xf32, #tpu.memory_space<vmem>>, vector<1x16xf32>,
        %get3A_551 = vector.shape_cast %get3A_550 : vector<1x16xf32> to vector<16xf32>
        %swap3A_552 = arith.index_cast %scan3A_332 : i32 to index
        %swap3A_553 = arith.constant 384 : index
        %swap3A_554 = tpu.vector_load %arg10[%swap3A_552, %swap3A_553] {strides = array<i32>} : memref<16x1024xf32, #tpu.memory_space<vmem>>, vector<1x16xf32>,
        %swap3A_555 = vector.shape_cast %swap3A_554 : vector<1x16xf32> to vector<16xf32>
        %swap3A_556 = vector.shape_cast %get3A_551 : vector<16xf32> to vector<1x16xf32>
        tpu.vector_store %arg10[%swap3A_552, %swap3A_553], %swap3A_556 {add = true, strides = array<i32>} : memref<16x1024xf32, #tpu.memory_space<vmem>>, vector<1x16xf32>,
        %get3A_557 = arith.index_cast %scan3A_332 : i32 to index
        %get3A_558 = arith.constant 400 : index
        %get3A_559 = tpu.vector_load %arg11[%get3A_557, %get3A_558] {strides = array<i32>} : memref<16x1024xf32, #tpu.memory_space<vmem>>, vector<1x16xf32>,
        %get3A_560 = vector.shape_cast %get3A_559 : vector<1x16xf32> to vector<16xf32>
        %swap3A_561 = arith.index_cast %scan3A_332 : i32 to index
        %swap3A_562 = arith.constant 400 : index
        %swap3A_563 = tpu.vector_load %arg10[%swap3A_561, %swap3A_562] {strides = array<i32>} : memref<16x1024xf32, #tpu.memory_space<vmem>>, vector<1x16xf32>,
        %swap3A_564 = vector.shape_cast %swap3A_563 : vector<1x16xf32> to vector<16xf32>
        %swap3A_565 = vector.shape_cast %get3A_560 : vector<16xf32> to vector<1x16xf32>
        tpu.vector_store %arg10[%swap3A_561, %swap3A_562], %swap3A_565 {add = true, strides = array<i32>} : memref<16x1024xf32, #tpu.memory_space<vmem>>, vector<1x16xf32>,
        %get3A_566 = arith.index_cast %scan3A_332 : i32 to index
        %get3A_567 = arith.constant 416 : index
        %get3A_568 = tpu.vector_load %arg11[%get3A_566, %get3A_567] {strides = array<i32>} : memref<16x1024xf32, #tpu.memory_space<vmem>>, vector<1x16xf32>,
        %get3A_569 = vector.shape_cast %get3A_568 : vector<1x16xf32> to vector<16xf32>
        %swap3A_570 = arith.index_cast %scan3A_332 : i32 to index
        %swap3A_571 = arith.constant 416 : index
        %swap3A_572 = tpu.vector_load %arg10[%swap3A_570, %swap3A_571] {strides = array<i32>} : memref<16x1024xf32, #tpu.memory_space<vmem>>, vector<1x16xf32>,
        %swap3A_573 = vector.shape_cast %swap3A_572 : vector<1x16xf32> to vector<16xf32>
        %swap3A_574 = vector.shape_cast %get3A_569 : vector<16xf32> to vector<1x16xf32>
        tpu.vector_store %arg10[%swap3A_570, %swap3A_571], %swap3A_574 {add = true, strides = array<i32>} : memref<16x1024xf32, #tpu.memory_space<vmem>>, vector<1x16xf32>,
        %get3A_575 = arith.index_cast %scan3A_332 : i32 to index
        %get3A_576 = arith.constant 432 : index
        %get3A_577 = tpu.vector_load %arg11[%get3A_575, %get3A_576] {strides = array<i32>} : memref<16x1024xf32, #tpu.memory_space<vmem>>, vector<1x16xf32>,
        %get3A_578 = vector.shape_cast %get3A_577 : vector<1x16xf32> to vector<16xf32>
        %swap3A_579 = arith.index_cast %scan3A_332 : i32 to index
        %swap3A_580 = arith.constant 432 : index
        %swap3A_581 = tpu.vector_load %arg10[%swap3A_579, %swap3A_580] {strides = array<i32>} : memref<16x1024xf32, #tpu.memory_space<vmem>>, vector<1x16xf32>,
        %swap3A_582 = vector.shape_cast %swap3A_581 : vector<1x16xf32> to vector<16xf32>
        %swap3A_583 = vector.shape_cast %get3A_578 : vector<16xf32> to vector<1x16xf32>
        tpu.vector_store %arg10[%swap3A_579, %swap3A_580], %swap3A_583 {add = true, strides = array<i32>} : memref<16x1024xf32, #tpu.memory_space<vmem>>, vector<1x16xf32>,
        %get3A_584 = arith.index_cast %scan3A_332 : i32 to index
        %get3A_585 = arith.constant 448 : index
        %get3A_586 = tpu.vector_load %arg11[%get3A_584, %get3A_585] {strides = array<i32>} : memref<16x1024xf32, #tpu.memory_space<vmem>>, vector<1x16xf32>,
        %get3A_587 = vector.shape_cast %get3A_586 : vector<1x16xf32> to vector<16xf32>
        %swap3A_588 = arith.index_cast %scan3A_332 : i32 to index
        %swap3A_589 = arith.constant 448 : index
        %swap3A_590 = tpu.vector_load %arg10[%swap3A_588, %swap3A_589] {strides = array<i32>} : memref<16x1024xf32, #tpu.memory_space<vmem>>, vector<1x16xf32>,
        %swap3A_591 = vector.shape_cast %swap3A_590 : vector<1x16xf32> to vector<16xf32>
        %swap3A_592 = vector.shape_cast %get3A_587 : vector<16xf32> to vector<1x16xf32>
        tpu.vector_store %arg10[%swap3A_588, %swap3A_589], %swap3A_592 {add = true, strides = array<i32>} : memref<16x1024xf32, #tpu.memory_space<vmem>>, vector<1x16xf32>,
        %get3A_593 = arith.index_cast %scan3A_332 : i32 to index
        %get3A_594 = arith.constant 464 : index
        %get3A_595 = tpu.vector_load %arg11[%get3A_593, %get3A_594] {strides = array<i32>} : memref<16x1024xf32, #tpu.memory_space<vmem>>, vector<1x16xf32>,
        %get3A_596 = vector.shape_cast %get3A_595 : vector<1x16xf32> to vector<16xf32>
        %swap3A_597 = arith.index_cast %scan3A_332 : i32 to index
        %swap3A_598 = arith.constant 464 : index
        %swap3A_599 = tpu.vector_load %arg10[%swap3A_597, %swap3A_598] {strides = array<i32>} : memref<16x1024xf32, #tpu.memory_space<vmem>>, vector<1x16xf32>,
        %swap3A_600 = vector.shape_cast %swap3A_599 : vector<1x16xf32> to vector<16xf32>
        %swap3A_601 = vector.shape_cast %get3A_596 : vector<16xf32> to vector<1x16xf32>
        tpu.vector_store %arg10[%swap3A_597, %swap3A_598], %swap3A_601 {add = true, strides = array<i32>} : memref<16x1024xf32, #tpu.memory_space<vmem>>, vector<1x16xf32>,
        %get3A_602 = arith.index_cast %scan3A_332 : i32 to index
        %get3A_603 = arith.constant 480 : index
        %get3A_604 = tpu.vector_load %arg11[%get3A_602, %get3A_603] {strides = array<i32>} : memref<16x1024xf32, #tpu.memory_space<vmem>>, vector<1x16xf32>,
        %get3A_605 = vector.shape_cast %get3A_604 : vector<1x16xf32> to vector<16xf32>
        %swap3A_606 = arith.index_cast %scan3A_332 : i32 to index
        %swap3A_607 = arith.constant 480 : index
        %swap3A_608 = tpu.vector_load %arg10[%swap3A_606, %swap3A_607] {strides = array<i32>} : memref<16x1024xf32, #tpu.memory_space<vmem>>, vector<1x16xf32>,
        %swap3A_609 = vector.shape_cast %swap3A_608 : vector<1x16xf32> to vector<16xf32>
        %swap3A_610 = vector.shape_cast %get3A_605 : vector<16xf32> to vector<1x16xf32>
        tpu.vector_store %arg10[%swap3A_606, %swap3A_607], %swap3A_610 {add = true, strides = array<i32>} : memref<16x1024xf32, #tpu.memory_space<vmem>>, vector<1x16xf32>,
        %get3A_611 = arith.index_cast %scan3A_332 : i32 to index
        %get3A_612 = arith.constant 496 : index
        %get3A_613 = tpu.vector_load %arg11[%get3A_611, %get3A_612] {strides = array<i32>} : memref<16x1024xf32, #tpu.memory_space<vmem>>, vector<1x16xf32>,
        %get3A_614 = vector.shape_cast %get3A_613 : vector<1x16xf32> to vector<16xf32>
        %swap3A_615 = arith.index_cast %scan3A_332 : i32 to index
        %swap3A_616 = arith.constant 496 : index
        %swap3A_617 = tpu.vector_load %arg10[%swap3A_615, %swap3A_616] {strides = array<i32>} : memref<16x1024xf32, #tpu.memory_space<vmem>>, vector<1x16xf32>,
        %swap3A_618 = vector.shape_cast %swap3A_617 : vector<1x16xf32> to vector<16xf32>
        %swap3A_619 = vector.shape_cast %get3A_614 : vector<16xf32> to vector<1x16xf32>
        tpu.vector_store %arg10[%swap3A_615, %swap3A_616], %swap3A_619 {add = true, strides = array<i32>} : memref<16x1024xf32, #tpu.memory_space<vmem>>, vector<1x16xf32>,
        %get3A_620 = arith.index_cast %scan3A_332 : i32 to index
        %get3A_621 = arith.constant 512 : index
        %get3A_622 = tpu.vector_load %arg11[%get3A_620, %get3A_621] {strides = array<i32>} : memref<16x1024xf32, #tpu.memory_space<vmem>>, vector<1x16xf32>,
        %get3A_623 = vector.shape_cast %get3A_622 : vector<1x16xf32> to vector<16xf32>
        %swap3A_624 = arith.index_cast %scan3A_332 : i32 to index
        %swap3A_625 = arith.constant 512 : index
        %swap3A_626 = tpu.vector_load %arg10[%swap3A_624, %swap3A_625] {strides = array<i32>} : memref<16x1024xf32, #tpu.memory_space<vmem>>, vector<1x16xf32>,
        %swap3A_627 = vector.shape_cast %swap3A_626 : vector<1x16xf32> to vector<16xf32>
        %swap3A_628 = vector.shape_cast %get3A_623 : vector<16xf32> to vector<1x16xf32>
        tpu.vector_store %arg10[%swap3A_624, %swap3A_625], %swap3A_628 {add = true, strides = array<i32>} : memref<16x1024xf32, #tpu.memory_space<vmem>>, vector<1x16xf32>,
        %get3A_629 = arith.index_cast %scan3A_332 : i32 to index
        %get3A_630 = arith.constant 528 : index
        %get3A_631 = tpu.vector_load %arg11[%get3A_629, %get3A_630] {strides = array<i32>} : memref<16x1024xf32, #tpu.memory_space<vmem>>, vector<1x16xf32>,
        %get3A_632 = vector.shape_cast %get3A_631 : vector<1x16xf32> to vector<16xf32>
        %swap3A_633 = arith.index_cast %scan3A_332 : i32 to index
        %swap3A_634 = arith.constant 528 : index
        %swap3A_635 = tpu.vector_load %arg10[%swap3A_633, %swap3A_634] {strides = array<i32>} : memref<16x1024xf32, #tpu.memory_space<vmem>>, vector<1x16xf32>,
        %swap3A_636 = vector.shape_cast %swap3A_635 : vector<1x16xf32> to vector<16xf32>
        %swap3A_637 = vector.shape_cast %get3A_632 : vector<16xf32> to vector<1x16xf32>
        tpu.vector_store %arg10[%swap3A_633, %swap3A_634], %swap3A_637 {add = true, strides = array<i32>} : memref<16x1024xf32, #tpu.memory_space<vmem>>, vector<1x16xf32>,
        %get3A_638 = arith.index_cast %scan3A_332 : i32 to index
        %get3A_639 = arith.constant 544 : index
        %get3A_640 = tpu.vector_load %arg11[%get3A_638, %get3A_639] {strides = array<i32>} : memref<16x1024xf32, #tpu.memory_space<vmem>>, vector<1x16xf32>,
        %get3A_641 = vector.shape_cast %get3A_640 : vector<1x16xf32> to vector<16xf32>
        %swap3A_642 = arith.index_cast %scan3A_332 : i32 to index
        %swap3A_643 = arith.constant 544 : index
        %swap3A_644 = tpu.vector_load %arg10[%swap3A_642, %swap3A_643] {strides = array<i32>} : memref<16x1024xf32, #tpu.memory_space<vmem>>, vector<1x16xf32>,
        %swap3A_645 = vector.shape_cast %swap3A_644 : vector<1x16xf32> to vector<16xf32>
        %swap3A_646 = vector.shape_cast %get3A_641 : vector<16xf32> to vector<1x16xf32>
        tpu.vector_store %arg10[%swap3A_642, %swap3A_643], %swap3A_646 {add = true, strides = array<i32>} : memref<16x1024xf32, #tpu.memory_space<vmem>>, vector<1x16xf32>,
        %get3A_647 = arith.index_cast %scan3A_332 : i32 to index
        %get3A_648 = arith.constant 560 : index
        %get3A_649 = tpu.vector_load %arg11[%get3A_647, %get3A_648] {strides = array<i32>} : memref<16x1024xf32, #tpu.memory_space<vmem>>, vector<1x16xf32>,
        %get3A_650 = vector.shape_cast %get3A_649 : vector<1x16xf32> to vector<16xf32>
        %swap3A_651 = arith.index_cast %scan3A_332 : i32 to index
        %swap3A_652 = arith.constant 560 : index
        %swap3A_653 = tpu.vector_load %arg10[%swap3A_651, %swap3A_652] {strides = array<i32>} : memref<16x1024xf32, #tpu.memory_space<vmem>>, vector<1x16xf32>,
        %swap3A_654 = vector.shape_cast %swap3A_653 : vector<1x16xf32> to vector<16xf32>
        %swap3A_655 = vector.shape_cast %get3A_650 : vector<16xf32> to vector<1x16xf32>
        tpu.vector_store %arg10[%swap3A_651, %swap3A_652], %swap3A_655 {add = true, strides = array<i32>} : memref<16x1024xf32, #tpu.memory_space<vmem>>, vector<1x16xf32>,
        %get3A_656 = arith.index_cast %scan3A_332 : i32 to index
        %get3A_657 = arith.constant 576 : index
        %get3A_658 = tpu.vector_load %arg11[%get3A_656, %get3A_657] {strides = array<i32>} : memref<16x1024xf32, #tpu.memory_space<vmem>>, vector<1x16xf32>,
        %get3A_659 = vector.shape_cast %get3A_658 : vector<1x16xf32> to vector<16xf32>
        %swap3A_660 = arith.index_cast %scan3A_332 : i32 to index
        %swap3A_661 = arith.constant 576 : index
        %swap3A_662 = tpu.vector_load %arg10[%swap3A_660, %swap3A_661] {strides = array<i32>} : memref<16x1024xf32, #tpu.memory_space<vmem>>, vector<1x16xf32>,
        %swap3A_663 = vector.shape_cast %swap3A_662 : vector<1x16xf32> to vector<16xf32>
        %swap3A_664 = vector.shape_cast %get3A_659 : vector<16xf32> to vector<1x16xf32>
        tpu.vector_store %arg10[%swap3A_660, %swap3A_661], %swap3A_664 {add = true, strides = array<i32>} : memref<16x1024xf32, #tpu.memory_space<vmem>>, vector<1x16xf32>,
        %get3A_665 = arith.index_cast %scan3A_332 : i32 to index
        %get3A_666 = arith.constant 592 : index
        %get3A_667 = tpu.vector_load %arg11[%get3A_665, %get3A_666] {strides = array<i32>} : memref<16x1024xf32, #tpu.memory_space<vmem>>, vector<1x16xf32>,
        %get3A_668 = vector.shape_cast %get3A_667 : vector<1x16xf32> to vector<16xf32>
        %swap3A_669 = arith.index_cast %scan3A_332 : i32 to index
        %swap3A_670 = arith.constant 592 : index
        %swap3A_671 = tpu.vector_load %arg10[%swap3A_669, %swap3A_670] {strides = array<i32>} : memref<16x1024xf32, #tpu.memory_space<vmem>>, vector<1x16xf32>,
        %swap3A_672 = vector.shape_cast %swap3A_671 : vector<1x16xf32> to vector<16xf32>
        %swap3A_673 = vector.shape_cast %get3A_668 : vector<16xf32> to vector<1x16xf32>
        tpu.vector_store %arg10[%swap3A_669, %swap3A_670], %swap3A_673 {add = true, strides = array<i32>} : memref<16x1024xf32, #tpu.memory_space<vmem>>, vector<1x16xf32>,
        %get3A_674 = arith.index_cast %scan3A_332 : i32 to index
        %get3A_675 = arith.constant 608 : index
        %get3A_676 = tpu.vector_load %arg11[%get3A_674, %get3A_675] {strides = array<i32>} : memref<16x1024xf32, #tpu.memory_space<vmem>>, vector<1x16xf32>,
        %get3A_677 = vector.shape_cast %get3A_676 : vector<1x16xf32> to vector<16xf32>
        %swap3A_678 = arith.index_cast %scan3A_332 : i32 to index
        %swap3A_679 = arith.constant 608 : index
        %swap3A_680 = tpu.vector_load %arg10[%swap3A_678, %swap3A_679] {strides = array<i32>} : memref<16x1024xf32, #tpu.memory_space<vmem>>, vector<1x16xf32>,
        %swap3A_681 = vector.shape_cast %swap3A_680 : vector<1x16xf32> to vector<16xf32>
        %swap3A_682 = vector.shape_cast %get3A_677 : vector<16xf32> to vector<1x16xf32>
        tpu.vector_store %arg10[%swap3A_678, %swap3A_679], %swap3A_682 {add = true, strides = array<i32>} : memref<16x1024xf32, #tpu.memory_space<vmem>>, vector<1x16xf32>,
        %get3A_683 = arith.index_cast %scan3A_332 : i32 to index
        %get3A_684 = arith.constant 624 : index
        %get3A_685 = tpu.vector_load %arg11[%get3A_683, %get3A_684] {strides = array<i32>} : memref<16x1024xf32, #tpu.memory_space<vmem>>, vector<1x16xf32>,
        %get3A_686 = vector.shape_cast %get3A_685 : vector<1x16xf32> to vector<16xf32>
        %swap3A_687 = arith.index_cast %scan3A_332 : i32 to index
        %swap3A_688 = arith.constant 624 : index
        %swap3A_689 = tpu.vector_load %arg10[%swap3A_687, %swap3A_688] {strides = array<i32>} : memref<16x1024xf32, #tpu.memory_space<vmem>>, vector<1x16xf32>,
        %swap3A_690 = vector.shape_cast %swap3A_689 : vector<1x16xf32> to vector<16xf32>
        %swap3A_691 = vector.shape_cast %get3A_686 : vector<16xf32> to vector<1x16xf32>
        tpu.vector_store %arg10[%swap3A_687, %swap3A_688], %swap3A_691 {add = true, strides = array<i32>} : memref<16x1024xf32, #tpu.memory_space<vmem>>, vector<1x16xf32>,
        %get3A_692 = arith.index_cast %scan3A_332 : i32 to index
        %get3A_693 = arith.constant 640 : index
        %get3A_694 = tpu.vector_load %arg11[%get3A_692, %get3A_693] {strides = array<i32>} : memref<16x1024xf32, #tpu.memory_space<vmem>>, vector<1x16xf32>,
        %get3A_695 = vector.shape_cast %get3A_694 : vector<1x16xf32> to vector<16xf32>
        %swap3A_696 = arith.index_cast %scan3A_332 : i32 to index
        %swap3A_697 = arith.constant 640 : index
        %swap3A_698 = tpu.vector_load %arg10[%swap3A_696, %swap3A_697] {strides = array<i32>} : memref<16x1024xf32, #tpu.memory_space<vmem>>, vector<1x16xf32>,
        %swap3A_699 = vector.shape_cast %swap3A_698 : vector<1x16xf32> to vector<16xf32>
        %swap3A_700 = vector.shape_cast %get3A_695 : vector<16xf32> to vector<1x16xf32>
        tpu.vector_store %arg10[%swap3A_696, %swap3A_697], %swap3A_700 {add = true, strides = array<i32>} : memref<16x1024xf32, #tpu.memory_space<vmem>>, vector<1x16xf32>,
        %get3A_701 = arith.index_cast %scan3A_332 : i32 to index
        %get3A_702 = arith.constant 656 : index
        %get3A_703 = tpu.vector_load %arg11[%get3A_701, %get3A_702] {strides = array<i32>} : memref<16x1024xf32, #tpu.memory_space<vmem>>, vector<1x16xf32>,
        %get3A_704 = vector.shape_cast %get3A_703 : vector<1x16xf32> to vector<16xf32>
        %swap3A_705 = arith.index_cast %scan3A_332 : i32 to index
        %swap3A_706 = arith.constant 656 : index
        %swap3A_707 = tpu.vector_load %arg10[%swap3A_705, %swap3A_706] {strides = array<i32>} : memref<16x1024xf32, #tpu.memory_space<vmem>>, vector<1x16xf32>,
        %swap3A_708 = vector.shape_cast %swap3A_707 : vector<1x16xf32> to vector<16xf32>
        %swap3A_709 = vector.shape_cast %get3A_704 : vector<16xf32> to vector<1x16xf32>
        tpu.vector_store %arg10[%swap3A_705, %swap3A_706], %swap3A_709 {add = true, strides = array<i32>} : memref<16x1024xf32, #tpu.memory_space<vmem>>, vector<1x16xf32>,
        %get3A_710 = arith.index_cast %scan3A_332 : i32 to index
        %get3A_711 = arith.constant 672 : index
        %get3A_712 = tpu.vector_load %arg11[%get3A_710, %get3A_711] {strides = array<i32>} : memref<16x1024xf32, #tpu.memory_space<vmem>>, vector<1x16xf32>,
        %get3A_713 = vector.shape_cast %get3A_712 : vector<1x16xf32> to vector<16xf32>
        %swap3A_714 = arith.index_cast %scan3A_332 : i32 to index
        %swap3A_715 = arith.constant 672 : index
        %swap3A_716 = tpu.vector_load %arg10[%swap3A_714, %swap3A_715] {strides = array<i32>} : memref<16x1024xf32, #tpu.memory_space<vmem>>, vector<1x16xf32>,
        %swap3A_717 = vector.shape_cast %swap3A_716 : vector<1x16xf32> to vector<16xf32>
        %swap3A_718 = vector.shape_cast %get3A_713 : vector<16xf32> to vector<1x16xf32>
        tpu.vector_store %arg10[%swap3A_714, %swap3A_715], %swap3A_718 {add = true, strides = array<i32>} : memref<16x1024xf32, #tpu.memory_space<vmem>>, vector<1x16xf32>,
        %get3A_719 = arith.index_cast %scan3A_332 : i32 to index
        %get3A_720 = arith.constant 688 : index
        %get3A_721 = tpu.vector_load %arg11[%get3A_719, %get3A_720] {strides = array<i32>} : memref<16x1024xf32, #tpu.memory_space<vmem>>, vector<1x16xf32>,
        %get3A_722 = vector.shape_cast %get3A_721 : vector<1x16xf32> to vector<16xf32>
        %swap3A_723 = arith.index_cast %scan3A_332 : i32 to index
        %swap3A_724 = arith.constant 688 : index
        %swap3A_725 = tpu.vector_load %arg10[%swap3A_723, %swap3A_724] {strides = array<i32>} : memref<16x1024xf32, #tpu.memory_space<vmem>>, vector<1x16xf32>,
        %swap3A_726 = vector.shape_cast %swap3A_725 : vector<1x16xf32> to vector<16xf32>
        %swap3A_727 = vector.shape_cast %get3A_722 : vector<16xf32> to vector<1x16xf32>
        tpu.vector_store %arg10[%swap3A_723, %swap3A_724], %swap3A_727 {add = true, strides = array<i32>} : memref<16x1024xf32, #tpu.memory_space<vmem>>, vector<1x16xf32>,
        %get3A_728 = arith.index_cast %scan3A_332 : i32 to index
        %get3A_729 = arith.constant 704 : index
        %get3A_730 = tpu.vector_load %arg11[%get3A_728, %get3A_729] {strides = array<i32>} : memref<16x1024xf32, #tpu.memory_space<vmem>>, vector<1x16xf32>,
        %get3A_731 = vector.shape_cast %get3A_730 : vector<1x16xf32> to vector<16xf32>
        %swap3A_732 = arith.index_cast %scan3A_332 : i32 to index
        %swap3A_733 = arith.constant 704 : index
        %swap3A_734 = tpu.vector_load %arg10[%swap3A_732, %swap3A_733] {strides = array<i32>} : memref<16x1024xf32, #tpu.memory_space<vmem>>, vector<1x16xf32>,
        %swap3A_735 = vector.shape_cast %swap3A_734 : vector<1x16xf32> to vector<16xf32>
        %swap3A_736 = vector.shape_cast %get3A_731 : vector<16xf32> to vector<1x16xf32>
        tpu.vector_store %arg10[%swap3A_732, %swap3A_733], %swap3A_736 {add = true, strides = array<i32>} : memref<16x1024xf32, #tpu.memory_space<vmem>>, vector<1x16xf32>,
        %get3A_737 = arith.index_cast %scan3A_332 : i32 to index
        %get3A_738 = arith.constant 720 : index
        %get3A_739 = tpu.vector_load %arg11[%get3A_737, %get3A_738] {strides = array<i32>} : memref<16x1024xf32, #tpu.memory_space<vmem>>, vector<1x16xf32>,
        %get3A_740 = vector.shape_cast %get3A_739 : vector<1x16xf32> to vector<16xf32>
        %swap3A_741 = arith.index_cast %scan3A_332 : i32 to index
        %swap3A_742 = arith.constant 720 : index
        %swap3A_743 = tpu.vector_load %arg10[%swap3A_741, %swap3A_742] {strides = array<i32>} : memref<16x1024xf32, #tpu.memory_space<vmem>>, vector<1x16xf32>,
        %swap3A_744 = vector.shape_cast %swap3A_743 : vector<1x16xf32> to vector<16xf32>
        %swap3A_745 = vector.shape_cast %get3A_740 : vector<16xf32> to vector<1x16xf32>
        tpu.vector_store %arg10[%swap3A_741, %swap3A_742], %swap3A_745 {add = true, strides = array<i32>} : memref<16x1024xf32, #tpu.memory_space<vmem>>, vector<1x16xf32>,
        %get3A_746 = arith.index_cast %scan3A_332 : i32 to index
        %get3A_747 = arith.constant 736 : index
        %get3A_748 = tpu.vector_load %arg11[%get3A_746, %get3A_747] {strides = array<i32>} : memref<16x1024xf32, #tpu.memory_space<vmem>>, vector<1x16xf32>,
        %get3A_749 = vector.shape_cast %get3A_748 : vector<1x16xf32> to vector<16xf32>
        %swap3A_750 = arith.index_cast %scan3A_332 : i32 to index
        %swap3A_751 = arith.constant 736 : index
        %swap3A_752 = tpu.vector_load %arg10[%swap3A_750, %swap3A_751] {strides = array<i32>} : memref<16x1024xf32, #tpu.memory_space<vmem>>, vector<1x16xf32>,
        %swap3A_753 = vector.shape_cast %swap3A_752 : vector<1x16xf32> to vector<16xf32>
        %swap3A_754 = vector.shape_cast %get3A_749 : vector<16xf32> to vector<1x16xf32>
        tpu.vector_store %arg10[%swap3A_750, %swap3A_751], %swap3A_754 {add = true, strides = array<i32>} : memref<16x1024xf32, #tpu.memory_space<vmem>>, vector<1x16xf32>,
        %get3A_755 = arith.index_cast %scan3A_332 : i32 to index
        %get3A_756 = arith.constant 752 : index
        %get3A_757 = tpu.vector_load %arg11[%get3A_755, %get3A_756] {strides = array<i32>} : memref<16x1024xf32, #tpu.memory_space<vmem>>, vector<1x16xf32>,
        %get3A_758 = vector.shape_cast %get3A_757 : vector<1x16xf32> to vector<16xf32>
        %swap3A_759 = arith.index_cast %scan3A_332 : i32 to index
        %swap3A_760 = arith.constant 752 : index
        %swap3A_761 = tpu.vector_load %arg10[%swap3A_759, %swap3A_760] {strides = array<i32>} : memref<16x1024xf32, #tpu.memory_space<vmem>>, vector<1x16xf32>,
        %swap3A_762 = vector.shape_cast %swap3A_761 : vector<1x16xf32> to vector<16xf32>
        %swap3A_763 = vector.shape_cast %get3A_758 : vector<16xf32> to vector<1x16xf32>
        tpu.vector_store %arg10[%swap3A_759, %swap3A_760], %swap3A_763 {add = true, strides = array<i32>} : memref<16x1024xf32, #tpu.memory_space<vmem>>, vector<1x16xf32>,
        %get3A_764 = arith.index_cast %scan3A_332 : i32 to index
        %get3A_765 = arith.constant 768 : index
        %get3A_766 = tpu.vector_load %arg11[%get3A_764, %get3A_765] {strides = array<i32>} : memref<16x1024xf32, #tpu.memory_space<vmem>>, vector<1x16xf32>,
        %get3A_767 = vector.shape_cast %get3A_766 : vector<1x16xf32> to vector<16xf32>
        %swap3A_768 = arith.index_cast %scan3A_332 : i32 to index
        %swap3A_769 = arith.constant 768 : index
        %swap3A_770 = tpu.vector_load %arg10[%swap3A_768, %swap3A_769] {strides = array<i32>} : memref<16x1024xf32, #tpu.memory_space<vmem>>, vector<1x16xf32>,
        %swap3A_771 = vector.shape_cast %swap3A_770 : vector<1x16xf32> to vector<16xf32>
        %swap3A_772 = vector.shape_cast %get3A_767 : vector<16xf32> to vector<1x16xf32>
        tpu.vector_store %arg10[%swap3A_768, %swap3A_769], %swap3A_772 {add = true, strides = array<i32>} : memref<16x1024xf32, #tpu.memory_space<vmem>>, vector<1x16xf32>,
        %get3A_773 = arith.index_cast %scan3A_332 : i32 to index
        %get3A_774 = arith.constant 784 : index
        %get3A_775 = tpu.vector_load %arg11[%get3A_773, %get3A_774] {strides = array<i32>} : memref<16x1024xf32, #tpu.memory_space<vmem>>, vector<1x16xf32>,
        %get3A_776 = vector.shape_cast %get3A_775 : vector<1x16xf32> to vector<16xf32>
        %swap3A_777 = arith.index_cast %scan3A_332 : i32 to index
        %swap3A_778 = arith.constant 784 : index
        %swap3A_779 = tpu.vector_load %arg10[%swap3A_777, %swap3A_778] {strides = array<i32>} : memref<16x1024xf32, #tpu.memory_space<vmem>>, vector<1x16xf32>,
        %swap3A_780 = vector.shape_cast %swap3A_779 : vector<1x16xf32> to vector<16xf32>
        %swap3A_781 = vector.shape_cast %get3A_776 : vector<16xf32> to vector<1x16xf32>
        tpu.vector_store %arg10[%swap3A_777, %swap3A_778], %swap3A_781 {add = true, strides = array<i32>} : memref<16x1024xf32, #tpu.memory_space<vmem>>, vector<1x16xf32>,
        %get3A_782 = arith.index_cast %scan3A_332 : i32 to index
        %get3A_783 = arith.constant 800 : index
        %get3A_784 = tpu.vector_load %arg11[%get3A_782, %get3A_783] {strides = array<i32>} : memref<16x1024xf32, #tpu.memory_space<vmem>>, vector<1x16xf32>,
        %get3A_785 = vector.shape_cast %get3A_784 : vector<1x16xf32> to vector<16xf32>
        %swap3A_786 = arith.index_cast %scan3A_332 : i32 to index
        %swap3A_787 = arith.constant 800 : index
        %swap3A_788 = tpu.vector_load %arg10[%swap3A_786, %swap3A_787] {strides = array<i32>} : memref<16x1024xf32, #tpu.memory_space<vmem>>, vector<1x16xf32>,
        %swap3A_789 = vector.shape_cast %swap3A_788 : vector<1x16xf32> to vector<16xf32>
        %swap3A_790 = vector.shape_cast %get3A_785 : vector<16xf32> to vector<1x16xf32>
        tpu.vector_store %arg10[%swap3A_786, %swap3A_787], %swap3A_790 {add = true, strides = array<i32>} : memref<16x1024xf32, #tpu.memory_space<vmem>>, vector<1x16xf32>,
        %get3A_791 = arith.index_cast %scan3A_332 : i32 to index
        %get3A_792 = arith.constant 816 : index
        %get3A_793 = tpu.vector_load %arg11[%get3A_791, %get3A_792] {strides = array<i32>} : memref<16x1024xf32, #tpu.memory_space<vmem>>, vector<1x16xf32>,
        %get3A_794 = vector.shape_cast %get3A_793 : vector<1x16xf32> to vector<16xf32>
        %swap3A_795 = arith.index_cast %scan3A_332 : i32 to index
        %swap3A_796 = arith.constant 816 : index
        %swap3A_797 = tpu.vector_load %arg10[%swap3A_795, %swap3A_796] {strides = array<i32>} : memref<16x1024xf32, #tpu.memory_space<vmem>>, vector<1x16xf32>,
        %swap3A_798 = vector.shape_cast %swap3A_797 : vector<1x16xf32> to vector<16xf32>
        %swap3A_799 = vector.shape_cast %get3A_794 : vector<16xf32> to vector<1x16xf32>
        tpu.vector_store %arg10[%swap3A_795, %swap3A_796], %swap3A_799 {add = true, strides = array<i32>} : memref<16x1024xf32, #tpu.memory_space<vmem>>, vector<1x16xf32>,
        %get3A_800 = arith.index_cast %scan3A_332 : i32 to index
        %get3A_801 = arith.constant 832 : index
        %get3A_802 = tpu.vector_load %arg11[%get3A_800, %get3A_801] {strides = array<i32>} : memref<16x1024xf32, #tpu.memory_space<vmem>>, vector<1x16xf32>,
        %get3A_803 = vector.shape_cast %get3A_802 : vector<1x16xf32> to vector<16xf32>
        %swap3A_804 = arith.index_cast %scan3A_332 : i32 to index
        %swap3A_805 = arith.constant 832 : index
        %swap3A_806 = tpu.vector_load %arg10[%swap3A_804, %swap3A_805] {strides = array<i32>} : memref<16x1024xf32, #tpu.memory_space<vmem>>, vector<1x16xf32>,
        %swap3A_807 = vector.shape_cast %swap3A_806 : vector<1x16xf32> to vector<16xf32>
        %swap3A_808 = vector.shape_cast %get3A_803 : vector<16xf32> to vector<1x16xf32>
        tpu.vector_store %arg10[%swap3A_804, %swap3A_805], %swap3A_808 {add = true, strides = array<i32>} : memref<16x1024xf32, #tpu.memory_space<vmem>>, vector<1x16xf32>,
        %get3A_809 = arith.index_cast %scan3A_332 : i32 to index
        %get3A_810 = arith.constant 848 : index
        %get3A_811 = tpu.vector_load %arg11[%get3A_809, %get3A_810] {strides = array<i32>} : memref<16x1024xf32, #tpu.memory_space<vmem>>, vector<1x16xf32>,
        %get3A_812 = vector.shape_cast %get3A_811 : vector<1x16xf32> to vector<16xf32>
        %swap3A_813 = arith.index_cast %scan3A_332 : i32 to index
        %swap3A_814 = arith.constant 848 : index
        %swap3A_815 = tpu.vector_load %arg10[%swap3A_813, %swap3A_814] {strides = array<i32>} : memref<16x1024xf32, #tpu.memory_space<vmem>>, vector<1x16xf32>,
        %swap3A_816 = vector.shape_cast %swap3A_815 : vector<1x16xf32> to vector<16xf32>
        %swap3A_817 = vector.shape_cast %get3A_812 : vector<16xf32> to vector<1x16xf32>
        tpu.vector_store %arg10[%swap3A_813, %swap3A_814], %swap3A_817 {add = true, strides = array<i32>} : memref<16x1024xf32, #tpu.memory_space<vmem>>, vector<1x16xf32>,
        %get3A_818 = arith.index_cast %scan3A_332 : i32 to index
        %get3A_819 = arith.constant 864 : index
        %get3A_820 = tpu.vector_load %arg11[%get3A_818, %get3A_819] {strides = array<i32>} : memref<16x1024xf32, #tpu.memory_space<vmem>>, vector<1x16xf32>,
        %get3A_821 = vector.shape_cast %get3A_820 : vector<1x16xf32> to vector<16xf32>
        %swap3A_822 = arith.index_cast %scan3A_332 : i32 to index
        %swap3A_823 = arith.constant 864 : index
        %swap3A_824 = tpu.vector_load %arg10[%swap3A_822, %swap3A_823] {strides = array<i32>} : memref<16x1024xf32, #tpu.memory_space<vmem>>, vector<1x16xf32>,
        %swap3A_825 = vector.shape_cast %swap3A_824 : vector<1x16xf32> to vector<16xf32>
        %swap3A_826 = vector.shape_cast %get3A_821 : vector<16xf32> to vector<1x16xf32>
        tpu.vector_store %arg10[%swap3A_822, %swap3A_823], %swap3A_826 {add = true, strides = array<i32>} : memref<16x1024xf32, #tpu.memory_space<vmem>>, vector<1x16xf32>,
        %get3A_827 = arith.index_cast %scan3A_332 : i32 to index
        %get3A_828 = arith.constant 880 : index
        %get3A_829 = tpu.vector_load %arg11[%get3A_827, %get3A_828] {strides = array<i32>} : memref<16x1024xf32, #tpu.memory_space<vmem>>, vector<1x16xf32>,
        %get3A_830 = vector.shape_cast %get3A_829 : vector<1x16xf32> to vector<16xf32>
        %swap3A_831 = arith.index_cast %scan3A_332 : i32 to index
        %swap3A_832 = arith.constant 880 : index
        %swap3A_833 = tpu.vector_load %arg10[%swap3A_831, %swap3A_832] {strides = array<i32>} : memref<16x1024xf32, #tpu.memory_space<vmem>>, vector<1x16xf32>,
        %swap3A_834 = vector.shape_cast %swap3A_833 : vector<1x16xf32> to vector<16xf32>
        %swap3A_835 = vector.shape_cast %get3A_830 : vector<16xf32> to vector<1x16xf32>
        tpu.vector_store %arg10[%swap3A_831, %swap3A_832], %swap3A_835 {add = true, strides = array<i32>} : memref<16x1024xf32, #tpu.memory_space<vmem>>, vector<1x16xf32>,
        %get3A_836 = arith.index_cast %scan3A_332 : i32 to index
        %get3A_837 = arith.constant 896 : index
        %get3A_838 = tpu.vector_load %arg11[%get3A_836, %get3A_837] {strides = array<i32>} : memref<16x1024xf32, #tpu.memory_space<vmem>>, vector<1x16xf32>,
        %get3A_839 = vector.shape_cast %get3A_838 : vector<1x16xf32> to vector<16xf32>
        %swap3A_840 = arith.index_cast %scan3A_332 : i32 to index
        %swap3A_841 = arith.constant 896 : index
        %swap3A_842 = tpu.vector_load %arg10[%swap3A_840, %swap3A_841] {strides = array<i32>} : memref<16x1024xf32, #tpu.memory_space<vmem>>, vector<1x16xf32>,
        %swap3A_843 = vector.shape_cast %swap3A_842 : vector<1x16xf32> to vector<16xf32>
        %swap3A_844 = vector.shape_cast %get3A_839 : vector<16xf32> to vector<1x16xf32>
        tpu.vector_store %arg10[%swap3A_840, %swap3A_841], %swap3A_844 {add = true, strides = array<i32>} : memref<16x1024xf32, #tpu.memory_space<vmem>>, vector<1x16xf32>,
        %get3A_845 = arith.index_cast %scan3A_332 : i32 to index
        %get3A_846 = arith.constant 912 : index
        %get3A_847 = tpu.vector_load %arg11[%get3A_845, %get3A_846] {strides = array<i32>} : memref<16x1024xf32, #tpu.memory_space<vmem>>, vector<1x16xf32>,
        %get3A_848 = vector.shape_cast %get3A_847 : vector<1x16xf32> to vector<16xf32>
        %swap3A_849 = arith.index_cast %scan3A_332 : i32 to index
        %swap3A_850 = arith.constant 912 : index
        %swap3A_851 = tpu.vector_load %arg10[%swap3A_849, %swap3A_850] {strides = array<i32>} : memref<16x1024xf32, #tpu.memory_space<vmem>>, vector<1x16xf32>,
        %swap3A_852 = vector.shape_cast %swap3A_851 : vector<1x16xf32> to vector<16xf32>
        %swap3A_853 = vector.shape_cast %get3A_848 : vector<16xf32> to vector<1x16xf32>
        tpu.vector_store %arg10[%swap3A_849, %swap3A_850], %swap3A_853 {add = true, strides = array<i32>} : memref<16x1024xf32, #tpu.memory_space<vmem>>, vector<1x16xf32>,
        %get3A_854 = arith.index_cast %scan3A_332 : i32 to index
        %get3A_855 = arith.constant 928 : index
        %get3A_856 = tpu.vector_load %arg11[%get3A_854, %get3A_855] {strides = array<i32>} : memref<16x1024xf32, #tpu.memory_space<vmem>>, vector<1x16xf32>,
        %get3A_857 = vector.shape_cast %get3A_856 : vector<1x16xf32> to vector<16xf32>
        %swap3A_858 = arith.index_cast %scan3A_332 : i32 to index
        %swap3A_859 = arith.constant 928 : index
        %swap3A_860 = tpu.vector_load %arg10[%swap3A_858, %swap3A_859] {strides = array<i32>} : memref<16x1024xf32, #tpu.memory_space<vmem>>, vector<1x16xf32>,
        %swap3A_861 = vector.shape_cast %swap3A_860 : vector<1x16xf32> to vector<16xf32>
        %swap3A_862 = vector.shape_cast %get3A_857 : vector<16xf32> to vector<1x16xf32>
        tpu.vector_store %arg10[%swap3A_858, %swap3A_859], %swap3A_862 {add = true, strides = array<i32>} : memref<16x1024xf32, #tpu.memory_space<vmem>>, vector<1x16xf32>,
        %get3A_863 = arith.index_cast %scan3A_332 : i32 to index
        %get3A_864 = arith.constant 944 : index
        %get3A_865 = tpu.vector_load %arg11[%get3A_863, %get3A_864] {strides = array<i32>} : memref<16x1024xf32, #tpu.memory_space<vmem>>, vector<1x16xf32>,
        %get3A_866 = vector.shape_cast %get3A_865 : vector<1x16xf32> to vector<16xf32>
        %swap3A_867 = arith.index_cast %scan3A_332 : i32 to index
        %swap3A_868 = arith.constant 944 : index
        %swap3A_869 = tpu.vector_load %arg10[%swap3A_867, %swap3A_868] {strides = array<i32>} : memref<16x1024xf32, #tpu.memory_space<vmem>>, vector<1x16xf32>,
        %swap3A_870 = vector.shape_cast %swap3A_869 : vector<1x16xf32> to vector<16xf32>
        %swap3A_871 = vector.shape_cast %get3A_866 : vector<16xf32> to vector<1x16xf32>
        tpu.vector_store %arg10[%swap3A_867, %swap3A_868], %swap3A_871 {add = true, strides = array<i32>} : memref<16x1024xf32, #tpu.memory_space<vmem>>, vector<1x16xf32>,
        %get3A_872 = arith.index_cast %scan3A_332 : i32 to index
        %get3A_873 = arith.constant 960 : index
        %get3A_874 = tpu.vector_load %arg11[%get3A_872, %get3A_873] {strides = array<i32>} : memref<16x1024xf32, #tpu.memory_space<vmem>>, vector<1x16xf32>,
        %get3A_875 = vector.shape_cast %get3A_874 : vector<1x16xf32> to vector<16xf32>
        %swap3A_876 = arith.index_cast %scan3A_332 : i32 to index
        %swap3A_877 = arith.constant 960 : index
        %swap3A_878 = tpu.vector_load %arg10[%swap3A_876, %swap3A_877] {strides = array<i32>} : memref<16x1024xf32, #tpu.memory_space<vmem>>, vector<1x16xf32>,
        %swap3A_879 = vector.shape_cast %swap3A_878 : vector<1x16xf32> to vector<16xf32>
        %swap3A_880 = vector.shape_cast %get3A_875 : vector<16xf32> to vector<1x16xf32>
        tpu.vector_store %arg10[%swap3A_876, %swap3A_877], %swap3A_880 {add = true, strides = array<i32>} : memref<16x1024xf32, #tpu.memory_space<vmem>>, vector<1x16xf32>,
        %get3A_881 = arith.index_cast %scan3A_332 : i32 to index
        %get3A_882 = arith.constant 976 : index
        %get3A_883 = tpu.vector_load %arg11[%get3A_881, %get3A_882] {strides = array<i32>} : memref<16x1024xf32, #tpu.memory_space<vmem>>, vector<1x16xf32>,
        %get3A_884 = vector.shape_cast %get3A_883 : vector<1x16xf32> to vector<16xf32>
        %swap3A_885 = arith.index_cast %scan3A_332 : i32 to index
        %swap3A_886 = arith.constant 976 : index
        %swap3A_887 = tpu.vector_load %arg10[%swap3A_885, %swap3A_886] {strides = array<i32>} : memref<16x1024xf32, #tpu.memory_space<vmem>>, vector<1x16xf32>,
        %swap3A_888 = vector.shape_cast %swap3A_887 : vector<1x16xf32> to vector<16xf32>
        %swap3A_889 = vector.shape_cast %get3A_884 : vector<16xf32> to vector<1x16xf32>
        tpu.vector_store %arg10[%swap3A_885, %swap3A_886], %swap3A_889 {add = true, strides = array<i32>} : memref<16x1024xf32, #tpu.memory_space<vmem>>, vector<1x16xf32>,
        %get3A_890 = arith.index_cast %scan3A_332 : i32 to index
        %get3A_891 = arith.constant 992 : index
        %get3A_892 = tpu.vector_load %arg11[%get3A_890, %get3A_891] {strides = array<i32>} : memref<16x1024xf32, #tpu.memory_space<vmem>>, vector<1x16xf32>,
        %get3A_893 = vector.shape_cast %get3A_892 : vector<1x16xf32> to vector<16xf32>
        %swap3A_894 = arith.index_cast %scan3A_332 : i32 to index
        %swap3A_895 = arith.constant 992 : index
        %swap3A_896 = tpu.vector_load %arg10[%swap3A_894, %swap3A_895] {strides = array<i32>} : memref<16x1024xf32, #tpu.memory_space<vmem>>, vector<1x16xf32>,
        %swap3A_897 = vector.shape_cast %swap3A_896 : vector<1x16xf32> to vector<16xf32>
        %swap3A_898 = vector.shape_cast %get3A_893 : vector<16xf32> to vector<1x16xf32>
        tpu.vector_store %arg10[%swap3A_894, %swap3A_895], %swap3A_898 {add = true, strides = array<i32>} : memref<16x1024xf32, #tpu.memory_space<vmem>>, vector<1x16xf32>,
        %get3A_899 = arith.index_cast %scan3A_332 : i32 to index
        %get3A_900 = arith.constant 1008 : index
        %get3A_901 = tpu.vector_load %arg11[%get3A_899, %get3A_900] {strides = array<i32>} : memref<16x1024xf32, #tpu.memory_space<vmem>>, vector<1x16xf32>,
        %get3A_902 = vector.shape_cast %get3A_901 : vector<1x16xf32> to vector<16xf32>
        %swap3A_903 = arith.index_cast %scan3A_332 : i32 to index
        %swap3A_904 = arith.constant 1008 : index
        %swap3A_905 = tpu.vector_load %arg10[%swap3A_903, %swap3A_904] {strides = array<i32>} : memref<16x1024xf32, #tpu.memory_space<vmem>>, vector<1x16xf32>,
        %swap3A_906 = vector.shape_cast %swap3A_905 : vector<1x16xf32> to vector<16xf32>
        %swap3A_907 = vector.shape_cast %get3A_902 : vector<16xf32> to vector<1x16xf32>
        tpu.vector_store %arg10[%swap3A_903, %swap3A_904], %swap3A_907 {add = true, strides = array<i32>} : memref<16x1024xf32, #tpu.memory_space<vmem>>, vector<1x16xf32>,
        %scan3A_908 = arith.constant 0 : i32
        scf.yield %scan3A_908 : i32
      }
      %scan3A_225 = arith.constant 16 : i32
      %mul3A_226 = arith.constant 16 : i32
      %mul3A_227 = arith.muli %add3A_199, %mul3A_226 : i32
      %add3A_228 = vector.broadcast %mul3A_227 : i32 to vector<16xi32>
      %add3A_229 = arith.addi %add3A_228, %iota3A : vector<16xi32>
      %mul3A_230 = arith.constant 16 : i32
      %mul3A_231 = vector.broadcast %mul3A_230 : i32 to vector<16xi32>
      %mul3A_232 = arith.muli %add3A_229, %mul3A_231 : vector<16xi32>
      %add3A_233 = vector.broadcast %add3A_37 : i32 to vector<16xi32>
      %add3A_234 = arith.addi %add3A_233, %mul3A_232 : vector<16xi32>
      %dma_start3A_235 = arith.constant 0 : i32
      %dma_start3A_236 = arith.constant 0 : i32
      %dma_start3A_237 = tpu.memref_slice %arg6[%dma_start3A_235, %dma_start3A_236] : memref<16400x1024xf32, #tpu.memory_space<hbm>> -> memref<16400x1024xf32, #tpu.memory_space<hbm>>
      tpu.enqueue_indirect_dma source(%arg10 : memref<16x1024xf32, #tpu.memory_space<vmem>>) target(%dma_start3A_237 : memref<16400x1024xf32, #tpu.memory_space<hbm>>) offsets(%add3A_234 : vector<16xi32>) semaphore(%arg23 : memref<!tpu.dma_semaphore, #tpu.memory_space<semaphore_mem>>)
      %dma_wait3A_238 = arith.constant 0 : i32
      %dma_wait3A_239 = arith.constant 0 : i32
      %dma_wait3A_240 = tpu.memref_slice %arg6[%dma_wait3A_238, %dma_wait3A_239] : memref<16400x1024xf32, #tpu.memory_space<hbm>> -> memref<16400x1024xf32, #tpu.memory_space<hbm>>
      tpu.wait_indirect_dma semaphore(%arg23 : memref<!tpu.dma_semaphore, #tpu.memory_space<semaphore_mem>>) src(%arg10 : memref<16x1024xf32, #tpu.memory_space<vmem>>) dst(%dma_wait3A_240 : memref<16400x1024xf32, #tpu.memory_space<hbm>>)
      %mul3A_241 = arith.constant 3 : i32
      %mul3A_242 = arith.muli %scan3A_194, %mul3A_241 : i32
      %add3A_243 = arith.constant 1 : i32
      %add3A_244 = arith.addi %mul3A_242, %add3A_243 : i32
      %mul3A_245 = arith.constant 16 : i32
      %mul3A_246 = arith.muli %add3A_244, %mul3A_245 : i32
      %mul3A_247 = arith.constant 16 : i32
      %mul3A_248 = arith.muli %add3A_244, %mul3A_247 : i32
      %dma_wait3A_249 = tpu.memref_slice %arg8[%mul3A_246] : memref<512xi32, #tpu.memory_space<vmem>> -> memref<16xi32, #tpu.memory_space<vmem>>
      %dma_wait3A_250 = arith.constant 0 : i32
      %dma_wait3A_251 = arith.constant 0 : i32
      %dma_wait3A_252 = tpu.memref_slice %arg2[%dma_wait3A_250, %dma_wait3A_251] : memref<32768x1024xf32, #tpu.memory_space<hbm>> -> memref<32768x1024xf32, #tpu.memory_space<hbm>>
      tpu.wait_indirect_dma semaphore(%arg19 : memref<!tpu.dma_semaphore, #tpu.memory_space<semaphore_mem>>) src(%dma_wait3A_252 : memref<32768x1024xf32, #tpu.memory_space<hbm>>) dst(%arg12 : memref<16x1024xf32, #tpu.memory_space<vmem>>)
      %dma_wait3A_253 = tpu.memref_slice %arg9[%mul3A_248] : memref<512xi32, #tpu.memory_space<vmem>> -> memref<16xi32, #tpu.memory_space<vmem>>
      %dma_wait3A_254 = arith.constant 0 : i32
      %dma_wait3A_255 = arith.constant 0 : i32
      %dma_wait3A_256 = tpu.memref_slice %arg4[%dma_wait3A_254, %dma_wait3A_255] : memref<2049x1024xf32, #tpu.memory_space<hbm>> -> memref<2049x1024xf32, #tpu.memory_space<hbm>>
      tpu.wait_indirect_dma semaphore(%arg20 : memref<!tpu.dma_semaphore, #tpu.memory_space<semaphore_mem>>) src(%dma_wait3A_256 : memref<2049x1024xf32, #tpu.memory_space<hbm>>) dst(%arg13 : memref<16x1024xf32, #tpu.memory_space<vmem>>)
      %add3A_257 = arith.constant 2 : i32
      %add3A_258 = arith.addi %add3A_244, %add3A_257 : i32
      %lt3A_259 = arith.constant 32 : i32
      %lt3A_260 = arith.cmpi slt, %add3A_258, %lt3A_259 : i32
      %convert_element_type3A_261 = arith.extui %lt3A_260 : i1 to i32
      %cond3A_262 = arith.constant 0 : i32
      %cond3A_263 = arith.cmpi ne, %convert_element_type3A_261, %cond3A_262 : i32
      scf.if %cond3A_263 {
        %add3A_332 = arith.constant 2 : i32
        %add3A_333 = arith.addi %add3A_244, %add3A_332 : i32
        %mul3A_334 = arith.constant 16 : i32
        %mul3A_335 = arith.muli %add3A_333, %mul3A_334 : i32
        %mul3A_336 = arith.constant 16 : i32
        %mul3A_337 = arith.muli %add3A_333, %mul3A_336 : i32
        %dma_start3A_338 = tpu.memref_slice %arg8[%mul3A_335] : memref<512xi32, #tpu.memory_space<vmem>> -> memref<16xi32, #tpu.memory_space<vmem>>
        %dma_start3A_339 = arith.constant 0 : i32
        %dma_start3A_340 = arith.constant 0 : i32
        %dma_start3A_341 = tpu.memref_slice %arg2[%dma_start3A_339, %dma_start3A_340] : memref<32768x1024xf32, #tpu.memory_space<hbm>> -> memref<32768x1024xf32, #tpu.memory_space<hbm>>
        tpu.enqueue_indirect_dma source(%dma_start3A_341 : memref<32768x1024xf32, #tpu.memory_space<hbm>>) target(%arg10 : memref<16x1024xf32, #tpu.memory_space<vmem>>) offsets(%dma_start3A_338 : memref<16xi32, #tpu.memory_space<vmem>>) semaphore(%arg17 : memref<!tpu.dma_semaphore, #tpu.memory_space<semaphore_mem>>)
        %dma_start3A_342 = tpu.memref_slice %arg9[%mul3A_337] : memref<512xi32, #tpu.memory_space<vmem>> -> memref<16xi32, #tpu.memory_space<vmem>>
        %dma_start3A_343 = arith.constant 0 : i32
        %dma_start3A_344 = arith.constant 0 : i32
        %dma_start3A_345 = tpu.memref_slice %arg4[%dma_start3A_343, %dma_start3A_344] : memref<2049x1024xf32, #tpu.memory_space<hbm>> -> memref<2049x1024xf32, #tpu.memory_space<hbm>>
        tpu.enqueue_indirect_dma source(%dma_start3A_345 : memref<2049x1024xf32, #tpu.memory_space<hbm>>) target(%arg11 : memref<16x1024xf32, #tpu.memory_space<vmem>>) offsets(%dma_start3A_342 : memref<16xi32, #tpu.memory_space<vmem>>) semaphore(%arg18 : memref<!tpu.dma_semaphore, #tpu.memory_space<semaphore_mem>>)
      } else {
      }
      %scan3A_264 = arith.constant 0 : i32
      %scan3A_265 = arith.constant 0 : i32
      %scan3A_266 = arith.constant 16 : i32
      %scan3A_267 = arith.addi %scan3A_265, %scan3A_266 : i32
      %scan3A_268 = arith.constant 1 : i32
      %scan3A_269 = scf.for %scan3A_332 = %scan3A_265 to %scan3A_267 step %scan3A_268 iter_args(%scan3A_333 = %scan3A_264) -> (i32)  : i32 {
        %get3A = arith.index_cast %scan3A_332 : i32 to index
        %get3A_334 = arith.constant 0 : index
        %get3A_335 = tpu.vector_load %arg13[%get3A, %get3A_334] {strides = array<i32>} : memref<16x1024xf32, #tpu.memory_space<vmem>>, vector<1x16xf32>,
        %get3A_336 = vector.shape_cast %get3A_335 : vector<1x16xf32> to vector<16xf32>
        %swap3A = arith.index_cast %scan3A_332 : i32 to index
        %swap3A_337 = arith.constant 0 : index
        %swap3A_338 = tpu.vector_load %arg12[%swap3A, %swap3A_337] {strides = array<i32>} : memref<16x1024xf32, #tpu.memory_space<vmem>>, vector<1x16xf32>,
        %swap3A_339 = vector.shape_cast %swap3A_338 : vector<1x16xf32> to vector<16xf32>
        %swap3A_340 = vector.shape_cast %get3A_336 : vector<16xf32> to vector<1x16xf32>
        tpu.vector_store %arg12[%swap3A, %swap3A_337], %swap3A_340 {add = true, strides = array<i32>} : memref<16x1024xf32, #tpu.memory_space<vmem>>, vector<1x16xf32>,
        %get3A_341 = arith.index_cast %scan3A_332 : i32 to index
        %get3A_342 = arith.constant 16 : index
        %get3A_343 = tpu.vector_load %arg13[%get3A_341, %get3A_342] {strides = array<i32>} : memref<16x1024xf32, #tpu.memory_space<vmem>>, vector<1x16xf32>,
        %get3A_344 = vector.shape_cast %get3A_343 : vector<1x16xf32> to vector<16xf32>
        %swap3A_345 = arith.index_cast %scan3A_332 : i32 to index
        %swap3A_346 = arith.constant 16 : index
        %swap3A_347 = tpu.vector_load %arg12[%swap3A_345, %swap3A_346] {strides = array<i32>} : memref<16x1024xf32, #tpu.memory_space<vmem>>, vector<1x16xf32>,
        %swap3A_348 = vector.shape_cast %swap3A_347 : vector<1x16xf32> to vector<16xf32>
        %swap3A_349 = vector.shape_cast %get3A_344 : vector<16xf32> to vector<1x16xf32>
        tpu.vector_store %arg12[%swap3A_345, %swap3A_346], %swap3A_349 {add = true, strides = array<i32>} : memref<16x1024xf32, #tpu.memory_space<vmem>>, vector<1x16xf32>,
        %get3A_350 = arith.index_cast %scan3A_332 : i32 to index
        %get3A_351 = arith.constant 32 : index
        %get3A_352 = tpu.vector_load %arg13[%get3A_350, %get3A_351] {strides = array<i32>} : memref<16x1024xf32, #tpu.memory_space<vmem>>, vector<1x16xf32>,
        %get3A_353 = vector.shape_cast %get3A_352 : vector<1x16xf32> to vector<16xf32>
        %swap3A_354 = arith.index_cast %scan3A_332 : i32 to index
        %swap3A_355 = arith.constant 32 : index
        %swap3A_356 = tpu.vector_load %arg12[%swap3A_354, %swap3A_355] {strides = array<i32>} : memref<16x1024xf32, #tpu.memory_space<vmem>>, vector<1x16xf32>,
        %swap3A_357 = vector.shape_cast %swap3A_356 : vector<1x16xf32> to vector<16xf32>
        %swap3A_358 = vector.shape_cast %get3A_353 : vector<16xf32> to vector<1x16xf32>
        tpu.vector_store %arg12[%swap3A_354, %swap3A_355], %swap3A_358 {add = true, strides = array<i32>} : memref<16x1024xf32, #tpu.memory_space<vmem>>, vector<1x16xf32>,
        %get3A_359 = arith.index_cast %scan3A_332 : i32 to index
        %get3A_360 = arith.constant 48 : index
        %get3A_361 = tpu.vector_load %arg13[%get3A_359, %get3A_360] {strides = array<i32>} : memref<16x1024xf32, #tpu.memory_space<vmem>>, vector<1x16xf32>,
        %get3A_362 = vector.shape_cast %get3A_361 : vector<1x16xf32> to vector<16xf32>
        %swap3A_363 = arith.index_cast %scan3A_332 : i32 to index
        %swap3A_364 = arith.constant 48 : index
        %swap3A_365 = tpu.vector_load %arg12[%swap3A_363, %swap3A_364] {strides = array<i32>} : memref<16x1024xf32, #tpu.memory_space<vmem>>, vector<1x16xf32>,
        %swap3A_366 = vector.shape_cast %swap3A_365 : vector<1x16xf32> to vector<16xf32>
        %swap3A_367 = vector.shape_cast %get3A_362 : vector<16xf32> to vector<1x16xf32>
        tpu.vector_store %arg12[%swap3A_363, %swap3A_364], %swap3A_367 {add = true, strides = array<i32>} : memref<16x1024xf32, #tpu.memory_space<vmem>>, vector<1x16xf32>,
        %get3A_368 = arith.index_cast %scan3A_332 : i32 to index
        %get3A_369 = arith.constant 64 : index
        %get3A_370 = tpu.vector_load %arg13[%get3A_368, %get3A_369] {strides = array<i32>} : memref<16x1024xf32, #tpu.memory_space<vmem>>, vector<1x16xf32>,
        %get3A_371 = vector.shape_cast %get3A_370 : vector<1x16xf32> to vector<16xf32>
        %swap3A_372 = arith.index_cast %scan3A_332 : i32 to index
        %swap3A_373 = arith.constant 64 : index
        %swap3A_374 = tpu.vector_load %arg12[%swap3A_372, %swap3A_373] {strides = array<i32>} : memref<16x1024xf32, #tpu.memory_space<vmem>>, vector<1x16xf32>,
        %swap3A_375 = vector.shape_cast %swap3A_374 : vector<1x16xf32> to vector<16xf32>
        %swap3A_376 = vector.shape_cast %get3A_371 : vector<16xf32> to vector<1x16xf32>
        tpu.vector_store %arg12[%swap3A_372, %swap3A_373], %swap3A_376 {add = true, strides = array<i32>} : memref<16x1024xf32, #tpu.memory_space<vmem>>, vector<1x16xf32>,
        %get3A_377 = arith.index_cast %scan3A_332 : i32 to index
        %get3A_378 = arith.constant 80 : index
        %get3A_379 = tpu.vector_load %arg13[%get3A_377, %get3A_378] {strides = array<i32>} : memref<16x1024xf32, #tpu.memory_space<vmem>>, vector<1x16xf32>,
        %get3A_380 = vector.shape_cast %get3A_379 : vector<1x16xf32> to vector<16xf32>
        %swap3A_381 = arith.index_cast %scan3A_332 : i32 to index
        %swap3A_382 = arith.constant 80 : index
        %swap3A_383 = tpu.vector_load %arg12[%swap3A_381, %swap3A_382] {strides = array<i32>} : memref<16x1024xf32, #tpu.memory_space<vmem>>, vector<1x16xf32>,
        %swap3A_384 = vector.shape_cast %swap3A_383 : vector<1x16xf32> to vector<16xf32>
        %swap3A_385 = vector.shape_cast %get3A_380 : vector<16xf32> to vector<1x16xf32>
        tpu.vector_store %arg12[%swap3A_381, %swap3A_382], %swap3A_385 {add = true, strides = array<i32>} : memref<16x1024xf32, #tpu.memory_space<vmem>>, vector<1x16xf32>,
        %get3A_386 = arith.index_cast %scan3A_332 : i32 to index
        %get3A_387 = arith.constant 96 : index
        %get3A_388 = tpu.vector_load %arg13[%get3A_386, %get3A_387] {strides = array<i32>} : memref<16x1024xf32, #tpu.memory_space<vmem>>, vector<1x16xf32>,
        %get3A_389 = vector.shape_cast %get3A_388 : vector<1x16xf32> to vector<16xf32>
        %swap3A_390 = arith.index_cast %scan3A_332 : i32 to index
        %swap3A_391 = arith.constant 96 : index
        %swap3A_392 = tpu.vector_load %arg12[%swap3A_390, %swap3A_391] {strides = array<i32>} : memref<16x1024xf32, #tpu.memory_space<vmem>>, vector<1x16xf32>,
        %swap3A_393 = vector.shape_cast %swap3A_392 : vector<1x16xf32> to vector<16xf32>
        %swap3A_394 = vector.shape_cast %get3A_389 : vector<16xf32> to vector<1x16xf32>
        tpu.vector_store %arg12[%swap3A_390, %swap3A_391], %swap3A_394 {add = true, strides = array<i32>} : memref<16x1024xf32, #tpu.memory_space<vmem>>, vector<1x16xf32>,
        %get3A_395 = arith.index_cast %scan3A_332 : i32 to index
        %get3A_396 = arith.constant 112 : index
        %get3A_397 = tpu.vector_load %arg13[%get3A_395, %get3A_396] {strides = array<i32>} : memref<16x1024xf32, #tpu.memory_space<vmem>>, vector<1x16xf32>,
        %get3A_398 = vector.shape_cast %get3A_397 : vector<1x16xf32> to vector<16xf32>
        %swap3A_399 = arith.index_cast %scan3A_332 : i32 to index
        %swap3A_400 = arith.constant 112 : index
        %swap3A_401 = tpu.vector_load %arg12[%swap3A_399, %swap3A_400] {strides = array<i32>} : memref<16x1024xf32, #tpu.memory_space<vmem>>, vector<1x16xf32>,
        %swap3A_402 = vector.shape_cast %swap3A_401 : vector<1x16xf32> to vector<16xf32>
        %swap3A_403 = vector.shape_cast %get3A_398 : vector<16xf32> to vector<1x16xf32>
        tpu.vector_store %arg12[%swap3A_399, %swap3A_400], %swap3A_403 {add = true, strides = array<i32>} : memref<16x1024xf32, #tpu.memory_space<vmem>>, vector<1x16xf32>,
        %get3A_404 = arith.index_cast %scan3A_332 : i32 to index
        %get3A_405 = arith.constant 128 : index
        %get3A_406 = tpu.vector_load %arg13[%get3A_404, %get3A_405] {strides = array<i32>} : memref<16x1024xf32, #tpu.memory_space<vmem>>, vector<1x16xf32>,
        %get3A_407 = vector.shape_cast %get3A_406 : vector<1x16xf32> to vector<16xf32>
        %swap3A_408 = arith.index_cast %scan3A_332 : i32 to index
        %swap3A_409 = arith.constant 128 : index
        %swap3A_410 = tpu.vector_load %arg12[%swap3A_408, %swap3A_409] {strides = array<i32>} : memref<16x1024xf32, #tpu.memory_space<vmem>>, vector<1x16xf32>,
        %swap3A_411 = vector.shape_cast %swap3A_410 : vector<1x16xf32> to vector<16xf32>
        %swap3A_412 = vector.shape_cast %get3A_407 : vector<16xf32> to vector<1x16xf32>
        tpu.vector_store %arg12[%swap3A_408, %swap3A_409], %swap3A_412 {add = true, strides = array<i32>} : memref<16x1024xf32, #tpu.memory_space<vmem>>, vector<1x16xf32>,
        %get3A_413 = arith.index_cast %scan3A_332 : i32 to index
        %get3A_414 = arith.constant 144 : index
        %get3A_415 = tpu.vector_load %arg13[%get3A_413, %get3A_414] {strides = array<i32>} : memref<16x1024xf32, #tpu.memory_space<vmem>>, vector<1x16xf32>,
        %get3A_416 = vector.shape_cast %get3A_415 : vector<1x16xf32> to vector<16xf32>
        %swap3A_417 = arith.index_cast %scan3A_332 : i32 to index
        %swap3A_418 = arith.constant 144 : index
        %swap3A_419 = tpu.vector_load %arg12[%swap3A_417, %swap3A_418] {strides = array<i32>} : memref<16x1024xf32, #tpu.memory_space<vmem>>, vector<1x16xf32>,
        %swap3A_420 = vector.shape_cast %swap3A_419 : vector<1x16xf32> to vector<16xf32>
        %swap3A_421 = vector.shape_cast %get3A_416 : vector<16xf32> to vector<1x16xf32>
        tpu.vector_store %arg12[%swap3A_417, %swap3A_418], %swap3A_421 {add = true, strides = array<i32>} : memref<16x1024xf32, #tpu.memory_space<vmem>>, vector<1x16xf32>,
        %get3A_422 = arith.index_cast %scan3A_332 : i32 to index
        %get3A_423 = arith.constant 160 : index
        %get3A_424 = tpu.vector_load %arg13[%get3A_422, %get3A_423] {strides = array<i32>} : memref<16x1024xf32, #tpu.memory_space<vmem>>, vector<1x16xf32>,
        %get3A_425 = vector.shape_cast %get3A_424 : vector<1x16xf32> to vector<16xf32>
        %swap3A_426 = arith.index_cast %scan3A_332 : i32 to index
        %swap3A_427 = arith.constant 160 : index
        %swap3A_428 = tpu.vector_load %arg12[%swap3A_426, %swap3A_427] {strides = array<i32>} : memref<16x1024xf32, #tpu.memory_space<vmem>>, vector<1x16xf32>,
        %swap3A_429 = vector.shape_cast %swap3A_428 : vector<1x16xf32> to vector<16xf32>
        %swap3A_430 = vector.shape_cast %get3A_425 : vector<16xf32> to vector<1x16xf32>
        tpu.vector_store %arg12[%swap3A_426, %swap3A_427], %swap3A_430 {add = true, strides = array<i32>} : memref<16x1024xf32, #tpu.memory_space<vmem>>, vector<1x16xf32>,
        %get3A_431 = arith.index_cast %scan3A_332 : i32 to index
        %get3A_432 = arith.constant 176 : index
        %get3A_433 = tpu.vector_load %arg13[%get3A_431, %get3A_432] {strides = array<i32>} : memref<16x1024xf32, #tpu.memory_space<vmem>>, vector<1x16xf32>,
        %get3A_434 = vector.shape_cast %get3A_433 : vector<1x16xf32> to vector<16xf32>
        %swap3A_435 = arith.index_cast %scan3A_332 : i32 to index
        %swap3A_436 = arith.constant 176 : index
        %swap3A_437 = tpu.vector_load %arg12[%swap3A_435, %swap3A_436] {strides = array<i32>} : memref<16x1024xf32, #tpu.memory_space<vmem>>, vector<1x16xf32>,
        %swap3A_438 = vector.shape_cast %swap3A_437 : vector<1x16xf32> to vector<16xf32>
        %swap3A_439 = vector.shape_cast %get3A_434 : vector<16xf32> to vector<1x16xf32>
        tpu.vector_store %arg12[%swap3A_435, %swap3A_436], %swap3A_439 {add = true, strides = array<i32>} : memref<16x1024xf32, #tpu.memory_space<vmem>>, vector<1x16xf32>,
        %get3A_440 = arith.index_cast %scan3A_332 : i32 to index
        %get3A_441 = arith.constant 192 : index
        %get3A_442 = tpu.vector_load %arg13[%get3A_440, %get3A_441] {strides = array<i32>} : memref<16x1024xf32, #tpu.memory_space<vmem>>, vector<1x16xf32>,
        %get3A_443 = vector.shape_cast %get3A_442 : vector<1x16xf32> to vector<16xf32>
        %swap3A_444 = arith.index_cast %scan3A_332 : i32 to index
        %swap3A_445 = arith.constant 192 : index
        %swap3A_446 = tpu.vector_load %arg12[%swap3A_444, %swap3A_445] {strides = array<i32>} : memref<16x1024xf32, #tpu.memory_space<vmem>>, vector<1x16xf32>,
        %swap3A_447 = vector.shape_cast %swap3A_446 : vector<1x16xf32> to vector<16xf32>
        %swap3A_448 = vector.shape_cast %get3A_443 : vector<16xf32> to vector<1x16xf32>
        tpu.vector_store %arg12[%swap3A_444, %swap3A_445], %swap3A_448 {add = true, strides = array<i32>} : memref<16x1024xf32, #tpu.memory_space<vmem>>, vector<1x16xf32>,
        %get3A_449 = arith.index_cast %scan3A_332 : i32 to index
        %get3A_450 = arith.constant 208 : index
        %get3A_451 = tpu.vector_load %arg13[%get3A_449, %get3A_450] {strides = array<i32>} : memref<16x1024xf32, #tpu.memory_space<vmem>>, vector<1x16xf32>,
        %get3A_452 = vector.shape_cast %get3A_451 : vector<1x16xf32> to vector<16xf32>
        %swap3A_453 = arith.index_cast %scan3A_332 : i32 to index
        %swap3A_454 = arith.constant 208 : index
        %swap3A_455 = tpu.vector_load %arg12[%swap3A_453, %swap3A_454] {strides = array<i32>} : memref<16x1024xf32, #tpu.memory_space<vmem>>, vector<1x16xf32>,
        %swap3A_456 = vector.shape_cast %swap3A_455 : vector<1x16xf32> to vector<16xf32>
        %swap3A_457 = vector.shape_cast %get3A_452 : vector<16xf32> to vector<1x16xf32>
        tpu.vector_store %arg12[%swap3A_453, %swap3A_454], %swap3A_457 {add = true, strides = array<i32>} : memref<16x1024xf32, #tpu.memory_space<vmem>>, vector<1x16xf32>,
        %get3A_458 = arith.index_cast %scan3A_332 : i32 to index
        %get3A_459 = arith.constant 224 : index
        %get3A_460 = tpu.vector_load %arg13[%get3A_458, %get3A_459] {strides = array<i32>} : memref<16x1024xf32, #tpu.memory_space<vmem>>, vector<1x16xf32>,
        %get3A_461 = vector.shape_cast %get3A_460 : vector<1x16xf32> to vector<16xf32>
        %swap3A_462 = arith.index_cast %scan3A_332 : i32 to index
        %swap3A_463 = arith.constant 224 : index
        %swap3A_464 = tpu.vector_load %arg12[%swap3A_462, %swap3A_463] {strides = array<i32>} : memref<16x1024xf32, #tpu.memory_space<vmem>>, vector<1x16xf32>,
        %swap3A_465 = vector.shape_cast %swap3A_464 : vector<1x16xf32> to vector<16xf32>
        %swap3A_466 = vector.shape_cast %get3A_461 : vector<16xf32> to vector<1x16xf32>
        tpu.vector_store %arg12[%swap3A_462, %swap3A_463], %swap3A_466 {add = true, strides = array<i32>} : memref<16x1024xf32, #tpu.memory_space<vmem>>, vector<1x16xf32>,
        %get3A_467 = arith.index_cast %scan3A_332 : i32 to index
        %get3A_468 = arith.constant 240 : index
        %get3A_469 = tpu.vector_load %arg13[%get3A_467, %get3A_468] {strides = array<i32>} : memref<16x1024xf32, #tpu.memory_space<vmem>>, vector<1x16xf32>,
        %get3A_470 = vector.shape_cast %get3A_469 : vector<1x16xf32> to vector<16xf32>
        %swap3A_471 = arith.index_cast %scan3A_332 : i32 to index
        %swap3A_472 = arith.constant 240 : index
        %swap3A_473 = tpu.vector_load %arg12[%swap3A_471, %swap3A_472] {strides = array<i32>} : memref<16x1024xf32, #tpu.memory_space<vmem>>, vector<1x16xf32>,
        %swap3A_474 = vector.shape_cast %swap3A_473 : vector<1x16xf32> to vector<16xf32>
        %swap3A_475 = vector.shape_cast %get3A_470 : vector<16xf32> to vector<1x16xf32>
        tpu.vector_store %arg12[%swap3A_471, %swap3A_472], %swap3A_475 {add = true, strides = array<i32>} : memref<16x1024xf32, #tpu.memory_space<vmem>>, vector<1x16xf32>,
        %get3A_476 = arith.index_cast %scan3A_332 : i32 to index
        %get3A_477 = arith.constant 256 : index
        %get3A_478 = tpu.vector_load %arg13[%get3A_476, %get3A_477] {strides = array<i32>} : memref<16x1024xf32, #tpu.memory_space<vmem>>, vector<1x16xf32>,
        %get3A_479 = vector.shape_cast %get3A_478 : vector<1x16xf32> to vector<16xf32>
        %swap3A_480 = arith.index_cast %scan3A_332 : i32 to index
        %swap3A_481 = arith.constant 256 : index
        %swap3A_482 = tpu.vector_load %arg12[%swap3A_480, %swap3A_481] {strides = array<i32>} : memref<16x1024xf32, #tpu.memory_space<vmem>>, vector<1x16xf32>,
        %swap3A_483 = vector.shape_cast %swap3A_482 : vector<1x16xf32> to vector<16xf32>
        %swap3A_484 = vector.shape_cast %get3A_479 : vector<16xf32> to vector<1x16xf32>
        tpu.vector_store %arg12[%swap3A_480, %swap3A_481], %swap3A_484 {add = true, strides = array<i32>} : memref<16x1024xf32, #tpu.memory_space<vmem>>, vector<1x16xf32>,
        %get3A_485 = arith.index_cast %scan3A_332 : i32 to index
        %get3A_486 = arith.constant 272 : index
        %get3A_487 = tpu.vector_load %arg13[%get3A_485, %get3A_486] {strides = array<i32>} : memref<16x1024xf32, #tpu.memory_space<vmem>>, vector<1x16xf32>,
        %get3A_488 = vector.shape_cast %get3A_487 : vector<1x16xf32> to vector<16xf32>
        %swap3A_489 = arith.index_cast %scan3A_332 : i32 to index
        %swap3A_490 = arith.constant 272 : index
        %swap3A_491 = tpu.vector_load %arg12[%swap3A_489, %swap3A_490] {strides = array<i32>} : memref<16x1024xf32, #tpu.memory_space<vmem>>, vector<1x16xf32>,
        %swap3A_492 = vector.shape_cast %swap3A_491 : vector<1x16xf32> to vector<16xf32>
        %swap3A_493 = vector.shape_cast %get3A_488 : vector<16xf32> to vector<1x16xf32>
        tpu.vector_store %arg12[%swap3A_489, %swap3A_490], %swap3A_493 {add = true, strides = array<i32>} : memref<16x1024xf32, #tpu.memory_space<vmem>>, vector<1x16xf32>,
        %get3A_494 = arith.index_cast %scan3A_332 : i32 to index
        %get3A_495 = arith.constant 288 : index
        %get3A_496 = tpu.vector_load %arg13[%get3A_494, %get3A_495] {strides = array<i32>} : memref<16x1024xf32, #tpu.memory_space<vmem>>, vector<1x16xf32>,
        %get3A_497 = vector.shape_cast %get3A_496 : vector<1x16xf32> to vector<16xf32>
        %swap3A_498 = arith.index_cast %scan3A_332 : i32 to index
        %swap3A_499 = arith.constant 288 : index
        %swap3A_500 = tpu.vector_load %arg12[%swap3A_498, %swap3A_499] {strides = array<i32>} : memref<16x1024xf32, #tpu.memory_space<vmem>>, vector<1x16xf32>,
        %swap3A_501 = vector.shape_cast %swap3A_500 : vector<1x16xf32> to vector<16xf32>
        %swap3A_502 = vector.shape_cast %get3A_497 : vector<16xf32> to vector<1x16xf32>
        tpu.vector_store %arg12[%swap3A_498, %swap3A_499], %swap3A_502 {add = true, strides = array<i32>} : memref<16x1024xf32, #tpu.memory_space<vmem>>, vector<1x16xf32>,
        %get3A_503 = arith.index_cast %scan3A_332 : i32 to index
        %get3A_504 = arith.constant 304 : index
        %get3A_505 = tpu.vector_load %arg13[%get3A_503, %get3A_504] {strides = array<i32>} : memref<16x1024xf32, #tpu.memory_space<vmem>>, vector<1x16xf32>,
        %get3A_506 = vector.shape_cast %get3A_505 : vector<1x16xf32> to vector<16xf32>
        %swap3A_507 = arith.index_cast %scan3A_332 : i32 to index
        %swap3A_508 = arith.constant 304 : index
        %swap3A_509 = tpu.vector_load %arg12[%swap3A_507, %swap3A_508] {strides = array<i32>} : memref<16x1024xf32, #tpu.memory_space<vmem>>, vector<1x16xf32>,
        %swap3A_510 = vector.shape_cast %swap3A_509 : vector<1x16xf32> to vector<16xf32>
        %swap3A_511 = vector.shape_cast %get3A_506 : vector<16xf32> to vector<1x16xf32>
        tpu.vector_store %arg12[%swap3A_507, %swap3A_508], %swap3A_511 {add = true, strides = array<i32>} : memref<16x1024xf32, #tpu.memory_space<vmem>>, vector<1x16xf32>,
        %get3A_512 = arith.index_cast %scan3A_332 : i32 to index
        %get3A_513 = arith.constant 320 : index
        %get3A_514 = tpu.vector_load %arg13[%get3A_512, %get3A_513] {strides = array<i32>} : memref<16x1024xf32, #tpu.memory_space<vmem>>, vector<1x16xf32>,
        %get3A_515 = vector.shape_cast %get3A_514 : vector<1x16xf32> to vector<16xf32>
        %swap3A_516 = arith.index_cast %scan3A_332 : i32 to index
        %swap3A_517 = arith.constant 320 : index
        %swap3A_518 = tpu.vector_load %arg12[%swap3A_516, %swap3A_517] {strides = array<i32>} : memref<16x1024xf32, #tpu.memory_space<vmem>>, vector<1x16xf32>,
        %swap3A_519 = vector.shape_cast %swap3A_518 : vector<1x16xf32> to vector<16xf32>
        %swap3A_520 = vector.shape_cast %get3A_515 : vector<16xf32> to vector<1x16xf32>
        tpu.vector_store %arg12[%swap3A_516, %swap3A_517], %swap3A_520 {add = true, strides = array<i32>} : memref<16x1024xf32, #tpu.memory_space<vmem>>, vector<1x16xf32>,
        %get3A_521 = arith.index_cast %scan3A_332 : i32 to index
        %get3A_522 = arith.constant 336 : index
        %get3A_523 = tpu.vector_load %arg13[%get3A_521, %get3A_522] {strides = array<i32>} : memref<16x1024xf32, #tpu.memory_space<vmem>>, vector<1x16xf32>,
        %get3A_524 = vector.shape_cast %get3A_523 : vector<1x16xf32> to vector<16xf32>
        %swap3A_525 = arith.index_cast %scan3A_332 : i32 to index
        %swap3A_526 = arith.constant 336 : index
        %swap3A_527 = tpu.vector_load %arg12[%swap3A_525, %swap3A_526] {strides = array<i32>} : memref<16x1024xf32, #tpu.memory_space<vmem>>, vector<1x16xf32>,
        %swap3A_528 = vector.shape_cast %swap3A_527 : vector<1x16xf32> to vector<16xf32>
        %swap3A_529 = vector.shape_cast %get3A_524 : vector<16xf32> to vector<1x16xf32>
        tpu.vector_store %arg12[%swap3A_525, %swap3A_526], %swap3A_529 {add = true, strides = array<i32>} : memref<16x1024xf32, #tpu.memory_space<vmem>>, vector<1x16xf32>,
        %get3A_530 = arith.index_cast %scan3A_332 : i32 to index
        %get3A_531 = arith.constant 352 : index
        %get3A_532 = tpu.vector_load %arg13[%get3A_530, %get3A_531] {strides = array<i32>} : memref<16x1024xf32, #tpu.memory_space<vmem>>, vector<1x16xf32>,
        %get3A_533 = vector.shape_cast %get3A_532 : vector<1x16xf32> to vector<16xf32>
        %swap3A_534 = arith.index_cast %scan3A_332 : i32 to index
        %swap3A_535 = arith.constant 352 : index
        %swap3A_536 = tpu.vector_load %arg12[%swap3A_534, %swap3A_535] {strides = array<i32>} : memref<16x1024xf32, #tpu.memory_space<vmem>>, vector<1x16xf32>,
        %swap3A_537 = vector.shape_cast %swap3A_536 : vector<1x16xf32> to vector<16xf32>
        %swap3A_538 = vector.shape_cast %get3A_533 : vector<16xf32> to vector<1x16xf32>
        tpu.vector_store %arg12[%swap3A_534, %swap3A_535], %swap3A_538 {add = true, strides = array<i32>} : memref<16x1024xf32, #tpu.memory_space<vmem>>, vector<1x16xf32>,
        %get3A_539 = arith.index_cast %scan3A_332 : i32 to index
        %get3A_540 = arith.constant 368 : index
        %get3A_541 = tpu.vector_load %arg13[%get3A_539, %get3A_540] {strides = array<i32>} : memref<16x1024xf32, #tpu.memory_space<vmem>>, vector<1x16xf32>,
        %get3A_542 = vector.shape_cast %get3A_541 : vector<1x16xf32> to vector<16xf32>
        %swap3A_543 = arith.index_cast %scan3A_332 : i32 to index
        %swap3A_544 = arith.constant 368 : index
        %swap3A_545 = tpu.vector_load %arg12[%swap3A_543, %swap3A_544] {strides = array<i32>} : memref<16x1024xf32, #tpu.memory_space<vmem>>, vector<1x16xf32>,
        %swap3A_546 = vector.shape_cast %swap3A_545 : vector<1x16xf32> to vector<16xf32>
        %swap3A_547 = vector.shape_cast %get3A_542 : vector<16xf32> to vector<1x16xf32>
        tpu.vector_store %arg12[%swap3A_543, %swap3A_544], %swap3A_547 {add = true, strides = array<i32>} : memref<16x1024xf32, #tpu.memory_space<vmem>>, vector<1x16xf32>,
        %get3A_548 = arith.index_cast %scan3A_332 : i32 to index
        %get3A_549 = arith.constant 384 : index
        %get3A_550 = tpu.vector_load %arg13[%get3A_548, %get3A_549] {strides = array<i32>} : memref<16x1024xf32, #tpu.memory_space<vmem>>, vector<1x16xf32>,
        %get3A_551 = vector.shape_cast %get3A_550 : vector<1x16xf32> to vector<16xf32>
        %swap3A_552 = arith.index_cast %scan3A_332 : i32 to index
        %swap3A_553 = arith.constant 384 : index
        %swap3A_554 = tpu.vector_load %arg12[%swap3A_552, %swap3A_553] {strides = array<i32>} : memref<16x1024xf32, #tpu.memory_space<vmem>>, vector<1x16xf32>,
        %swap3A_555 = vector.shape_cast %swap3A_554 : vector<1x16xf32> to vector<16xf32>
        %swap3A_556 = vector.shape_cast %get3A_551 : vector<16xf32> to vector<1x16xf32>
        tpu.vector_store %arg12[%swap3A_552, %swap3A_553], %swap3A_556 {add = true, strides = array<i32>} : memref<16x1024xf32, #tpu.memory_space<vmem>>, vector<1x16xf32>,
        %get3A_557 = arith.index_cast %scan3A_332 : i32 to index
        %get3A_558 = arith.constant 400 : index
        %get3A_559 = tpu.vector_load %arg13[%get3A_557, %get3A_558] {strides = array<i32>} : memref<16x1024xf32, #tpu.memory_space<vmem>>, vector<1x16xf32>,
        %get3A_560 = vector.shape_cast %get3A_559 : vector<1x16xf32> to vector<16xf32>
        %swap3A_561 = arith.index_cast %scan3A_332 : i32 to index
        %swap3A_562 = arith.constant 400 : index
        %swap3A_563 = tpu.vector_load %arg12[%swap3A_561, %swap3A_562] {strides = array<i32>} : memref<16x1024xf32, #tpu.memory_space<vmem>>, vector<1x16xf32>,
        %swap3A_564 = vector.shape_cast %swap3A_563 : vector<1x16xf32> to vector<16xf32>
        %swap3A_565 = vector.shape_cast %get3A_560 : vector<16xf32> to vector<1x16xf32>
        tpu.vector_store %arg12[%swap3A_561, %swap3A_562], %swap3A_565 {add = true, strides = array<i32>} : memref<16x1024xf32, #tpu.memory_space<vmem>>, vector<1x16xf32>,
        %get3A_566 = arith.index_cast %scan3A_332 : i32 to index
        %get3A_567 = arith.constant 416 : index
        %get3A_568 = tpu.vector_load %arg13[%get3A_566, %get3A_567] {strides = array<i32>} : memref<16x1024xf32, #tpu.memory_space<vmem>>, vector<1x16xf32>,
        %get3A_569 = vector.shape_cast %get3A_568 : vector<1x16xf32> to vector<16xf32>
        %swap3A_570 = arith.index_cast %scan3A_332 : i32 to index
        %swap3A_571 = arith.constant 416 : index
        %swap3A_572 = tpu.vector_load %arg12[%swap3A_570, %swap3A_571] {strides = array<i32>} : memref<16x1024xf32, #tpu.memory_space<vmem>>, vector<1x16xf32>,
        %swap3A_573 = vector.shape_cast %swap3A_572 : vector<1x16xf32> to vector<16xf32>
        %swap3A_574 = vector.shape_cast %get3A_569 : vector<16xf32> to vector<1x16xf32>
        tpu.vector_store %arg12[%swap3A_570, %swap3A_571], %swap3A_574 {add = true, strides = array<i32>} : memref<16x1024xf32, #tpu.memory_space<vmem>>, vector<1x16xf32>,
        %get3A_575 = arith.index_cast %scan3A_332 : i32 to index
        %get3A_576 = arith.constant 432 : index
        %get3A_577 = tpu.vector_load %arg13[%get3A_575, %get3A_576] {strides = array<i32>} : memref<16x1024xf32, #tpu.memory_space<vmem>>, vector<1x16xf32>,
        %get3A_578 = vector.shape_cast %get3A_577 : vector<1x16xf32> to vector<16xf32>
        %swap3A_579 = arith.index_cast %scan3A_332 : i32 to index
        %swap3A_580 = arith.constant 432 : index
        %swap3A_581 = tpu.vector_load %arg12[%swap3A_579, %swap3A_580] {strides = array<i32>} : memref<16x1024xf32, #tpu.memory_space<vmem>>, vector<1x16xf32>,
        %swap3A_582 = vector.shape_cast %swap3A_581 : vector<1x16xf32> to vector<16xf32>
        %swap3A_583 = vector.shape_cast %get3A_578 : vector<16xf32> to vector<1x16xf32>
        tpu.vector_store %arg12[%swap3A_579, %swap3A_580], %swap3A_583 {add = true, strides = array<i32>} : memref<16x1024xf32, #tpu.memory_space<vmem>>, vector<1x16xf32>,
        %get3A_584 = arith.index_cast %scan3A_332 : i32 to index
        %get3A_585 = arith.constant 448 : index
        %get3A_586 = tpu.vector_load %arg13[%get3A_584, %get3A_585] {strides = array<i32>} : memref<16x1024xf32, #tpu.memory_space<vmem>>, vector<1x16xf32>,
        %get3A_587 = vector.shape_cast %get3A_586 : vector<1x16xf32> to vector<16xf32>
        %swap3A_588 = arith.index_cast %scan3A_332 : i32 to index
        %swap3A_589 = arith.constant 448 : index
        %swap3A_590 = tpu.vector_load %arg12[%swap3A_588, %swap3A_589] {strides = array<i32>} : memref<16x1024xf32, #tpu.memory_space<vmem>>, vector<1x16xf32>,
        %swap3A_591 = vector.shape_cast %swap3A_590 : vector<1x16xf32> to vector<16xf32>
        %swap3A_592 = vector.shape_cast %get3A_587 : vector<16xf32> to vector<1x16xf32>
        tpu.vector_store %arg12[%swap3A_588, %swap3A_589], %swap3A_592 {add = true, strides = array<i32>} : memref<16x1024xf32, #tpu.memory_space<vmem>>, vector<1x16xf32>,
        %get3A_593 = arith.index_cast %scan3A_332 : i32 to index
        %get3A_594 = arith.constant 464 : index
        %get3A_595 = tpu.vector_load %arg13[%get3A_593, %get3A_594] {strides = array<i32>} : memref<16x1024xf32, #tpu.memory_space<vmem>>, vector<1x16xf32>,
        %get3A_596 = vector.shape_cast %get3A_595 : vector<1x16xf32> to vector<16xf32>
        %swap3A_597 = arith.index_cast %scan3A_332 : i32 to index
        %swap3A_598 = arith.constant 464 : index
        %swap3A_599 = tpu.vector_load %arg12[%swap3A_597, %swap3A_598] {strides = array<i32>} : memref<16x1024xf32, #tpu.memory_space<vmem>>, vector<1x16xf32>,
        %swap3A_600 = vector.shape_cast %swap3A_599 : vector<1x16xf32> to vector<16xf32>
        %swap3A_601 = vector.shape_cast %get3A_596 : vector<16xf32> to vector<1x16xf32>
        tpu.vector_store %arg12[%swap3A_597, %swap3A_598], %swap3A_601 {add = true, strides = array<i32>} : memref<16x1024xf32, #tpu.memory_space<vmem>>, vector<1x16xf32>,
        %get3A_602 = arith.index_cast %scan3A_332 : i32 to index
        %get3A_603 = arith.constant 480 : index
        %get3A_604 = tpu.vector_load %arg13[%get3A_602, %get3A_603] {strides = array<i32>} : memref<16x1024xf32, #tpu.memory_space<vmem>>, vector<1x16xf32>,
        %get3A_605 = vector.shape_cast %get3A_604 : vector<1x16xf32> to vector<16xf32>
        %swap3A_606 = arith.index_cast %scan3A_332 : i32 to index
        %swap3A_607 = arith.constant 480 : index
        %swap3A_608 = tpu.vector_load %arg12[%swap3A_606, %swap3A_607] {strides = array<i32>} : memref<16x1024xf32, #tpu.memory_space<vmem>>, vector<1x16xf32>,
        %swap3A_609 = vector.shape_cast %swap3A_608 : vector<1x16xf32> to vector<16xf32>
        %swap3A_610 = vector.shape_cast %get3A_605 : vector<16xf32> to vector<1x16xf32>
        tpu.vector_store %arg12[%swap3A_606, %swap3A_607], %swap3A_610 {add = true, strides = array<i32>} : memref<16x1024xf32, #tpu.memory_space<vmem>>, vector<1x16xf32>,
        %get3A_611 = arith.index_cast %scan3A_332 : i32 to index
        %get3A_612 = arith.constant 496 : index
        %get3A_613 = tpu.vector_load %arg13[%get3A_611, %get3A_612] {strides = array<i32>} : memref<16x1024xf32, #tpu.memory_space<vmem>>, vector<1x16xf32>,
        %get3A_614 = vector.shape_cast %get3A_613 : vector<1x16xf32> to vector<16xf32>
        %swap3A_615 = arith.index_cast %scan3A_332 : i32 to index
        %swap3A_616 = arith.constant 496 : index
        %swap3A_617 = tpu.vector_load %arg12[%swap3A_615, %swap3A_616] {strides = array<i32>} : memref<16x1024xf32, #tpu.memory_space<vmem>>, vector<1x16xf32>,
        %swap3A_618 = vector.shape_cast %swap3A_617 : vector<1x16xf32> to vector<16xf32>
        %swap3A_619 = vector.shape_cast %get3A_614 : vector<16xf32> to vector<1x16xf32>
        tpu.vector_store %arg12[%swap3A_615, %swap3A_616], %swap3A_619 {add = true, strides = array<i32>} : memref<16x1024xf32, #tpu.memory_space<vmem>>, vector<1x16xf32>,
        %get3A_620 = arith.index_cast %scan3A_332 : i32 to index
        %get3A_621 = arith.constant 512 : index
        %get3A_622 = tpu.vector_load %arg13[%get3A_620, %get3A_621] {strides = array<i32>} : memref<16x1024xf32, #tpu.memory_space<vmem>>, vector<1x16xf32>,
        %get3A_623 = vector.shape_cast %get3A_622 : vector<1x16xf32> to vector<16xf32>
        %swap3A_624 = arith.index_cast %scan3A_332 : i32 to index
        %swap3A_625 = arith.constant 512 : index
        %swap3A_626 = tpu.vector_load %arg12[%swap3A_624, %swap3A_625] {strides = array<i32>} : memref<16x1024xf32, #tpu.memory_space<vmem>>, vector<1x16xf32>,
        %swap3A_627 = vector.shape_cast %swap3A_626 : vector<1x16xf32> to vector<16xf32>
        %swap3A_628 = vector.shape_cast %get3A_623 : vector<16xf32> to vector<1x16xf32>
        tpu.vector_store %arg12[%swap3A_624, %swap3A_625], %swap3A_628 {add = true, strides = array<i32>} : memref<16x1024xf32, #tpu.memory_space<vmem>>, vector<1x16xf32>,
        %get3A_629 = arith.index_cast %scan3A_332 : i32 to index
        %get3A_630 = arith.constant 528 : index
        %get3A_631 = tpu.vector_load %arg13[%get3A_629, %get3A_630] {strides = array<i32>} : memref<16x1024xf32, #tpu.memory_space<vmem>>, vector<1x16xf32>,
        %get3A_632 = vector.shape_cast %get3A_631 : vector<1x16xf32> to vector<16xf32>
        %swap3A_633 = arith.index_cast %scan3A_332 : i32 to index
        %swap3A_634 = arith.constant 528 : index
        %swap3A_635 = tpu.vector_load %arg12[%swap3A_633, %swap3A_634] {strides = array<i32>} : memref<16x1024xf32, #tpu.memory_space<vmem>>, vector<1x16xf32>,
        %swap3A_636 = vector.shape_cast %swap3A_635 : vector<1x16xf32> to vector<16xf32>
        %swap3A_637 = vector.shape_cast %get3A_632 : vector<16xf32> to vector<1x16xf32>
        tpu.vector_store %arg12[%swap3A_633, %swap3A_634], %swap3A_637 {add = true, strides = array<i32>} : memref<16x1024xf32, #tpu.memory_space<vmem>>, vector<1x16xf32>,
        %get3A_638 = arith.index_cast %scan3A_332 : i32 to index
        %get3A_639 = arith.constant 544 : index
        %get3A_640 = tpu.vector_load %arg13[%get3A_638, %get3A_639] {strides = array<i32>} : memref<16x1024xf32, #tpu.memory_space<vmem>>, vector<1x16xf32>,
        %get3A_641 = vector.shape_cast %get3A_640 : vector<1x16xf32> to vector<16xf32>
        %swap3A_642 = arith.index_cast %scan3A_332 : i32 to index
        %swap3A_643 = arith.constant 544 : index
        %swap3A_644 = tpu.vector_load %arg12[%swap3A_642, %swap3A_643] {strides = array<i32>} : memref<16x1024xf32, #tpu.memory_space<vmem>>, vector<1x16xf32>,
        %swap3A_645 = vector.shape_cast %swap3A_644 : vector<1x16xf32> to vector<16xf32>
        %swap3A_646 = vector.shape_cast %get3A_641 : vector<16xf32> to vector<1x16xf32>
        tpu.vector_store %arg12[%swap3A_642, %swap3A_643], %swap3A_646 {add = true, strides = array<i32>} : memref<16x1024xf32, #tpu.memory_space<vmem>>, vector<1x16xf32>,
        %get3A_647 = arith.index_cast %scan3A_332 : i32 to index
        %get3A_648 = arith.constant 560 : index
        %get3A_649 = tpu.vector_load %arg13[%get3A_647, %get3A_648] {strides = array<i32>} : memref<16x1024xf32, #tpu.memory_space<vmem>>, vector<1x16xf32>,
        %get3A_650 = vector.shape_cast %get3A_649 : vector<1x16xf32> to vector<16xf32>
        %swap3A_651 = arith.index_cast %scan3A_332 : i32 to index
        %swap3A_652 = arith.constant 560 : index
        %swap3A_653 = tpu.vector_load %arg12[%swap3A_651, %swap3A_652] {strides = array<i32>} : memref<16x1024xf32, #tpu.memory_space<vmem>>, vector<1x16xf32>,
        %swap3A_654 = vector.shape_cast %swap3A_653 : vector<1x16xf32> to vector<16xf32>
        %swap3A_655 = vector.shape_cast %get3A_650 : vector<16xf32> to vector<1x16xf32>
        tpu.vector_store %arg12[%swap3A_651, %swap3A_652], %swap3A_655 {add = true, strides = array<i32>} : memref<16x1024xf32, #tpu.memory_space<vmem>>, vector<1x16xf32>,
        %get3A_656 = arith.index_cast %scan3A_332 : i32 to index
        %get3A_657 = arith.constant 576 : index
        %get3A_658 = tpu.vector_load %arg13[%get3A_656, %get3A_657] {strides = array<i32>} : memref<16x1024xf32, #tpu.memory_space<vmem>>, vector<1x16xf32>,
        %get3A_659 = vector.shape_cast %get3A_658 : vector<1x16xf32> to vector<16xf32>
        %swap3A_660 = arith.index_cast %scan3A_332 : i32 to index
        %swap3A_661 = arith.constant 576 : index
        %swap3A_662 = tpu.vector_load %arg12[%swap3A_660, %swap3A_661] {strides = array<i32>} : memref<16x1024xf32, #tpu.memory_space<vmem>>, vector<1x16xf32>,
        %swap3A_663 = vector.shape_cast %swap3A_662 : vector<1x16xf32> to vector<16xf32>
        %swap3A_664 = vector.shape_cast %get3A_659 : vector<16xf32> to vector<1x16xf32>
        tpu.vector_store %arg12[%swap3A_660, %swap3A_661], %swap3A_664 {add = true, strides = array<i32>} : memref<16x1024xf32, #tpu.memory_space<vmem>>, vector<1x16xf32>,
        %get3A_665 = arith.index_cast %scan3A_332 : i32 to index
        %get3A_666 = arith.constant 592 : index
        %get3A_667 = tpu.vector_load %arg13[%get3A_665, %get3A_666] {strides = array<i32>} : memref<16x1024xf32, #tpu.memory_space<vmem>>, vector<1x16xf32>,
        %get3A_668 = vector.shape_cast %get3A_667 : vector<1x16xf32> to vector<16xf32>
        %swap3A_669 = arith.index_cast %scan3A_332 : i32 to index
        %swap3A_670 = arith.constant 592 : index
        %swap3A_671 = tpu.vector_load %arg12[%swap3A_669, %swap3A_670] {strides = array<i32>} : memref<16x1024xf32, #tpu.memory_space<vmem>>, vector<1x16xf32>,
        %swap3A_672 = vector.shape_cast %swap3A_671 : vector<1x16xf32> to vector<16xf32>
        %swap3A_673 = vector.shape_cast %get3A_668 : vector<16xf32> to vector<1x16xf32>
        tpu.vector_store %arg12[%swap3A_669, %swap3A_670], %swap3A_673 {add = true, strides = array<i32>} : memref<16x1024xf32, #tpu.memory_space<vmem>>, vector<1x16xf32>,
        %get3A_674 = arith.index_cast %scan3A_332 : i32 to index
        %get3A_675 = arith.constant 608 : index
        %get3A_676 = tpu.vector_load %arg13[%get3A_674, %get3A_675] {strides = array<i32>} : memref<16x1024xf32, #tpu.memory_space<vmem>>, vector<1x16xf32>,
        %get3A_677 = vector.shape_cast %get3A_676 : vector<1x16xf32> to vector<16xf32>
        %swap3A_678 = arith.index_cast %scan3A_332 : i32 to index
        %swap3A_679 = arith.constant 608 : index
        %swap3A_680 = tpu.vector_load %arg12[%swap3A_678, %swap3A_679] {strides = array<i32>} : memref<16x1024xf32, #tpu.memory_space<vmem>>, vector<1x16xf32>,
        %swap3A_681 = vector.shape_cast %swap3A_680 : vector<1x16xf32> to vector<16xf32>
        %swap3A_682 = vector.shape_cast %get3A_677 : vector<16xf32> to vector<1x16xf32>
        tpu.vector_store %arg12[%swap3A_678, %swap3A_679], %swap3A_682 {add = true, strides = array<i32>} : memref<16x1024xf32, #tpu.memory_space<vmem>>, vector<1x16xf32>,
        %get3A_683 = arith.index_cast %scan3A_332 : i32 to index
        %get3A_684 = arith.constant 624 : index
        %get3A_685 = tpu.vector_load %arg13[%get3A_683, %get3A_684] {strides = array<i32>} : memref<16x1024xf32, #tpu.memory_space<vmem>>, vector<1x16xf32>,
        %get3A_686 = vector.shape_cast %get3A_685 : vector<1x16xf32> to vector<16xf32>
        %swap3A_687 = arith.index_cast %scan3A_332 : i32 to index
        %swap3A_688 = arith.constant 624 : index
        %swap3A_689 = tpu.vector_load %arg12[%swap3A_687, %swap3A_688] {strides = array<i32>} : memref<16x1024xf32, #tpu.memory_space<vmem>>, vector<1x16xf32>,
        %swap3A_690 = vector.shape_cast %swap3A_689 : vector<1x16xf32> to vector<16xf32>
        %swap3A_691 = vector.shape_cast %get3A_686 : vector<16xf32> to vector<1x16xf32>
        tpu.vector_store %arg12[%swap3A_687, %swap3A_688], %swap3A_691 {add = true, strides = array<i32>} : memref<16x1024xf32, #tpu.memory_space<vmem>>, vector<1x16xf32>,
        %get3A_692 = arith.index_cast %scan3A_332 : i32 to index
        %get3A_693 = arith.constant 640 : index
        %get3A_694 = tpu.vector_load %arg13[%get3A_692, %get3A_693] {strides = array<i32>} : memref<16x1024xf32, #tpu.memory_space<vmem>>, vector<1x16xf32>,
        %get3A_695 = vector.shape_cast %get3A_694 : vector<1x16xf32> to vector<16xf32>
        %swap3A_696 = arith.index_cast %scan3A_332 : i32 to index
        %swap3A_697 = arith.constant 640 : index
        %swap3A_698 = tpu.vector_load %arg12[%swap3A_696, %swap3A_697] {strides = array<i32>} : memref<16x1024xf32, #tpu.memory_space<vmem>>, vector<1x16xf32>,
        %swap3A_699 = vector.shape_cast %swap3A_698 : vector<1x16xf32> to vector<16xf32>
        %swap3A_700 = vector.shape_cast %get3A_695 : vector<16xf32> to vector<1x16xf32>
        tpu.vector_store %arg12[%swap3A_696, %swap3A_697], %swap3A_700 {add = true, strides = array<i32>} : memref<16x1024xf32, #tpu.memory_space<vmem>>, vector<1x16xf32>,
        %get3A_701 = arith.index_cast %scan3A_332 : i32 to index
        %get3A_702 = arith.constant 656 : index
        %get3A_703 = tpu.vector_load %arg13[%get3A_701, %get3A_702] {strides = array<i32>} : memref<16x1024xf32, #tpu.memory_space<vmem>>, vector<1x16xf32>,
        %get3A_704 = vector.shape_cast %get3A_703 : vector<1x16xf32> to vector<16xf32>
        %swap3A_705 = arith.index_cast %scan3A_332 : i32 to index
        %swap3A_706 = arith.constant 656 : index
        %swap3A_707 = tpu.vector_load %arg12[%swap3A_705, %swap3A_706] {strides = array<i32>} : memref<16x1024xf32, #tpu.memory_space<vmem>>, vector<1x16xf32>,
        %swap3A_708 = vector.shape_cast %swap3A_707 : vector<1x16xf32> to vector<16xf32>
        %swap3A_709 = vector.shape_cast %get3A_704 : vector<16xf32> to vector<1x16xf32>
        tpu.vector_store %arg12[%swap3A_705, %swap3A_706], %swap3A_709 {add = true, strides = array<i32>} : memref<16x1024xf32, #tpu.memory_space<vmem>>, vector<1x16xf32>,
        %get3A_710 = arith.index_cast %scan3A_332 : i32 to index
        %get3A_711 = arith.constant 672 : index
        %get3A_712 = tpu.vector_load %arg13[%get3A_710, %get3A_711] {strides = array<i32>} : memref<16x1024xf32, #tpu.memory_space<vmem>>, vector<1x16xf32>,
        %get3A_713 = vector.shape_cast %get3A_712 : vector<1x16xf32> to vector<16xf32>
        %swap3A_714 = arith.index_cast %scan3A_332 : i32 to index
        %swap3A_715 = arith.constant 672 : index
        %swap3A_716 = tpu.vector_load %arg12[%swap3A_714, %swap3A_715] {strides = array<i32>} : memref<16x1024xf32, #tpu.memory_space<vmem>>, vector<1x16xf32>,
        %swap3A_717 = vector.shape_cast %swap3A_716 : vector<1x16xf32> to vector<16xf32>
        %swap3A_718 = vector.shape_cast %get3A_713 : vector<16xf32> to vector<1x16xf32>
        tpu.vector_store %arg12[%swap3A_714, %swap3A_715], %swap3A_718 {add = true, strides = array<i32>} : memref<16x1024xf32, #tpu.memory_space<vmem>>, vector<1x16xf32>,
        %get3A_719 = arith.index_cast %scan3A_332 : i32 to index
        %get3A_720 = arith.constant 688 : index
        %get3A_721 = tpu.vector_load %arg13[%get3A_719, %get3A_720] {strides = array<i32>} : memref<16x1024xf32, #tpu.memory_space<vmem>>, vector<1x16xf32>,
        %get3A_722 = vector.shape_cast %get3A_721 : vector<1x16xf32> to vector<16xf32>
        %swap3A_723 = arith.index_cast %scan3A_332 : i32 to index
        %swap3A_724 = arith.constant 688 : index
        %swap3A_725 = tpu.vector_load %arg12[%swap3A_723, %swap3A_724] {strides = array<i32>} : memref<16x1024xf32, #tpu.memory_space<vmem>>, vector<1x16xf32>,
        %swap3A_726 = vector.shape_cast %swap3A_725 : vector<1x16xf32> to vector<16xf32>
        %swap3A_727 = vector.shape_cast %get3A_722 : vector<16xf32> to vector<1x16xf32>
        tpu.vector_store %arg12[%swap3A_723, %swap3A_724], %swap3A_727 {add = true, strides = array<i32>} : memref<16x1024xf32, #tpu.memory_space<vmem>>, vector<1x16xf32>,
        %get3A_728 = arith.index_cast %scan3A_332 : i32 to index
        %get3A_729 = arith.constant 704 : index
        %get3A_730 = tpu.vector_load %arg13[%get3A_728, %get3A_729] {strides = array<i32>} : memref<16x1024xf32, #tpu.memory_space<vmem>>, vector<1x16xf32>,
        %get3A_731 = vector.shape_cast %get3A_730 : vector<1x16xf32> to vector<16xf32>
        %swap3A_732 = arith.index_cast %scan3A_332 : i32 to index
        %swap3A_733 = arith.constant 704 : index
        %swap3A_734 = tpu.vector_load %arg12[%swap3A_732, %swap3A_733] {strides = array<i32>} : memref<16x1024xf32, #tpu.memory_space<vmem>>, vector<1x16xf32>,
        %swap3A_735 = vector.shape_cast %swap3A_734 : vector<1x16xf32> to vector<16xf32>
        %swap3A_736 = vector.shape_cast %get3A_731 : vector<16xf32> to vector<1x16xf32>
        tpu.vector_store %arg12[%swap3A_732, %swap3A_733], %swap3A_736 {add = true, strides = array<i32>} : memref<16x1024xf32, #tpu.memory_space<vmem>>, vector<1x16xf32>,
        %get3A_737 = arith.index_cast %scan3A_332 : i32 to index
        %get3A_738 = arith.constant 720 : index
        %get3A_739 = tpu.vector_load %arg13[%get3A_737, %get3A_738] {strides = array<i32>} : memref<16x1024xf32, #tpu.memory_space<vmem>>, vector<1x16xf32>,
        %get3A_740 = vector.shape_cast %get3A_739 : vector<1x16xf32> to vector<16xf32>
        %swap3A_741 = arith.index_cast %scan3A_332 : i32 to index
        %swap3A_742 = arith.constant 720 : index
        %swap3A_743 = tpu.vector_load %arg12[%swap3A_741, %swap3A_742] {strides = array<i32>} : memref<16x1024xf32, #tpu.memory_space<vmem>>, vector<1x16xf32>,
        %swap3A_744 = vector.shape_cast %swap3A_743 : vector<1x16xf32> to vector<16xf32>
        %swap3A_745 = vector.shape_cast %get3A_740 : vector<16xf32> to vector<1x16xf32>
        tpu.vector_store %arg12[%swap3A_741, %swap3A_742], %swap3A_745 {add = true, strides = array<i32>} : memref<16x1024xf32, #tpu.memory_space<vmem>>, vector<1x16xf32>,
        %get3A_746 = arith.index_cast %scan3A_332 : i32 to index
        %get3A_747 = arith.constant 736 : index
        %get3A_748 = tpu.vector_load %arg13[%get3A_746, %get3A_747] {strides = array<i32>} : memref<16x1024xf32, #tpu.memory_space<vmem>>, vector<1x16xf32>,
        %get3A_749 = vector.shape_cast %get3A_748 : vector<1x16xf32> to vector<16xf32>
        %swap3A_750 = arith.index_cast %scan3A_332 : i32 to index
        %swap3A_751 = arith.constant 736 : index
        %swap3A_752 = tpu.vector_load %arg12[%swap3A_750, %swap3A_751] {strides = array<i32>} : memref<16x1024xf32, #tpu.memory_space<vmem>>, vector<1x16xf32>,
        %swap3A_753 = vector.shape_cast %swap3A_752 : vector<1x16xf32> to vector<16xf32>
        %swap3A_754 = vector.shape_cast %get3A_749 : vector<16xf32> to vector<1x16xf32>
        tpu.vector_store %arg12[%swap3A_750, %swap3A_751], %swap3A_754 {add = true, strides = array<i32>} : memref<16x1024xf32, #tpu.memory_space<vmem>>, vector<1x16xf32>,
        %get3A_755 = arith.index_cast %scan3A_332 : i32 to index
        %get3A_756 = arith.constant 752 : index
        %get3A_757 = tpu.vector_load %arg13[%get3A_755, %get3A_756] {strides = array<i32>} : memref<16x1024xf32, #tpu.memory_space<vmem>>, vector<1x16xf32>,
        %get3A_758 = vector.shape_cast %get3A_757 : vector<1x16xf32> to vector<16xf32>
        %swap3A_759 = arith.index_cast %scan3A_332 : i32 to index
        %swap3A_760 = arith.constant 752 : index
        %swap3A_761 = tpu.vector_load %arg12[%swap3A_759, %swap3A_760] {strides = array<i32>} : memref<16x1024xf32, #tpu.memory_space<vmem>>, vector<1x16xf32>,
        %swap3A_762 = vector.shape_cast %swap3A_761 : vector<1x16xf32> to vector<16xf32>
        %swap3A_763 = vector.shape_cast %get3A_758 : vector<16xf32> to vector<1x16xf32>
        tpu.vector_store %arg12[%swap3A_759, %swap3A_760], %swap3A_763 {add = true, strides = array<i32>} : memref<16x1024xf32, #tpu.memory_space<vmem>>, vector<1x16xf32>,
        %get3A_764 = arith.index_cast %scan3A_332 : i32 to index
        %get3A_765 = arith.constant 768 : index
        %get3A_766 = tpu.vector_load %arg13[%get3A_764, %get3A_765] {strides = array<i32>} : memref<16x1024xf32, #tpu.memory_space<vmem>>, vector<1x16xf32>,
        %get3A_767 = vector.shape_cast %get3A_766 : vector<1x16xf32> to vector<16xf32>
        %swap3A_768 = arith.index_cast %scan3A_332 : i32 to index
        %swap3A_769 = arith.constant 768 : index
        %swap3A_770 = tpu.vector_load %arg12[%swap3A_768, %swap3A_769] {strides = array<i32>} : memref<16x1024xf32, #tpu.memory_space<vmem>>, vector<1x16xf32>,
        %swap3A_771 = vector.shape_cast %swap3A_770 : vector<1x16xf32> to vector<16xf32>
        %swap3A_772 = vector.shape_cast %get3A_767 : vector<16xf32> to vector<1x16xf32>
        tpu.vector_store %arg12[%swap3A_768, %swap3A_769], %swap3A_772 {add = true, strides = array<i32>} : memref<16x1024xf32, #tpu.memory_space<vmem>>, vector<1x16xf32>,
        %get3A_773 = arith.index_cast %scan3A_332 : i32 to index
        %get3A_774 = arith.constant 784 : index
        %get3A_775 = tpu.vector_load %arg13[%get3A_773, %get3A_774] {strides = array<i32>} : memref<16x1024xf32, #tpu.memory_space<vmem>>, vector<1x16xf32>,
        %get3A_776 = vector.shape_cast %get3A_775 : vector<1x16xf32> to vector<16xf32>
        %swap3A_777 = arith.index_cast %scan3A_332 : i32 to index
        %swap3A_778 = arith.constant 784 : index
        %swap3A_779 = tpu.vector_load %arg12[%swap3A_777, %swap3A_778] {strides = array<i32>} : memref<16x1024xf32, #tpu.memory_space<vmem>>, vector<1x16xf32>,
        %swap3A_780 = vector.shape_cast %swap3A_779 : vector<1x16xf32> to vector<16xf32>
        %swap3A_781 = vector.shape_cast %get3A_776 : vector<16xf32> to vector<1x16xf32>
        tpu.vector_store %arg12[%swap3A_777, %swap3A_778], %swap3A_781 {add = true, strides = array<i32>} : memref<16x1024xf32, #tpu.memory_space<vmem>>, vector<1x16xf32>,
        %get3A_782 = arith.index_cast %scan3A_332 : i32 to index
        %get3A_783 = arith.constant 800 : index
        %get3A_784 = tpu.vector_load %arg13[%get3A_782, %get3A_783] {strides = array<i32>} : memref<16x1024xf32, #tpu.memory_space<vmem>>, vector<1x16xf32>,
        %get3A_785 = vector.shape_cast %get3A_784 : vector<1x16xf32> to vector<16xf32>
        %swap3A_786 = arith.index_cast %scan3A_332 : i32 to index
        %swap3A_787 = arith.constant 800 : index
        %swap3A_788 = tpu.vector_load %arg12[%swap3A_786, %swap3A_787] {strides = array<i32>} : memref<16x1024xf32, #tpu.memory_space<vmem>>, vector<1x16xf32>,
        %swap3A_789 = vector.shape_cast %swap3A_788 : vector<1x16xf32> to vector<16xf32>
        %swap3A_790 = vector.shape_cast %get3A_785 : vector<16xf32> to vector<1x16xf32>
        tpu.vector_store %arg12[%swap3A_786, %swap3A_787], %swap3A_790 {add = true, strides = array<i32>} : memref<16x1024xf32, #tpu.memory_space<vmem>>, vector<1x16xf32>,
        %get3A_791 = arith.index_cast %scan3A_332 : i32 to index
        %get3A_792 = arith.constant 816 : index
        %get3A_793 = tpu.vector_load %arg13[%get3A_791, %get3A_792] {strides = array<i32>} : memref<16x1024xf32, #tpu.memory_space<vmem>>, vector<1x16xf32>,
        %get3A_794 = vector.shape_cast %get3A_793 : vector<1x16xf32> to vector<16xf32>
        %swap3A_795 = arith.index_cast %scan3A_332 : i32 to index
        %swap3A_796 = arith.constant 816 : index
        %swap3A_797 = tpu.vector_load %arg12[%swap3A_795, %swap3A_796] {strides = array<i32>} : memref<16x1024xf32, #tpu.memory_space<vmem>>, vector<1x16xf32>,
        %swap3A_798 = vector.shape_cast %swap3A_797 : vector<1x16xf32> to vector<16xf32>
        %swap3A_799 = vector.shape_cast %get3A_794 : vector<16xf32> to vector<1x16xf32>
        tpu.vector_store %arg12[%swap3A_795, %swap3A_796], %swap3A_799 {add = true, strides = array<i32>} : memref<16x1024xf32, #tpu.memory_space<vmem>>, vector<1x16xf32>,
        %get3A_800 = arith.index_cast %scan3A_332 : i32 to index
        %get3A_801 = arith.constant 832 : index
        %get3A_802 = tpu.vector_load %arg13[%get3A_800, %get3A_801] {strides = array<i32>} : memref<16x1024xf32, #tpu.memory_space<vmem>>, vector<1x16xf32>,
        %get3A_803 = vector.shape_cast %get3A_802 : vector<1x16xf32> to vector<16xf32>
        %swap3A_804 = arith.index_cast %scan3A_332 : i32 to index
        %swap3A_805 = arith.constant 832 : index
        %swap3A_806 = tpu.vector_load %arg12[%swap3A_804, %swap3A_805] {strides = array<i32>} : memref<16x1024xf32, #tpu.memory_space<vmem>>, vector<1x16xf32>,
        %swap3A_807 = vector.shape_cast %swap3A_806 : vector<1x16xf32> to vector<16xf32>
        %swap3A_808 = vector.shape_cast %get3A_803 : vector<16xf32> to vector<1x16xf32>
        tpu.vector_store %arg12[%swap3A_804, %swap3A_805], %swap3A_808 {add = true, strides = array<i32>} : memref<16x1024xf32, #tpu.memory_space<vmem>>, vector<1x16xf32>,
        %get3A_809 = arith.index_cast %scan3A_332 : i32 to index
        %get3A_810 = arith.constant 848 : index
        %get3A_811 = tpu.vector_load %arg13[%get3A_809, %get3A_810] {strides = array<i32>} : memref<16x1024xf32, #tpu.memory_space<vmem>>, vector<1x16xf32>,
        %get3A_812 = vector.shape_cast %get3A_811 : vector<1x16xf32> to vector<16xf32>
        %swap3A_813 = arith.index_cast %scan3A_332 : i32 to index
        %swap3A_814 = arith.constant 848 : index
        %swap3A_815 = tpu.vector_load %arg12[%swap3A_813, %swap3A_814] {strides = array<i32>} : memref<16x1024xf32, #tpu.memory_space<vmem>>, vector<1x16xf32>,
        %swap3A_816 = vector.shape_cast %swap3A_815 : vector<1x16xf32> to vector<16xf32>
        %swap3A_817 = vector.shape_cast %get3A_812 : vector<16xf32> to vector<1x16xf32>
        tpu.vector_store %arg12[%swap3A_813, %swap3A_814], %swap3A_817 {add = true, strides = array<i32>} : memref<16x1024xf32, #tpu.memory_space<vmem>>, vector<1x16xf32>,
        %get3A_818 = arith.index_cast %scan3A_332 : i32 to index
        %get3A_819 = arith.constant 864 : index
        %get3A_820 = tpu.vector_load %arg13[%get3A_818, %get3A_819] {strides = array<i32>} : memref<16x1024xf32, #tpu.memory_space<vmem>>, vector<1x16xf32>,
        %get3A_821 = vector.shape_cast %get3A_820 : vector<1x16xf32> to vector<16xf32>
        %swap3A_822 = arith.index_cast %scan3A_332 : i32 to index
        %swap3A_823 = arith.constant 864 : index
        %swap3A_824 = tpu.vector_load %arg12[%swap3A_822, %swap3A_823] {strides = array<i32>} : memref<16x1024xf32, #tpu.memory_space<vmem>>, vector<1x16xf32>,
        %swap3A_825 = vector.shape_cast %swap3A_824 : vector<1x16xf32> to vector<16xf32>
        %swap3A_826 = vector.shape_cast %get3A_821 : vector<16xf32> to vector<1x16xf32>
        tpu.vector_store %arg12[%swap3A_822, %swap3A_823], %swap3A_826 {add = true, strides = array<i32>} : memref<16x1024xf32, #tpu.memory_space<vmem>>, vector<1x16xf32>,
        %get3A_827 = arith.index_cast %scan3A_332 : i32 to index
        %get3A_828 = arith.constant 880 : index
        %get3A_829 = tpu.vector_load %arg13[%get3A_827, %get3A_828] {strides = array<i32>} : memref<16x1024xf32, #tpu.memory_space<vmem>>, vector<1x16xf32>,
        %get3A_830 = vector.shape_cast %get3A_829 : vector<1x16xf32> to vector<16xf32>
        %swap3A_831 = arith.index_cast %scan3A_332 : i32 to index
        %swap3A_832 = arith.constant 880 : index
        %swap3A_833 = tpu.vector_load %arg12[%swap3A_831, %swap3A_832] {strides = array<i32>} : memref<16x1024xf32, #tpu.memory_space<vmem>>, vector<1x16xf32>,
        %swap3A_834 = vector.shape_cast %swap3A_833 : vector<1x16xf32> to vector<16xf32>
        %swap3A_835 = vector.shape_cast %get3A_830 : vector<16xf32> to vector<1x16xf32>
        tpu.vector_store %arg12[%swap3A_831, %swap3A_832], %swap3A_835 {add = true, strides = array<i32>} : memref<16x1024xf32, #tpu.memory_space<vmem>>, vector<1x16xf32>,
        %get3A_836 = arith.index_cast %scan3A_332 : i32 to index
        %get3A_837 = arith.constant 896 : index
        %get3A_838 = tpu.vector_load %arg13[%get3A_836, %get3A_837] {strides = array<i32>} : memref<16x1024xf32, #tpu.memory_space<vmem>>, vector<1x16xf32>,
        %get3A_839 = vector.shape_cast %get3A_838 : vector<1x16xf32> to vector<16xf32>
        %swap3A_840 = arith.index_cast %scan3A_332 : i32 to index
        %swap3A_841 = arith.constant 896 : index
        %swap3A_842 = tpu.vector_load %arg12[%swap3A_840, %swap3A_841] {strides = array<i32>} : memref<16x1024xf32, #tpu.memory_space<vmem>>, vector<1x16xf32>,
        %swap3A_843 = vector.shape_cast %swap3A_842 : vector<1x16xf32> to vector<16xf32>
        %swap3A_844 = vector.shape_cast %get3A_839 : vector<16xf32> to vector<1x16xf32>
        tpu.vector_store %arg12[%swap3A_840, %swap3A_841], %swap3A_844 {add = true, strides = array<i32>} : memref<16x1024xf32, #tpu.memory_space<vmem>>, vector<1x16xf32>,
        %get3A_845 = arith.index_cast %scan3A_332 : i32 to index
        %get3A_846 = arith.constant 912 : index
        %get3A_847 = tpu.vector_load %arg13[%get3A_845, %get3A_846] {strides = array<i32>} : memref<16x1024xf32, #tpu.memory_space<vmem>>, vector<1x16xf32>,
        %get3A_848 = vector.shape_cast %get3A_847 : vector<1x16xf32> to vector<16xf32>
        %swap3A_849 = arith.index_cast %scan3A_332 : i32 to index
        %swap3A_850 = arith.constant 912 : index
        %swap3A_851 = tpu.vector_load %arg12[%swap3A_849, %swap3A_850] {strides = array<i32>} : memref<16x1024xf32, #tpu.memory_space<vmem>>, vector<1x16xf32>,
        %swap3A_852 = vector.shape_cast %swap3A_851 : vector<1x16xf32> to vector<16xf32>
        %swap3A_853 = vector.shape_cast %get3A_848 : vector<16xf32> to vector<1x16xf32>
        tpu.vector_store %arg12[%swap3A_849, %swap3A_850], %swap3A_853 {add = true, strides = array<i32>} : memref<16x1024xf32, #tpu.memory_space<vmem>>, vector<1x16xf32>,
        %get3A_854 = arith.index_cast %scan3A_332 : i32 to index
        %get3A_855 = arith.constant 928 : index
        %get3A_856 = tpu.vector_load %arg13[%get3A_854, %get3A_855] {strides = array<i32>} : memref<16x1024xf32, #tpu.memory_space<vmem>>, vector<1x16xf32>,
        %get3A_857 = vector.shape_cast %get3A_856 : vector<1x16xf32> to vector<16xf32>
        %swap3A_858 = arith.index_cast %scan3A_332 : i32 to index
        %swap3A_859 = arith.constant 928 : index
        %swap3A_860 = tpu.vector_load %arg12[%swap3A_858, %swap3A_859] {strides = array<i32>} : memref<16x1024xf32, #tpu.memory_space<vmem>>, vector<1x16xf32>,
        %swap3A_861 = vector.shape_cast %swap3A_860 : vector<1x16xf32> to vector<16xf32>
        %swap3A_862 = vector.shape_cast %get3A_857 : vector<16xf32> to vector<1x16xf32>
        tpu.vector_store %arg12[%swap3A_858, %swap3A_859], %swap3A_862 {add = true, strides = array<i32>} : memref<16x1024xf32, #tpu.memory_space<vmem>>, vector<1x16xf32>,
        %get3A_863 = arith.index_cast %scan3A_332 : i32 to index
        %get3A_864 = arith.constant 944 : index
        %get3A_865 = tpu.vector_load %arg13[%get3A_863, %get3A_864] {strides = array<i32>} : memref<16x1024xf32, #tpu.memory_space<vmem>>, vector<1x16xf32>,
        %get3A_866 = vector.shape_cast %get3A_865 : vector<1x16xf32> to vector<16xf32>
        %swap3A_867 = arith.index_cast %scan3A_332 : i32 to index
        %swap3A_868 = arith.constant 944 : index
        %swap3A_869 = tpu.vector_load %arg12[%swap3A_867, %swap3A_868] {strides = array<i32>} : memref<16x1024xf32, #tpu.memory_space<vmem>>, vector<1x16xf32>,
        %swap3A_870 = vector.shape_cast %swap3A_869 : vector<1x16xf32> to vector<16xf32>
        %swap3A_871 = vector.shape_cast %get3A_866 : vector<16xf32> to vector<1x16xf32>
        tpu.vector_store %arg12[%swap3A_867, %swap3A_868], %swap3A_871 {add = true, strides = array<i32>} : memref<16x1024xf32, #tpu.memory_space<vmem>>, vector<1x16xf32>,
        %get3A_872 = arith.index_cast %scan3A_332 : i32 to index
        %get3A_873 = arith.constant 960 : index
        %get3A_874 = tpu.vector_load %arg13[%get3A_872, %get3A_873] {strides = array<i32>} : memref<16x1024xf32, #tpu.memory_space<vmem>>, vector<1x16xf32>,
        %get3A_875 = vector.shape_cast %get3A_874 : vector<1x16xf32> to vector<16xf32>
        %swap3A_876 = arith.index_cast %scan3A_332 : i32 to index
        %swap3A_877 = arith.constant 960 : index
        %swap3A_878 = tpu.vector_load %arg12[%swap3A_876, %swap3A_877] {strides = array<i32>} : memref<16x1024xf32, #tpu.memory_space<vmem>>, vector<1x16xf32>,
        %swap3A_879 = vector.shape_cast %swap3A_878 : vector<1x16xf32> to vector<16xf32>
        %swap3A_880 = vector.shape_cast %get3A_875 : vector<16xf32> to vector<1x16xf32>
        tpu.vector_store %arg12[%swap3A_876, %swap3A_877], %swap3A_880 {add = true, strides = array<i32>} : memref<16x1024xf32, #tpu.memory_space<vmem>>, vector<1x16xf32>,
        %get3A_881 = arith.index_cast %scan3A_332 : i32 to index
        %get3A_882 = arith.constant 976 : index
        %get3A_883 = tpu.vector_load %arg13[%get3A_881, %get3A_882] {strides = array<i32>} : memref<16x1024xf32, #tpu.memory_space<vmem>>, vector<1x16xf32>,
        %get3A_884 = vector.shape_cast %get3A_883 : vector<1x16xf32> to vector<16xf32>
        %swap3A_885 = arith.index_cast %scan3A_332 : i32 to index
        %swap3A_886 = arith.constant 976 : index
        %swap3A_887 = tpu.vector_load %arg12[%swap3A_885, %swap3A_886] {strides = array<i32>} : memref<16x1024xf32, #tpu.memory_space<vmem>>, vector<1x16xf32>,
        %swap3A_888 = vector.shape_cast %swap3A_887 : vector<1x16xf32> to vector<16xf32>
        %swap3A_889 = vector.shape_cast %get3A_884 : vector<16xf32> to vector<1x16xf32>
        tpu.vector_store %arg12[%swap3A_885, %swap3A_886], %swap3A_889 {add = true, strides = array<i32>} : memref<16x1024xf32, #tpu.memory_space<vmem>>, vector<1x16xf32>,
        %get3A_890 = arith.index_cast %scan3A_332 : i32 to index
        %get3A_891 = arith.constant 992 : index
        %get3A_892 = tpu.vector_load %arg13[%get3A_890, %get3A_891] {strides = array<i32>} : memref<16x1024xf32, #tpu.memory_space<vmem>>, vector<1x16xf32>,
        %get3A_893 = vector.shape_cast %get3A_892 : vector<1x16xf32> to vector<16xf32>
        %swap3A_894 = arith.index_cast %scan3A_332 : i32 to index
        %swap3A_895 = arith.constant 992 : index
        %swap3A_896 = tpu.vector_load %arg12[%swap3A_894, %swap3A_895] {strides = array<i32>} : memref<16x1024xf32, #tpu.memory_space<vmem>>, vector<1x16xf32>,
        %swap3A_897 = vector.shape_cast %swap3A_896 : vector<1x16xf32> to vector<16xf32>
        %swap3A_898 = vector.shape_cast %get3A_893 : vector<16xf32> to vector<1x16xf32>
        tpu.vector_store %arg12[%swap3A_894, %swap3A_895], %swap3A_898 {add = true, strides = array<i32>} : memref<16x1024xf32, #tpu.memory_space<vmem>>, vector<1x16xf32>,
        %get3A_899 = arith.index_cast %scan3A_332 : i32 to index
        %get3A_900 = arith.constant 1008 : index
        %get3A_901 = tpu.vector_load %arg13[%get3A_899, %get3A_900] {strides = array<i32>} : memref<16x1024xf32, #tpu.memory_space<vmem>>, vector<1x16xf32>,
        %get3A_902 = vector.shape_cast %get3A_901 : vector<1x16xf32> to vector<16xf32>
        %swap3A_903 = arith.index_cast %scan3A_332 : i32 to index
        %swap3A_904 = arith.constant 1008 : index
        %swap3A_905 = tpu.vector_load %arg12[%swap3A_903, %swap3A_904] {strides = array<i32>} : memref<16x1024xf32, #tpu.memory_space<vmem>>, vector<1x16xf32>,
        %swap3A_906 = vector.shape_cast %swap3A_905 : vector<1x16xf32> to vector<16xf32>
        %swap3A_907 = vector.shape_cast %get3A_902 : vector<16xf32> to vector<1x16xf32>
        tpu.vector_store %arg12[%swap3A_903, %swap3A_904], %swap3A_907 {add = true, strides = array<i32>} : memref<16x1024xf32, #tpu.memory_space<vmem>>, vector<1x16xf32>,
        %scan3A_908 = arith.constant 0 : i32
        scf.yield %scan3A_908 : i32
      }
      %scan3A_270 = arith.constant 16 : i32
      %mul3A_271 = arith.constant 16 : i32
      %mul3A_272 = arith.muli %add3A_244, %mul3A_271 : i32
      %add3A_273 = vector.broadcast %mul3A_272 : i32 to vector<16xi32>
      %add3A_274 = arith.addi %add3A_273, %iota3A : vector<16xi32>
      %mul3A_275 = arith.constant 16 : i32
      %mul3A_276 = vector.broadcast %mul3A_275 : i32 to vector<16xi32>
      %mul3A_277 = arith.muli %add3A_274, %mul3A_276 : vector<16xi32>
      %add3A_278 = vector.broadcast %add3A_37 : i32 to vector<16xi32>
      %add3A_279 = arith.addi %add3A_278, %mul3A_277 : vector<16xi32>
      %dma_start3A_280 = arith.constant 0 : i32
      %dma_start3A_281 = arith.constant 0 : i32
      %dma_start3A_282 = tpu.memref_slice %arg6[%dma_start3A_280, %dma_start3A_281] : memref<16400x1024xf32, #tpu.memory_space<hbm>> -> memref<16400x1024xf32, #tpu.memory_space<hbm>>
      tpu.enqueue_indirect_dma source(%arg12 : memref<16x1024xf32, #tpu.memory_space<vmem>>) target(%dma_start3A_282 : memref<16400x1024xf32, #tpu.memory_space<hbm>>) offsets(%add3A_279 : vector<16xi32>) semaphore(%arg23 : memref<!tpu.dma_semaphore, #tpu.memory_space<semaphore_mem>>)
      %dma_wait3A_283 = arith.constant 0 : i32
      %dma_wait3A_284 = arith.constant 0 : i32
      %dma_wait3A_285 = tpu.memref_slice %arg6[%dma_wait3A_283, %dma_wait3A_284] : memref<16400x1024xf32, #tpu.memory_space<hbm>> -> memref<16400x1024xf32, #tpu.memory_space<hbm>>
      tpu.wait_indirect_dma semaphore(%arg23 : memref<!tpu.dma_semaphore, #tpu.memory_space<semaphore_mem>>) src(%arg12 : memref<16x1024xf32, #tpu.memory_space<vmem>>) dst(%dma_wait3A_285 : memref<16400x1024xf32, #tpu.memory_space<hbm>>)
      %mul3A_286 = arith.constant 3 : i32
      %mul3A_287 = arith.muli %scan3A_194, %mul3A_286 : i32
      %add3A_288 = arith.constant 2 : i32
      %add3A_289 = arith.addi %mul3A_287, %add3A_288 : i32
      %mul3A_290 = arith.constant 16 : i32
      %mul3A_291 = arith.muli %add3A_289, %mul3A_290 : i32
      %mul3A_292 = arith.constant 16 : i32
      %mul3A_293 = arith.muli %add3A_289, %mul3A_292 : i32
      %dma_wait3A_294 = tpu.memref_slice %arg8[%mul3A_291] : memref<512xi32, #tpu.memory_space<vmem>> -> memref<16xi32, #tpu.memory_space<vmem>>
      %dma_wait3A_295 = arith.constant 0 : i32
      %dma_wait3A_296 = arith.constant 0 : i32
      %dma_wait3A_297 = tpu.memref_slice %arg2[%dma_wait3A_295, %dma_wait3A_296] : memref<32768x1024xf32, #tpu.memory_space<hbm>> -> memref<32768x1024xf32, #tpu.memory_space<hbm>>
      tpu.wait_indirect_dma semaphore(%arg21 : memref<!tpu.dma_semaphore, #tpu.memory_space<semaphore_mem>>) src(%dma_wait3A_297 : memref<32768x1024xf32, #tpu.memory_space<hbm>>) dst(%arg14 : memref<16x1024xf32, #tpu.memory_space<vmem>>)
      %dma_wait3A_298 = tpu.memref_slice %arg9[%mul3A_293] : memref<512xi32, #tpu.memory_space<vmem>> -> memref<16xi32, #tpu.memory_space<vmem>>
      %dma_wait3A_299 = arith.constant 0 : i32
      %dma_wait3A_300 = arith.constant 0 : i32
      %dma_wait3A_301 = tpu.memref_slice %arg4[%dma_wait3A_299, %dma_wait3A_300] : memref<2049x1024xf32, #tpu.memory_space<hbm>> -> memref<2049x1024xf32, #tpu.memory_space<hbm>>
      tpu.wait_indirect_dma semaphore(%arg22 : memref<!tpu.dma_semaphore, #tpu.memory_space<semaphore_mem>>) src(%dma_wait3A_301 : memref<2049x1024xf32, #tpu.memory_space<hbm>>) dst(%arg15 : memref<16x1024xf32, #tpu.memory_space<vmem>>)
      %add3A_302 = arith.constant 2 : i32
      %add3A_303 = arith.addi %add3A_289, %add3A_302 : i32
      %lt3A_304 = arith.constant 32 : i32
      %lt3A_305 = arith.cmpi slt, %add3A_303, %lt3A_304 : i32
      %convert_element_type3A_306 = arith.extui %lt3A_305 : i1 to i32
      %cond3A_307 = arith.constant 0 : i32
      %cond3A_308 = arith.cmpi ne, %convert_element_type3A_306, %cond3A_307 : i32
      scf.if %cond3A_308 {
        %add3A_332 = arith.constant 2 : i32
        %add3A_333 = arith.addi %add3A_289, %add3A_332 : i32
        %mul3A_334 = arith.constant 16 : i32
        %mul3A_335 = arith.muli %add3A_333, %mul3A_334 : i32
        %mul3A_336 = arith.constant 16 : i32
        %mul3A_337 = arith.muli %add3A_333, %mul3A_336 : i32
        %dma_start3A_338 = tpu.memref_slice %arg8[%mul3A_335] : memref<512xi32, #tpu.memory_space<vmem>> -> memref<16xi32, #tpu.memory_space<vmem>>
        %dma_start3A_339 = arith.constant 0 : i32
        %dma_start3A_340 = arith.constant 0 : i32
        %dma_start3A_341 = tpu.memref_slice %arg2[%dma_start3A_339, %dma_start3A_340] : memref<32768x1024xf32, #tpu.memory_space<hbm>> -> memref<32768x1024xf32, #tpu.memory_space<hbm>>
        tpu.enqueue_indirect_dma source(%dma_start3A_341 : memref<32768x1024xf32, #tpu.memory_space<hbm>>) target(%arg12 : memref<16x1024xf32, #tpu.memory_space<vmem>>) offsets(%dma_start3A_338 : memref<16xi32, #tpu.memory_space<vmem>>) semaphore(%arg19 : memref<!tpu.dma_semaphore, #tpu.memory_space<semaphore_mem>>)
        %dma_start3A_342 = tpu.memref_slice %arg9[%mul3A_337] : memref<512xi32, #tpu.memory_space<vmem>> -> memref<16xi32, #tpu.memory_space<vmem>>
        %dma_start3A_343 = arith.constant 0 : i32
        %dma_start3A_344 = arith.constant 0 : i32
        %dma_start3A_345 = tpu.memref_slice %arg4[%dma_start3A_343, %dma_start3A_344] : memref<2049x1024xf32, #tpu.memory_space<hbm>> -> memref<2049x1024xf32, #tpu.memory_space<hbm>>
        tpu.enqueue_indirect_dma source(%dma_start3A_345 : memref<2049x1024xf32, #tpu.memory_space<hbm>>) target(%arg13 : memref<16x1024xf32, #tpu.memory_space<vmem>>) offsets(%dma_start3A_342 : memref<16xi32, #tpu.memory_space<vmem>>) semaphore(%arg20 : memref<!tpu.dma_semaphore, #tpu.memory_space<semaphore_mem>>)
      } else {
      }
      %scan3A_309 = arith.constant 0 : i32
      %scan3A_310 = arith.constant 0 : i32
      %scan3A_311 = arith.constant 16 : i32
      %scan3A_312 = arith.addi %scan3A_310, %scan3A_311 : i32
      %scan3A_313 = arith.constant 1 : i32
      %scan3A_314 = scf.for %scan3A_332 = %scan3A_310 to %scan3A_312 step %scan3A_313 iter_args(%scan3A_333 = %scan3A_309) -> (i32)  : i32 {
        %get3A = arith.index_cast %scan3A_332 : i32 to index
        %get3A_334 = arith.constant 0 : index
        %get3A_335 = tpu.vector_load %arg15[%get3A, %get3A_334] {strides = array<i32>} : memref<16x1024xf32, #tpu.memory_space<vmem>>, vector<1x16xf32>,
        %get3A_336 = vector.shape_cast %get3A_335 : vector<1x16xf32> to vector<16xf32>
        %swap3A = arith.index_cast %scan3A_332 : i32 to index
        %swap3A_337 = arith.constant 0 : index
        %swap3A_338 = tpu.vector_load %arg14[%swap3A, %swap3A_337] {strides = array<i32>} : memref<16x1024xf32, #tpu.memory_space<vmem>>, vector<1x16xf32>,
        %swap3A_339 = vector.shape_cast %swap3A_338 : vector<1x16xf32> to vector<16xf32>
        %swap3A_340 = vector.shape_cast %get3A_336 : vector<16xf32> to vector<1x16xf32>
        tpu.vector_store %arg14[%swap3A, %swap3A_337], %swap3A_340 {add = true, strides = array<i32>} : memref<16x1024xf32, #tpu.memory_space<vmem>>, vector<1x16xf32>,
        %get3A_341 = arith.index_cast %scan3A_332 : i32 to index
        %get3A_342 = arith.constant 16 : index
        %get3A_343 = tpu.vector_load %arg15[%get3A_341, %get3A_342] {strides = array<i32>} : memref<16x1024xf32, #tpu.memory_space<vmem>>, vector<1x16xf32>,
        %get3A_344 = vector.shape_cast %get3A_343 : vector<1x16xf32> to vector<16xf32>
        %swap3A_345 = arith.index_cast %scan3A_332 : i32 to index
        %swap3A_346 = arith.constant 16 : index
        %swap3A_347 = tpu.vector_load %arg14[%swap3A_345, %swap3A_346] {strides = array<i32>} : memref<16x1024xf32, #tpu.memory_space<vmem>>, vector<1x16xf32>,
        %swap3A_348 = vector.shape_cast %swap3A_347 : vector<1x16xf32> to vector<16xf32>
        %swap3A_349 = vector.shape_cast %get3A_344 : vector<16xf32> to vector<1x16xf32>
        tpu.vector_store %arg14[%swap3A_345, %swap3A_346], %swap3A_349 {add = true, strides = array<i32>} : memref<16x1024xf32, #tpu.memory_space<vmem>>, vector<1x16xf32>,
        %get3A_350 = arith.index_cast %scan3A_332 : i32 to index
        %get3A_351 = arith.constant 32 : index
        %get3A_352 = tpu.vector_load %arg15[%get3A_350, %get3A_351] {strides = array<i32>} : memref<16x1024xf32, #tpu.memory_space<vmem>>, vector<1x16xf32>,
        %get3A_353 = vector.shape_cast %get3A_352 : vector<1x16xf32> to vector<16xf32>
        %swap3A_354 = arith.index_cast %scan3A_332 : i32 to index
        %swap3A_355 = arith.constant 32 : index
        %swap3A_356 = tpu.vector_load %arg14[%swap3A_354, %swap3A_355] {strides = array<i32>} : memref<16x1024xf32, #tpu.memory_space<vmem>>, vector<1x16xf32>,
        %swap3A_357 = vector.shape_cast %swap3A_356 : vector<1x16xf32> to vector<16xf32>
        %swap3A_358 = vector.shape_cast %get3A_353 : vector<16xf32> to vector<1x16xf32>
        tpu.vector_store %arg14[%swap3A_354, %swap3A_355], %swap3A_358 {add = true, strides = array<i32>} : memref<16x1024xf32, #tpu.memory_space<vmem>>, vector<1x16xf32>,
        %get3A_359 = arith.index_cast %scan3A_332 : i32 to index
        %get3A_360 = arith.constant 48 : index
        %get3A_361 = tpu.vector_load %arg15[%get3A_359, %get3A_360] {strides = array<i32>} : memref<16x1024xf32, #tpu.memory_space<vmem>>, vector<1x16xf32>,
        %get3A_362 = vector.shape_cast %get3A_361 : vector<1x16xf32> to vector<16xf32>
        %swap3A_363 = arith.index_cast %scan3A_332 : i32 to index
        %swap3A_364 = arith.constant 48 : index
        %swap3A_365 = tpu.vector_load %arg14[%swap3A_363, %swap3A_364] {strides = array<i32>} : memref<16x1024xf32, #tpu.memory_space<vmem>>, vector<1x16xf32>,
        %swap3A_366 = vector.shape_cast %swap3A_365 : vector<1x16xf32> to vector<16xf32>
        %swap3A_367 = vector.shape_cast %get3A_362 : vector<16xf32> to vector<1x16xf32>
        tpu.vector_store %arg14[%swap3A_363, %swap3A_364], %swap3A_367 {add = true, strides = array<i32>} : memref<16x1024xf32, #tpu.memory_space<vmem>>, vector<1x16xf32>,
        %get3A_368 = arith.index_cast %scan3A_332 : i32 to index
        %get3A_369 = arith.constant 64 : index
        %get3A_370 = tpu.vector_load %arg15[%get3A_368, %get3A_369] {strides = array<i32>} : memref<16x1024xf32, #tpu.memory_space<vmem>>, vector<1x16xf32>,
        %get3A_371 = vector.shape_cast %get3A_370 : vector<1x16xf32> to vector<16xf32>
        %swap3A_372 = arith.index_cast %scan3A_332 : i32 to index
        %swap3A_373 = arith.constant 64 : index
        %swap3A_374 = tpu.vector_load %arg14[%swap3A_372, %swap3A_373] {strides = array<i32>} : memref<16x1024xf32, #tpu.memory_space<vmem>>, vector<1x16xf32>,
        %swap3A_375 = vector.shape_cast %swap3A_374 : vector<1x16xf32> to vector<16xf32>
        %swap3A_376 = vector.shape_cast %get3A_371 : vector<16xf32> to vector<1x16xf32>
        tpu.vector_store %arg14[%swap3A_372, %swap3A_373], %swap3A_376 {add = true, strides = array<i32>} : memref<16x1024xf32, #tpu.memory_space<vmem>>, vector<1x16xf32>,
        %get3A_377 = arith.index_cast %scan3A_332 : i32 to index
        %get3A_378 = arith.constant 80 : index
        %get3A_379 = tpu.vector_load %arg15[%get3A_377, %get3A_378] {strides = array<i32>} : memref<16x1024xf32, #tpu.memory_space<vmem>>, vector<1x16xf32>,
        %get3A_380 = vector.shape_cast %get3A_379 : vector<1x16xf32> to vector<16xf32>
        %swap3A_381 = arith.index_cast %scan3A_332 : i32 to index
        %swap3A_382 = arith.constant 80 : index
        %swap3A_383 = tpu.vector_load %arg14[%swap3A_381, %swap3A_382] {strides = array<i32>} : memref<16x1024xf32, #tpu.memory_space<vmem>>, vector<1x16xf32>,
        %swap3A_384 = vector.shape_cast %swap3A_383 : vector<1x16xf32> to vector<16xf32>
        %swap3A_385 = vector.shape_cast %get3A_380 : vector<16xf32> to vector<1x16xf32>
        tpu.vector_store %arg14[%swap3A_381, %swap3A_382], %swap3A_385 {add = true, strides = array<i32>} : memref<16x1024xf32, #tpu.memory_space<vmem>>, vector<1x16xf32>,
        %get3A_386 = arith.index_cast %scan3A_332 : i32 to index
        %get3A_387 = arith.constant 96 : index
        %get3A_388 = tpu.vector_load %arg15[%get3A_386, %get3A_387] {strides = array<i32>} : memref<16x1024xf32, #tpu.memory_space<vmem>>, vector<1x16xf32>,
        %get3A_389 = vector.shape_cast %get3A_388 : vector<1x16xf32> to vector<16xf32>
        %swap3A_390 = arith.index_cast %scan3A_332 : i32 to index
        %swap3A_391 = arith.constant 96 : index
        %swap3A_392 = tpu.vector_load %arg14[%swap3A_390, %swap3A_391] {strides = array<i32>} : memref<16x1024xf32, #tpu.memory_space<vmem>>, vector<1x16xf32>,
        %swap3A_393 = vector.shape_cast %swap3A_392 : vector<1x16xf32> to vector<16xf32>
        %swap3A_394 = vector.shape_cast %get3A_389 : vector<16xf32> to vector<1x16xf32>
        tpu.vector_store %arg14[%swap3A_390, %swap3A_391], %swap3A_394 {add = true, strides = array<i32>} : memref<16x1024xf32, #tpu.memory_space<vmem>>, vector<1x16xf32>,
        %get3A_395 = arith.index_cast %scan3A_332 : i32 to index
        %get3A_396 = arith.constant 112 : index
        %get3A_397 = tpu.vector_load %arg15[%get3A_395, %get3A_396] {strides = array<i32>} : memref<16x1024xf32, #tpu.memory_space<vmem>>, vector<1x16xf32>,
        %get3A_398 = vector.shape_cast %get3A_397 : vector<1x16xf32> to vector<16xf32>
        %swap3A_399 = arith.index_cast %scan3A_332 : i32 to index
        %swap3A_400 = arith.constant 112 : index
        %swap3A_401 = tpu.vector_load %arg14[%swap3A_399, %swap3A_400] {strides = array<i32>} : memref<16x1024xf32, #tpu.memory_space<vmem>>, vector<1x16xf32>,
        %swap3A_402 = vector.shape_cast %swap3A_401 : vector<1x16xf32> to vector<16xf32>
        %swap3A_403 = vector.shape_cast %get3A_398 : vector<16xf32> to vector<1x16xf32>
        tpu.vector_store %arg14[%swap3A_399, %swap3A_400], %swap3A_403 {add = true, strides = array<i32>} : memref<16x1024xf32, #tpu.memory_space<vmem>>, vector<1x16xf32>,
        %get3A_404 = arith.index_cast %scan3A_332 : i32 to index
        %get3A_405 = arith.constant 128 : index
        %get3A_406 = tpu.vector_load %arg15[%get3A_404, %get3A_405] {strides = array<i32>} : memref<16x1024xf32, #tpu.memory_space<vmem>>, vector<1x16xf32>,
        %get3A_407 = vector.shape_cast %get3A_406 : vector<1x16xf32> to vector<16xf32>
        %swap3A_408 = arith.index_cast %scan3A_332 : i32 to index
        %swap3A_409 = arith.constant 128 : index
        %swap3A_410 = tpu.vector_load %arg14[%swap3A_408, %swap3A_409] {strides = array<i32>} : memref<16x1024xf32, #tpu.memory_space<vmem>>, vector<1x16xf32>,
        %swap3A_411 = vector.shape_cast %swap3A_410 : vector<1x16xf32> to vector<16xf32>
        %swap3A_412 = vector.shape_cast %get3A_407 : vector<16xf32> to vector<1x16xf32>
        tpu.vector_store %arg14[%swap3A_408, %swap3A_409], %swap3A_412 {add = true, strides = array<i32>} : memref<16x1024xf32, #tpu.memory_space<vmem>>, vector<1x16xf32>,
        %get3A_413 = arith.index_cast %scan3A_332 : i32 to index
        %get3A_414 = arith.constant 144 : index
        %get3A_415 = tpu.vector_load %arg15[%get3A_413, %get3A_414] {strides = array<i32>} : memref<16x1024xf32, #tpu.memory_space<vmem>>, vector<1x16xf32>,
        %get3A_416 = vector.shape_cast %get3A_415 : vector<1x16xf32> to vector<16xf32>
        %swap3A_417 = arith.index_cast %scan3A_332 : i32 to index
        %swap3A_418 = arith.constant 144 : index
        %swap3A_419 = tpu.vector_load %arg14[%swap3A_417, %swap3A_418] {strides = array<i32>} : memref<16x1024xf32, #tpu.memory_space<vmem>>, vector<1x16xf32>,
        %swap3A_420 = vector.shape_cast %swap3A_419 : vector<1x16xf32> to vector<16xf32>
        %swap3A_421 = vector.shape_cast %get3A_416 : vector<16xf32> to vector<1x16xf32>
        tpu.vector_store %arg14[%swap3A_417, %swap3A_418], %swap3A_421 {add = true, strides = array<i32>} : memref<16x1024xf32, #tpu.memory_space<vmem>>, vector<1x16xf32>,
        %get3A_422 = arith.index_cast %scan3A_332 : i32 to index
        %get3A_423 = arith.constant 160 : index
        %get3A_424 = tpu.vector_load %arg15[%get3A_422, %get3A_423] {strides = array<i32>} : memref<16x1024xf32, #tpu.memory_space<vmem>>, vector<1x16xf32>,
        %get3A_425 = vector.shape_cast %get3A_424 : vector<1x16xf32> to vector<16xf32>
        %swap3A_426 = arith.index_cast %scan3A_332 : i32 to index
        %swap3A_427 = arith.constant 160 : index
        %swap3A_428 = tpu.vector_load %arg14[%swap3A_426, %swap3A_427] {strides = array<i32>} : memref<16x1024xf32, #tpu.memory_space<vmem>>, vector<1x16xf32>,
        %swap3A_429 = vector.shape_cast %swap3A_428 : vector<1x16xf32> to vector<16xf32>
        %swap3A_430 = vector.shape_cast %get3A_425 : vector<16xf32> to vector<1x16xf32>
        tpu.vector_store %arg14[%swap3A_426, %swap3A_427], %swap3A_430 {add = true, strides = array<i32>} : memref<16x1024xf32, #tpu.memory_space<vmem>>, vector<1x16xf32>,
        %get3A_431 = arith.index_cast %scan3A_332 : i32 to index
        %get3A_432 = arith.constant 176 : index
        %get3A_433 = tpu.vector_load %arg15[%get3A_431, %get3A_432] {strides = array<i32>} : memref<16x1024xf32, #tpu.memory_space<vmem>>, vector<1x16xf32>,
        %get3A_434 = vector.shape_cast %get3A_433 : vector<1x16xf32> to vector<16xf32>
        %swap3A_435 = arith.index_cast %scan3A_332 : i32 to index
        %swap3A_436 = arith.constant 176 : index
        %swap3A_437 = tpu.vector_load %arg14[%swap3A_435, %swap3A_436] {strides = array<i32>} : memref<16x1024xf32, #tpu.memory_space<vmem>>, vector<1x16xf32>,
        %swap3A_438 = vector.shape_cast %swap3A_437 : vector<1x16xf32> to vector<16xf32>
        %swap3A_439 = vector.shape_cast %get3A_434 : vector<16xf32> to vector<1x16xf32>
        tpu.vector_store %arg14[%swap3A_435, %swap3A_436], %swap3A_439 {add = true, strides = array<i32>} : memref<16x1024xf32, #tpu.memory_space<vmem>>, vector<1x16xf32>,
        %get3A_440 = arith.index_cast %scan3A_332 : i32 to index
        %get3A_441 = arith.constant 192 : index
        %get3A_442 = tpu.vector_load %arg15[%get3A_440, %get3A_441] {strides = array<i32>} : memref<16x1024xf32, #tpu.memory_space<vmem>>, vector<1x16xf32>,
        %get3A_443 = vector.shape_cast %get3A_442 : vector<1x16xf32> to vector<16xf32>
        %swap3A_444 = arith.index_cast %scan3A_332 : i32 to index
        %swap3A_445 = arith.constant 192 : index
        %swap3A_446 = tpu.vector_load %arg14[%swap3A_444, %swap3A_445] {strides = array<i32>} : memref<16x1024xf32, #tpu.memory_space<vmem>>, vector<1x16xf32>,
        %swap3A_447 = vector.shape_cast %swap3A_446 : vector<1x16xf32> to vector<16xf32>
        %swap3A_448 = vector.shape_cast %get3A_443 : vector<16xf32> to vector<1x16xf32>
        tpu.vector_store %arg14[%swap3A_444, %swap3A_445], %swap3A_448 {add = true, strides = array<i32>} : memref<16x1024xf32, #tpu.memory_space<vmem>>, vector<1x16xf32>,
        %get3A_449 = arith.index_cast %scan3A_332 : i32 to index
        %get3A_450 = arith.constant 208 : index
        %get3A_451 = tpu.vector_load %arg15[%get3A_449, %get3A_450] {strides = array<i32>} : memref<16x1024xf32, #tpu.memory_space<vmem>>, vector<1x16xf32>,
        %get3A_452 = vector.shape_cast %get3A_451 : vector<1x16xf32> to vector<16xf32>
        %swap3A_453 = arith.index_cast %scan3A_332 : i32 to index
        %swap3A_454 = arith.constant 208 : index
        %swap3A_455 = tpu.vector_load %arg14[%swap3A_453, %swap3A_454] {strides = array<i32>} : memref<16x1024xf32, #tpu.memory_space<vmem>>, vector<1x16xf32>,
        %swap3A_456 = vector.shape_cast %swap3A_455 : vector<1x16xf32> to vector<16xf32>
        %swap3A_457 = vector.shape_cast %get3A_452 : vector<16xf32> to vector<1x16xf32>
        tpu.vector_store %arg14[%swap3A_453, %swap3A_454], %swap3A_457 {add = true, strides = array<i32>} : memref<16x1024xf32, #tpu.memory_space<vmem>>, vector<1x16xf32>,
        %get3A_458 = arith.index_cast %scan3A_332 : i32 to index
        %get3A_459 = arith.constant 224 : index
        %get3A_460 = tpu.vector_load %arg15[%get3A_458, %get3A_459] {strides = array<i32>} : memref<16x1024xf32, #tpu.memory_space<vmem>>, vector<1x16xf32>,
        %get3A_461 = vector.shape_cast %get3A_460 : vector<1x16xf32> to vector<16xf32>
        %swap3A_462 = arith.index_cast %scan3A_332 : i32 to index
        %swap3A_463 = arith.constant 224 : index
        %swap3A_464 = tpu.vector_load %arg14[%swap3A_462, %swap3A_463] {strides = array<i32>} : memref<16x1024xf32, #tpu.memory_space<vmem>>, vector<1x16xf32>,
        %swap3A_465 = vector.shape_cast %swap3A_464 : vector<1x16xf32> to vector<16xf32>
        %swap3A_466 = vector.shape_cast %get3A_461 : vector<16xf32> to vector<1x16xf32>
        tpu.vector_store %arg14[%swap3A_462, %swap3A_463], %swap3A_466 {add = true, strides = array<i32>} : memref<16x1024xf32, #tpu.memory_space<vmem>>, vector<1x16xf32>,
        %get3A_467 = arith.index_cast %scan3A_332 : i32 to index
        %get3A_468 = arith.constant 240 : index
        %get3A_469 = tpu.vector_load %arg15[%get3A_467, %get3A_468] {strides = array<i32>} : memref<16x1024xf32, #tpu.memory_space<vmem>>, vector<1x16xf32>,
        %get3A_470 = vector.shape_cast %get3A_469 : vector<1x16xf32> to vector<16xf32>
        %swap3A_471 = arith.index_cast %scan3A_332 : i32 to index
        %swap3A_472 = arith.constant 240 : index
        %swap3A_473 = tpu.vector_load %arg14[%swap3A_471, %swap3A_472] {strides = array<i32>} : memref<16x1024xf32, #tpu.memory_space<vmem>>, vector<1x16xf32>,
        %swap3A_474 = vector.shape_cast %swap3A_473 : vector<1x16xf32> to vector<16xf32>
        %swap3A_475 = vector.shape_cast %get3A_470 : vector<16xf32> to vector<1x16xf32>
        tpu.vector_store %arg14[%swap3A_471, %swap3A_472], %swap3A_475 {add = true, strides = array<i32>} : memref<16x1024xf32, #tpu.memory_space<vmem>>, vector<1x16xf32>,
        %get3A_476 = arith.index_cast %scan3A_332 : i32 to index
        %get3A_477 = arith.constant 256 : index
        %get3A_478 = tpu.vector_load %arg15[%get3A_476, %get3A_477] {strides = array<i32>} : memref<16x1024xf32, #tpu.memory_space<vmem>>, vector<1x16xf32>,
        %get3A_479 = vector.shape_cast %get3A_478 : vector<1x16xf32> to vector<16xf32>
        %swap3A_480 = arith.index_cast %scan3A_332 : i32 to index
        %swap3A_481 = arith.constant 256 : index
        %swap3A_482 = tpu.vector_load %arg14[%swap3A_480, %swap3A_481] {strides = array<i32>} : memref<16x1024xf32, #tpu.memory_space<vmem>>, vector<1x16xf32>,
        %swap3A_483 = vector.shape_cast %swap3A_482 : vector<1x16xf32> to vector<16xf32>
        %swap3A_484 = vector.shape_cast %get3A_479 : vector<16xf32> to vector<1x16xf32>
        tpu.vector_store %arg14[%swap3A_480, %swap3A_481], %swap3A_484 {add = true, strides = array<i32>} : memref<16x1024xf32, #tpu.memory_space<vmem>>, vector<1x16xf32>,
        %get3A_485 = arith.index_cast %scan3A_332 : i32 to index
        %get3A_486 = arith.constant 272 : index
        %get3A_487 = tpu.vector_load %arg15[%get3A_485, %get3A_486] {strides = array<i32>} : memref<16x1024xf32, #tpu.memory_space<vmem>>, vector<1x16xf32>,
        %get3A_488 = vector.shape_cast %get3A_487 : vector<1x16xf32> to vector<16xf32>
        %swap3A_489 = arith.index_cast %scan3A_332 : i32 to index
        %swap3A_490 = arith.constant 272 : index
        %swap3A_491 = tpu.vector_load %arg14[%swap3A_489, %swap3A_490] {strides = array<i32>} : memref<16x1024xf32, #tpu.memory_space<vmem>>, vector<1x16xf32>,
        %swap3A_492 = vector.shape_cast %swap3A_491 : vector<1x16xf32> to vector<16xf32>
        %swap3A_493 = vector.shape_cast %get3A_488 : vector<16xf32> to vector<1x16xf32>
        tpu.vector_store %arg14[%swap3A_489, %swap3A_490], %swap3A_493 {add = true, strides = array<i32>} : memref<16x1024xf32, #tpu.memory_space<vmem>>, vector<1x16xf32>,
        %get3A_494 = arith.index_cast %scan3A_332 : i32 to index
        %get3A_495 = arith.constant 288 : index
        %get3A_496 = tpu.vector_load %arg15[%get3A_494, %get3A_495] {strides = array<i32>} : memref<16x1024xf32, #tpu.memory_space<vmem>>, vector<1x16xf32>,
        %get3A_497 = vector.shape_cast %get3A_496 : vector<1x16xf32> to vector<16xf32>
        %swap3A_498 = arith.index_cast %scan3A_332 : i32 to index
        %swap3A_499 = arith.constant 288 : index
        %swap3A_500 = tpu.vector_load %arg14[%swap3A_498, %swap3A_499] {strides = array<i32>} : memref<16x1024xf32, #tpu.memory_space<vmem>>, vector<1x16xf32>,
        %swap3A_501 = vector.shape_cast %swap3A_500 : vector<1x16xf32> to vector<16xf32>
        %swap3A_502 = vector.shape_cast %get3A_497 : vector<16xf32> to vector<1x16xf32>
        tpu.vector_store %arg14[%swap3A_498, %swap3A_499], %swap3A_502 {add = true, strides = array<i32>} : memref<16x1024xf32, #tpu.memory_space<vmem>>, vector<1x16xf32>,
        %get3A_503 = arith.index_cast %scan3A_332 : i32 to index
        %get3A_504 = arith.constant 304 : index
        %get3A_505 = tpu.vector_load %arg15[%get3A_503, %get3A_504] {strides = array<i32>} : memref<16x1024xf32, #tpu.memory_space<vmem>>, vector<1x16xf32>,
        %get3A_506 = vector.shape_cast %get3A_505 : vector<1x16xf32> to vector<16xf32>
        %swap3A_507 = arith.index_cast %scan3A_332 : i32 to index
        %swap3A_508 = arith.constant 304 : index
        %swap3A_509 = tpu.vector_load %arg14[%swap3A_507, %swap3A_508] {strides = array<i32>} : memref<16x1024xf32, #tpu.memory_space<vmem>>, vector<1x16xf32>,
        %swap3A_510 = vector.shape_cast %swap3A_509 : vector<1x16xf32> to vector<16xf32>
        %swap3A_511 = vector.shape_cast %get3A_506 : vector<16xf32> to vector<1x16xf32>
        tpu.vector_store %arg14[%swap3A_507, %swap3A_508], %swap3A_511 {add = true, strides = array<i32>} : memref<16x1024xf32, #tpu.memory_space<vmem>>, vector<1x16xf32>,
        %get3A_512 = arith.index_cast %scan3A_332 : i32 to index
        %get3A_513 = arith.constant 320 : index
        %get3A_514 = tpu.vector_load %arg15[%get3A_512, %get3A_513] {strides = array<i32>} : memref<16x1024xf32, #tpu.memory_space<vmem>>, vector<1x16xf32>,
        %get3A_515 = vector.shape_cast %get3A_514 : vector<1x16xf32> to vector<16xf32>
        %swap3A_516 = arith.index_cast %scan3A_332 : i32 to index
        %swap3A_517 = arith.constant 320 : index
        %swap3A_518 = tpu.vector_load %arg14[%swap3A_516, %swap3A_517] {strides = array<i32>} : memref<16x1024xf32, #tpu.memory_space<vmem>>, vector<1x16xf32>,
        %swap3A_519 = vector.shape_cast %swap3A_518 : vector<1x16xf32> to vector<16xf32>
        %swap3A_520 = vector.shape_cast %get3A_515 : vector<16xf32> to vector<1x16xf32>
        tpu.vector_store %arg14[%swap3A_516, %swap3A_517], %swap3A_520 {add = true, strides = array<i32>} : memref<16x1024xf32, #tpu.memory_space<vmem>>, vector<1x16xf32>,
        %get3A_521 = arith.index_cast %scan3A_332 : i32 to index
        %get3A_522 = arith.constant 336 : index
        %get3A_523 = tpu.vector_load %arg15[%get3A_521, %get3A_522] {strides = array<i32>} : memref<16x1024xf32, #tpu.memory_space<vmem>>, vector<1x16xf32>,
        %get3A_524 = vector.shape_cast %get3A_523 : vector<1x16xf32> to vector<16xf32>
        %swap3A_525 = arith.index_cast %scan3A_332 : i32 to index
        %swap3A_526 = arith.constant 336 : index
        %swap3A_527 = tpu.vector_load %arg14[%swap3A_525, %swap3A_526] {strides = array<i32>} : memref<16x1024xf32, #tpu.memory_space<vmem>>, vector<1x16xf32>,
        %swap3A_528 = vector.shape_cast %swap3A_527 : vector<1x16xf32> to vector<16xf32>
        %swap3A_529 = vector.shape_cast %get3A_524 : vector<16xf32> to vector<1x16xf32>
        tpu.vector_store %arg14[%swap3A_525, %swap3A_526], %swap3A_529 {add = true, strides = array<i32>} : memref<16x1024xf32, #tpu.memory_space<vmem>>, vector<1x16xf32>,
        %get3A_530 = arith.index_cast %scan3A_332 : i32 to index
        %get3A_531 = arith.constant 352 : index
        %get3A_532 = tpu.vector_load %arg15[%get3A_530, %get3A_531] {strides = array<i32>} : memref<16x1024xf32, #tpu.memory_space<vmem>>, vector<1x16xf32>,
        %get3A_533 = vector.shape_cast %get3A_532 : vector<1x16xf32> to vector<16xf32>
        %swap3A_534 = arith.index_cast %scan3A_332 : i32 to index
        %swap3A_535 = arith.constant 352 : index
        %swap3A_536 = tpu.vector_load %arg14[%swap3A_534, %swap3A_535] {strides = array<i32>} : memref<16x1024xf32, #tpu.memory_space<vmem>>, vector<1x16xf32>,
        %swap3A_537 = vector.shape_cast %swap3A_536 : vector<1x16xf32> to vector<16xf32>
        %swap3A_538 = vector.shape_cast %get3A_533 : vector<16xf32> to vector<1x16xf32>
        tpu.vector_store %arg14[%swap3A_534, %swap3A_535], %swap3A_538 {add = true, strides = array<i32>} : memref<16x1024xf32, #tpu.memory_space<vmem>>, vector<1x16xf32>,
        %get3A_539 = arith.index_cast %scan3A_332 : i32 to index
        %get3A_540 = arith.constant 368 : index
        %get3A_541 = tpu.vector_load %arg15[%get3A_539, %get3A_540] {strides = array<i32>} : memref<16x1024xf32, #tpu.memory_space<vmem>>, vector<1x16xf32>,
        %get3A_542 = vector.shape_cast %get3A_541 : vector<1x16xf32> to vector<16xf32>
        %swap3A_543 = arith.index_cast %scan3A_332 : i32 to index
        %swap3A_544 = arith.constant 368 : index
        %swap3A_545 = tpu.vector_load %arg14[%swap3A_543, %swap3A_544] {strides = array<i32>} : memref<16x1024xf32, #tpu.memory_space<vmem>>, vector<1x16xf32>,
        %swap3A_546 = vector.shape_cast %swap3A_545 : vector<1x16xf32> to vector<16xf32>
        %swap3A_547 = vector.shape_cast %get3A_542 : vector<16xf32> to vector<1x16xf32>
        tpu.vector_store %arg14[%swap3A_543, %swap3A_544], %swap3A_547 {add = true, strides = array<i32>} : memref<16x1024xf32, #tpu.memory_space<vmem>>, vector<1x16xf32>,
        %get3A_548 = arith.index_cast %scan3A_332 : i32 to index
        %get3A_549 = arith.constant 384 : index
        %get3A_550 = tpu.vector_load %arg15[%get3A_548, %get3A_549] {strides = array<i32>} : memref<16x1024xf32, #tpu.memory_space<vmem>>, vector<1x16xf32>,
        %get3A_551 = vector.shape_cast %get3A_550 : vector<1x16xf32> to vector<16xf32>
        %swap3A_552 = arith.index_cast %scan3A_332 : i32 to index
        %swap3A_553 = arith.constant 384 : index
        %swap3A_554 = tpu.vector_load %arg14[%swap3A_552, %swap3A_553] {strides = array<i32>} : memref<16x1024xf32, #tpu.memory_space<vmem>>, vector<1x16xf32>,
        %swap3A_555 = vector.shape_cast %swap3A_554 : vector<1x16xf32> to vector<16xf32>
        %swap3A_556 = vector.shape_cast %get3A_551 : vector<16xf32> to vector<1x16xf32>
        tpu.vector_store %arg14[%swap3A_552, %swap3A_553], %swap3A_556 {add = true, strides = array<i32>} : memref<16x1024xf32, #tpu.memory_space<vmem>>, vector<1x16xf32>,
        %get3A_557 = arith.index_cast %scan3A_332 : i32 to index
        %get3A_558 = arith.constant 400 : index
        %get3A_559 = tpu.vector_load %arg15[%get3A_557, %get3A_558] {strides = array<i32>} : memref<16x1024xf32, #tpu.memory_space<vmem>>, vector<1x16xf32>,
        %get3A_560 = vector.shape_cast %get3A_559 : vector<1x16xf32> to vector<16xf32>
        %swap3A_561 = arith.index_cast %scan3A_332 : i32 to index
        %swap3A_562 = arith.constant 400 : index
        %swap3A_563 = tpu.vector_load %arg14[%swap3A_561, %swap3A_562] {strides = array<i32>} : memref<16x1024xf32, #tpu.memory_space<vmem>>, vector<1x16xf32>,
        %swap3A_564 = vector.shape_cast %swap3A_563 : vector<1x16xf32> to vector<16xf32>
        %swap3A_565 = vector.shape_cast %get3A_560 : vector<16xf32> to vector<1x16xf32>
        tpu.vector_store %arg14[%swap3A_561, %swap3A_562], %swap3A_565 {add = true, strides = array<i32>} : memref<16x1024xf32, #tpu.memory_space<vmem>>, vector<1x16xf32>,
        %get3A_566 = arith.index_cast %scan3A_332 : i32 to index
        %get3A_567 = arith.constant 416 : index
        %get3A_568 = tpu.vector_load %arg15[%get3A_566, %get3A_567] {strides = array<i32>} : memref<16x1024xf32, #tpu.memory_space<vmem>>, vector<1x16xf32>,
        %get3A_569 = vector.shape_cast %get3A_568 : vector<1x16xf32> to vector<16xf32>
        %swap3A_570 = arith.index_cast %scan3A_332 : i32 to index
        %swap3A_571 = arith.constant 416 : index
        %swap3A_572 = tpu.vector_load %arg14[%swap3A_570, %swap3A_571] {strides = array<i32>} : memref<16x1024xf32, #tpu.memory_space<vmem>>, vector<1x16xf32>,
        %swap3A_573 = vector.shape_cast %swap3A_572 : vector<1x16xf32> to vector<16xf32>
        %swap3A_574 = vector.shape_cast %get3A_569 : vector<16xf32> to vector<1x16xf32>
        tpu.vector_store %arg14[%swap3A_570, %swap3A_571], %swap3A_574 {add = true, strides = array<i32>} : memref<16x1024xf32, #tpu.memory_space<vmem>>, vector<1x16xf32>,
        %get3A_575 = arith.index_cast %scan3A_332 : i32 to index
        %get3A_576 = arith.constant 432 : index
        %get3A_577 = tpu.vector_load %arg15[%get3A_575, %get3A_576] {strides = array<i32>} : memref<16x1024xf32, #tpu.memory_space<vmem>>, vector<1x16xf32>,
        %get3A_578 = vector.shape_cast %get3A_577 : vector<1x16xf32> to vector<16xf32>
        %swap3A_579 = arith.index_cast %scan3A_332 : i32 to index
        %swap3A_580 = arith.constant 432 : index
        %swap3A_581 = tpu.vector_load %arg14[%swap3A_579, %swap3A_580] {strides = array<i32>} : memref<16x1024xf32, #tpu.memory_space<vmem>>, vector<1x16xf32>,
        %swap3A_582 = vector.shape_cast %swap3A_581 : vector<1x16xf32> to vector<16xf32>
        %swap3A_583 = vector.shape_cast %get3A_578 : vector<16xf32> to vector<1x16xf32>
        tpu.vector_store %arg14[%swap3A_579, %swap3A_580], %swap3A_583 {add = true, strides = array<i32>} : memref<16x1024xf32, #tpu.memory_space<vmem>>, vector<1x16xf32>,
        %get3A_584 = arith.index_cast %scan3A_332 : i32 to index
        %get3A_585 = arith.constant 448 : index
        %get3A_586 = tpu.vector_load %arg15[%get3A_584, %get3A_585] {strides = array<i32>} : memref<16x1024xf32, #tpu.memory_space<vmem>>, vector<1x16xf32>,
        %get3A_587 = vector.shape_cast %get3A_586 : vector<1x16xf32> to vector<16xf32>
        %swap3A_588 = arith.index_cast %scan3A_332 : i32 to index
        %swap3A_589 = arith.constant 448 : index
        %swap3A_590 = tpu.vector_load %arg14[%swap3A_588, %swap3A_589] {strides = array<i32>} : memref<16x1024xf32, #tpu.memory_space<vmem>>, vector<1x16xf32>,
        %swap3A_591 = vector.shape_cast %swap3A_590 : vector<1x16xf32> to vector<16xf32>
        %swap3A_592 = vector.shape_cast %get3A_587 : vector<16xf32> to vector<1x16xf32>
        tpu.vector_store %arg14[%swap3A_588, %swap3A_589], %swap3A_592 {add = true, strides = array<i32>} : memref<16x1024xf32, #tpu.memory_space<vmem>>, vector<1x16xf32>,
        %get3A_593 = arith.index_cast %scan3A_332 : i32 to index
        %get3A_594 = arith.constant 464 : index
        %get3A_595 = tpu.vector_load %arg15[%get3A_593, %get3A_594] {strides = array<i32>} : memref<16x1024xf32, #tpu.memory_space<vmem>>, vector<1x16xf32>,
        %get3A_596 = vector.shape_cast %get3A_595 : vector<1x16xf32> to vector<16xf32>
        %swap3A_597 = arith.index_cast %scan3A_332 : i32 to index
        %swap3A_598 = arith.constant 464 : index
        %swap3A_599 = tpu.vector_load %arg14[%swap3A_597, %swap3A_598] {strides = array<i32>} : memref<16x1024xf32, #tpu.memory_space<vmem>>, vector<1x16xf32>,
        %swap3A_600 = vector.shape_cast %swap3A_599 : vector<1x16xf32> to vector<16xf32>
        %swap3A_601 = vector.shape_cast %get3A_596 : vector<16xf32> to vector<1x16xf32>
        tpu.vector_store %arg14[%swap3A_597, %swap3A_598], %swap3A_601 {add = true, strides = array<i32>} : memref<16x1024xf32, #tpu.memory_space<vmem>>, vector<1x16xf32>,
        %get3A_602 = arith.index_cast %scan3A_332 : i32 to index
        %get3A_603 = arith.constant 480 : index
        %get3A_604 = tpu.vector_load %arg15[%get3A_602, %get3A_603] {strides = array<i32>} : memref<16x1024xf32, #tpu.memory_space<vmem>>, vector<1x16xf32>,
        %get3A_605 = vector.shape_cast %get3A_604 : vector<1x16xf32> to vector<16xf32>
        %swap3A_606 = arith.index_cast %scan3A_332 : i32 to index
        %swap3A_607 = arith.constant 480 : index
        %swap3A_608 = tpu.vector_load %arg14[%swap3A_606, %swap3A_607] {strides = array<i32>} : memref<16x1024xf32, #tpu.memory_space<vmem>>, vector<1x16xf32>,
        %swap3A_609 = vector.shape_cast %swap3A_608 : vector<1x16xf32> to vector<16xf32>
        %swap3A_610 = vector.shape_cast %get3A_605 : vector<16xf32> to vector<1x16xf32>
        tpu.vector_store %arg14[%swap3A_606, %swap3A_607], %swap3A_610 {add = true, strides = array<i32>} : memref<16x1024xf32, #tpu.memory_space<vmem>>, vector<1x16xf32>,
        %get3A_611 = arith.index_cast %scan3A_332 : i32 to index
        %get3A_612 = arith.constant 496 : index
        %get3A_613 = tpu.vector_load %arg15[%get3A_611, %get3A_612] {strides = array<i32>} : memref<16x1024xf32, #tpu.memory_space<vmem>>, vector<1x16xf32>,
        %get3A_614 = vector.shape_cast %get3A_613 : vector<1x16xf32> to vector<16xf32>
        %swap3A_615 = arith.index_cast %scan3A_332 : i32 to index
        %swap3A_616 = arith.constant 496 : index
        %swap3A_617 = tpu.vector_load %arg14[%swap3A_615, %swap3A_616] {strides = array<i32>} : memref<16x1024xf32, #tpu.memory_space<vmem>>, vector<1x16xf32>,
        %swap3A_618 = vector.shape_cast %swap3A_617 : vector<1x16xf32> to vector<16xf32>
        %swap3A_619 = vector.shape_cast %get3A_614 : vector<16xf32> to vector<1x16xf32>
        tpu.vector_store %arg14[%swap3A_615, %swap3A_616], %swap3A_619 {add = true, strides = array<i32>} : memref<16x1024xf32, #tpu.memory_space<vmem>>, vector<1x16xf32>,
        %get3A_620 = arith.index_cast %scan3A_332 : i32 to index
        %get3A_621 = arith.constant 512 : index
        %get3A_622 = tpu.vector_load %arg15[%get3A_620, %get3A_621] {strides = array<i32>} : memref<16x1024xf32, #tpu.memory_space<vmem>>, vector<1x16xf32>,
        %get3A_623 = vector.shape_cast %get3A_622 : vector<1x16xf32> to vector<16xf32>
        %swap3A_624 = arith.index_cast %scan3A_332 : i32 to index
        %swap3A_625 = arith.constant 512 : index
        %swap3A_626 = tpu.vector_load %arg14[%swap3A_624, %swap3A_625] {strides = array<i32>} : memref<16x1024xf32, #tpu.memory_space<vmem>>, vector<1x16xf32>,
        %swap3A_627 = vector.shape_cast %swap3A_626 : vector<1x16xf32> to vector<16xf32>
        %swap3A_628 = vector.shape_cast %get3A_623 : vector<16xf32> to vector<1x16xf32>
        tpu.vector_store %arg14[%swap3A_624, %swap3A_625], %swap3A_628 {add = true, strides = array<i32>} : memref<16x1024xf32, #tpu.memory_space<vmem>>, vector<1x16xf32>,
        %get3A_629 = arith.index_cast %scan3A_332 : i32 to index
        %get3A_630 = arith.constant 528 : index
        %get3A_631 = tpu.vector_load %arg15[%get3A_629, %get3A_630] {strides = array<i32>} : memref<16x1024xf32, #tpu.memory_space<vmem>>, vector<1x16xf32>,
        %get3A_632 = vector.shape_cast %get3A_631 : vector<1x16xf32> to vector<16xf32>
        %swap3A_633 = arith.index_cast %scan3A_332 : i32 to index
        %swap3A_634 = arith.constant 528 : index
        %swap3A_635 = tpu.vector_load %arg14[%swap3A_633, %swap3A_634] {strides = array<i32>} : memref<16x1024xf32, #tpu.memory_space<vmem>>, vector<1x16xf32>,
        %swap3A_636 = vector.shape_cast %swap3A_635 : vector<1x16xf32> to vector<16xf32>
        %swap3A_637 = vector.shape_cast %get3A_632 : vector<16xf32> to vector<1x16xf32>
        tpu.vector_store %arg14[%swap3A_633, %swap3A_634], %swap3A_637 {add = true, strides = array<i32>} : memref<16x1024xf32, #tpu.memory_space<vmem>>, vector<1x16xf32>,
        %get3A_638 = arith.index_cast %scan3A_332 : i32 to index
        %get3A_639 = arith.constant 544 : index
        %get3A_640 = tpu.vector_load %arg15[%get3A_638, %get3A_639] {strides = array<i32>} : memref<16x1024xf32, #tpu.memory_space<vmem>>, vector<1x16xf32>,
        %get3A_641 = vector.shape_cast %get3A_640 : vector<1x16xf32> to vector<16xf32>
        %swap3A_642 = arith.index_cast %scan3A_332 : i32 to index
        %swap3A_643 = arith.constant 544 : index
        %swap3A_644 = tpu.vector_load %arg14[%swap3A_642, %swap3A_643] {strides = array<i32>} : memref<16x1024xf32, #tpu.memory_space<vmem>>, vector<1x16xf32>,
        %swap3A_645 = vector.shape_cast %swap3A_644 : vector<1x16xf32> to vector<16xf32>
        %swap3A_646 = vector.shape_cast %get3A_641 : vector<16xf32> to vector<1x16xf32>
        tpu.vector_store %arg14[%swap3A_642, %swap3A_643], %swap3A_646 {add = true, strides = array<i32>} : memref<16x1024xf32, #tpu.memory_space<vmem>>, vector<1x16xf32>,
        %get3A_647 = arith.index_cast %scan3A_332 : i32 to index
        %get3A_648 = arith.constant 560 : index
        %get3A_649 = tpu.vector_load %arg15[%get3A_647, %get3A_648] {strides = array<i32>} : memref<16x1024xf32, #tpu.memory_space<vmem>>, vector<1x16xf32>,
        %get3A_650 = vector.shape_cast %get3A_649 : vector<1x16xf32> to vector<16xf32>
        %swap3A_651 = arith.index_cast %scan3A_332 : i32 to index
        %swap3A_652 = arith.constant 560 : index
        %swap3A_653 = tpu.vector_load %arg14[%swap3A_651, %swap3A_652] {strides = array<i32>} : memref<16x1024xf32, #tpu.memory_space<vmem>>, vector<1x16xf32>,
        %swap3A_654 = vector.shape_cast %swap3A_653 : vector<1x16xf32> to vector<16xf32>
        %swap3A_655 = vector.shape_cast %get3A_650 : vector<16xf32> to vector<1x16xf32>
        tpu.vector_store %arg14[%swap3A_651, %swap3A_652], %swap3A_655 {add = true, strides = array<i32>} : memref<16x1024xf32, #tpu.memory_space<vmem>>, vector<1x16xf32>,
        %get3A_656 = arith.index_cast %scan3A_332 : i32 to index
        %get3A_657 = arith.constant 576 : index
        %get3A_658 = tpu.vector_load %arg15[%get3A_656, %get3A_657] {strides = array<i32>} : memref<16x1024xf32, #tpu.memory_space<vmem>>, vector<1x16xf32>,
        %get3A_659 = vector.shape_cast %get3A_658 : vector<1x16xf32> to vector<16xf32>
        %swap3A_660 = arith.index_cast %scan3A_332 : i32 to index
        %swap3A_661 = arith.constant 576 : index
        %swap3A_662 = tpu.vector_load %arg14[%swap3A_660, %swap3A_661] {strides = array<i32>} : memref<16x1024xf32, #tpu.memory_space<vmem>>, vector<1x16xf32>,
        %swap3A_663 = vector.shape_cast %swap3A_662 : vector<1x16xf32> to vector<16xf32>
        %swap3A_664 = vector.shape_cast %get3A_659 : vector<16xf32> to vector<1x16xf32>
        tpu.vector_store %arg14[%swap3A_660, %swap3A_661], %swap3A_664 {add = true, strides = array<i32>} : memref<16x1024xf32, #tpu.memory_space<vmem>>, vector<1x16xf32>,
        %get3A_665 = arith.index_cast %scan3A_332 : i32 to index
        %get3A_666 = arith.constant 592 : index
        %get3A_667 = tpu.vector_load %arg15[%get3A_665, %get3A_666] {strides = array<i32>} : memref<16x1024xf32, #tpu.memory_space<vmem>>, vector<1x16xf32>,
        %get3A_668 = vector.shape_cast %get3A_667 : vector<1x16xf32> to vector<16xf32>
        %swap3A_669 = arith.index_cast %scan3A_332 : i32 to index
        %swap3A_670 = arith.constant 592 : index
        %swap3A_671 = tpu.vector_load %arg14[%swap3A_669, %swap3A_670] {strides = array<i32>} : memref<16x1024xf32, #tpu.memory_space<vmem>>, vector<1x16xf32>,
        %swap3A_672 = vector.shape_cast %swap3A_671 : vector<1x16xf32> to vector<16xf32>
        %swap3A_673 = vector.shape_cast %get3A_668 : vector<16xf32> to vector<1x16xf32>
        tpu.vector_store %arg14[%swap3A_669, %swap3A_670], %swap3A_673 {add = true, strides = array<i32>} : memref<16x1024xf32, #tpu.memory_space<vmem>>, vector<1x16xf32>,
        %get3A_674 = arith.index_cast %scan3A_332 : i32 to index
        %get3A_675 = arith.constant 608 : index
        %get3A_676 = tpu.vector_load %arg15[%get3A_674, %get3A_675] {strides = array<i32>} : memref<16x1024xf32, #tpu.memory_space<vmem>>, vector<1x16xf32>,
        %get3A_677 = vector.shape_cast %get3A_676 : vector<1x16xf32> to vector<16xf32>
        %swap3A_678 = arith.index_cast %scan3A_332 : i32 to index
        %swap3A_679 = arith.constant 608 : index
        %swap3A_680 = tpu.vector_load %arg14[%swap3A_678, %swap3A_679] {strides = array<i32>} : memref<16x1024xf32, #tpu.memory_space<vmem>>, vector<1x16xf32>,
        %swap3A_681 = vector.shape_cast %swap3A_680 : vector<1x16xf32> to vector<16xf32>
        %swap3A_682 = vector.shape_cast %get3A_677 : vector<16xf32> to vector<1x16xf32>
        tpu.vector_store %arg14[%swap3A_678, %swap3A_679], %swap3A_682 {add = true, strides = array<i32>} : memref<16x1024xf32, #tpu.memory_space<vmem>>, vector<1x16xf32>,
        %get3A_683 = arith.index_cast %scan3A_332 : i32 to index
        %get3A_684 = arith.constant 624 : index
        %get3A_685 = tpu.vector_load %arg15[%get3A_683, %get3A_684] {strides = array<i32>} : memref<16x1024xf32, #tpu.memory_space<vmem>>, vector<1x16xf32>,
        %get3A_686 = vector.shape_cast %get3A_685 : vector<1x16xf32> to vector<16xf32>
        %swap3A_687 = arith.index_cast %scan3A_332 : i32 to index
        %swap3A_688 = arith.constant 624 : index
        %swap3A_689 = tpu.vector_load %arg14[%swap3A_687, %swap3A_688] {strides = array<i32>} : memref<16x1024xf32, #tpu.memory_space<vmem>>, vector<1x16xf32>,
        %swap3A_690 = vector.shape_cast %swap3A_689 : vector<1x16xf32> to vector<16xf32>
        %swap3A_691 = vector.shape_cast %get3A_686 : vector<16xf32> to vector<1x16xf32>
        tpu.vector_store %arg14[%swap3A_687, %swap3A_688], %swap3A_691 {add = true, strides = array<i32>} : memref<16x1024xf32, #tpu.memory_space<vmem>>, vector<1x16xf32>,
        %get3A_692 = arith.index_cast %scan3A_332 : i32 to index
        %get3A_693 = arith.constant 640 : index
        %get3A_694 = tpu.vector_load %arg15[%get3A_692, %get3A_693] {strides = array<i32>} : memref<16x1024xf32, #tpu.memory_space<vmem>>, vector<1x16xf32>,
        %get3A_695 = vector.shape_cast %get3A_694 : vector<1x16xf32> to vector<16xf32>
        %swap3A_696 = arith.index_cast %scan3A_332 : i32 to index
        %swap3A_697 = arith.constant 640 : index
        %swap3A_698 = tpu.vector_load %arg14[%swap3A_696, %swap3A_697] {strides = array<i32>} : memref<16x1024xf32, #tpu.memory_space<vmem>>, vector<1x16xf32>,
        %swap3A_699 = vector.shape_cast %swap3A_698 : vector<1x16xf32> to vector<16xf32>
        %swap3A_700 = vector.shape_cast %get3A_695 : vector<16xf32> to vector<1x16xf32>
        tpu.vector_store %arg14[%swap3A_696, %swap3A_697], %swap3A_700 {add = true, strides = array<i32>} : memref<16x1024xf32, #tpu.memory_space<vmem>>, vector<1x16xf32>,
        %get3A_701 = arith.index_cast %scan3A_332 : i32 to index
        %get3A_702 = arith.constant 656 : index
        %get3A_703 = tpu.vector_load %arg15[%get3A_701, %get3A_702] {strides = array<i32>} : memref<16x1024xf32, #tpu.memory_space<vmem>>, vector<1x16xf32>,
        %get3A_704 = vector.shape_cast %get3A_703 : vector<1x16xf32> to vector<16xf32>
        %swap3A_705 = arith.index_cast %scan3A_332 : i32 to index
        %swap3A_706 = arith.constant 656 : index
        %swap3A_707 = tpu.vector_load %arg14[%swap3A_705, %swap3A_706] {strides = array<i32>} : memref<16x1024xf32, #tpu.memory_space<vmem>>, vector<1x16xf32>,
        %swap3A_708 = vector.shape_cast %swap3A_707 : vector<1x16xf32> to vector<16xf32>
        %swap3A_709 = vector.shape_cast %get3A_704 : vector<16xf32> to vector<1x16xf32>
        tpu.vector_store %arg14[%swap3A_705, %swap3A_706], %swap3A_709 {add = true, strides = array<i32>} : memref<16x1024xf32, #tpu.memory_space<vmem>>, vector<1x16xf32>,
        %get3A_710 = arith.index_cast %scan3A_332 : i32 to index
        %get3A_711 = arith.constant 672 : index
        %get3A_712 = tpu.vector_load %arg15[%get3A_710, %get3A_711] {strides = array<i32>} : memref<16x1024xf32, #tpu.memory_space<vmem>>, vector<1x16xf32>,
        %get3A_713 = vector.shape_cast %get3A_712 : vector<1x16xf32> to vector<16xf32>
        %swap3A_714 = arith.index_cast %scan3A_332 : i32 to index
        %swap3A_715 = arith.constant 672 : index
        %swap3A_716 = tpu.vector_load %arg14[%swap3A_714, %swap3A_715] {strides = array<i32>} : memref<16x1024xf32, #tpu.memory_space<vmem>>, vector<1x16xf32>,
        %swap3A_717 = vector.shape_cast %swap3A_716 : vector<1x16xf32> to vector<16xf32>
        %swap3A_718 = vector.shape_cast %get3A_713 : vector<16xf32> to vector<1x16xf32>
        tpu.vector_store %arg14[%swap3A_714, %swap3A_715], %swap3A_718 {add = true, strides = array<i32>} : memref<16x1024xf32, #tpu.memory_space<vmem>>, vector<1x16xf32>,
        %get3A_719 = arith.index_cast %scan3A_332 : i32 to index
        %get3A_720 = arith.constant 688 : index
        %get3A_721 = tpu.vector_load %arg15[%get3A_719, %get3A_720] {strides = array<i32>} : memref<16x1024xf32, #tpu.memory_space<vmem>>, vector<1x16xf32>,
        %get3A_722 = vector.shape_cast %get3A_721 : vector<1x16xf32> to vector<16xf32>
        %swap3A_723 = arith.index_cast %scan3A_332 : i32 to index
        %swap3A_724 = arith.constant 688 : index
        %swap3A_725 = tpu.vector_load %arg14[%swap3A_723, %swap3A_724] {strides = array<i32>} : memref<16x1024xf32, #tpu.memory_space<vmem>>, vector<1x16xf32>,
        %swap3A_726 = vector.shape_cast %swap3A_725 : vector<1x16xf32> to vector<16xf32>
        %swap3A_727 = vector.shape_cast %get3A_722 : vector<16xf32> to vector<1x16xf32>
        tpu.vector_store %arg14[%swap3A_723, %swap3A_724], %swap3A_727 {add = true, strides = array<i32>} : memref<16x1024xf32, #tpu.memory_space<vmem>>, vector<1x16xf32>,
        %get3A_728 = arith.index_cast %scan3A_332 : i32 to index
        %get3A_729 = arith.constant 704 : index
        %get3A_730 = tpu.vector_load %arg15[%get3A_728, %get3A_729] {strides = array<i32>} : memref<16x1024xf32, #tpu.memory_space<vmem>>, vector<1x16xf32>,
        %get3A_731 = vector.shape_cast %get3A_730 : vector<1x16xf32> to vector<16xf32>
        %swap3A_732 = arith.index_cast %scan3A_332 : i32 to index
        %swap3A_733 = arith.constant 704 : index
        %swap3A_734 = tpu.vector_load %arg14[%swap3A_732, %swap3A_733] {strides = array<i32>} : memref<16x1024xf32, #tpu.memory_space<vmem>>, vector<1x16xf32>,
        %swap3A_735 = vector.shape_cast %swap3A_734 : vector<1x16xf32> to vector<16xf32>
        %swap3A_736 = vector.shape_cast %get3A_731 : vector<16xf32> to vector<1x16xf32>
        tpu.vector_store %arg14[%swap3A_732, %swap3A_733], %swap3A_736 {add = true, strides = array<i32>} : memref<16x1024xf32, #tpu.memory_space<vmem>>, vector<1x16xf32>,
        %get3A_737 = arith.index_cast %scan3A_332 : i32 to index
        %get3A_738 = arith.constant 720 : index
        %get3A_739 = tpu.vector_load %arg15[%get3A_737, %get3A_738] {strides = array<i32>} : memref<16x1024xf32, #tpu.memory_space<vmem>>, vector<1x16xf32>,
        %get3A_740 = vector.shape_cast %get3A_739 : vector<1x16xf32> to vector<16xf32>
        %swap3A_741 = arith.index_cast %scan3A_332 : i32 to index
        %swap3A_742 = arith.constant 720 : index
        %swap3A_743 = tpu.vector_load %arg14[%swap3A_741, %swap3A_742] {strides = array<i32>} : memref<16x1024xf32, #tpu.memory_space<vmem>>, vector<1x16xf32>,
        %swap3A_744 = vector.shape_cast %swap3A_743 : vector<1x16xf32> to vector<16xf32>
        %swap3A_745 = vector.shape_cast %get3A_740 : vector<16xf32> to vector<1x16xf32>
        tpu.vector_store %arg14[%swap3A_741, %swap3A_742], %swap3A_745 {add = true, strides = array<i32>} : memref<16x1024xf32, #tpu.memory_space<vmem>>, vector<1x16xf32>,
        %get3A_746 = arith.index_cast %scan3A_332 : i32 to index
        %get3A_747 = arith.constant 736 : index
        %get3A_748 = tpu.vector_load %arg15[%get3A_746, %get3A_747] {strides = array<i32>} : memref<16x1024xf32, #tpu.memory_space<vmem>>, vector<1x16xf32>,
        %get3A_749 = vector.shape_cast %get3A_748 : vector<1x16xf32> to vector<16xf32>
        %swap3A_750 = arith.index_cast %scan3A_332 : i32 to index
        %swap3A_751 = arith.constant 736 : index
        %swap3A_752 = tpu.vector_load %arg14[%swap3A_750, %swap3A_751] {strides = array<i32>} : memref<16x1024xf32, #tpu.memory_space<vmem>>, vector<1x16xf32>,
        %swap3A_753 = vector.shape_cast %swap3A_752 : vector<1x16xf32> to vector<16xf32>
        %swap3A_754 = vector.shape_cast %get3A_749 : vector<16xf32> to vector<1x16xf32>
        tpu.vector_store %arg14[%swap3A_750, %swap3A_751], %swap3A_754 {add = true, strides = array<i32>} : memref<16x1024xf32, #tpu.memory_space<vmem>>, vector<1x16xf32>,
        %get3A_755 = arith.index_cast %scan3A_332 : i32 to index
        %get3A_756 = arith.constant 752 : index
        %get3A_757 = tpu.vector_load %arg15[%get3A_755, %get3A_756] {strides = array<i32>} : memref<16x1024xf32, #tpu.memory_space<vmem>>, vector<1x16xf32>,
        %get3A_758 = vector.shape_cast %get3A_757 : vector<1x16xf32> to vector<16xf32>
        %swap3A_759 = arith.index_cast %scan3A_332 : i32 to index
        %swap3A_760 = arith.constant 752 : index
        %swap3A_761 = tpu.vector_load %arg14[%swap3A_759, %swap3A_760] {strides = array<i32>} : memref<16x1024xf32, #tpu.memory_space<vmem>>, vector<1x16xf32>,
        %swap3A_762 = vector.shape_cast %swap3A_761 : vector<1x16xf32> to vector<16xf32>
        %swap3A_763 = vector.shape_cast %get3A_758 : vector<16xf32> to vector<1x16xf32>
        tpu.vector_store %arg14[%swap3A_759, %swap3A_760], %swap3A_763 {add = true, strides = array<i32>} : memref<16x1024xf32, #tpu.memory_space<vmem>>, vector<1x16xf32>,
        %get3A_764 = arith.index_cast %scan3A_332 : i32 to index
        %get3A_765 = arith.constant 768 : index
        %get3A_766 = tpu.vector_load %arg15[%get3A_764, %get3A_765] {strides = array<i32>} : memref<16x1024xf32, #tpu.memory_space<vmem>>, vector<1x16xf32>,
        %get3A_767 = vector.shape_cast %get3A_766 : vector<1x16xf32> to vector<16xf32>
        %swap3A_768 = arith.index_cast %scan3A_332 : i32 to index
        %swap3A_769 = arith.constant 768 : index
        %swap3A_770 = tpu.vector_load %arg14[%swap3A_768, %swap3A_769] {strides = array<i32>} : memref<16x1024xf32, #tpu.memory_space<vmem>>, vector<1x16xf32>,
        %swap3A_771 = vector.shape_cast %swap3A_770 : vector<1x16xf32> to vector<16xf32>
        %swap3A_772 = vector.shape_cast %get3A_767 : vector<16xf32> to vector<1x16xf32>
        tpu.vector_store %arg14[%swap3A_768, %swap3A_769], %swap3A_772 {add = true, strides = array<i32>} : memref<16x1024xf32, #tpu.memory_space<vmem>>, vector<1x16xf32>,
        %get3A_773 = arith.index_cast %scan3A_332 : i32 to index
        %get3A_774 = arith.constant 784 : index
        %get3A_775 = tpu.vector_load %arg15[%get3A_773, %get3A_774] {strides = array<i32>} : memref<16x1024xf32, #tpu.memory_space<vmem>>, vector<1x16xf32>,
        %get3A_776 = vector.shape_cast %get3A_775 : vector<1x16xf32> to vector<16xf32>
        %swap3A_777 = arith.index_cast %scan3A_332 : i32 to index
        %swap3A_778 = arith.constant 784 : index
        %swap3A_779 = tpu.vector_load %arg14[%swap3A_777, %swap3A_778] {strides = array<i32>} : memref<16x1024xf32, #tpu.memory_space<vmem>>, vector<1x16xf32>,
        %swap3A_780 = vector.shape_cast %swap3A_779 : vector<1x16xf32> to vector<16xf32>
        %swap3A_781 = vector.shape_cast %get3A_776 : vector<16xf32> to vector<1x16xf32>
        tpu.vector_store %arg14[%swap3A_777, %swap3A_778], %swap3A_781 {add = true, strides = array<i32>} : memref<16x1024xf32, #tpu.memory_space<vmem>>, vector<1x16xf32>,
        %get3A_782 = arith.index_cast %scan3A_332 : i32 to index
        %get3A_783 = arith.constant 800 : index
        %get3A_784 = tpu.vector_load %arg15[%get3A_782, %get3A_783] {strides = array<i32>} : memref<16x1024xf32, #tpu.memory_space<vmem>>, vector<1x16xf32>,
        %get3A_785 = vector.shape_cast %get3A_784 : vector<1x16xf32> to vector<16xf32>
        %swap3A_786 = arith.index_cast %scan3A_332 : i32 to index
        %swap3A_787 = arith.constant 800 : index
        %swap3A_788 = tpu.vector_load %arg14[%swap3A_786, %swap3A_787] {strides = array<i32>} : memref<16x1024xf32, #tpu.memory_space<vmem>>, vector<1x16xf32>,
        %swap3A_789 = vector.shape_cast %swap3A_788 : vector<1x16xf32> to vector<16xf32>
        %swap3A_790 = vector.shape_cast %get3A_785 : vector<16xf32> to vector<1x16xf32>
        tpu.vector_store %arg14[%swap3A_786, %swap3A_787], %swap3A_790 {add = true, strides = array<i32>} : memref<16x1024xf32, #tpu.memory_space<vmem>>, vector<1x16xf32>,
        %get3A_791 = arith.index_cast %scan3A_332 : i32 to index
        %get3A_792 = arith.constant 816 : index
        %get3A_793 = tpu.vector_load %arg15[%get3A_791, %get3A_792] {strides = array<i32>} : memref<16x1024xf32, #tpu.memory_space<vmem>>, vector<1x16xf32>,
        %get3A_794 = vector.shape_cast %get3A_793 : vector<1x16xf32> to vector<16xf32>
        %swap3A_795 = arith.index_cast %scan3A_332 : i32 to index
        %swap3A_796 = arith.constant 816 : index
        %swap3A_797 = tpu.vector_load %arg14[%swap3A_795, %swap3A_796] {strides = array<i32>} : memref<16x1024xf32, #tpu.memory_space<vmem>>, vector<1x16xf32>,
        %swap3A_798 = vector.shape_cast %swap3A_797 : vector<1x16xf32> to vector<16xf32>
        %swap3A_799 = vector.shape_cast %get3A_794 : vector<16xf32> to vector<1x16xf32>
        tpu.vector_store %arg14[%swap3A_795, %swap3A_796], %swap3A_799 {add = true, strides = array<i32>} : memref<16x1024xf32, #tpu.memory_space<vmem>>, vector<1x16xf32>,
        %get3A_800 = arith.index_cast %scan3A_332 : i32 to index
        %get3A_801 = arith.constant 832 : index
        %get3A_802 = tpu.vector_load %arg15[%get3A_800, %get3A_801] {strides = array<i32>} : memref<16x1024xf32, #tpu.memory_space<vmem>>, vector<1x16xf32>,
        %get3A_803 = vector.shape_cast %get3A_802 : vector<1x16xf32> to vector<16xf32>
        %swap3A_804 = arith.index_cast %scan3A_332 : i32 to index
        %swap3A_805 = arith.constant 832 : index
        %swap3A_806 = tpu.vector_load %arg14[%swap3A_804, %swap3A_805] {strides = array<i32>} : memref<16x1024xf32, #tpu.memory_space<vmem>>, vector<1x16xf32>,
        %swap3A_807 = vector.shape_cast %swap3A_806 : vector<1x16xf32> to vector<16xf32>
        %swap3A_808 = vector.shape_cast %get3A_803 : vector<16xf32> to vector<1x16xf32>
        tpu.vector_store %arg14[%swap3A_804, %swap3A_805], %swap3A_808 {add = true, strides = array<i32>} : memref<16x1024xf32, #tpu.memory_space<vmem>>, vector<1x16xf32>,
        %get3A_809 = arith.index_cast %scan3A_332 : i32 to index
        %get3A_810 = arith.constant 848 : index
        %get3A_811 = tpu.vector_load %arg15[%get3A_809, %get3A_810] {strides = array<i32>} : memref<16x1024xf32, #tpu.memory_space<vmem>>, vector<1x16xf32>,
        %get3A_812 = vector.shape_cast %get3A_811 : vector<1x16xf32> to vector<16xf32>
        %swap3A_813 = arith.index_cast %scan3A_332 : i32 to index
        %swap3A_814 = arith.constant 848 : index
        %swap3A_815 = tpu.vector_load %arg14[%swap3A_813, %swap3A_814] {strides = array<i32>} : memref<16x1024xf32, #tpu.memory_space<vmem>>, vector<1x16xf32>,
        %swap3A_816 = vector.shape_cast %swap3A_815 : vector<1x16xf32> to vector<16xf32>
        %swap3A_817 = vector.shape_cast %get3A_812 : vector<16xf32> to vector<1x16xf32>
        tpu.vector_store %arg14[%swap3A_813, %swap3A_814], %swap3A_817 {add = true, strides = array<i32>} : memref<16x1024xf32, #tpu.memory_space<vmem>>, vector<1x16xf32>,
        %get3A_818 = arith.index_cast %scan3A_332 : i32 to index
        %get3A_819 = arith.constant 864 : index
        %get3A_820 = tpu.vector_load %arg15[%get3A_818, %get3A_819] {strides = array<i32>} : memref<16x1024xf32, #tpu.memory_space<vmem>>, vector<1x16xf32>,
        %get3A_821 = vector.shape_cast %get3A_820 : vector<1x16xf32> to vector<16xf32>
        %swap3A_822 = arith.index_cast %scan3A_332 : i32 to index
        %swap3A_823 = arith.constant 864 : index
        %swap3A_824 = tpu.vector_load %arg14[%swap3A_822, %swap3A_823] {strides = array<i32>} : memref<16x1024xf32, #tpu.memory_space<vmem>>, vector<1x16xf32>,
        %swap3A_825 = vector.shape_cast %swap3A_824 : vector<1x16xf32> to vector<16xf32>
        %swap3A_826 = vector.shape_cast %get3A_821 : vector<16xf32> to vector<1x16xf32>
        tpu.vector_store %arg14[%swap3A_822, %swap3A_823], %swap3A_826 {add = true, strides = array<i32>} : memref<16x1024xf32, #tpu.memory_space<vmem>>, vector<1x16xf32>,
        %get3A_827 = arith.index_cast %scan3A_332 : i32 to index
        %get3A_828 = arith.constant 880 : index
        %get3A_829 = tpu.vector_load %arg15[%get3A_827, %get3A_828] {strides = array<i32>} : memref<16x1024xf32, #tpu.memory_space<vmem>>, vector<1x16xf32>,
        %get3A_830 = vector.shape_cast %get3A_829 : vector<1x16xf32> to vector<16xf32>
        %swap3A_831 = arith.index_cast %scan3A_332 : i32 to index
        %swap3A_832 = arith.constant 880 : index
        %swap3A_833 = tpu.vector_load %arg14[%swap3A_831, %swap3A_832] {strides = array<i32>} : memref<16x1024xf32, #tpu.memory_space<vmem>>, vector<1x16xf32>,
        %swap3A_834 = vector.shape_cast %swap3A_833 : vector<1x16xf32> to vector<16xf32>
        %swap3A_835 = vector.shape_cast %get3A_830 : vector<16xf32> to vector<1x16xf32>
        tpu.vector_store %arg14[%swap3A_831, %swap3A_832], %swap3A_835 {add = true, strides = array<i32>} : memref<16x1024xf32, #tpu.memory_space<vmem>>, vector<1x16xf32>,
        %get3A_836 = arith.index_cast %scan3A_332 : i32 to index
        %get3A_837 = arith.constant 896 : index
        %get3A_838 = tpu.vector_load %arg15[%get3A_836, %get3A_837] {strides = array<i32>} : memref<16x1024xf32, #tpu.memory_space<vmem>>, vector<1x16xf32>,
        %get3A_839 = vector.shape_cast %get3A_838 : vector<1x16xf32> to vector<16xf32>
        %swap3A_840 = arith.index_cast %scan3A_332 : i32 to index
        %swap3A_841 = arith.constant 896 : index
        %swap3A_842 = tpu.vector_load %arg14[%swap3A_840, %swap3A_841] {strides = array<i32>} : memref<16x1024xf32, #tpu.memory_space<vmem>>, vector<1x16xf32>,
        %swap3A_843 = vector.shape_cast %swap3A_842 : vector<1x16xf32> to vector<16xf32>
        %swap3A_844 = vector.shape_cast %get3A_839 : vector<16xf32> to vector<1x16xf32>
        tpu.vector_store %arg14[%swap3A_840, %swap3A_841], %swap3A_844 {add = true, strides = array<i32>} : memref<16x1024xf32, #tpu.memory_space<vmem>>, vector<1x16xf32>,
        %get3A_845 = arith.index_cast %scan3A_332 : i32 to index
        %get3A_846 = arith.constant 912 : index
        %get3A_847 = tpu.vector_load %arg15[%get3A_845, %get3A_846] {strides = array<i32>} : memref<16x1024xf32, #tpu.memory_space<vmem>>, vector<1x16xf32>,
        %get3A_848 = vector.shape_cast %get3A_847 : vector<1x16xf32> to vector<16xf32>
        %swap3A_849 = arith.index_cast %scan3A_332 : i32 to index
        %swap3A_850 = arith.constant 912 : index
        %swap3A_851 = tpu.vector_load %arg14[%swap3A_849, %swap3A_850] {strides = array<i32>} : memref<16x1024xf32, #tpu.memory_space<vmem>>, vector<1x16xf32>,
        %swap3A_852 = vector.shape_cast %swap3A_851 : vector<1x16xf32> to vector<16xf32>
        %swap3A_853 = vector.shape_cast %get3A_848 : vector<16xf32> to vector<1x16xf32>
        tpu.vector_store %arg14[%swap3A_849, %swap3A_850], %swap3A_853 {add = true, strides = array<i32>} : memref<16x1024xf32, #tpu.memory_space<vmem>>, vector<1x16xf32>,
        %get3A_854 = arith.index_cast %scan3A_332 : i32 to index
        %get3A_855 = arith.constant 928 : index
        %get3A_856 = tpu.vector_load %arg15[%get3A_854, %get3A_855] {strides = array<i32>} : memref<16x1024xf32, #tpu.memory_space<vmem>>, vector<1x16xf32>,
        %get3A_857 = vector.shape_cast %get3A_856 : vector<1x16xf32> to vector<16xf32>
        %swap3A_858 = arith.index_cast %scan3A_332 : i32 to index
        %swap3A_859 = arith.constant 928 : index
        %swap3A_860 = tpu.vector_load %arg14[%swap3A_858, %swap3A_859] {strides = array<i32>} : memref<16x1024xf32, #tpu.memory_space<vmem>>, vector<1x16xf32>,
        %swap3A_861 = vector.shape_cast %swap3A_860 : vector<1x16xf32> to vector<16xf32>
        %swap3A_862 = vector.shape_cast %get3A_857 : vector<16xf32> to vector<1x16xf32>
        tpu.vector_store %arg14[%swap3A_858, %swap3A_859], %swap3A_862 {add = true, strides = array<i32>} : memref<16x1024xf32, #tpu.memory_space<vmem>>, vector<1x16xf32>,
        %get3A_863 = arith.index_cast %scan3A_332 : i32 to index
        %get3A_864 = arith.constant 944 : index
        %get3A_865 = tpu.vector_load %arg15[%get3A_863, %get3A_864] {strides = array<i32>} : memref<16x1024xf32, #tpu.memory_space<vmem>>, vector<1x16xf32>,
        %get3A_866 = vector.shape_cast %get3A_865 : vector<1x16xf32> to vector<16xf32>
        %swap3A_867 = arith.index_cast %scan3A_332 : i32 to index
        %swap3A_868 = arith.constant 944 : index
        %swap3A_869 = tpu.vector_load %arg14[%swap3A_867, %swap3A_868] {strides = array<i32>} : memref<16x1024xf32, #tpu.memory_space<vmem>>, vector<1x16xf32>,
        %swap3A_870 = vector.shape_cast %swap3A_869 : vector<1x16xf32> to vector<16xf32>
        %swap3A_871 = vector.shape_cast %get3A_866 : vector<16xf32> to vector<1x16xf32>
        tpu.vector_store %arg14[%swap3A_867, %swap3A_868], %swap3A_871 {add = true, strides = array<i32>} : memref<16x1024xf32, #tpu.memory_space<vmem>>, vector<1x16xf32>,
        %get3A_872 = arith.index_cast %scan3A_332 : i32 to index
        %get3A_873 = arith.constant 960 : index
        %get3A_874 = tpu.vector_load %arg15[%get3A_872, %get3A_873] {strides = array<i32>} : memref<16x1024xf32, #tpu.memory_space<vmem>>, vector<1x16xf32>,
        %get3A_875 = vector.shape_cast %get3A_874 : vector<1x16xf32> to vector<16xf32>
        %swap3A_876 = arith.index_cast %scan3A_332 : i32 to index
        %swap3A_877 = arith.constant 960 : index
        %swap3A_878 = tpu.vector_load %arg14[%swap3A_876, %swap3A_877] {strides = array<i32>} : memref<16x1024xf32, #tpu.memory_space<vmem>>, vector<1x16xf32>,
        %swap3A_879 = vector.shape_cast %swap3A_878 : vector<1x16xf32> to vector<16xf32>
        %swap3A_880 = vector.shape_cast %get3A_875 : vector<16xf32> to vector<1x16xf32>
        tpu.vector_store %arg14[%swap3A_876, %swap3A_877], %swap3A_880 {add = true, strides = array<i32>} : memref<16x1024xf32, #tpu.memory_space<vmem>>, vector<1x16xf32>,
        %get3A_881 = arith.index_cast %scan3A_332 : i32 to index
        %get3A_882 = arith.constant 976 : index
        %get3A_883 = tpu.vector_load %arg15[%get3A_881, %get3A_882] {strides = array<i32>} : memref<16x1024xf32, #tpu.memory_space<vmem>>, vector<1x16xf32>,
        %get3A_884 = vector.shape_cast %get3A_883 : vector<1x16xf32> to vector<16xf32>
        %swap3A_885 = arith.index_cast %scan3A_332 : i32 to index
        %swap3A_886 = arith.constant 976 : index
        %swap3A_887 = tpu.vector_load %arg14[%swap3A_885, %swap3A_886] {strides = array<i32>} : memref<16x1024xf32, #tpu.memory_space<vmem>>, vector<1x16xf32>,
        %swap3A_888 = vector.shape_cast %swap3A_887 : vector<1x16xf32> to vector<16xf32>
        %swap3A_889 = vector.shape_cast %get3A_884 : vector<16xf32> to vector<1x16xf32>
        tpu.vector_store %arg14[%swap3A_885, %swap3A_886], %swap3A_889 {add = true, strides = array<i32>} : memref<16x1024xf32, #tpu.memory_space<vmem>>, vector<1x16xf32>,
        %get3A_890 = arith.index_cast %scan3A_332 : i32 to index
        %get3A_891 = arith.constant 992 : index
        %get3A_892 = tpu.vector_load %arg15[%get3A_890, %get3A_891] {strides = array<i32>} : memref<16x1024xf32, #tpu.memory_space<vmem>>, vector<1x16xf32>,
        %get3A_893 = vector.shape_cast %get3A_892 : vector<1x16xf32> to vector<16xf32>
        %swap3A_894 = arith.index_cast %scan3A_332 : i32 to index
        %swap3A_895 = arith.constant 992 : index
        %swap3A_896 = tpu.vector_load %arg14[%swap3A_894, %swap3A_895] {strides = array<i32>} : memref<16x1024xf32, #tpu.memory_space<vmem>>, vector<1x16xf32>,
        %swap3A_897 = vector.shape_cast %swap3A_896 : vector<1x16xf32> to vector<16xf32>
        %swap3A_898 = vector.shape_cast %get3A_893 : vector<16xf32> to vector<1x16xf32>
        tpu.vector_store %arg14[%swap3A_894, %swap3A_895], %swap3A_898 {add = true, strides = array<i32>} : memref<16x1024xf32, #tpu.memory_space<vmem>>, vector<1x16xf32>,
        %get3A_899 = arith.index_cast %scan3A_332 : i32 to index
        %get3A_900 = arith.constant 1008 : index
        %get3A_901 = tpu.vector_load %arg15[%get3A_899, %get3A_900] {strides = array<i32>} : memref<16x1024xf32, #tpu.memory_space<vmem>>, vector<1x16xf32>,
        %get3A_902 = vector.shape_cast %get3A_901 : vector<1x16xf32> to vector<16xf32>
        %swap3A_903 = arith.index_cast %scan3A_332 : i32 to index
        %swap3A_904 = arith.constant 1008 : index
        %swap3A_905 = tpu.vector_load %arg14[%swap3A_903, %swap3A_904] {strides = array<i32>} : memref<16x1024xf32, #tpu.memory_space<vmem>>, vector<1x16xf32>,
        %swap3A_906 = vector.shape_cast %swap3A_905 : vector<1x16xf32> to vector<16xf32>
        %swap3A_907 = vector.shape_cast %get3A_902 : vector<16xf32> to vector<1x16xf32>
        tpu.vector_store %arg14[%swap3A_903, %swap3A_904], %swap3A_907 {add = true, strides = array<i32>} : memref<16x1024xf32, #tpu.memory_space<vmem>>, vector<1x16xf32>,
        %scan3A_908 = arith.constant 0 : i32
        scf.yield %scan3A_908 : i32
      }
      %scan3A_315 = arith.constant 16 : i32
      %mul3A_316 = arith.constant 16 : i32
      %mul3A_317 = arith.muli %add3A_289, %mul3A_316 : i32
      %add3A_318 = vector.broadcast %mul3A_317 : i32 to vector<16xi32>
      %add3A_319 = arith.addi %add3A_318, %iota3A : vector<16xi32>
      %mul3A_320 = arith.constant 16 : i32
      %mul3A_321 = vector.broadcast %mul3A_320 : i32 to vector<16xi32>
      %mul3A_322 = arith.muli %add3A_319, %mul3A_321 : vector<16xi32>
      %add3A_323 = vector.broadcast %add3A_37 : i32 to vector<16xi32>
      %add3A_324 = arith.addi %add3A_323, %mul3A_322 : vector<16xi32>
      %dma_start3A_325 = arith.constant 0 : i32
      %dma_start3A_326 = arith.constant 0 : i32
      %dma_start3A_327 = tpu.memref_slice %arg6[%dma_start3A_325, %dma_start3A_326] : memref<16400x1024xf32, #tpu.memory_space<hbm>> -> memref<16400x1024xf32, #tpu.memory_space<hbm>>
      tpu.enqueue_indirect_dma source(%arg14 : memref<16x1024xf32, #tpu.memory_space<vmem>>) target(%dma_start3A_327 : memref<16400x1024xf32, #tpu.memory_space<hbm>>) offsets(%add3A_324 : vector<16xi32>) semaphore(%arg23 : memref<!tpu.dma_semaphore, #tpu.memory_space<semaphore_mem>>)
      %dma_wait3A_328 = arith.constant 0 : i32
      %dma_wait3A_329 = arith.constant 0 : i32
      %dma_wait3A_330 = tpu.memref_slice %arg6[%dma_wait3A_328, %dma_wait3A_329] : memref<16400x1024xf32, #tpu.memory_space<hbm>> -> memref<16400x1024xf32, #tpu.memory_space<hbm>>
      tpu.wait_indirect_dma semaphore(%arg23 : memref<!tpu.dma_semaphore, #tpu.memory_space<semaphore_mem>>) src(%arg14 : memref<16x1024xf32, #tpu.memory_space<vmem>>) dst(%dma_wait3A_330 : memref<16400x1024xf32, #tpu.memory_space<hbm>>)
      %scan3A_331 = arith.constant 0 : i32
      scf.yield %scan3A_331 : i32
    }
    %scan3A_129 = arith.constant 10 : i32
    %dma_wait3A = arith.constant 480 : i32
    %dma_wait3A_130 = tpu.memref_slice %arg8[%dma_wait3A] : memref<512xi32, #tpu.memory_space<vmem>> -> memref<16xi32, #tpu.memory_space<vmem>>
    %dma_wait3A_131 = arith.constant 0 : i32
    %dma_wait3A_132 = arith.constant 0 : i32
    %dma_wait3A_133 = tpu.memref_slice %arg2[%dma_wait3A_131, %dma_wait3A_132] : memref<32768x1024xf32, #tpu.memory_space<hbm>> -> memref<32768x1024xf32, #tpu.memory_space<hbm>>
    tpu.wait_indirect_dma semaphore(%arg17 : memref<!tpu.dma_semaphore, #tpu.memory_space<semaphore_mem>>) src(%dma_wait3A_133 : memref<32768x1024xf32, #tpu.memory_space<hbm>>) dst(%arg10 : memref<16x1024xf32, #tpu.memory_space<vmem>>)
    %dma_wait3A_134 = arith.constant 480 : i32
    %dma_wait3A_135 = tpu.memref_slice %arg9[%dma_wait3A_134] : memref<512xi32, #tpu.memory_space<vmem>> -> memref<16xi32, #tpu.memory_space<vmem>>
    %dma_wait3A_136 = arith.constant 0 : i32
    %dma_wait3A_137 = arith.constant 0 : i32
    %dma_wait3A_138 = tpu.memref_slice %arg4[%dma_wait3A_136, %dma_wait3A_137] : memref<2049x1024xf32, #tpu.memory_space<hbm>> -> memref<2049x1024xf32, #tpu.memory_space<hbm>>
    tpu.wait_indirect_dma semaphore(%arg18 : memref<!tpu.dma_semaphore, #tpu.memory_space<semaphore_mem>>) src(%dma_wait3A_138 : memref<2049x1024xf32, #tpu.memory_space<hbm>>) dst(%arg11 : memref<16x1024xf32, #tpu.memory_space<vmem>>)
    %scan3A_139 = arith.constant 0 : i32
    %scan3A_140 = arith.constant 0 : i32
    %scan3A_141 = arith.constant 16 : i32
    %scan3A_142 = arith.addi %scan3A_140, %scan3A_141 : i32
    %scan3A_143 = arith.constant 1 : i32
    %scan3A_144 = scf.for %scan3A_194 = %scan3A_140 to %scan3A_142 step %scan3A_143 iter_args(%scan3A_195 = %scan3A_139) -> (i32)  : i32 {
      %get3A = arith.index_cast %scan3A_194 : i32 to index
      %get3A_196 = arith.constant 0 : index
      %get3A_197 = tpu.vector_load %arg11[%get3A, %get3A_196] {strides = array<i32>} : memref<16x1024xf32, #tpu.memory_space<vmem>>, vector<1x16xf32>,
      %get3A_198 = vector.shape_cast %get3A_197 : vector<1x16xf32> to vector<16xf32>
      %swap3A = arith.index_cast %scan3A_194 : i32 to index
      %swap3A_199 = arith.constant 0 : index
      %swap3A_200 = tpu.vector_load %arg10[%swap3A, %swap3A_199] {strides = array<i32>} : memref<16x1024xf32, #tpu.memory_space<vmem>>, vector<1x16xf32>,
      %swap3A_201 = vector.shape_cast %swap3A_200 : vector<1x16xf32> to vector<16xf32>
      %swap3A_202 = vector.shape_cast %get3A_198 : vector<16xf32> to vector<1x16xf32>
      tpu.vector_store %arg10[%swap3A, %swap3A_199], %swap3A_202 {add = true, strides = array<i32>} : memref<16x1024xf32, #tpu.memory_space<vmem>>, vector<1x16xf32>,
      %get3A_203 = arith.index_cast %scan3A_194 : i32 to index
      %get3A_204 = arith.constant 16 : index
      %get3A_205 = tpu.vector_load %arg11[%get3A_203, %get3A_204] {strides = array<i32>} : memref<16x1024xf32, #tpu.memory_space<vmem>>, vector<1x16xf32>,
      %get3A_206 = vector.shape_cast %get3A_205 : vector<1x16xf32> to vector<16xf32>
      %swap3A_207 = arith.index_cast %scan3A_194 : i32 to index
      %swap3A_208 = arith.constant 16 : index
      %swap3A_209 = tpu.vector_load %arg10[%swap3A_207, %swap3A_208] {strides = array<i32>} : memref<16x1024xf32, #tpu.memory_space<vmem>>, vector<1x16xf32>,
      %swap3A_210 = vector.shape_cast %swap3A_209 : vector<1x16xf32> to vector<16xf32>
      %swap3A_211 = vector.shape_cast %get3A_206 : vector<16xf32> to vector<1x16xf32>
      tpu.vector_store %arg10[%swap3A_207, %swap3A_208], %swap3A_211 {add = true, strides = array<i32>} : memref<16x1024xf32, #tpu.memory_space<vmem>>, vector<1x16xf32>,
      %get3A_212 = arith.index_cast %scan3A_194 : i32 to index
      %get3A_213 = arith.constant 32 : index
      %get3A_214 = tpu.vector_load %arg11[%get3A_212, %get3A_213] {strides = array<i32>} : memref<16x1024xf32, #tpu.memory_space<vmem>>, vector<1x16xf32>,
      %get3A_215 = vector.shape_cast %get3A_214 : vector<1x16xf32> to vector<16xf32>
      %swap3A_216 = arith.index_cast %scan3A_194 : i32 to index
      %swap3A_217 = arith.constant 32 : index
      %swap3A_218 = tpu.vector_load %arg10[%swap3A_216, %swap3A_217] {strides = array<i32>} : memref<16x1024xf32, #tpu.memory_space<vmem>>, vector<1x16xf32>,
      %swap3A_219 = vector.shape_cast %swap3A_218 : vector<1x16xf32> to vector<16xf32>
      %swap3A_220 = vector.shape_cast %get3A_215 : vector<16xf32> to vector<1x16xf32>
      tpu.vector_store %arg10[%swap3A_216, %swap3A_217], %swap3A_220 {add = true, strides = array<i32>} : memref<16x1024xf32, #tpu.memory_space<vmem>>, vector<1x16xf32>,
      %get3A_221 = arith.index_cast %scan3A_194 : i32 to index
      %get3A_222 = arith.constant 48 : index
      %get3A_223 = tpu.vector_load %arg11[%get3A_221, %get3A_222] {strides = array<i32>} : memref<16x1024xf32, #tpu.memory_space<vmem>>, vector<1x16xf32>,
      %get3A_224 = vector.shape_cast %get3A_223 : vector<1x16xf32> to vector<16xf32>
      %swap3A_225 = arith.index_cast %scan3A_194 : i32 to index
      %swap3A_226 = arith.constant 48 : index
      %swap3A_227 = tpu.vector_load %arg10[%swap3A_225, %swap3A_226] {strides = array<i32>} : memref<16x1024xf32, #tpu.memory_space<vmem>>, vector<1x16xf32>,
      %swap3A_228 = vector.shape_cast %swap3A_227 : vector<1x16xf32> to vector<16xf32>
      %swap3A_229 = vector.shape_cast %get3A_224 : vector<16xf32> to vector<1x16xf32>
      tpu.vector_store %arg10[%swap3A_225, %swap3A_226], %swap3A_229 {add = true, strides = array<i32>} : memref<16x1024xf32, #tpu.memory_space<vmem>>, vector<1x16xf32>,
      %get3A_230 = arith.index_cast %scan3A_194 : i32 to index
      %get3A_231 = arith.constant 64 : index
      %get3A_232 = tpu.vector_load %arg11[%get3A_230, %get3A_231] {strides = array<i32>} : memref<16x1024xf32, #tpu.memory_space<vmem>>, vector<1x16xf32>,
      %get3A_233 = vector.shape_cast %get3A_232 : vector<1x16xf32> to vector<16xf32>
      %swap3A_234 = arith.index_cast %scan3A_194 : i32 to index
      %swap3A_235 = arith.constant 64 : index
      %swap3A_236 = tpu.vector_load %arg10[%swap3A_234, %swap3A_235] {strides = array<i32>} : memref<16x1024xf32, #tpu.memory_space<vmem>>, vector<1x16xf32>,
      %swap3A_237 = vector.shape_cast %swap3A_236 : vector<1x16xf32> to vector<16xf32>
      %swap3A_238 = vector.shape_cast %get3A_233 : vector<16xf32> to vector<1x16xf32>
      tpu.vector_store %arg10[%swap3A_234, %swap3A_235], %swap3A_238 {add = true, strides = array<i32>} : memref<16x1024xf32, #tpu.memory_space<vmem>>, vector<1x16xf32>,
      %get3A_239 = arith.index_cast %scan3A_194 : i32 to index
      %get3A_240 = arith.constant 80 : index
      %get3A_241 = tpu.vector_load %arg11[%get3A_239, %get3A_240] {strides = array<i32>} : memref<16x1024xf32, #tpu.memory_space<vmem>>, vector<1x16xf32>,
      %get3A_242 = vector.shape_cast %get3A_241 : vector<1x16xf32> to vector<16xf32>
      %swap3A_243 = arith.index_cast %scan3A_194 : i32 to index
      %swap3A_244 = arith.constant 80 : index
      %swap3A_245 = tpu.vector_load %arg10[%swap3A_243, %swap3A_244] {strides = array<i32>} : memref<16x1024xf32, #tpu.memory_space<vmem>>, vector<1x16xf32>,
      %swap3A_246 = vector.shape_cast %swap3A_245 : vector<1x16xf32> to vector<16xf32>
      %swap3A_247 = vector.shape_cast %get3A_242 : vector<16xf32> to vector<1x16xf32>
      tpu.vector_store %arg10[%swap3A_243, %swap3A_244], %swap3A_247 {add = true, strides = array<i32>} : memref<16x1024xf32, #tpu.memory_space<vmem>>, vector<1x16xf32>,
      %get3A_248 = arith.index_cast %scan3A_194 : i32 to index
      %get3A_249 = arith.constant 96 : index
      %get3A_250 = tpu.vector_load %arg11[%get3A_248, %get3A_249] {strides = array<i32>} : memref<16x1024xf32, #tpu.memory_space<vmem>>, vector<1x16xf32>,
      %get3A_251 = vector.shape_cast %get3A_250 : vector<1x16xf32> to vector<16xf32>
      %swap3A_252 = arith.index_cast %scan3A_194 : i32 to index
      %swap3A_253 = arith.constant 96 : index
      %swap3A_254 = tpu.vector_load %arg10[%swap3A_252, %swap3A_253] {strides = array<i32>} : memref<16x1024xf32, #tpu.memory_space<vmem>>, vector<1x16xf32>,
      %swap3A_255 = vector.shape_cast %swap3A_254 : vector<1x16xf32> to vector<16xf32>
      %swap3A_256 = vector.shape_cast %get3A_251 : vector<16xf32> to vector<1x16xf32>
      tpu.vector_store %arg10[%swap3A_252, %swap3A_253], %swap3A_256 {add = true, strides = array<i32>} : memref<16x1024xf32, #tpu.memory_space<vmem>>, vector<1x16xf32>,
      %get3A_257 = arith.index_cast %scan3A_194 : i32 to index
      %get3A_258 = arith.constant 112 : index
      %get3A_259 = tpu.vector_load %arg11[%get3A_257, %get3A_258] {strides = array<i32>} : memref<16x1024xf32, #tpu.memory_space<vmem>>, vector<1x16xf32>,
      %get3A_260 = vector.shape_cast %get3A_259 : vector<1x16xf32> to vector<16xf32>
      %swap3A_261 = arith.index_cast %scan3A_194 : i32 to index
      %swap3A_262 = arith.constant 112 : index
      %swap3A_263 = tpu.vector_load %arg10[%swap3A_261, %swap3A_262] {strides = array<i32>} : memref<16x1024xf32, #tpu.memory_space<vmem>>, vector<1x16xf32>,
      %swap3A_264 = vector.shape_cast %swap3A_263 : vector<1x16xf32> to vector<16xf32>
      %swap3A_265 = vector.shape_cast %get3A_260 : vector<16xf32> to vector<1x16xf32>
      tpu.vector_store %arg10[%swap3A_261, %swap3A_262], %swap3A_265 {add = true, strides = array<i32>} : memref<16x1024xf32, #tpu.memory_space<vmem>>, vector<1x16xf32>,
      %get3A_266 = arith.index_cast %scan3A_194 : i32 to index
      %get3A_267 = arith.constant 128 : index
      %get3A_268 = tpu.vector_load %arg11[%get3A_266, %get3A_267] {strides = array<i32>} : memref<16x1024xf32, #tpu.memory_space<vmem>>, vector<1x16xf32>,
      %get3A_269 = vector.shape_cast %get3A_268 : vector<1x16xf32> to vector<16xf32>
      %swap3A_270 = arith.index_cast %scan3A_194 : i32 to index
      %swap3A_271 = arith.constant 128 : index
      %swap3A_272 = tpu.vector_load %arg10[%swap3A_270, %swap3A_271] {strides = array<i32>} : memref<16x1024xf32, #tpu.memory_space<vmem>>, vector<1x16xf32>,
      %swap3A_273 = vector.shape_cast %swap3A_272 : vector<1x16xf32> to vector<16xf32>
      %swap3A_274 = vector.shape_cast %get3A_269 : vector<16xf32> to vector<1x16xf32>
      tpu.vector_store %arg10[%swap3A_270, %swap3A_271], %swap3A_274 {add = true, strides = array<i32>} : memref<16x1024xf32, #tpu.memory_space<vmem>>, vector<1x16xf32>,
      %get3A_275 = arith.index_cast %scan3A_194 : i32 to index
      %get3A_276 = arith.constant 144 : index
      %get3A_277 = tpu.vector_load %arg11[%get3A_275, %get3A_276] {strides = array<i32>} : memref<16x1024xf32, #tpu.memory_space<vmem>>, vector<1x16xf32>,
      %get3A_278 = vector.shape_cast %get3A_277 : vector<1x16xf32> to vector<16xf32>
      %swap3A_279 = arith.index_cast %scan3A_194 : i32 to index
      %swap3A_280 = arith.constant 144 : index
      %swap3A_281 = tpu.vector_load %arg10[%swap3A_279, %swap3A_280] {strides = array<i32>} : memref<16x1024xf32, #tpu.memory_space<vmem>>, vector<1x16xf32>,
      %swap3A_282 = vector.shape_cast %swap3A_281 : vector<1x16xf32> to vector<16xf32>
      %swap3A_283 = vector.shape_cast %get3A_278 : vector<16xf32> to vector<1x16xf32>
      tpu.vector_store %arg10[%swap3A_279, %swap3A_280], %swap3A_283 {add = true, strides = array<i32>} : memref<16x1024xf32, #tpu.memory_space<vmem>>, vector<1x16xf32>,
      %get3A_284 = arith.index_cast %scan3A_194 : i32 to index
      %get3A_285 = arith.constant 160 : index
      %get3A_286 = tpu.vector_load %arg11[%get3A_284, %get3A_285] {strides = array<i32>} : memref<16x1024xf32, #tpu.memory_space<vmem>>, vector<1x16xf32>,
      %get3A_287 = vector.shape_cast %get3A_286 : vector<1x16xf32> to vector<16xf32>
      %swap3A_288 = arith.index_cast %scan3A_194 : i32 to index
      %swap3A_289 = arith.constant 160 : index
      %swap3A_290 = tpu.vector_load %arg10[%swap3A_288, %swap3A_289] {strides = array<i32>} : memref<16x1024xf32, #tpu.memory_space<vmem>>, vector<1x16xf32>,
      %swap3A_291 = vector.shape_cast %swap3A_290 : vector<1x16xf32> to vector<16xf32>
      %swap3A_292 = vector.shape_cast %get3A_287 : vector<16xf32> to vector<1x16xf32>
      tpu.vector_store %arg10[%swap3A_288, %swap3A_289], %swap3A_292 {add = true, strides = array<i32>} : memref<16x1024xf32, #tpu.memory_space<vmem>>, vector<1x16xf32>,
      %get3A_293 = arith.index_cast %scan3A_194 : i32 to index
      %get3A_294 = arith.constant 176 : index
      %get3A_295 = tpu.vector_load %arg11[%get3A_293, %get3A_294] {strides = array<i32>} : memref<16x1024xf32, #tpu.memory_space<vmem>>, vector<1x16xf32>,
      %get3A_296 = vector.shape_cast %get3A_295 : vector<1x16xf32> to vector<16xf32>
      %swap3A_297 = arith.index_cast %scan3A_194 : i32 to index
      %swap3A_298 = arith.constant 176 : index
      %swap3A_299 = tpu.vector_load %arg10[%swap3A_297, %swap3A_298] {strides = array<i32>} : memref<16x1024xf32, #tpu.memory_space<vmem>>, vector<1x16xf32>,
      %swap3A_300 = vector.shape_cast %swap3A_299 : vector<1x16xf32> to vector<16xf32>
      %swap3A_301 = vector.shape_cast %get3A_296 : vector<16xf32> to vector<1x16xf32>
      tpu.vector_store %arg10[%swap3A_297, %swap3A_298], %swap3A_301 {add = true, strides = array<i32>} : memref<16x1024xf32, #tpu.memory_space<vmem>>, vector<1x16xf32>,
      %get3A_302 = arith.index_cast %scan3A_194 : i32 to index
      %get3A_303 = arith.constant 192 : index
      %get3A_304 = tpu.vector_load %arg11[%get3A_302, %get3A_303] {strides = array<i32>} : memref<16x1024xf32, #tpu.memory_space<vmem>>, vector<1x16xf32>,
      %get3A_305 = vector.shape_cast %get3A_304 : vector<1x16xf32> to vector<16xf32>
      %swap3A_306 = arith.index_cast %scan3A_194 : i32 to index
      %swap3A_307 = arith.constant 192 : index
      %swap3A_308 = tpu.vector_load %arg10[%swap3A_306, %swap3A_307] {strides = array<i32>} : memref<16x1024xf32, #tpu.memory_space<vmem>>, vector<1x16xf32>,
      %swap3A_309 = vector.shape_cast %swap3A_308 : vector<1x16xf32> to vector<16xf32>
      %swap3A_310 = vector.shape_cast %get3A_305 : vector<16xf32> to vector<1x16xf32>
      tpu.vector_store %arg10[%swap3A_306, %swap3A_307], %swap3A_310 {add = true, strides = array<i32>} : memref<16x1024xf32, #tpu.memory_space<vmem>>, vector<1x16xf32>,
      %get3A_311 = arith.index_cast %scan3A_194 : i32 to index
      %get3A_312 = arith.constant 208 : index
      %get3A_313 = tpu.vector_load %arg11[%get3A_311, %get3A_312] {strides = array<i32>} : memref<16x1024xf32, #tpu.memory_space<vmem>>, vector<1x16xf32>,
      %get3A_314 = vector.shape_cast %get3A_313 : vector<1x16xf32> to vector<16xf32>
      %swap3A_315 = arith.index_cast %scan3A_194 : i32 to index
      %swap3A_316 = arith.constant 208 : index
      %swap3A_317 = tpu.vector_load %arg10[%swap3A_315, %swap3A_316] {strides = array<i32>} : memref<16x1024xf32, #tpu.memory_space<vmem>>, vector<1x16xf32>,
      %swap3A_318 = vector.shape_cast %swap3A_317 : vector<1x16xf32> to vector<16xf32>
      %swap3A_319 = vector.shape_cast %get3A_314 : vector<16xf32> to vector<1x16xf32>
      tpu.vector_store %arg10[%swap3A_315, %swap3A_316], %swap3A_319 {add = true, strides = array<i32>} : memref<16x1024xf32, #tpu.memory_space<vmem>>, vector<1x16xf32>,
      %get3A_320 = arith.index_cast %scan3A_194 : i32 to index
      %get3A_321 = arith.constant 224 : index
      %get3A_322 = tpu.vector_load %arg11[%get3A_320, %get3A_321] {strides = array<i32>} : memref<16x1024xf32, #tpu.memory_space<vmem>>, vector<1x16xf32>,
      %get3A_323 = vector.shape_cast %get3A_322 : vector<1x16xf32> to vector<16xf32>
      %swap3A_324 = arith.index_cast %scan3A_194 : i32 to index
      %swap3A_325 = arith.constant 224 : index
      %swap3A_326 = tpu.vector_load %arg10[%swap3A_324, %swap3A_325] {strides = array<i32>} : memref<16x1024xf32, #tpu.memory_space<vmem>>, vector<1x16xf32>,
      %swap3A_327 = vector.shape_cast %swap3A_326 : vector<1x16xf32> to vector<16xf32>
      %swap3A_328 = vector.shape_cast %get3A_323 : vector<16xf32> to vector<1x16xf32>
      tpu.vector_store %arg10[%swap3A_324, %swap3A_325], %swap3A_328 {add = true, strides = array<i32>} : memref<16x1024xf32, #tpu.memory_space<vmem>>, vector<1x16xf32>,
      %get3A_329 = arith.index_cast %scan3A_194 : i32 to index
      %get3A_330 = arith.constant 240 : index
      %get3A_331 = tpu.vector_load %arg11[%get3A_329, %get3A_330] {strides = array<i32>} : memref<16x1024xf32, #tpu.memory_space<vmem>>, vector<1x16xf32>,
      %get3A_332 = vector.shape_cast %get3A_331 : vector<1x16xf32> to vector<16xf32>
      %swap3A_333 = arith.index_cast %scan3A_194 : i32 to index
      %swap3A_334 = arith.constant 240 : index
      %swap3A_335 = tpu.vector_load %arg10[%swap3A_333, %swap3A_334] {strides = array<i32>} : memref<16x1024xf32, #tpu.memory_space<vmem>>, vector<1x16xf32>,
      %swap3A_336 = vector.shape_cast %swap3A_335 : vector<1x16xf32> to vector<16xf32>
      %swap3A_337 = vector.shape_cast %get3A_332 : vector<16xf32> to vector<1x16xf32>
      tpu.vector_store %arg10[%swap3A_333, %swap3A_334], %swap3A_337 {add = true, strides = array<i32>} : memref<16x1024xf32, #tpu.memory_space<vmem>>, vector<1x16xf32>,
      %get3A_338 = arith.index_cast %scan3A_194 : i32 to index
      %get3A_339 = arith.constant 256 : index
      %get3A_340 = tpu.vector_load %arg11[%get3A_338, %get3A_339] {strides = array<i32>} : memref<16x1024xf32, #tpu.memory_space<vmem>>, vector<1x16xf32>,
      %get3A_341 = vector.shape_cast %get3A_340 : vector<1x16xf32> to vector<16xf32>
      %swap3A_342 = arith.index_cast %scan3A_194 : i32 to index
      %swap3A_343 = arith.constant 256 : index
      %swap3A_344 = tpu.vector_load %arg10[%swap3A_342, %swap3A_343] {strides = array<i32>} : memref<16x1024xf32, #tpu.memory_space<vmem>>, vector<1x16xf32>,
      %swap3A_345 = vector.shape_cast %swap3A_344 : vector<1x16xf32> to vector<16xf32>
      %swap3A_346 = vector.shape_cast %get3A_341 : vector<16xf32> to vector<1x16xf32>
      tpu.vector_store %arg10[%swap3A_342, %swap3A_343], %swap3A_346 {add = true, strides = array<i32>} : memref<16x1024xf32, #tpu.memory_space<vmem>>, vector<1x16xf32>,
      %get3A_347 = arith.index_cast %scan3A_194 : i32 to index
      %get3A_348 = arith.constant 272 : index
      %get3A_349 = tpu.vector_load %arg11[%get3A_347, %get3A_348] {strides = array<i32>} : memref<16x1024xf32, #tpu.memory_space<vmem>>, vector<1x16xf32>,
      %get3A_350 = vector.shape_cast %get3A_349 : vector<1x16xf32> to vector<16xf32>
      %swap3A_351 = arith.index_cast %scan3A_194 : i32 to index
      %swap3A_352 = arith.constant 272 : index
      %swap3A_353 = tpu.vector_load %arg10[%swap3A_351, %swap3A_352] {strides = array<i32>} : memref<16x1024xf32, #tpu.memory_space<vmem>>, vector<1x16xf32>,
      %swap3A_354 = vector.shape_cast %swap3A_353 : vector<1x16xf32> to vector<16xf32>
      %swap3A_355 = vector.shape_cast %get3A_350 : vector<16xf32> to vector<1x16xf32>
      tpu.vector_store %arg10[%swap3A_351, %swap3A_352], %swap3A_355 {add = true, strides = array<i32>} : memref<16x1024xf32, #tpu.memory_space<vmem>>, vector<1x16xf32>,
      %get3A_356 = arith.index_cast %scan3A_194 : i32 to index
      %get3A_357 = arith.constant 288 : index
      %get3A_358 = tpu.vector_load %arg11[%get3A_356, %get3A_357] {strides = array<i32>} : memref<16x1024xf32, #tpu.memory_space<vmem>>, vector<1x16xf32>,
      %get3A_359 = vector.shape_cast %get3A_358 : vector<1x16xf32> to vector<16xf32>
      %swap3A_360 = arith.index_cast %scan3A_194 : i32 to index
      %swap3A_361 = arith.constant 288 : index
      %swap3A_362 = tpu.vector_load %arg10[%swap3A_360, %swap3A_361] {strides = array<i32>} : memref<16x1024xf32, #tpu.memory_space<vmem>>, vector<1x16xf32>,
      %swap3A_363 = vector.shape_cast %swap3A_362 : vector<1x16xf32> to vector<16xf32>
      %swap3A_364 = vector.shape_cast %get3A_359 : vector<16xf32> to vector<1x16xf32>
      tpu.vector_store %arg10[%swap3A_360, %swap3A_361], %swap3A_364 {add = true, strides = array<i32>} : memref<16x1024xf32, #tpu.memory_space<vmem>>, vector<1x16xf32>,
      %get3A_365 = arith.index_cast %scan3A_194 : i32 to index
      %get3A_366 = arith.constant 304 : index
      %get3A_367 = tpu.vector_load %arg11[%get3A_365, %get3A_366] {strides = array<i32>} : memref<16x1024xf32, #tpu.memory_space<vmem>>, vector<1x16xf32>,
      %get3A_368 = vector.shape_cast %get3A_367 : vector<1x16xf32> to vector<16xf32>
      %swap3A_369 = arith.index_cast %scan3A_194 : i32 to index
      %swap3A_370 = arith.constant 304 : index
      %swap3A_371 = tpu.vector_load %arg10[%swap3A_369, %swap3A_370] {strides = array<i32>} : memref<16x1024xf32, #tpu.memory_space<vmem>>, vector<1x16xf32>,
      %swap3A_372 = vector.shape_cast %swap3A_371 : vector<1x16xf32> to vector<16xf32>
      %swap3A_373 = vector.shape_cast %get3A_368 : vector<16xf32> to vector<1x16xf32>
      tpu.vector_store %arg10[%swap3A_369, %swap3A_370], %swap3A_373 {add = true, strides = array<i32>} : memref<16x1024xf32, #tpu.memory_space<vmem>>, vector<1x16xf32>,
      %get3A_374 = arith.index_cast %scan3A_194 : i32 to index
      %get3A_375 = arith.constant 320 : index
      %get3A_376 = tpu.vector_load %arg11[%get3A_374, %get3A_375] {strides = array<i32>} : memref<16x1024xf32, #tpu.memory_space<vmem>>, vector<1x16xf32>,
      %get3A_377 = vector.shape_cast %get3A_376 : vector<1x16xf32> to vector<16xf32>
      %swap3A_378 = arith.index_cast %scan3A_194 : i32 to index
      %swap3A_379 = arith.constant 320 : index
      %swap3A_380 = tpu.vector_load %arg10[%swap3A_378, %swap3A_379] {strides = array<i32>} : memref<16x1024xf32, #tpu.memory_space<vmem>>, vector<1x16xf32>,
      %swap3A_381 = vector.shape_cast %swap3A_380 : vector<1x16xf32> to vector<16xf32>
      %swap3A_382 = vector.shape_cast %get3A_377 : vector<16xf32> to vector<1x16xf32>
      tpu.vector_store %arg10[%swap3A_378, %swap3A_379], %swap3A_382 {add = true, strides = array<i32>} : memref<16x1024xf32, #tpu.memory_space<vmem>>, vector<1x16xf32>,
      %get3A_383 = arith.index_cast %scan3A_194 : i32 to index
      %get3A_384 = arith.constant 336 : index
      %get3A_385 = tpu.vector_load %arg11[%get3A_383, %get3A_384] {strides = array<i32>} : memref<16x1024xf32, #tpu.memory_space<vmem>>, vector<1x16xf32>,
      %get3A_386 = vector.shape_cast %get3A_385 : vector<1x16xf32> to vector<16xf32>
      %swap3A_387 = arith.index_cast %scan3A_194 : i32 to index
      %swap3A_388 = arith.constant 336 : index
      %swap3A_389 = tpu.vector_load %arg10[%swap3A_387, %swap3A_388] {strides = array<i32>} : memref<16x1024xf32, #tpu.memory_space<vmem>>, vector<1x16xf32>,
      %swap3A_390 = vector.shape_cast %swap3A_389 : vector<1x16xf32> to vector<16xf32>
      %swap3A_391 = vector.shape_cast %get3A_386 : vector<16xf32> to vector<1x16xf32>
      tpu.vector_store %arg10[%swap3A_387, %swap3A_388], %swap3A_391 {add = true, strides = array<i32>} : memref<16x1024xf32, #tpu.memory_space<vmem>>, vector<1x16xf32>,
      %get3A_392 = arith.index_cast %scan3A_194 : i32 to index
      %get3A_393 = arith.constant 352 : index
      %get3A_394 = tpu.vector_load %arg11[%get3A_392, %get3A_393] {strides = array<i32>} : memref<16x1024xf32, #tpu.memory_space<vmem>>, vector<1x16xf32>,
      %get3A_395 = vector.shape_cast %get3A_394 : vector<1x16xf32> to vector<16xf32>
      %swap3A_396 = arith.index_cast %scan3A_194 : i32 to index
      %swap3A_397 = arith.constant 352 : index
      %swap3A_398 = tpu.vector_load %arg10[%swap3A_396, %swap3A_397] {strides = array<i32>} : memref<16x1024xf32, #tpu.memory_space<vmem>>, vector<1x16xf32>,
      %swap3A_399 = vector.shape_cast %swap3A_398 : vector<1x16xf32> to vector<16xf32>
      %swap3A_400 = vector.shape_cast %get3A_395 : vector<16xf32> to vector<1x16xf32>
      tpu.vector_store %arg10[%swap3A_396, %swap3A_397], %swap3A_400 {add = true, strides = array<i32>} : memref<16x1024xf32, #tpu.memory_space<vmem>>, vector<1x16xf32>,
      %get3A_401 = arith.index_cast %scan3A_194 : i32 to index
      %get3A_402 = arith.constant 368 : index
      %get3A_403 = tpu.vector_load %arg11[%get3A_401, %get3A_402] {strides = array<i32>} : memref<16x1024xf32, #tpu.memory_space<vmem>>, vector<1x16xf32>,
      %get3A_404 = vector.shape_cast %get3A_403 : vector<1x16xf32> to vector<16xf32>
      %swap3A_405 = arith.index_cast %scan3A_194 : i32 to index
      %swap3A_406 = arith.constant 368 : index
      %swap3A_407 = tpu.vector_load %arg10[%swap3A_405, %swap3A_406] {strides = array<i32>} : memref<16x1024xf32, #tpu.memory_space<vmem>>, vector<1x16xf32>,
      %swap3A_408 = vector.shape_cast %swap3A_407 : vector<1x16xf32> to vector<16xf32>
      %swap3A_409 = vector.shape_cast %get3A_404 : vector<16xf32> to vector<1x16xf32>
      tpu.vector_store %arg10[%swap3A_405, %swap3A_406], %swap3A_409 {add = true, strides = array<i32>} : memref<16x1024xf32, #tpu.memory_space<vmem>>, vector<1x16xf32>,
      %get3A_410 = arith.index_cast %scan3A_194 : i32 to index
      %get3A_411 = arith.constant 384 : index
      %get3A_412 = tpu.vector_load %arg11[%get3A_410, %get3A_411] {strides = array<i32>} : memref<16x1024xf32, #tpu.memory_space<vmem>>, vector<1x16xf32>,
      %get3A_413 = vector.shape_cast %get3A_412 : vector<1x16xf32> to vector<16xf32>
      %swap3A_414 = arith.index_cast %scan3A_194 : i32 to index
      %swap3A_415 = arith.constant 384 : index
      %swap3A_416 = tpu.vector_load %arg10[%swap3A_414, %swap3A_415] {strides = array<i32>} : memref<16x1024xf32, #tpu.memory_space<vmem>>, vector<1x16xf32>,
      %swap3A_417 = vector.shape_cast %swap3A_416 : vector<1x16xf32> to vector<16xf32>
      %swap3A_418 = vector.shape_cast %get3A_413 : vector<16xf32> to vector<1x16xf32>
      tpu.vector_store %arg10[%swap3A_414, %swap3A_415], %swap3A_418 {add = true, strides = array<i32>} : memref<16x1024xf32, #tpu.memory_space<vmem>>, vector<1x16xf32>,
      %get3A_419 = arith.index_cast %scan3A_194 : i32 to index
      %get3A_420 = arith.constant 400 : index
      %get3A_421 = tpu.vector_load %arg11[%get3A_419, %get3A_420] {strides = array<i32>} : memref<16x1024xf32, #tpu.memory_space<vmem>>, vector<1x16xf32>,
      %get3A_422 = vector.shape_cast %get3A_421 : vector<1x16xf32> to vector<16xf32>
      %swap3A_423 = arith.index_cast %scan3A_194 : i32 to index
      %swap3A_424 = arith.constant 400 : index
      %swap3A_425 = tpu.vector_load %arg10[%swap3A_423, %swap3A_424] {strides = array<i32>} : memref<16x1024xf32, #tpu.memory_space<vmem>>, vector<1x16xf32>,
      %swap3A_426 = vector.shape_cast %swap3A_425 : vector<1x16xf32> to vector<16xf32>
      %swap3A_427 = vector.shape_cast %get3A_422 : vector<16xf32> to vector<1x16xf32>
      tpu.vector_store %arg10[%swap3A_423, %swap3A_424], %swap3A_427 {add = true, strides = array<i32>} : memref<16x1024xf32, #tpu.memory_space<vmem>>, vector<1x16xf32>,
      %get3A_428 = arith.index_cast %scan3A_194 : i32 to index
      %get3A_429 = arith.constant 416 : index
      %get3A_430 = tpu.vector_load %arg11[%get3A_428, %get3A_429] {strides = array<i32>} : memref<16x1024xf32, #tpu.memory_space<vmem>>, vector<1x16xf32>,
      %get3A_431 = vector.shape_cast %get3A_430 : vector<1x16xf32> to vector<16xf32>
      %swap3A_432 = arith.index_cast %scan3A_194 : i32 to index
      %swap3A_433 = arith.constant 416 : index
      %swap3A_434 = tpu.vector_load %arg10[%swap3A_432, %swap3A_433] {strides = array<i32>} : memref<16x1024xf32, #tpu.memory_space<vmem>>, vector<1x16xf32>,
      %swap3A_435 = vector.shape_cast %swap3A_434 : vector<1x16xf32> to vector<16xf32>
      %swap3A_436 = vector.shape_cast %get3A_431 : vector<16xf32> to vector<1x16xf32>
      tpu.vector_store %arg10[%swap3A_432, %swap3A_433], %swap3A_436 {add = true, strides = array<i32>} : memref<16x1024xf32, #tpu.memory_space<vmem>>, vector<1x16xf32>,
      %get3A_437 = arith.index_cast %scan3A_194 : i32 to index
      %get3A_438 = arith.constant 432 : index
      %get3A_439 = tpu.vector_load %arg11[%get3A_437, %get3A_438] {strides = array<i32>} : memref<16x1024xf32, #tpu.memory_space<vmem>>, vector<1x16xf32>,
      %get3A_440 = vector.shape_cast %get3A_439 : vector<1x16xf32> to vector<16xf32>
      %swap3A_441 = arith.index_cast %scan3A_194 : i32 to index
      %swap3A_442 = arith.constant 432 : index
      %swap3A_443 = tpu.vector_load %arg10[%swap3A_441, %swap3A_442] {strides = array<i32>} : memref<16x1024xf32, #tpu.memory_space<vmem>>, vector<1x16xf32>,
      %swap3A_444 = vector.shape_cast %swap3A_443 : vector<1x16xf32> to vector<16xf32>
      %swap3A_445 = vector.shape_cast %get3A_440 : vector<16xf32> to vector<1x16xf32>
      tpu.vector_store %arg10[%swap3A_441, %swap3A_442], %swap3A_445 {add = true, strides = array<i32>} : memref<16x1024xf32, #tpu.memory_space<vmem>>, vector<1x16xf32>,
      %get3A_446 = arith.index_cast %scan3A_194 : i32 to index
      %get3A_447 = arith.constant 448 : index
      %get3A_448 = tpu.vector_load %arg11[%get3A_446, %get3A_447] {strides = array<i32>} : memref<16x1024xf32, #tpu.memory_space<vmem>>, vector<1x16xf32>,
      %get3A_449 = vector.shape_cast %get3A_448 : vector<1x16xf32> to vector<16xf32>
      %swap3A_450 = arith.index_cast %scan3A_194 : i32 to index
      %swap3A_451 = arith.constant 448 : index
      %swap3A_452 = tpu.vector_load %arg10[%swap3A_450, %swap3A_451] {strides = array<i32>} : memref<16x1024xf32, #tpu.memory_space<vmem>>, vector<1x16xf32>,
      %swap3A_453 = vector.shape_cast %swap3A_452 : vector<1x16xf32> to vector<16xf32>
      %swap3A_454 = vector.shape_cast %get3A_449 : vector<16xf32> to vector<1x16xf32>
      tpu.vector_store %arg10[%swap3A_450, %swap3A_451], %swap3A_454 {add = true, strides = array<i32>} : memref<16x1024xf32, #tpu.memory_space<vmem>>, vector<1x16xf32>,
      %get3A_455 = arith.index_cast %scan3A_194 : i32 to index
      %get3A_456 = arith.constant 464 : index
      %get3A_457 = tpu.vector_load %arg11[%get3A_455, %get3A_456] {strides = array<i32>} : memref<16x1024xf32, #tpu.memory_space<vmem>>, vector<1x16xf32>,
      %get3A_458 = vector.shape_cast %get3A_457 : vector<1x16xf32> to vector<16xf32>
      %swap3A_459 = arith.index_cast %scan3A_194 : i32 to index
      %swap3A_460 = arith.constant 464 : index
      %swap3A_461 = tpu.vector_load %arg10[%swap3A_459, %swap3A_460] {strides = array<i32>} : memref<16x1024xf32, #tpu.memory_space<vmem>>, vector<1x16xf32>,
      %swap3A_462 = vector.shape_cast %swap3A_461 : vector<1x16xf32> to vector<16xf32>
      %swap3A_463 = vector.shape_cast %get3A_458 : vector<16xf32> to vector<1x16xf32>
      tpu.vector_store %arg10[%swap3A_459, %swap3A_460], %swap3A_463 {add = true, strides = array<i32>} : memref<16x1024xf32, #tpu.memory_space<vmem>>, vector<1x16xf32>,
      %get3A_464 = arith.index_cast %scan3A_194 : i32 to index
      %get3A_465 = arith.constant 480 : index
      %get3A_466 = tpu.vector_load %arg11[%get3A_464, %get3A_465] {strides = array<i32>} : memref<16x1024xf32, #tpu.memory_space<vmem>>, vector<1x16xf32>,
      %get3A_467 = vector.shape_cast %get3A_466 : vector<1x16xf32> to vector<16xf32>
      %swap3A_468 = arith.index_cast %scan3A_194 : i32 to index
      %swap3A_469 = arith.constant 480 : index
      %swap3A_470 = tpu.vector_load %arg10[%swap3A_468, %swap3A_469] {strides = array<i32>} : memref<16x1024xf32, #tpu.memory_space<vmem>>, vector<1x16xf32>,
      %swap3A_471 = vector.shape_cast %swap3A_470 : vector<1x16xf32> to vector<16xf32>
      %swap3A_472 = vector.shape_cast %get3A_467 : vector<16xf32> to vector<1x16xf32>
      tpu.vector_store %arg10[%swap3A_468, %swap3A_469], %swap3A_472 {add = true, strides = array<i32>} : memref<16x1024xf32, #tpu.memory_space<vmem>>, vector<1x16xf32>,
      %get3A_473 = arith.index_cast %scan3A_194 : i32 to index
      %get3A_474 = arith.constant 496 : index
      %get3A_475 = tpu.vector_load %arg11[%get3A_473, %get3A_474] {strides = array<i32>} : memref<16x1024xf32, #tpu.memory_space<vmem>>, vector<1x16xf32>,
      %get3A_476 = vector.shape_cast %get3A_475 : vector<1x16xf32> to vector<16xf32>
      %swap3A_477 = arith.index_cast %scan3A_194 : i32 to index
      %swap3A_478 = arith.constant 496 : index
      %swap3A_479 = tpu.vector_load %arg10[%swap3A_477, %swap3A_478] {strides = array<i32>} : memref<16x1024xf32, #tpu.memory_space<vmem>>, vector<1x16xf32>,
      %swap3A_480 = vector.shape_cast %swap3A_479 : vector<1x16xf32> to vector<16xf32>
      %swap3A_481 = vector.shape_cast %get3A_476 : vector<16xf32> to vector<1x16xf32>
      tpu.vector_store %arg10[%swap3A_477, %swap3A_478], %swap3A_481 {add = true, strides = array<i32>} : memref<16x1024xf32, #tpu.memory_space<vmem>>, vector<1x16xf32>,
      %get3A_482 = arith.index_cast %scan3A_194 : i32 to index
      %get3A_483 = arith.constant 512 : index
      %get3A_484 = tpu.vector_load %arg11[%get3A_482, %get3A_483] {strides = array<i32>} : memref<16x1024xf32, #tpu.memory_space<vmem>>, vector<1x16xf32>,
      %get3A_485 = vector.shape_cast %get3A_484 : vector<1x16xf32> to vector<16xf32>
      %swap3A_486 = arith.index_cast %scan3A_194 : i32 to index
      %swap3A_487 = arith.constant 512 : index
      %swap3A_488 = tpu.vector_load %arg10[%swap3A_486, %swap3A_487] {strides = array<i32>} : memref<16x1024xf32, #tpu.memory_space<vmem>>, vector<1x16xf32>,
      %swap3A_489 = vector.shape_cast %swap3A_488 : vector<1x16xf32> to vector<16xf32>
      %swap3A_490 = vector.shape_cast %get3A_485 : vector<16xf32> to vector<1x16xf32>
      tpu.vector_store %arg10[%swap3A_486, %swap3A_487], %swap3A_490 {add = true, strides = array<i32>} : memref<16x1024xf32, #tpu.memory_space<vmem>>, vector<1x16xf32>,
      %get3A_491 = arith.index_cast %scan3A_194 : i32 to index
      %get3A_492 = arith.constant 528 : index
      %get3A_493 = tpu.vector_load %arg11[%get3A_491, %get3A_492] {strides = array<i32>} : memref<16x1024xf32, #tpu.memory_space<vmem>>, vector<1x16xf32>,
      %get3A_494 = vector.shape_cast %get3A_493 : vector<1x16xf32> to vector<16xf32>
      %swap3A_495 = arith.index_cast %scan3A_194 : i32 to index
      %swap3A_496 = arith.constant 528 : index
      %swap3A_497 = tpu.vector_load %arg10[%swap3A_495, %swap3A_496] {strides = array<i32>} : memref<16x1024xf32, #tpu.memory_space<vmem>>, vector<1x16xf32>,
      %swap3A_498 = vector.shape_cast %swap3A_497 : vector<1x16xf32> to vector<16xf32>
      %swap3A_499 = vector.shape_cast %get3A_494 : vector<16xf32> to vector<1x16xf32>
      tpu.vector_store %arg10[%swap3A_495, %swap3A_496], %swap3A_499 {add = true, strides = array<i32>} : memref<16x1024xf32, #tpu.memory_space<vmem>>, vector<1x16xf32>,
      %get3A_500 = arith.index_cast %scan3A_194 : i32 to index
      %get3A_501 = arith.constant 544 : index
      %get3A_502 = tpu.vector_load %arg11[%get3A_500, %get3A_501] {strides = array<i32>} : memref<16x1024xf32, #tpu.memory_space<vmem>>, vector<1x16xf32>,
      %get3A_503 = vector.shape_cast %get3A_502 : vector<1x16xf32> to vector<16xf32>
      %swap3A_504 = arith.index_cast %scan3A_194 : i32 to index
      %swap3A_505 = arith.constant 544 : index
      %swap3A_506 = tpu.vector_load %arg10[%swap3A_504, %swap3A_505] {strides = array<i32>} : memref<16x1024xf32, #tpu.memory_space<vmem>>, vector<1x16xf32>,
      %swap3A_507 = vector.shape_cast %swap3A_506 : vector<1x16xf32> to vector<16xf32>
      %swap3A_508 = vector.shape_cast %get3A_503 : vector<16xf32> to vector<1x16xf32>
      tpu.vector_store %arg10[%swap3A_504, %swap3A_505], %swap3A_508 {add = true, strides = array<i32>} : memref<16x1024xf32, #tpu.memory_space<vmem>>, vector<1x16xf32>,
      %get3A_509 = arith.index_cast %scan3A_194 : i32 to index
      %get3A_510 = arith.constant 560 : index
      %get3A_511 = tpu.vector_load %arg11[%get3A_509, %get3A_510] {strides = array<i32>} : memref<16x1024xf32, #tpu.memory_space<vmem>>, vector<1x16xf32>,
      %get3A_512 = vector.shape_cast %get3A_511 : vector<1x16xf32> to vector<16xf32>
      %swap3A_513 = arith.index_cast %scan3A_194 : i32 to index
      %swap3A_514 = arith.constant 560 : index
      %swap3A_515 = tpu.vector_load %arg10[%swap3A_513, %swap3A_514] {strides = array<i32>} : memref<16x1024xf32, #tpu.memory_space<vmem>>, vector<1x16xf32>,
      %swap3A_516 = vector.shape_cast %swap3A_515 : vector<1x16xf32> to vector<16xf32>
      %swap3A_517 = vector.shape_cast %get3A_512 : vector<16xf32> to vector<1x16xf32>
      tpu.vector_store %arg10[%swap3A_513, %swap3A_514], %swap3A_517 {add = true, strides = array<i32>} : memref<16x1024xf32, #tpu.memory_space<vmem>>, vector<1x16xf32>,
      %get3A_518 = arith.index_cast %scan3A_194 : i32 to index
      %get3A_519 = arith.constant 576 : index
      %get3A_520 = tpu.vector_load %arg11[%get3A_518, %get3A_519] {strides = array<i32>} : memref<16x1024xf32, #tpu.memory_space<vmem>>, vector<1x16xf32>,
      %get3A_521 = vector.shape_cast %get3A_520 : vector<1x16xf32> to vector<16xf32>
      %swap3A_522 = arith.index_cast %scan3A_194 : i32 to index
      %swap3A_523 = arith.constant 576 : index
      %swap3A_524 = tpu.vector_load %arg10[%swap3A_522, %swap3A_523] {strides = array<i32>} : memref<16x1024xf32, #tpu.memory_space<vmem>>, vector<1x16xf32>,
      %swap3A_525 = vector.shape_cast %swap3A_524 : vector<1x16xf32> to vector<16xf32>
      %swap3A_526 = vector.shape_cast %get3A_521 : vector<16xf32> to vector<1x16xf32>
      tpu.vector_store %arg10[%swap3A_522, %swap3A_523], %swap3A_526 {add = true, strides = array<i32>} : memref<16x1024xf32, #tpu.memory_space<vmem>>, vector<1x16xf32>,
      %get3A_527 = arith.index_cast %scan3A_194 : i32 to index
      %get3A_528 = arith.constant 592 : index
      %get3A_529 = tpu.vector_load %arg11[%get3A_527, %get3A_528] {strides = array<i32>} : memref<16x1024xf32, #tpu.memory_space<vmem>>, vector<1x16xf32>,
      %get3A_530 = vector.shape_cast %get3A_529 : vector<1x16xf32> to vector<16xf32>
      %swap3A_531 = arith.index_cast %scan3A_194 : i32 to index
      %swap3A_532 = arith.constant 592 : index
      %swap3A_533 = tpu.vector_load %arg10[%swap3A_531, %swap3A_532] {strides = array<i32>} : memref<16x1024xf32, #tpu.memory_space<vmem>>, vector<1x16xf32>,
      %swap3A_534 = vector.shape_cast %swap3A_533 : vector<1x16xf32> to vector<16xf32>
      %swap3A_535 = vector.shape_cast %get3A_530 : vector<16xf32> to vector<1x16xf32>
      tpu.vector_store %arg10[%swap3A_531, %swap3A_532], %swap3A_535 {add = true, strides = array<i32>} : memref<16x1024xf32, #tpu.memory_space<vmem>>, vector<1x16xf32>,
      %get3A_536 = arith.index_cast %scan3A_194 : i32 to index
      %get3A_537 = arith.constant 608 : index
      %get3A_538 = tpu.vector_load %arg11[%get3A_536, %get3A_537] {strides = array<i32>} : memref<16x1024xf32, #tpu.memory_space<vmem>>, vector<1x16xf32>,
      %get3A_539 = vector.shape_cast %get3A_538 : vector<1x16xf32> to vector<16xf32>
      %swap3A_540 = arith.index_cast %scan3A_194 : i32 to index
      %swap3A_541 = arith.constant 608 : index
      %swap3A_542 = tpu.vector_load %arg10[%swap3A_540, %swap3A_541] {strides = array<i32>} : memref<16x1024xf32, #tpu.memory_space<vmem>>, vector<1x16xf32>,
      %swap3A_543 = vector.shape_cast %swap3A_542 : vector<1x16xf32> to vector<16xf32>
      %swap3A_544 = vector.shape_cast %get3A_539 : vector<16xf32> to vector<1x16xf32>
      tpu.vector_store %arg10[%swap3A_540, %swap3A_541], %swap3A_544 {add = true, strides = array<i32>} : memref<16x1024xf32, #tpu.memory_space<vmem>>, vector<1x16xf32>,
      %get3A_545 = arith.index_cast %scan3A_194 : i32 to index
      %get3A_546 = arith.constant 624 : index
      %get3A_547 = tpu.vector_load %arg11[%get3A_545, %get3A_546] {strides = array<i32>} : memref<16x1024xf32, #tpu.memory_space<vmem>>, vector<1x16xf32>,
      %get3A_548 = vector.shape_cast %get3A_547 : vector<1x16xf32> to vector<16xf32>
      %swap3A_549 = arith.index_cast %scan3A_194 : i32 to index
      %swap3A_550 = arith.constant 624 : index
      %swap3A_551 = tpu.vector_load %arg10[%swap3A_549, %swap3A_550] {strides = array<i32>} : memref<16x1024xf32, #tpu.memory_space<vmem>>, vector<1x16xf32>,
      %swap3A_552 = vector.shape_cast %swap3A_551 : vector<1x16xf32> to vector<16xf32>
      %swap3A_553 = vector.shape_cast %get3A_548 : vector<16xf32> to vector<1x16xf32>
      tpu.vector_store %arg10[%swap3A_549, %swap3A_550], %swap3A_553 {add = true, strides = array<i32>} : memref<16x1024xf32, #tpu.memory_space<vmem>>, vector<1x16xf32>,
      %get3A_554 = arith.index_cast %scan3A_194 : i32 to index
      %get3A_555 = arith.constant 640 : index
      %get3A_556 = tpu.vector_load %arg11[%get3A_554, %get3A_555] {strides = array<i32>} : memref<16x1024xf32, #tpu.memory_space<vmem>>, vector<1x16xf32>,
      %get3A_557 = vector.shape_cast %get3A_556 : vector<1x16xf32> to vector<16xf32>
      %swap3A_558 = arith.index_cast %scan3A_194 : i32 to index
      %swap3A_559 = arith.constant 640 : index
      %swap3A_560 = tpu.vector_load %arg10[%swap3A_558, %swap3A_559] {strides = array<i32>} : memref<16x1024xf32, #tpu.memory_space<vmem>>, vector<1x16xf32>,
      %swap3A_561 = vector.shape_cast %swap3A_560 : vector<1x16xf32> to vector<16xf32>
      %swap3A_562 = vector.shape_cast %get3A_557 : vector<16xf32> to vector<1x16xf32>
      tpu.vector_store %arg10[%swap3A_558, %swap3A_559], %swap3A_562 {add = true, strides = array<i32>} : memref<16x1024xf32, #tpu.memory_space<vmem>>, vector<1x16xf32>,
      %get3A_563 = arith.index_cast %scan3A_194 : i32 to index
      %get3A_564 = arith.constant 656 : index
      %get3A_565 = tpu.vector_load %arg11[%get3A_563, %get3A_564] {strides = array<i32>} : memref<16x1024xf32, #tpu.memory_space<vmem>>, vector<1x16xf32>,
      %get3A_566 = vector.shape_cast %get3A_565 : vector<1x16xf32> to vector<16xf32>
      %swap3A_567 = arith.index_cast %scan3A_194 : i32 to index
      %swap3A_568 = arith.constant 656 : index
      %swap3A_569 = tpu.vector_load %arg10[%swap3A_567, %swap3A_568] {strides = array<i32>} : memref<16x1024xf32, #tpu.memory_space<vmem>>, vector<1x16xf32>,
      %swap3A_570 = vector.shape_cast %swap3A_569 : vector<1x16xf32> to vector<16xf32>
      %swap3A_571 = vector.shape_cast %get3A_566 : vector<16xf32> to vector<1x16xf32>
      tpu.vector_store %arg10[%swap3A_567, %swap3A_568], %swap3A_571 {add = true, strides = array<i32>} : memref<16x1024xf32, #tpu.memory_space<vmem>>, vector<1x16xf32>,
      %get3A_572 = arith.index_cast %scan3A_194 : i32 to index
      %get3A_573 = arith.constant 672 : index
      %get3A_574 = tpu.vector_load %arg11[%get3A_572, %get3A_573] {strides = array<i32>} : memref<16x1024xf32, #tpu.memory_space<vmem>>, vector<1x16xf32>,
      %get3A_575 = vector.shape_cast %get3A_574 : vector<1x16xf32> to vector<16xf32>
      %swap3A_576 = arith.index_cast %scan3A_194 : i32 to index
      %swap3A_577 = arith.constant 672 : index
      %swap3A_578 = tpu.vector_load %arg10[%swap3A_576, %swap3A_577] {strides = array<i32>} : memref<16x1024xf32, #tpu.memory_space<vmem>>, vector<1x16xf32>,
      %swap3A_579 = vector.shape_cast %swap3A_578 : vector<1x16xf32> to vector<16xf32>
      %swap3A_580 = vector.shape_cast %get3A_575 : vector<16xf32> to vector<1x16xf32>
      tpu.vector_store %arg10[%swap3A_576, %swap3A_577], %swap3A_580 {add = true, strides = array<i32>} : memref<16x1024xf32, #tpu.memory_space<vmem>>, vector<1x16xf32>,
      %get3A_581 = arith.index_cast %scan3A_194 : i32 to index
      %get3A_582 = arith.constant 688 : index
      %get3A_583 = tpu.vector_load %arg11[%get3A_581, %get3A_582] {strides = array<i32>} : memref<16x1024xf32, #tpu.memory_space<vmem>>, vector<1x16xf32>,
      %get3A_584 = vector.shape_cast %get3A_583 : vector<1x16xf32> to vector<16xf32>
      %swap3A_585 = arith.index_cast %scan3A_194 : i32 to index
      %swap3A_586 = arith.constant 688 : index
      %swap3A_587 = tpu.vector_load %arg10[%swap3A_585, %swap3A_586] {strides = array<i32>} : memref<16x1024xf32, #tpu.memory_space<vmem>>, vector<1x16xf32>,
      %swap3A_588 = vector.shape_cast %swap3A_587 : vector<1x16xf32> to vector<16xf32>
      %swap3A_589 = vector.shape_cast %get3A_584 : vector<16xf32> to vector<1x16xf32>
      tpu.vector_store %arg10[%swap3A_585, %swap3A_586], %swap3A_589 {add = true, strides = array<i32>} : memref<16x1024xf32, #tpu.memory_space<vmem>>, vector<1x16xf32>,
      %get3A_590 = arith.index_cast %scan3A_194 : i32 to index
      %get3A_591 = arith.constant 704 : index
      %get3A_592 = tpu.vector_load %arg11[%get3A_590, %get3A_591] {strides = array<i32>} : memref<16x1024xf32, #tpu.memory_space<vmem>>, vector<1x16xf32>,
      %get3A_593 = vector.shape_cast %get3A_592 : vector<1x16xf32> to vector<16xf32>
      %swap3A_594 = arith.index_cast %scan3A_194 : i32 to index
      %swap3A_595 = arith.constant 704 : index
      %swap3A_596 = tpu.vector_load %arg10[%swap3A_594, %swap3A_595] {strides = array<i32>} : memref<16x1024xf32, #tpu.memory_space<vmem>>, vector<1x16xf32>,
      %swap3A_597 = vector.shape_cast %swap3A_596 : vector<1x16xf32> to vector<16xf32>
      %swap3A_598 = vector.shape_cast %get3A_593 : vector<16xf32> to vector<1x16xf32>
      tpu.vector_store %arg10[%swap3A_594, %swap3A_595], %swap3A_598 {add = true, strides = array<i32>} : memref<16x1024xf32, #tpu.memory_space<vmem>>, vector<1x16xf32>,
      %get3A_599 = arith.index_cast %scan3A_194 : i32 to index
      %get3A_600 = arith.constant 720 : index
      %get3A_601 = tpu.vector_load %arg11[%get3A_599, %get3A_600] {strides = array<i32>} : memref<16x1024xf32, #tpu.memory_space<vmem>>, vector<1x16xf32>,
      %get3A_602 = vector.shape_cast %get3A_601 : vector<1x16xf32> to vector<16xf32>
      %swap3A_603 = arith.index_cast %scan3A_194 : i32 to index
      %swap3A_604 = arith.constant 720 : index
      %swap3A_605 = tpu.vector_load %arg10[%swap3A_603, %swap3A_604] {strides = array<i32>} : memref<16x1024xf32, #tpu.memory_space<vmem>>, vector<1x16xf32>,
      %swap3A_606 = vector.shape_cast %swap3A_605 : vector<1x16xf32> to vector<16xf32>
      %swap3A_607 = vector.shape_cast %get3A_602 : vector<16xf32> to vector<1x16xf32>
      tpu.vector_store %arg10[%swap3A_603, %swap3A_604], %swap3A_607 {add = true, strides = array<i32>} : memref<16x1024xf32, #tpu.memory_space<vmem>>, vector<1x16xf32>,
      %get3A_608 = arith.index_cast %scan3A_194 : i32 to index
      %get3A_609 = arith.constant 736 : index
      %get3A_610 = tpu.vector_load %arg11[%get3A_608, %get3A_609] {strides = array<i32>} : memref<16x1024xf32, #tpu.memory_space<vmem>>, vector<1x16xf32>,
      %get3A_611 = vector.shape_cast %get3A_610 : vector<1x16xf32> to vector<16xf32>
      %swap3A_612 = arith.index_cast %scan3A_194 : i32 to index
      %swap3A_613 = arith.constant 736 : index
      %swap3A_614 = tpu.vector_load %arg10[%swap3A_612, %swap3A_613] {strides = array<i32>} : memref<16x1024xf32, #tpu.memory_space<vmem>>, vector<1x16xf32>,
      %swap3A_615 = vector.shape_cast %swap3A_614 : vector<1x16xf32> to vector<16xf32>
      %swap3A_616 = vector.shape_cast %get3A_611 : vector<16xf32> to vector<1x16xf32>
      tpu.vector_store %arg10[%swap3A_612, %swap3A_613], %swap3A_616 {add = true, strides = array<i32>} : memref<16x1024xf32, #tpu.memory_space<vmem>>, vector<1x16xf32>,
      %get3A_617 = arith.index_cast %scan3A_194 : i32 to index
      %get3A_618 = arith.constant 752 : index
      %get3A_619 = tpu.vector_load %arg11[%get3A_617, %get3A_618] {strides = array<i32>} : memref<16x1024xf32, #tpu.memory_space<vmem>>, vector<1x16xf32>,
      %get3A_620 = vector.shape_cast %get3A_619 : vector<1x16xf32> to vector<16xf32>
      %swap3A_621 = arith.index_cast %scan3A_194 : i32 to index
      %swap3A_622 = arith.constant 752 : index
      %swap3A_623 = tpu.vector_load %arg10[%swap3A_621, %swap3A_622] {strides = array<i32>} : memref<16x1024xf32, #tpu.memory_space<vmem>>, vector<1x16xf32>,
      %swap3A_624 = vector.shape_cast %swap3A_623 : vector<1x16xf32> to vector<16xf32>
      %swap3A_625 = vector.shape_cast %get3A_620 : vector<16xf32> to vector<1x16xf32>
      tpu.vector_store %arg10[%swap3A_621, %swap3A_622], %swap3A_625 {add = true, strides = array<i32>} : memref<16x1024xf32, #tpu.memory_space<vmem>>, vector<1x16xf32>,
      %get3A_626 = arith.index_cast %scan3A_194 : i32 to index
      %get3A_627 = arith.constant 768 : index
      %get3A_628 = tpu.vector_load %arg11[%get3A_626, %get3A_627] {strides = array<i32>} : memref<16x1024xf32, #tpu.memory_space<vmem>>, vector<1x16xf32>,
      %get3A_629 = vector.shape_cast %get3A_628 : vector<1x16xf32> to vector<16xf32>
      %swap3A_630 = arith.index_cast %scan3A_194 : i32 to index
      %swap3A_631 = arith.constant 768 : index
      %swap3A_632 = tpu.vector_load %arg10[%swap3A_630, %swap3A_631] {strides = array<i32>} : memref<16x1024xf32, #tpu.memory_space<vmem>>, vector<1x16xf32>,
      %swap3A_633 = vector.shape_cast %swap3A_632 : vector<1x16xf32> to vector<16xf32>
      %swap3A_634 = vector.shape_cast %get3A_629 : vector<16xf32> to vector<1x16xf32>
      tpu.vector_store %arg10[%swap3A_630, %swap3A_631], %swap3A_634 {add = true, strides = array<i32>} : memref<16x1024xf32, #tpu.memory_space<vmem>>, vector<1x16xf32>,
      %get3A_635 = arith.index_cast %scan3A_194 : i32 to index
      %get3A_636 = arith.constant 784 : index
      %get3A_637 = tpu.vector_load %arg11[%get3A_635, %get3A_636] {strides = array<i32>} : memref<16x1024xf32, #tpu.memory_space<vmem>>, vector<1x16xf32>,
      %get3A_638 = vector.shape_cast %get3A_637 : vector<1x16xf32> to vector<16xf32>
      %swap3A_639 = arith.index_cast %scan3A_194 : i32 to index
      %swap3A_640 = arith.constant 784 : index
      %swap3A_641 = tpu.vector_load %arg10[%swap3A_639, %swap3A_640] {strides = array<i32>} : memref<16x1024xf32, #tpu.memory_space<vmem>>, vector<1x16xf32>,
      %swap3A_642 = vector.shape_cast %swap3A_641 : vector<1x16xf32> to vector<16xf32>
      %swap3A_643 = vector.shape_cast %get3A_638 : vector<16xf32> to vector<1x16xf32>
      tpu.vector_store %arg10[%swap3A_639, %swap3A_640], %swap3A_643 {add = true, strides = array<i32>} : memref<16x1024xf32, #tpu.memory_space<vmem>>, vector<1x16xf32>,
      %get3A_644 = arith.index_cast %scan3A_194 : i32 to index
      %get3A_645 = arith.constant 800 : index
      %get3A_646 = tpu.vector_load %arg11[%get3A_644, %get3A_645] {strides = array<i32>} : memref<16x1024xf32, #tpu.memory_space<vmem>>, vector<1x16xf32>,
      %get3A_647 = vector.shape_cast %get3A_646 : vector<1x16xf32> to vector<16xf32>
      %swap3A_648 = arith.index_cast %scan3A_194 : i32 to index
      %swap3A_649 = arith.constant 800 : index
      %swap3A_650 = tpu.vector_load %arg10[%swap3A_648, %swap3A_649] {strides = array<i32>} : memref<16x1024xf32, #tpu.memory_space<vmem>>, vector<1x16xf32>,
      %swap3A_651 = vector.shape_cast %swap3A_650 : vector<1x16xf32> to vector<16xf32>
      %swap3A_652 = vector.shape_cast %get3A_647 : vector<16xf32> to vector<1x16xf32>
      tpu.vector_store %arg10[%swap3A_648, %swap3A_649], %swap3A_652 {add = true, strides = array<i32>} : memref<16x1024xf32, #tpu.memory_space<vmem>>, vector<1x16xf32>,
      %get3A_653 = arith.index_cast %scan3A_194 : i32 to index
      %get3A_654 = arith.constant 816 : index
      %get3A_655 = tpu.vector_load %arg11[%get3A_653, %get3A_654] {strides = array<i32>} : memref<16x1024xf32, #tpu.memory_space<vmem>>, vector<1x16xf32>,
      %get3A_656 = vector.shape_cast %get3A_655 : vector<1x16xf32> to vector<16xf32>
      %swap3A_657 = arith.index_cast %scan3A_194 : i32 to index
      %swap3A_658 = arith.constant 816 : index
      %swap3A_659 = tpu.vector_load %arg10[%swap3A_657, %swap3A_658] {strides = array<i32>} : memref<16x1024xf32, #tpu.memory_space<vmem>>, vector<1x16xf32>,
      %swap3A_660 = vector.shape_cast %swap3A_659 : vector<1x16xf32> to vector<16xf32>
      %swap3A_661 = vector.shape_cast %get3A_656 : vector<16xf32> to vector<1x16xf32>
      tpu.vector_store %arg10[%swap3A_657, %swap3A_658], %swap3A_661 {add = true, strides = array<i32>} : memref<16x1024xf32, #tpu.memory_space<vmem>>, vector<1x16xf32>,
      %get3A_662 = arith.index_cast %scan3A_194 : i32 to index
      %get3A_663 = arith.constant 832 : index
      %get3A_664 = tpu.vector_load %arg11[%get3A_662, %get3A_663] {strides = array<i32>} : memref<16x1024xf32, #tpu.memory_space<vmem>>, vector<1x16xf32>,
      %get3A_665 = vector.shape_cast %get3A_664 : vector<1x16xf32> to vector<16xf32>
      %swap3A_666 = arith.index_cast %scan3A_194 : i32 to index
      %swap3A_667 = arith.constant 832 : index
      %swap3A_668 = tpu.vector_load %arg10[%swap3A_666, %swap3A_667] {strides = array<i32>} : memref<16x1024xf32, #tpu.memory_space<vmem>>, vector<1x16xf32>,
      %swap3A_669 = vector.shape_cast %swap3A_668 : vector<1x16xf32> to vector<16xf32>
      %swap3A_670 = vector.shape_cast %get3A_665 : vector<16xf32> to vector<1x16xf32>
      tpu.vector_store %arg10[%swap3A_666, %swap3A_667], %swap3A_670 {add = true, strides = array<i32>} : memref<16x1024xf32, #tpu.memory_space<vmem>>, vector<1x16xf32>,
      %get3A_671 = arith.index_cast %scan3A_194 : i32 to index
      %get3A_672 = arith.constant 848 : index
      %get3A_673 = tpu.vector_load %arg11[%get3A_671, %get3A_672] {strides = array<i32>} : memref<16x1024xf32, #tpu.memory_space<vmem>>, vector<1x16xf32>,
      %get3A_674 = vector.shape_cast %get3A_673 : vector<1x16xf32> to vector<16xf32>
      %swap3A_675 = arith.index_cast %scan3A_194 : i32 to index
      %swap3A_676 = arith.constant 848 : index
      %swap3A_677 = tpu.vector_load %arg10[%swap3A_675, %swap3A_676] {strides = array<i32>} : memref<16x1024xf32, #tpu.memory_space<vmem>>, vector<1x16xf32>,
      %swap3A_678 = vector.shape_cast %swap3A_677 : vector<1x16xf32> to vector<16xf32>
      %swap3A_679 = vector.shape_cast %get3A_674 : vector<16xf32> to vector<1x16xf32>
      tpu.vector_store %arg10[%swap3A_675, %swap3A_676], %swap3A_679 {add = true, strides = array<i32>} : memref<16x1024xf32, #tpu.memory_space<vmem>>, vector<1x16xf32>,
      %get3A_680 = arith.index_cast %scan3A_194 : i32 to index
      %get3A_681 = arith.constant 864 : index
      %get3A_682 = tpu.vector_load %arg11[%get3A_680, %get3A_681] {strides = array<i32>} : memref<16x1024xf32, #tpu.memory_space<vmem>>, vector<1x16xf32>,
      %get3A_683 = vector.shape_cast %get3A_682 : vector<1x16xf32> to vector<16xf32>
      %swap3A_684 = arith.index_cast %scan3A_194 : i32 to index
      %swap3A_685 = arith.constant 864 : index
      %swap3A_686 = tpu.vector_load %arg10[%swap3A_684, %swap3A_685] {strides = array<i32>} : memref<16x1024xf32, #tpu.memory_space<vmem>>, vector<1x16xf32>,
      %swap3A_687 = vector.shape_cast %swap3A_686 : vector<1x16xf32> to vector<16xf32>
      %swap3A_688 = vector.shape_cast %get3A_683 : vector<16xf32> to vector<1x16xf32>
      tpu.vector_store %arg10[%swap3A_684, %swap3A_685], %swap3A_688 {add = true, strides = array<i32>} : memref<16x1024xf32, #tpu.memory_space<vmem>>, vector<1x16xf32>,
      %get3A_689 = arith.index_cast %scan3A_194 : i32 to index
      %get3A_690 = arith.constant 880 : index
      %get3A_691 = tpu.vector_load %arg11[%get3A_689, %get3A_690] {strides = array<i32>} : memref<16x1024xf32, #tpu.memory_space<vmem>>, vector<1x16xf32>,
      %get3A_692 = vector.shape_cast %get3A_691 : vector<1x16xf32> to vector<16xf32>
      %swap3A_693 = arith.index_cast %scan3A_194 : i32 to index
      %swap3A_694 = arith.constant 880 : index
      %swap3A_695 = tpu.vector_load %arg10[%swap3A_693, %swap3A_694] {strides = array<i32>} : memref<16x1024xf32, #tpu.memory_space<vmem>>, vector<1x16xf32>,
      %swap3A_696 = vector.shape_cast %swap3A_695 : vector<1x16xf32> to vector<16xf32>
      %swap3A_697 = vector.shape_cast %get3A_692 : vector<16xf32> to vector<1x16xf32>
      tpu.vector_store %arg10[%swap3A_693, %swap3A_694], %swap3A_697 {add = true, strides = array<i32>} : memref<16x1024xf32, #tpu.memory_space<vmem>>, vector<1x16xf32>,
      %get3A_698 = arith.index_cast %scan3A_194 : i32 to index
      %get3A_699 = arith.constant 896 : index
      %get3A_700 = tpu.vector_load %arg11[%get3A_698, %get3A_699] {strides = array<i32>} : memref<16x1024xf32, #tpu.memory_space<vmem>>, vector<1x16xf32>,
      %get3A_701 = vector.shape_cast %get3A_700 : vector<1x16xf32> to vector<16xf32>
      %swap3A_702 = arith.index_cast %scan3A_194 : i32 to index
      %swap3A_703 = arith.constant 896 : index
      %swap3A_704 = tpu.vector_load %arg10[%swap3A_702, %swap3A_703] {strides = array<i32>} : memref<16x1024xf32, #tpu.memory_space<vmem>>, vector<1x16xf32>,
      %swap3A_705 = vector.shape_cast %swap3A_704 : vector<1x16xf32> to vector<16xf32>
      %swap3A_706 = vector.shape_cast %get3A_701 : vector<16xf32> to vector<1x16xf32>
      tpu.vector_store %arg10[%swap3A_702, %swap3A_703], %swap3A_706 {add = true, strides = array<i32>} : memref<16x1024xf32, #tpu.memory_space<vmem>>, vector<1x16xf32>,
      %get3A_707 = arith.index_cast %scan3A_194 : i32 to index
      %get3A_708 = arith.constant 912 : index
      %get3A_709 = tpu.vector_load %arg11[%get3A_707, %get3A_708] {strides = array<i32>} : memref<16x1024xf32, #tpu.memory_space<vmem>>, vector<1x16xf32>,
      %get3A_710 = vector.shape_cast %get3A_709 : vector<1x16xf32> to vector<16xf32>
      %swap3A_711 = arith.index_cast %scan3A_194 : i32 to index
      %swap3A_712 = arith.constant 912 : index
      %swap3A_713 = tpu.vector_load %arg10[%swap3A_711, %swap3A_712] {strides = array<i32>} : memref<16x1024xf32, #tpu.memory_space<vmem>>, vector<1x16xf32>,
      %swap3A_714 = vector.shape_cast %swap3A_713 : vector<1x16xf32> to vector<16xf32>
      %swap3A_715 = vector.shape_cast %get3A_710 : vector<16xf32> to vector<1x16xf32>
      tpu.vector_store %arg10[%swap3A_711, %swap3A_712], %swap3A_715 {add = true, strides = array<i32>} : memref<16x1024xf32, #tpu.memory_space<vmem>>, vector<1x16xf32>,
      %get3A_716 = arith.index_cast %scan3A_194 : i32 to index
      %get3A_717 = arith.constant 928 : index
      %get3A_718 = tpu.vector_load %arg11[%get3A_716, %get3A_717] {strides = array<i32>} : memref<16x1024xf32, #tpu.memory_space<vmem>>, vector<1x16xf32>,
      %get3A_719 = vector.shape_cast %get3A_718 : vector<1x16xf32> to vector<16xf32>
      %swap3A_720 = arith.index_cast %scan3A_194 : i32 to index
      %swap3A_721 = arith.constant 928 : index
      %swap3A_722 = tpu.vector_load %arg10[%swap3A_720, %swap3A_721] {strides = array<i32>} : memref<16x1024xf32, #tpu.memory_space<vmem>>, vector<1x16xf32>,
      %swap3A_723 = vector.shape_cast %swap3A_722 : vector<1x16xf32> to vector<16xf32>
      %swap3A_724 = vector.shape_cast %get3A_719 : vector<16xf32> to vector<1x16xf32>
      tpu.vector_store %arg10[%swap3A_720, %swap3A_721], %swap3A_724 {add = true, strides = array<i32>} : memref<16x1024xf32, #tpu.memory_space<vmem>>, vector<1x16xf32>,
      %get3A_725 = arith.index_cast %scan3A_194 : i32 to index
      %get3A_726 = arith.constant 944 : index
      %get3A_727 = tpu.vector_load %arg11[%get3A_725, %get3A_726] {strides = array<i32>} : memref<16x1024xf32, #tpu.memory_space<vmem>>, vector<1x16xf32>,
      %get3A_728 = vector.shape_cast %get3A_727 : vector<1x16xf32> to vector<16xf32>
      %swap3A_729 = arith.index_cast %scan3A_194 : i32 to index
      %swap3A_730 = arith.constant 944 : index
      %swap3A_731 = tpu.vector_load %arg10[%swap3A_729, %swap3A_730] {strides = array<i32>} : memref<16x1024xf32, #tpu.memory_space<vmem>>, vector<1x16xf32>,
      %swap3A_732 = vector.shape_cast %swap3A_731 : vector<1x16xf32> to vector<16xf32>
      %swap3A_733 = vector.shape_cast %get3A_728 : vector<16xf32> to vector<1x16xf32>
      tpu.vector_store %arg10[%swap3A_729, %swap3A_730], %swap3A_733 {add = true, strides = array<i32>} : memref<16x1024xf32, #tpu.memory_space<vmem>>, vector<1x16xf32>,
      %get3A_734 = arith.index_cast %scan3A_194 : i32 to index
      %get3A_735 = arith.constant 960 : index
      %get3A_736 = tpu.vector_load %arg11[%get3A_734, %get3A_735] {strides = array<i32>} : memref<16x1024xf32, #tpu.memory_space<vmem>>, vector<1x16xf32>,
      %get3A_737 = vector.shape_cast %get3A_736 : vector<1x16xf32> to vector<16xf32>
      %swap3A_738 = arith.index_cast %scan3A_194 : i32 to index
      %swap3A_739 = arith.constant 960 : index
      %swap3A_740 = tpu.vector_load %arg10[%swap3A_738, %swap3A_739] {strides = array<i32>} : memref<16x1024xf32, #tpu.memory_space<vmem>>, vector<1x16xf32>,
      %swap3A_741 = vector.shape_cast %swap3A_740 : vector<1x16xf32> to vector<16xf32>
      %swap3A_742 = vector.shape_cast %get3A_737 : vector<16xf32> to vector<1x16xf32>
      tpu.vector_store %arg10[%swap3A_738, %swap3A_739], %swap3A_742 {add = true, strides = array<i32>} : memref<16x1024xf32, #tpu.memory_space<vmem>>, vector<1x16xf32>,
      %get3A_743 = arith.index_cast %scan3A_194 : i32 to index
      %get3A_744 = arith.constant 976 : index
      %get3A_745 = tpu.vector_load %arg11[%get3A_743, %get3A_744] {strides = array<i32>} : memref<16x1024xf32, #tpu.memory_space<vmem>>, vector<1x16xf32>,
      %get3A_746 = vector.shape_cast %get3A_745 : vector<1x16xf32> to vector<16xf32>
      %swap3A_747 = arith.index_cast %scan3A_194 : i32 to index
      %swap3A_748 = arith.constant 976 : index
      %swap3A_749 = tpu.vector_load %arg10[%swap3A_747, %swap3A_748] {strides = array<i32>} : memref<16x1024xf32, #tpu.memory_space<vmem>>, vector<1x16xf32>,
      %swap3A_750 = vector.shape_cast %swap3A_749 : vector<1x16xf32> to vector<16xf32>
      %swap3A_751 = vector.shape_cast %get3A_746 : vector<16xf32> to vector<1x16xf32>
      tpu.vector_store %arg10[%swap3A_747, %swap3A_748], %swap3A_751 {add = true, strides = array<i32>} : memref<16x1024xf32, #tpu.memory_space<vmem>>, vector<1x16xf32>,
      %get3A_752 = arith.index_cast %scan3A_194 : i32 to index
      %get3A_753 = arith.constant 992 : index
      %get3A_754 = tpu.vector_load %arg11[%get3A_752, %get3A_753] {strides = array<i32>} : memref<16x1024xf32, #tpu.memory_space<vmem>>, vector<1x16xf32>,
      %get3A_755 = vector.shape_cast %get3A_754 : vector<1x16xf32> to vector<16xf32>
      %swap3A_756 = arith.index_cast %scan3A_194 : i32 to index
      %swap3A_757 = arith.constant 992 : index
      %swap3A_758 = tpu.vector_load %arg10[%swap3A_756, %swap3A_757] {strides = array<i32>} : memref<16x1024xf32, #tpu.memory_space<vmem>>, vector<1x16xf32>,
      %swap3A_759 = vector.shape_cast %swap3A_758 : vector<1x16xf32> to vector<16xf32>
      %swap3A_760 = vector.shape_cast %get3A_755 : vector<16xf32> to vector<1x16xf32>
      tpu.vector_store %arg10[%swap3A_756, %swap3A_757], %swap3A_760 {add = true, strides = array<i32>} : memref<16x1024xf32, #tpu.memory_space<vmem>>, vector<1x16xf32>,
      %get3A_761 = arith.index_cast %scan3A_194 : i32 to index
      %get3A_762 = arith.constant 1008 : index
      %get3A_763 = tpu.vector_load %arg11[%get3A_761, %get3A_762] {strides = array<i32>} : memref<16x1024xf32, #tpu.memory_space<vmem>>, vector<1x16xf32>,
      %get3A_764 = vector.shape_cast %get3A_763 : vector<1x16xf32> to vector<16xf32>
      %swap3A_765 = arith.index_cast %scan3A_194 : i32 to index
      %swap3A_766 = arith.constant 1008 : index
      %swap3A_767 = tpu.vector_load %arg10[%swap3A_765, %swap3A_766] {strides = array<i32>} : memref<16x1024xf32, #tpu.memory_space<vmem>>, vector<1x16xf32>,
      %swap3A_768 = vector.shape_cast %swap3A_767 : vector<1x16xf32> to vector<16xf32>
      %swap3A_769 = vector.shape_cast %get3A_764 : vector<16xf32> to vector<1x16xf32>
      tpu.vector_store %arg10[%swap3A_765, %swap3A_766], %swap3A_769 {add = true, strides = array<i32>} : memref<16x1024xf32, #tpu.memory_space<vmem>>, vector<1x16xf32>,
      %scan3A_770 = arith.constant 0 : i32
      scf.yield %scan3A_770 : i32
    }
    %scan3A_145 = arith.constant 16 : i32
    %add3A_146 = arith.constant 480 : i32
    %add3A_147 = vector.broadcast %add3A_146 : i32 to vector<16xi32>
    %add3A_148 = arith.addi %add3A_147, %iota3A : vector<16xi32>
    %mul3A_149 = arith.constant 16 : i32
    %mul3A_150 = vector.broadcast %mul3A_149 : i32 to vector<16xi32>
    %mul3A_151 = arith.muli %add3A_148, %mul3A_150 : vector<16xi32>
    %add3A_152 = vector.broadcast %add3A_37 : i32 to vector<16xi32>
    %add3A_153 = arith.addi %add3A_152, %mul3A_151 : vector<16xi32>
    %dma_start3A_154 = arith.constant 0 : i32
    %dma_start3A_155 = arith.constant 0 : i32
    %dma_start3A_156 = tpu.memref_slice %arg6[%dma_start3A_154, %dma_start3A_155] : memref<16400x1024xf32, #tpu.memory_space<hbm>> -> memref<16400x1024xf32, #tpu.memory_space<hbm>>
    tpu.enqueue_indirect_dma source(%arg10 : memref<16x1024xf32, #tpu.memory_space<vmem>>) target(%dma_start3A_156 : memref<16400x1024xf32, #tpu.memory_space<hbm>>) offsets(%add3A_153 : vector<16xi32>) semaphore(%arg23 : memref<!tpu.dma_semaphore, #tpu.memory_space<semaphore_mem>>)
    %dma_wait3A_157 = arith.constant 0 : i32
    %dma_wait3A_158 = arith.constant 0 : i32
    %dma_wait3A_159 = tpu.memref_slice %arg6[%dma_wait3A_157, %dma_wait3A_158] : memref<16400x1024xf32, #tpu.memory_space<hbm>> -> memref<16400x1024xf32, #tpu.memory_space<hbm>>
    tpu.wait_indirect_dma semaphore(%arg23 : memref<!tpu.dma_semaphore, #tpu.memory_space<semaphore_mem>>) src(%arg10 : memref<16x1024xf32, #tpu.memory_space<vmem>>) dst(%dma_wait3A_159 : memref<16400x1024xf32, #tpu.memory_space<hbm>>)
    %dma_wait3A_160 = arith.constant 496 : i32
    %dma_wait3A_161 = tpu.memref_slice %arg8[%dma_wait3A_160] : memref<512xi32, #tpu.memory_space<vmem>> -> memref<16xi32, #tpu.memory_space<vmem>>
    %dma_wait3A_162 = arith.constant 0 : i32
    %dma_wait3A_163 = arith.constant 0 : i32
    %dma_wait3A_164 = tpu.memref_slice %arg2[%dma_wait3A_162, %dma_wait3A_163] : memref<32768x1024xf32, #tpu.memory_space<hbm>> -> memref<32768x1024xf32, #tpu.memory_space<hbm>>
    tpu.wait_indirect_dma semaphore(%arg19 : memref<!tpu.dma_semaphore, #tpu.memory_space<semaphore_mem>>) src(%dma_wait3A_164 : memref<32768x1024xf32, #tpu.memory_space<hbm>>) dst(%arg12 : memref<16x1024xf32, #tpu.memory_space<vmem>>)
    %dma_wait3A_165 = arith.constant 496 : i32
    %dma_wait3A_166 = tpu.memref_slice %arg9[%dma_wait3A_165] : memref<512xi32, #tpu.memory_space<vmem>> -> memref<16xi32, #tpu.memory_space<vmem>>
    %dma_wait3A_167 = arith.constant 0 : i32
    %dma_wait3A_168 = arith.constant 0 : i32
    %dma_wait3A_169 = tpu.memref_slice %arg4[%dma_wait3A_167, %dma_wait3A_168] : memref<2049x1024xf32, #tpu.memory_space<hbm>> -> memref<2049x1024xf32, #tpu.memory_space<hbm>>
    tpu.wait_indirect_dma semaphore(%arg20 : memref<!tpu.dma_semaphore, #tpu.memory_space<semaphore_mem>>) src(%dma_wait3A_169 : memref<2049x1024xf32, #tpu.memory_space<hbm>>) dst(%arg13 : memref<16x1024xf32, #tpu.memory_space<vmem>>)
    %scan3A_170 = arith.constant 0 : i32
    %scan3A_171 = arith.constant 0 : i32
    %scan3A_172 = arith.constant 16 : i32
    %scan3A_173 = arith.addi %scan3A_171, %scan3A_172 : i32
    %scan3A_174 = arith.constant 1 : i32
    %scan3A_175 = scf.for %scan3A_194 = %scan3A_171 to %scan3A_173 step %scan3A_174 iter_args(%scan3A_195 = %scan3A_170) -> (i32)  : i32 {
      %get3A = arith.index_cast %scan3A_194 : i32 to index
      %get3A_196 = arith.constant 0 : index
      %get3A_197 = tpu.vector_load %arg13[%get3A, %get3A_196] {strides = array<i32>} : memref<16x1024xf32, #tpu.memory_space<vmem>>, vector<1x16xf32>,
      %get3A_198 = vector.shape_cast %get3A_197 : vector<1x16xf32> to vector<16xf32>
      %swap3A = arith.index_cast %scan3A_194 : i32 to index
      %swap3A_199 = arith.constant 0 : index
      %swap3A_200 = tpu.vector_load %arg12[%swap3A, %swap3A_199] {strides = array<i32>} : memref<16x1024xf32, #tpu.memory_space<vmem>>, vector<1x16xf32>,
      %swap3A_201 = vector.shape_cast %swap3A_200 : vector<1x16xf32> to vector<16xf32>
      %swap3A_202 = vector.shape_cast %get3A_198 : vector<16xf32> to vector<1x16xf32>
      tpu.vector_store %arg12[%swap3A, %swap3A_199], %swap3A_202 {add = true, strides = array<i32>} : memref<16x1024xf32, #tpu.memory_space<vmem>>, vector<1x16xf32>,
      %get3A_203 = arith.index_cast %scan3A_194 : i32 to index
      %get3A_204 = arith.constant 16 : index
      %get3A_205 = tpu.vector_load %arg13[%get3A_203, %get3A_204] {strides = array<i32>} : memref<16x1024xf32, #tpu.memory_space<vmem>>, vector<1x16xf32>,
      %get3A_206 = vector.shape_cast %get3A_205 : vector<1x16xf32> to vector<16xf32>
      %swap3A_207 = arith.index_cast %scan3A_194 : i32 to index
      %swap3A_208 = arith.constant 16 : index
      %swap3A_209 = tpu.vector_load %arg12[%swap3A_207, %swap3A_208] {strides = array<i32>} : memref<16x1024xf32, #tpu.memory_space<vmem>>, vector<1x16xf32>,
      %swap3A_210 = vector.shape_cast %swap3A_209 : vector<1x16xf32> to vector<16xf32>
      %swap3A_211 = vector.shape_cast %get3A_206 : vector<16xf32> to vector<1x16xf32>
      tpu.vector_store %arg12[%swap3A_207, %swap3A_208], %swap3A_211 {add = true, strides = array<i32>} : memref<16x1024xf32, #tpu.memory_space<vmem>>, vector<1x16xf32>,
      %get3A_212 = arith.index_cast %scan3A_194 : i32 to index
      %get3A_213 = arith.constant 32 : index
      %get3A_214 = tpu.vector_load %arg13[%get3A_212, %get3A_213] {strides = array<i32>} : memref<16x1024xf32, #tpu.memory_space<vmem>>, vector<1x16xf32>,
      %get3A_215 = vector.shape_cast %get3A_214 : vector<1x16xf32> to vector<16xf32>
      %swap3A_216 = arith.index_cast %scan3A_194 : i32 to index
      %swap3A_217 = arith.constant 32 : index
      %swap3A_218 = tpu.vector_load %arg12[%swap3A_216, %swap3A_217] {strides = array<i32>} : memref<16x1024xf32, #tpu.memory_space<vmem>>, vector<1x16xf32>,
      %swap3A_219 = vector.shape_cast %swap3A_218 : vector<1x16xf32> to vector<16xf32>
      %swap3A_220 = vector.shape_cast %get3A_215 : vector<16xf32> to vector<1x16xf32>
      tpu.vector_store %arg12[%swap3A_216, %swap3A_217], %swap3A_220 {add = true, strides = array<i32>} : memref<16x1024xf32, #tpu.memory_space<vmem>>, vector<1x16xf32>,
      %get3A_221 = arith.index_cast %scan3A_194 : i32 to index
      %get3A_222 = arith.constant 48 : index
      %get3A_223 = tpu.vector_load %arg13[%get3A_221, %get3A_222] {strides = array<i32>} : memref<16x1024xf32, #tpu.memory_space<vmem>>, vector<1x16xf32>,
      %get3A_224 = vector.shape_cast %get3A_223 : vector<1x16xf32> to vector<16xf32>
      %swap3A_225 = arith.index_cast %scan3A_194 : i32 to index
      %swap3A_226 = arith.constant 48 : index
      %swap3A_227 = tpu.vector_load %arg12[%swap3A_225, %swap3A_226] {strides = array<i32>} : memref<16x1024xf32, #tpu.memory_space<vmem>>, vector<1x16xf32>,
      %swap3A_228 = vector.shape_cast %swap3A_227 : vector<1x16xf32> to vector<16xf32>
      %swap3A_229 = vector.shape_cast %get3A_224 : vector<16xf32> to vector<1x16xf32>
      tpu.vector_store %arg12[%swap3A_225, %swap3A_226], %swap3A_229 {add = true, strides = array<i32>} : memref<16x1024xf32, #tpu.memory_space<vmem>>, vector<1x16xf32>,
      %get3A_230 = arith.index_cast %scan3A_194 : i32 to index
      %get3A_231 = arith.constant 64 : index
      %get3A_232 = tpu.vector_load %arg13[%get3A_230, %get3A_231] {strides = array<i32>} : memref<16x1024xf32, #tpu.memory_space<vmem>>, vector<1x16xf32>,
      %get3A_233 = vector.shape_cast %get3A_232 : vector<1x16xf32> to vector<16xf32>
      %swap3A_234 = arith.index_cast %scan3A_194 : i32 to index
      %swap3A_235 = arith.constant 64 : index
      %swap3A_236 = tpu.vector_load %arg12[%swap3A_234, %swap3A_235] {strides = array<i32>} : memref<16x1024xf32, #tpu.memory_space<vmem>>, vector<1x16xf32>,
      %swap3A_237 = vector.shape_cast %swap3A_236 : vector<1x16xf32> to vector<16xf32>
      %swap3A_238 = vector.shape_cast %get3A_233 : vector<16xf32> to vector<1x16xf32>
      tpu.vector_store %arg12[%swap3A_234, %swap3A_235], %swap3A_238 {add = true, strides = array<i32>} : memref<16x1024xf32, #tpu.memory_space<vmem>>, vector<1x16xf32>,
      %get3A_239 = arith.index_cast %scan3A_194 : i32 to index
      %get3A_240 = arith.constant 80 : index
      %get3A_241 = tpu.vector_load %arg13[%get3A_239, %get3A_240] {strides = array<i32>} : memref<16x1024xf32, #tpu.memory_space<vmem>>, vector<1x16xf32>,
      %get3A_242 = vector.shape_cast %get3A_241 : vector<1x16xf32> to vector<16xf32>
      %swap3A_243 = arith.index_cast %scan3A_194 : i32 to index
      %swap3A_244 = arith.constant 80 : index
      %swap3A_245 = tpu.vector_load %arg12[%swap3A_243, %swap3A_244] {strides = array<i32>} : memref<16x1024xf32, #tpu.memory_space<vmem>>, vector<1x16xf32>,
      %swap3A_246 = vector.shape_cast %swap3A_245 : vector<1x16xf32> to vector<16xf32>
      %swap3A_247 = vector.shape_cast %get3A_242 : vector<16xf32> to vector<1x16xf32>
      tpu.vector_store %arg12[%swap3A_243, %swap3A_244], %swap3A_247 {add = true, strides = array<i32>} : memref<16x1024xf32, #tpu.memory_space<vmem>>, vector<1x16xf32>,
      %get3A_248 = arith.index_cast %scan3A_194 : i32 to index
      %get3A_249 = arith.constant 96 : index
      %get3A_250 = tpu.vector_load %arg13[%get3A_248, %get3A_249] {strides = array<i32>} : memref<16x1024xf32, #tpu.memory_space<vmem>>, vector<1x16xf32>,
      %get3A_251 = vector.shape_cast %get3A_250 : vector<1x16xf32> to vector<16xf32>
      %swap3A_252 = arith.index_cast %scan3A_194 : i32 to index
      %swap3A_253 = arith.constant 96 : index
      %swap3A_254 = tpu.vector_load %arg12[%swap3A_252, %swap3A_253] {strides = array<i32>} : memref<16x1024xf32, #tpu.memory_space<vmem>>, vector<1x16xf32>,
      %swap3A_255 = vector.shape_cast %swap3A_254 : vector<1x16xf32> to vector<16xf32>
      %swap3A_256 = vector.shape_cast %get3A_251 : vector<16xf32> to vector<1x16xf32>
      tpu.vector_store %arg12[%swap3A_252, %swap3A_253], %swap3A_256 {add = true, strides = array<i32>} : memref<16x1024xf32, #tpu.memory_space<vmem>>, vector<1x16xf32>,
      %get3A_257 = arith.index_cast %scan3A_194 : i32 to index
      %get3A_258 = arith.constant 112 : index
      %get3A_259 = tpu.vector_load %arg13[%get3A_257, %get3A_258] {strides = array<i32>} : memref<16x1024xf32, #tpu.memory_space<vmem>>, vector<1x16xf32>,
      %get3A_260 = vector.shape_cast %get3A_259 : vector<1x16xf32> to vector<16xf32>
      %swap3A_261 = arith.index_cast %scan3A_194 : i32 to index
      %swap3A_262 = arith.constant 112 : index
      %swap3A_263 = tpu.vector_load %arg12[%swap3A_261, %swap3A_262] {strides = array<i32>} : memref<16x1024xf32, #tpu.memory_space<vmem>>, vector<1x16xf32>,
      %swap3A_264 = vector.shape_cast %swap3A_263 : vector<1x16xf32> to vector<16xf32>
      %swap3A_265 = vector.shape_cast %get3A_260 : vector<16xf32> to vector<1x16xf32>
      tpu.vector_store %arg12[%swap3A_261, %swap3A_262], %swap3A_265 {add = true, strides = array<i32>} : memref<16x1024xf32, #tpu.memory_space<vmem>>, vector<1x16xf32>,
      %get3A_266 = arith.index_cast %scan3A_194 : i32 to index
      %get3A_267 = arith.constant 128 : index
      %get3A_268 = tpu.vector_load %arg13[%get3A_266, %get3A_267] {strides = array<i32>} : memref<16x1024xf32, #tpu.memory_space<vmem>>, vector<1x16xf32>,
      %get3A_269 = vector.shape_cast %get3A_268 : vector<1x16xf32> to vector<16xf32>
      %swap3A_270 = arith.index_cast %scan3A_194 : i32 to index
      %swap3A_271 = arith.constant 128 : index
      %swap3A_272 = tpu.vector_load %arg12[%swap3A_270, %swap3A_271] {strides = array<i32>} : memref<16x1024xf32, #tpu.memory_space<vmem>>, vector<1x16xf32>,
      %swap3A_273 = vector.shape_cast %swap3A_272 : vector<1x16xf32> to vector<16xf32>
      %swap3A_274 = vector.shape_cast %get3A_269 : vector<16xf32> to vector<1x16xf32>
      tpu.vector_store %arg12[%swap3A_270, %swap3A_271], %swap3A_274 {add = true, strides = array<i32>} : memref<16x1024xf32, #tpu.memory_space<vmem>>, vector<1x16xf32>,
      %get3A_275 = arith.index_cast %scan3A_194 : i32 to index
      %get3A_276 = arith.constant 144 : index
      %get3A_277 = tpu.vector_load %arg13[%get3A_275, %get3A_276] {strides = array<i32>} : memref<16x1024xf32, #tpu.memory_space<vmem>>, vector<1x16xf32>,
      %get3A_278 = vector.shape_cast %get3A_277 : vector<1x16xf32> to vector<16xf32>
      %swap3A_279 = arith.index_cast %scan3A_194 : i32 to index
      %swap3A_280 = arith.constant 144 : index
      %swap3A_281 = tpu.vector_load %arg12[%swap3A_279, %swap3A_280] {strides = array<i32>} : memref<16x1024xf32, #tpu.memory_space<vmem>>, vector<1x16xf32>,
      %swap3A_282 = vector.shape_cast %swap3A_281 : vector<1x16xf32> to vector<16xf32>
      %swap3A_283 = vector.shape_cast %get3A_278 : vector<16xf32> to vector<1x16xf32>
      tpu.vector_store %arg12[%swap3A_279, %swap3A_280], %swap3A_283 {add = true, strides = array<i32>} : memref<16x1024xf32, #tpu.memory_space<vmem>>, vector<1x16xf32>,
      %get3A_284 = arith.index_cast %scan3A_194 : i32 to index
      %get3A_285 = arith.constant 160 : index
      %get3A_286 = tpu.vector_load %arg13[%get3A_284, %get3A_285] {strides = array<i32>} : memref<16x1024xf32, #tpu.memory_space<vmem>>, vector<1x16xf32>,
      %get3A_287 = vector.shape_cast %get3A_286 : vector<1x16xf32> to vector<16xf32>
      %swap3A_288 = arith.index_cast %scan3A_194 : i32 to index
      %swap3A_289 = arith.constant 160 : index
      %swap3A_290 = tpu.vector_load %arg12[%swap3A_288, %swap3A_289] {strides = array<i32>} : memref<16x1024xf32, #tpu.memory_space<vmem>>, vector<1x16xf32>,
      %swap3A_291 = vector.shape_cast %swap3A_290 : vector<1x16xf32> to vector<16xf32>
      %swap3A_292 = vector.shape_cast %get3A_287 : vector<16xf32> to vector<1x16xf32>
      tpu.vector_store %arg12[%swap3A_288, %swap3A_289], %swap3A_292 {add = true, strides = array<i32>} : memref<16x1024xf32, #tpu.memory_space<vmem>>, vector<1x16xf32>,
      %get3A_293 = arith.index_cast %scan3A_194 : i32 to index
      %get3A_294 = arith.constant 176 : index
      %get3A_295 = tpu.vector_load %arg13[%get3A_293, %get3A_294] {strides = array<i32>} : memref<16x1024xf32, #tpu.memory_space<vmem>>, vector<1x16xf32>,
      %get3A_296 = vector.shape_cast %get3A_295 : vector<1x16xf32> to vector<16xf32>
      %swap3A_297 = arith.index_cast %scan3A_194 : i32 to index
      %swap3A_298 = arith.constant 176 : index
      %swap3A_299 = tpu.vector_load %arg12[%swap3A_297, %swap3A_298] {strides = array<i32>} : memref<16x1024xf32, #tpu.memory_space<vmem>>, vector<1x16xf32>,
      %swap3A_300 = vector.shape_cast %swap3A_299 : vector<1x16xf32> to vector<16xf32>
      %swap3A_301 = vector.shape_cast %get3A_296 : vector<16xf32> to vector<1x16xf32>
      tpu.vector_store %arg12[%swap3A_297, %swap3A_298], %swap3A_301 {add = true, strides = array<i32>} : memref<16x1024xf32, #tpu.memory_space<vmem>>, vector<1x16xf32>,
      %get3A_302 = arith.index_cast %scan3A_194 : i32 to index
      %get3A_303 = arith.constant 192 : index
      %get3A_304 = tpu.vector_load %arg13[%get3A_302, %get3A_303] {strides = array<i32>} : memref<16x1024xf32, #tpu.memory_space<vmem>>, vector<1x16xf32>,
      %get3A_305 = vector.shape_cast %get3A_304 : vector<1x16xf32> to vector<16xf32>
      %swap3A_306 = arith.index_cast %scan3A_194 : i32 to index
      %swap3A_307 = arith.constant 192 : index
      %swap3A_308 = tpu.vector_load %arg12[%swap3A_306, %swap3A_307] {strides = array<i32>} : memref<16x1024xf32, #tpu.memory_space<vmem>>, vector<1x16xf32>,
      %swap3A_309 = vector.shape_cast %swap3A_308 : vector<1x16xf32> to vector<16xf32>
      %swap3A_310 = vector.shape_cast %get3A_305 : vector<16xf32> to vector<1x16xf32>
      tpu.vector_store %arg12[%swap3A_306, %swap3A_307], %swap3A_310 {add = true, strides = array<i32>} : memref<16x1024xf32, #tpu.memory_space<vmem>>, vector<1x16xf32>,
      %get3A_311 = arith.index_cast %scan3A_194 : i32 to index
      %get3A_312 = arith.constant 208 : index
      %get3A_313 = tpu.vector_load %arg13[%get3A_311, %get3A_312] {strides = array<i32>} : memref<16x1024xf32, #tpu.memory_space<vmem>>, vector<1x16xf32>,
      %get3A_314 = vector.shape_cast %get3A_313 : vector<1x16xf32> to vector<16xf32>
      %swap3A_315 = arith.index_cast %scan3A_194 : i32 to index
      %swap3A_316 = arith.constant 208 : index
      %swap3A_317 = tpu.vector_load %arg12[%swap3A_315, %swap3A_316] {strides = array<i32>} : memref<16x1024xf32, #tpu.memory_space<vmem>>, vector<1x16xf32>,
      %swap3A_318 = vector.shape_cast %swap3A_317 : vector<1x16xf32> to vector<16xf32>
      %swap3A_319 = vector.shape_cast %get3A_314 : vector<16xf32> to vector<1x16xf32>
      tpu.vector_store %arg12[%swap3A_315, %swap3A_316], %swap3A_319 {add = true, strides = array<i32>} : memref<16x1024xf32, #tpu.memory_space<vmem>>, vector<1x16xf32>,
      %get3A_320 = arith.index_cast %scan3A_194 : i32 to index
      %get3A_321 = arith.constant 224 : index
      %get3A_322 = tpu.vector_load %arg13[%get3A_320, %get3A_321] {strides = array<i32>} : memref<16x1024xf32, #tpu.memory_space<vmem>>, vector<1x16xf32>,
      %get3A_323 = vector.shape_cast %get3A_322 : vector<1x16xf32> to vector<16xf32>
      %swap3A_324 = arith.index_cast %scan3A_194 : i32 to index
      %swap3A_325 = arith.constant 224 : index
      %swap3A_326 = tpu.vector_load %arg12[%swap3A_324, %swap3A_325] {strides = array<i32>} : memref<16x1024xf32, #tpu.memory_space<vmem>>, vector<1x16xf32>,
      %swap3A_327 = vector.shape_cast %swap3A_326 : vector<1x16xf32> to vector<16xf32>
      %swap3A_328 = vector.shape_cast %get3A_323 : vector<16xf32> to vector<1x16xf32>
      tpu.vector_store %arg12[%swap3A_324, %swap3A_325], %swap3A_328 {add = true, strides = array<i32>} : memref<16x1024xf32, #tpu.memory_space<vmem>>, vector<1x16xf32>,
      %get3A_329 = arith.index_cast %scan3A_194 : i32 to index
      %get3A_330 = arith.constant 240 : index
      %get3A_331 = tpu.vector_load %arg13[%get3A_329, %get3A_330] {strides = array<i32>} : memref<16x1024xf32, #tpu.memory_space<vmem>>, vector<1x16xf32>,
      %get3A_332 = vector.shape_cast %get3A_331 : vector<1x16xf32> to vector<16xf32>
      %swap3A_333 = arith.index_cast %scan3A_194 : i32 to index
      %swap3A_334 = arith.constant 240 : index
      %swap3A_335 = tpu.vector_load %arg12[%swap3A_333, %swap3A_334] {strides = array<i32>} : memref<16x1024xf32, #tpu.memory_space<vmem>>, vector<1x16xf32>,
      %swap3A_336 = vector.shape_cast %swap3A_335 : vector<1x16xf32> to vector<16xf32>
      %swap3A_337 = vector.shape_cast %get3A_332 : vector<16xf32> to vector<1x16xf32>
      tpu.vector_store %arg12[%swap3A_333, %swap3A_334], %swap3A_337 {add = true, strides = array<i32>} : memref<16x1024xf32, #tpu.memory_space<vmem>>, vector<1x16xf32>,
      %get3A_338 = arith.index_cast %scan3A_194 : i32 to index
      %get3A_339 = arith.constant 256 : index
      %get3A_340 = tpu.vector_load %arg13[%get3A_338, %get3A_339] {strides = array<i32>} : memref<16x1024xf32, #tpu.memory_space<vmem>>, vector<1x16xf32>,
      %get3A_341 = vector.shape_cast %get3A_340 : vector<1x16xf32> to vector<16xf32>
      %swap3A_342 = arith.index_cast %scan3A_194 : i32 to index
      %swap3A_343 = arith.constant 256 : index
      %swap3A_344 = tpu.vector_load %arg12[%swap3A_342, %swap3A_343] {strides = array<i32>} : memref<16x1024xf32, #tpu.memory_space<vmem>>, vector<1x16xf32>,
      %swap3A_345 = vector.shape_cast %swap3A_344 : vector<1x16xf32> to vector<16xf32>
      %swap3A_346 = vector.shape_cast %get3A_341 : vector<16xf32> to vector<1x16xf32>
      tpu.vector_store %arg12[%swap3A_342, %swap3A_343], %swap3A_346 {add = true, strides = array<i32>} : memref<16x1024xf32, #tpu.memory_space<vmem>>, vector<1x16xf32>,
      %get3A_347 = arith.index_cast %scan3A_194 : i32 to index
      %get3A_348 = arith.constant 272 : index
      %get3A_349 = tpu.vector_load %arg13[%get3A_347, %get3A_348] {strides = array<i32>} : memref<16x1024xf32, #tpu.memory_space<vmem>>, vector<1x16xf32>,
      %get3A_350 = vector.shape_cast %get3A_349 : vector<1x16xf32> to vector<16xf32>
      %swap3A_351 = arith.index_cast %scan3A_194 : i32 to index
      %swap3A_352 = arith.constant 272 : index
      %swap3A_353 = tpu.vector_load %arg12[%swap3A_351, %swap3A_352] {strides = array<i32>} : memref<16x1024xf32, #tpu.memory_space<vmem>>, vector<1x16xf32>,
      %swap3A_354 = vector.shape_cast %swap3A_353 : vector<1x16xf32> to vector<16xf32>
      %swap3A_355 = vector.shape_cast %get3A_350 : vector<16xf32> to vector<1x16xf32>
      tpu.vector_store %arg12[%swap3A_351, %swap3A_352], %swap3A_355 {add = true, strides = array<i32>} : memref<16x1024xf32, #tpu.memory_space<vmem>>, vector<1x16xf32>,
      %get3A_356 = arith.index_cast %scan3A_194 : i32 to index
      %get3A_357 = arith.constant 288 : index
      %get3A_358 = tpu.vector_load %arg13[%get3A_356, %get3A_357] {strides = array<i32>} : memref<16x1024xf32, #tpu.memory_space<vmem>>, vector<1x16xf32>,
      %get3A_359 = vector.shape_cast %get3A_358 : vector<1x16xf32> to vector<16xf32>
      %swap3A_360 = arith.index_cast %scan3A_194 : i32 to index
      %swap3A_361 = arith.constant 288 : index
      %swap3A_362 = tpu.vector_load %arg12[%swap3A_360, %swap3A_361] {strides = array<i32>} : memref<16x1024xf32, #tpu.memory_space<vmem>>, vector<1x16xf32>,
      %swap3A_363 = vector.shape_cast %swap3A_362 : vector<1x16xf32> to vector<16xf32>
      %swap3A_364 = vector.shape_cast %get3A_359 : vector<16xf32> to vector<1x16xf32>
      tpu.vector_store %arg12[%swap3A_360, %swap3A_361], %swap3A_364 {add = true, strides = array<i32>} : memref<16x1024xf32, #tpu.memory_space<vmem>>, vector<1x16xf32>,
      %get3A_365 = arith.index_cast %scan3A_194 : i32 to index
      %get3A_366 = arith.constant 304 : index
      %get3A_367 = tpu.vector_load %arg13[%get3A_365, %get3A_366] {strides = array<i32>} : memref<16x1024xf32, #tpu.memory_space<vmem>>, vector<1x16xf32>,
      %get3A_368 = vector.shape_cast %get3A_367 : vector<1x16xf32> to vector<16xf32>
      %swap3A_369 = arith.index_cast %scan3A_194 : i32 to index
      %swap3A_370 = arith.constant 304 : index
      %swap3A_371 = tpu.vector_load %arg12[%swap3A_369, %swap3A_370] {strides = array<i32>} : memref<16x1024xf32, #tpu.memory_space<vmem>>, vector<1x16xf32>,
      %swap3A_372 = vector.shape_cast %swap3A_371 : vector<1x16xf32> to vector<16xf32>
      %swap3A_373 = vector.shape_cast %get3A_368 : vector<16xf32> to vector<1x16xf32>
      tpu.vector_store %arg12[%swap3A_369, %swap3A_370], %swap3A_373 {add = true, strides = array<i32>} : memref<16x1024xf32, #tpu.memory_space<vmem>>, vector<1x16xf32>,
      %get3A_374 = arith.index_cast %scan3A_194 : i32 to index
      %get3A_375 = arith.constant 320 : index
      %get3A_376 = tpu.vector_load %arg13[%get3A_374, %get3A_375] {strides = array<i32>} : memref<16x1024xf32, #tpu.memory_space<vmem>>, vector<1x16xf32>,
      %get3A_377 = vector.shape_cast %get3A_376 : vector<1x16xf32> to vector<16xf32>
      %swap3A_378 = arith.index_cast %scan3A_194 : i32 to index
      %swap3A_379 = arith.constant 320 : index
      %swap3A_380 = tpu.vector_load %arg12[%swap3A_378, %swap3A_379] {strides = array<i32>} : memref<16x1024xf32, #tpu.memory_space<vmem>>, vector<1x16xf32>,
      %swap3A_381 = vector.shape_cast %swap3A_380 : vector<1x16xf32> to vector<16xf32>
      %swap3A_382 = vector.shape_cast %get3A_377 : vector<16xf32> to vector<1x16xf32>
      tpu.vector_store %arg12[%swap3A_378, %swap3A_379], %swap3A_382 {add = true, strides = array<i32>} : memref<16x1024xf32, #tpu.memory_space<vmem>>, vector<1x16xf32>,
      %get3A_383 = arith.index_cast %scan3A_194 : i32 to index
      %get3A_384 = arith.constant 336 : index
      %get3A_385 = tpu.vector_load %arg13[%get3A_383, %get3A_384] {strides = array<i32>} : memref<16x1024xf32, #tpu.memory_space<vmem>>, vector<1x16xf32>,
      %get3A_386 = vector.shape_cast %get3A_385 : vector<1x16xf32> to vector<16xf32>
      %swap3A_387 = arith.index_cast %scan3A_194 : i32 to index
      %swap3A_388 = arith.constant 336 : index
      %swap3A_389 = tpu.vector_load %arg12[%swap3A_387, %swap3A_388] {strides = array<i32>} : memref<16x1024xf32, #tpu.memory_space<vmem>>, vector<1x16xf32>,
      %swap3A_390 = vector.shape_cast %swap3A_389 : vector<1x16xf32> to vector<16xf32>
      %swap3A_391 = vector.shape_cast %get3A_386 : vector<16xf32> to vector<1x16xf32>
      tpu.vector_store %arg12[%swap3A_387, %swap3A_388], %swap3A_391 {add = true, strides = array<i32>} : memref<16x1024xf32, #tpu.memory_space<vmem>>, vector<1x16xf32>,
      %get3A_392 = arith.index_cast %scan3A_194 : i32 to index
      %get3A_393 = arith.constant 352 : index
      %get3A_394 = tpu.vector_load %arg13[%get3A_392, %get3A_393] {strides = array<i32>} : memref<16x1024xf32, #tpu.memory_space<vmem>>, vector<1x16xf32>,
      %get3A_395 = vector.shape_cast %get3A_394 : vector<1x16xf32> to vector<16xf32>
      %swap3A_396 = arith.index_cast %scan3A_194 : i32 to index
      %swap3A_397 = arith.constant 352 : index
      %swap3A_398 = tpu.vector_load %arg12[%swap3A_396, %swap3A_397] {strides = array<i32>} : memref<16x1024xf32, #tpu.memory_space<vmem>>, vector<1x16xf32>,
      %swap3A_399 = vector.shape_cast %swap3A_398 : vector<1x16xf32> to vector<16xf32>
      %swap3A_400 = vector.shape_cast %get3A_395 : vector<16xf32> to vector<1x16xf32>
      tpu.vector_store %arg12[%swap3A_396, %swap3A_397], %swap3A_400 {add = true, strides = array<i32>} : memref<16x1024xf32, #tpu.memory_space<vmem>>, vector<1x16xf32>,
      %get3A_401 = arith.index_cast %scan3A_194 : i32 to index
      %get3A_402 = arith.constant 368 : index
      %get3A_403 = tpu.vector_load %arg13[%get3A_401, %get3A_402] {strides = array<i32>} : memref<16x1024xf32, #tpu.memory_space<vmem>>, vector<1x16xf32>,
      %get3A_404 = vector.shape_cast %get3A_403 : vector<1x16xf32> to vector<16xf32>
      %swap3A_405 = arith.index_cast %scan3A_194 : i32 to index
      %swap3A_406 = arith.constant 368 : index
      %swap3A_407 = tpu.vector_load %arg12[%swap3A_405, %swap3A_406] {strides = array<i32>} : memref<16x1024xf32, #tpu.memory_space<vmem>>, vector<1x16xf32>,
      %swap3A_408 = vector.shape_cast %swap3A_407 : vector<1x16xf32> to vector<16xf32>
      %swap3A_409 = vector.shape_cast %get3A_404 : vector<16xf32> to vector<1x16xf32>
      tpu.vector_store %arg12[%swap3A_405, %swap3A_406], %swap3A_409 {add = true, strides = array<i32>} : memref<16x1024xf32, #tpu.memory_space<vmem>>, vector<1x16xf32>,
      %get3A_410 = arith.index_cast %scan3A_194 : i32 to index
      %get3A_411 = arith.constant 384 : index
      %get3A_412 = tpu.vector_load %arg13[%get3A_410, %get3A_411] {strides = array<i32>} : memref<16x1024xf32, #tpu.memory_space<vmem>>, vector<1x16xf32>,
      %get3A_413 = vector.shape_cast %get3A_412 : vector<1x16xf32> to vector<16xf32>
      %swap3A_414 = arith.index_cast %scan3A_194 : i32 to index
      %swap3A_415 = arith.constant 384 : index
      %swap3A_416 = tpu.vector_load %arg12[%swap3A_414, %swap3A_415] {strides = array<i32>} : memref<16x1024xf32, #tpu.memory_space<vmem>>, vector<1x16xf32>,
      %swap3A_417 = vector.shape_cast %swap3A_416 : vector<1x16xf32> to vector<16xf32>
      %swap3A_418 = vector.shape_cast %get3A_413 : vector<16xf32> to vector<1x16xf32>
      tpu.vector_store %arg12[%swap3A_414, %swap3A_415], %swap3A_418 {add = true, strides = array<i32>} : memref<16x1024xf32, #tpu.memory_space<vmem>>, vector<1x16xf32>,
      %get3A_419 = arith.index_cast %scan3A_194 : i32 to index
      %get3A_420 = arith.constant 400 : index
      %get3A_421 = tpu.vector_load %arg13[%get3A_419, %get3A_420] {strides = array<i32>} : memref<16x1024xf32, #tpu.memory_space<vmem>>, vector<1x16xf32>,
      %get3A_422 = vector.shape_cast %get3A_421 : vector<1x16xf32> to vector<16xf32>
      %swap3A_423 = arith.index_cast %scan3A_194 : i32 to index
      %swap3A_424 = arith.constant 400 : index
      %swap3A_425 = tpu.vector_load %arg12[%swap3A_423, %swap3A_424] {strides = array<i32>} : memref<16x1024xf32, #tpu.memory_space<vmem>>, vector<1x16xf32>,
      %swap3A_426 = vector.shape_cast %swap3A_425 : vector<1x16xf32> to vector<16xf32>
      %swap3A_427 = vector.shape_cast %get3A_422 : vector<16xf32> to vector<1x16xf32>
      tpu.vector_store %arg12[%swap3A_423, %swap3A_424], %swap3A_427 {add = true, strides = array<i32>} : memref<16x1024xf32, #tpu.memory_space<vmem>>, vector<1x16xf32>,
      %get3A_428 = arith.index_cast %scan3A_194 : i32 to index
      %get3A_429 = arith.constant 416 : index
      %get3A_430 = tpu.vector_load %arg13[%get3A_428, %get3A_429] {strides = array<i32>} : memref<16x1024xf32, #tpu.memory_space<vmem>>, vector<1x16xf32>,
      %get3A_431 = vector.shape_cast %get3A_430 : vector<1x16xf32> to vector<16xf32>
      %swap3A_432 = arith.index_cast %scan3A_194 : i32 to index
      %swap3A_433 = arith.constant 416 : index
      %swap3A_434 = tpu.vector_load %arg12[%swap3A_432, %swap3A_433] {strides = array<i32>} : memref<16x1024xf32, #tpu.memory_space<vmem>>, vector<1x16xf32>,
      %swap3A_435 = vector.shape_cast %swap3A_434 : vector<1x16xf32> to vector<16xf32>
      %swap3A_436 = vector.shape_cast %get3A_431 : vector<16xf32> to vector<1x16xf32>
      tpu.vector_store %arg12[%swap3A_432, %swap3A_433], %swap3A_436 {add = true, strides = array<i32>} : memref<16x1024xf32, #tpu.memory_space<vmem>>, vector<1x16xf32>,
      %get3A_437 = arith.index_cast %scan3A_194 : i32 to index
      %get3A_438 = arith.constant 432 : index
      %get3A_439 = tpu.vector_load %arg13[%get3A_437, %get3A_438] {strides = array<i32>} : memref<16x1024xf32, #tpu.memory_space<vmem>>, vector<1x16xf32>,
      %get3A_440 = vector.shape_cast %get3A_439 : vector<1x16xf32> to vector<16xf32>
      %swap3A_441 = arith.index_cast %scan3A_194 : i32 to index
      %swap3A_442 = arith.constant 432 : index
      %swap3A_443 = tpu.vector_load %arg12[%swap3A_441, %swap3A_442] {strides = array<i32>} : memref<16x1024xf32, #tpu.memory_space<vmem>>, vector<1x16xf32>,
      %swap3A_444 = vector.shape_cast %swap3A_443 : vector<1x16xf32> to vector<16xf32>
      %swap3A_445 = vector.shape_cast %get3A_440 : vector<16xf32> to vector<1x16xf32>
      tpu.vector_store %arg12[%swap3A_441, %swap3A_442], %swap3A_445 {add = true, strides = array<i32>} : memref<16x1024xf32, #tpu.memory_space<vmem>>, vector<1x16xf32>,
      %get3A_446 = arith.index_cast %scan3A_194 : i32 to index
      %get3A_447 = arith.constant 448 : index
      %get3A_448 = tpu.vector_load %arg13[%get3A_446, %get3A_447] {strides = array<i32>} : memref<16x1024xf32, #tpu.memory_space<vmem>>, vector<1x16xf32>,
      %get3A_449 = vector.shape_cast %get3A_448 : vector<1x16xf32> to vector<16xf32>
      %swap3A_450 = arith.index_cast %scan3A_194 : i32 to index
      %swap3A_451 = arith.constant 448 : index
      %swap3A_452 = tpu.vector_load %arg12[%swap3A_450, %swap3A_451] {strides = array<i32>} : memref<16x1024xf32, #tpu.memory_space<vmem>>, vector<1x16xf32>,
      %swap3A_453 = vector.shape_cast %swap3A_452 : vector<1x16xf32> to vector<16xf32>
      %swap3A_454 = vector.shape_cast %get3A_449 : vector<16xf32> to vector<1x16xf32>
      tpu.vector_store %arg12[%swap3A_450, %swap3A_451], %swap3A_454 {add = true, strides = array<i32>} : memref<16x1024xf32, #tpu.memory_space<vmem>>, vector<1x16xf32>,
      %get3A_455 = arith.index_cast %scan3A_194 : i32 to index
      %get3A_456 = arith.constant 464 : index
      %get3A_457 = tpu.vector_load %arg13[%get3A_455, %get3A_456] {strides = array<i32>} : memref<16x1024xf32, #tpu.memory_space<vmem>>, vector<1x16xf32>,
      %get3A_458 = vector.shape_cast %get3A_457 : vector<1x16xf32> to vector<16xf32>
      %swap3A_459 = arith.index_cast %scan3A_194 : i32 to index
      %swap3A_460 = arith.constant 464 : index
      %swap3A_461 = tpu.vector_load %arg12[%swap3A_459, %swap3A_460] {strides = array<i32>} : memref<16x1024xf32, #tpu.memory_space<vmem>>, vector<1x16xf32>,
      %swap3A_462 = vector.shape_cast %swap3A_461 : vector<1x16xf32> to vector<16xf32>
      %swap3A_463 = vector.shape_cast %get3A_458 : vector<16xf32> to vector<1x16xf32>
      tpu.vector_store %arg12[%swap3A_459, %swap3A_460], %swap3A_463 {add = true, strides = array<i32>} : memref<16x1024xf32, #tpu.memory_space<vmem>>, vector<1x16xf32>,
      %get3A_464 = arith.index_cast %scan3A_194 : i32 to index
      %get3A_465 = arith.constant 480 : index
      %get3A_466 = tpu.vector_load %arg13[%get3A_464, %get3A_465] {strides = array<i32>} : memref<16x1024xf32, #tpu.memory_space<vmem>>, vector<1x16xf32>,
      %get3A_467 = vector.shape_cast %get3A_466 : vector<1x16xf32> to vector<16xf32>
      %swap3A_468 = arith.index_cast %scan3A_194 : i32 to index
      %swap3A_469 = arith.constant 480 : index
      %swap3A_470 = tpu.vector_load %arg12[%swap3A_468, %swap3A_469] {strides = array<i32>} : memref<16x1024xf32, #tpu.memory_space<vmem>>, vector<1x16xf32>,
      %swap3A_471 = vector.shape_cast %swap3A_470 : vector<1x16xf32> to vector<16xf32>
      %swap3A_472 = vector.shape_cast %get3A_467 : vector<16xf32> to vector<1x16xf32>
      tpu.vector_store %arg12[%swap3A_468, %swap3A_469], %swap3A_472 {add = true, strides = array<i32>} : memref<16x1024xf32, #tpu.memory_space<vmem>>, vector<1x16xf32>,
      %get3A_473 = arith.index_cast %scan3A_194 : i32 to index
      %get3A_474 = arith.constant 496 : index
      %get3A_475 = tpu.vector_load %arg13[%get3A_473, %get3A_474] {strides = array<i32>} : memref<16x1024xf32, #tpu.memory_space<vmem>>, vector<1x16xf32>,
      %get3A_476 = vector.shape_cast %get3A_475 : vector<1x16xf32> to vector<16xf32>
      %swap3A_477 = arith.index_cast %scan3A_194 : i32 to index
      %swap3A_478 = arith.constant 496 : index
      %swap3A_479 = tpu.vector_load %arg12[%swap3A_477, %swap3A_478] {strides = array<i32>} : memref<16x1024xf32, #tpu.memory_space<vmem>>, vector<1x16xf32>,
      %swap3A_480 = vector.shape_cast %swap3A_479 : vector<1x16xf32> to vector<16xf32>
      %swap3A_481 = vector.shape_cast %get3A_476 : vector<16xf32> to vector<1x16xf32>
      tpu.vector_store %arg12[%swap3A_477, %swap3A_478], %swap3A_481 {add = true, strides = array<i32>} : memref<16x1024xf32, #tpu.memory_space<vmem>>, vector<1x16xf32>,
      %get3A_482 = arith.index_cast %scan3A_194 : i32 to index
      %get3A_483 = arith.constant 512 : index
      %get3A_484 = tpu.vector_load %arg13[%get3A_482, %get3A_483] {strides = array<i32>} : memref<16x1024xf32, #tpu.memory_space<vmem>>, vector<1x16xf32>,
      %get3A_485 = vector.shape_cast %get3A_484 : vector<1x16xf32> to vector<16xf32>
      %swap3A_486 = arith.index_cast %scan3A_194 : i32 to index
      %swap3A_487 = arith.constant 512 : index
      %swap3A_488 = tpu.vector_load %arg12[%swap3A_486, %swap3A_487] {strides = array<i32>} : memref<16x1024xf32, #tpu.memory_space<vmem>>, vector<1x16xf32>,
      %swap3A_489 = vector.shape_cast %swap3A_488 : vector<1x16xf32> to vector<16xf32>
      %swap3A_490 = vector.shape_cast %get3A_485 : vector<16xf32> to vector<1x16xf32>
      tpu.vector_store %arg12[%swap3A_486, %swap3A_487], %swap3A_490 {add = true, strides = array<i32>} : memref<16x1024xf32, #tpu.memory_space<vmem>>, vector<1x16xf32>,
      %get3A_491 = arith.index_cast %scan3A_194 : i32 to index
      %get3A_492 = arith.constant 528 : index
      %get3A_493 = tpu.vector_load %arg13[%get3A_491, %get3A_492] {strides = array<i32>} : memref<16x1024xf32, #tpu.memory_space<vmem>>, vector<1x16xf32>,
      %get3A_494 = vector.shape_cast %get3A_493 : vector<1x16xf32> to vector<16xf32>
      %swap3A_495 = arith.index_cast %scan3A_194 : i32 to index
      %swap3A_496 = arith.constant 528 : index
      %swap3A_497 = tpu.vector_load %arg12[%swap3A_495, %swap3A_496] {strides = array<i32>} : memref<16x1024xf32, #tpu.memory_space<vmem>>, vector<1x16xf32>,
      %swap3A_498 = vector.shape_cast %swap3A_497 : vector<1x16xf32> to vector<16xf32>
      %swap3A_499 = vector.shape_cast %get3A_494 : vector<16xf32> to vector<1x16xf32>
      tpu.vector_store %arg12[%swap3A_495, %swap3A_496], %swap3A_499 {add = true, strides = array<i32>} : memref<16x1024xf32, #tpu.memory_space<vmem>>, vector<1x16xf32>,
      %get3A_500 = arith.index_cast %scan3A_194 : i32 to index
      %get3A_501 = arith.constant 544 : index
      %get3A_502 = tpu.vector_load %arg13[%get3A_500, %get3A_501] {strides = array<i32>} : memref<16x1024xf32, #tpu.memory_space<vmem>>, vector<1x16xf32>,
      %get3A_503 = vector.shape_cast %get3A_502 : vector<1x16xf32> to vector<16xf32>
      %swap3A_504 = arith.index_cast %scan3A_194 : i32 to index
      %swap3A_505 = arith.constant 544 : index
      %swap3A_506 = tpu.vector_load %arg12[%swap3A_504, %swap3A_505] {strides = array<i32>} : memref<16x1024xf32, #tpu.memory_space<vmem>>, vector<1x16xf32>,
      %swap3A_507 = vector.shape_cast %swap3A_506 : vector<1x16xf32> to vector<16xf32>
      %swap3A_508 = vector.shape_cast %get3A_503 : vector<16xf32> to vector<1x16xf32>
      tpu.vector_store %arg12[%swap3A_504, %swap3A_505], %swap3A_508 {add = true, strides = array<i32>} : memref<16x1024xf32, #tpu.memory_space<vmem>>, vector<1x16xf32>,
      %get3A_509 = arith.index_cast %scan3A_194 : i32 to index
      %get3A_510 = arith.constant 560 : index
      %get3A_511 = tpu.vector_load %arg13[%get3A_509, %get3A_510] {strides = array<i32>} : memref<16x1024xf32, #tpu.memory_space<vmem>>, vector<1x16xf32>,
      %get3A_512 = vector.shape_cast %get3A_511 : vector<1x16xf32> to vector<16xf32>
      %swap3A_513 = arith.index_cast %scan3A_194 : i32 to index
      %swap3A_514 = arith.constant 560 : index
      %swap3A_515 = tpu.vector_load %arg12[%swap3A_513, %swap3A_514] {strides = array<i32>} : memref<16x1024xf32, #tpu.memory_space<vmem>>, vector<1x16xf32>,
      %swap3A_516 = vector.shape_cast %swap3A_515 : vector<1x16xf32> to vector<16xf32>
      %swap3A_517 = vector.shape_cast %get3A_512 : vector<16xf32> to vector<1x16xf32>
      tpu.vector_store %arg12[%swap3A_513, %swap3A_514], %swap3A_517 {add = true, strides = array<i32>} : memref<16x1024xf32, #tpu.memory_space<vmem>>, vector<1x16xf32>,
      %get3A_518 = arith.index_cast %scan3A_194 : i32 to index
      %get3A_519 = arith.constant 576 : index
      %get3A_520 = tpu.vector_load %arg13[%get3A_518, %get3A_519] {strides = array<i32>} : memref<16x1024xf32, #tpu.memory_space<vmem>>, vector<1x16xf32>,
      %get3A_521 = vector.shape_cast %get3A_520 : vector<1x16xf32> to vector<16xf32>
      %swap3A_522 = arith.index_cast %scan3A_194 : i32 to index
      %swap3A_523 = arith.constant 576 : index
      %swap3A_524 = tpu.vector_load %arg12[%swap3A_522, %swap3A_523] {strides = array<i32>} : memref<16x1024xf32, #tpu.memory_space<vmem>>, vector<1x16xf32>,
      %swap3A_525 = vector.shape_cast %swap3A_524 : vector<1x16xf32> to vector<16xf32>
      %swap3A_526 = vector.shape_cast %get3A_521 : vector<16xf32> to vector<1x16xf32>
      tpu.vector_store %arg12[%swap3A_522, %swap3A_523], %swap3A_526 {add = true, strides = array<i32>} : memref<16x1024xf32, #tpu.memory_space<vmem>>, vector<1x16xf32>,
      %get3A_527 = arith.index_cast %scan3A_194 : i32 to index
      %get3A_528 = arith.constant 592 : index
      %get3A_529 = tpu.vector_load %arg13[%get3A_527, %get3A_528] {strides = array<i32>} : memref<16x1024xf32, #tpu.memory_space<vmem>>, vector<1x16xf32>,
      %get3A_530 = vector.shape_cast %get3A_529 : vector<1x16xf32> to vector<16xf32>
      %swap3A_531 = arith.index_cast %scan3A_194 : i32 to index
      %swap3A_532 = arith.constant 592 : index
      %swap3A_533 = tpu.vector_load %arg12[%swap3A_531, %swap3A_532] {strides = array<i32>} : memref<16x1024xf32, #tpu.memory_space<vmem>>, vector<1x16xf32>,
      %swap3A_534 = vector.shape_cast %swap3A_533 : vector<1x16xf32> to vector<16xf32>
      %swap3A_535 = vector.shape_cast %get3A_530 : vector<16xf32> to vector<1x16xf32>
      tpu.vector_store %arg12[%swap3A_531, %swap3A_532], %swap3A_535 {add = true, strides = array<i32>} : memref<16x1024xf32, #tpu.memory_space<vmem>>, vector<1x16xf32>,
      %get3A_536 = arith.index_cast %scan3A_194 : i32 to index
      %get3A_537 = arith.constant 608 : index
      %get3A_538 = tpu.vector_load %arg13[%get3A_536, %get3A_537] {strides = array<i32>} : memref<16x1024xf32, #tpu.memory_space<vmem>>, vector<1x16xf32>,
      %get3A_539 = vector.shape_cast %get3A_538 : vector<1x16xf32> to vector<16xf32>
      %swap3A_540 = arith.index_cast %scan3A_194 : i32 to index
      %swap3A_541 = arith.constant 608 : index
      %swap3A_542 = tpu.vector_load %arg12[%swap3A_540, %swap3A_541] {strides = array<i32>} : memref<16x1024xf32, #tpu.memory_space<vmem>>, vector<1x16xf32>,
      %swap3A_543 = vector.shape_cast %swap3A_542 : vector<1x16xf32> to vector<16xf32>
      %swap3A_544 = vector.shape_cast %get3A_539 : vector<16xf32> to vector<1x16xf32>
      tpu.vector_store %arg12[%swap3A_540, %swap3A_541], %swap3A_544 {add = true, strides = array<i32>} : memref<16x1024xf32, #tpu.memory_space<vmem>>, vector<1x16xf32>,
      %get3A_545 = arith.index_cast %scan3A_194 : i32 to index
      %get3A_546 = arith.constant 624 : index
      %get3A_547 = tpu.vector_load %arg13[%get3A_545, %get3A_546] {strides = array<i32>} : memref<16x1024xf32, #tpu.memory_space<vmem>>, vector<1x16xf32>,
      %get3A_548 = vector.shape_cast %get3A_547 : vector<1x16xf32> to vector<16xf32>
      %swap3A_549 = arith.index_cast %scan3A_194 : i32 to index
      %swap3A_550 = arith.constant 624 : index
      %swap3A_551 = tpu.vector_load %arg12[%swap3A_549, %swap3A_550] {strides = array<i32>} : memref<16x1024xf32, #tpu.memory_space<vmem>>, vector<1x16xf32>,
      %swap3A_552 = vector.shape_cast %swap3A_551 : vector<1x16xf32> to vector<16xf32>
      %swap3A_553 = vector.shape_cast %get3A_548 : vector<16xf32> to vector<1x16xf32>
      tpu.vector_store %arg12[%swap3A_549, %swap3A_550], %swap3A_553 {add = true, strides = array<i32>} : memref<16x1024xf32, #tpu.memory_space<vmem>>, vector<1x16xf32>,
      %get3A_554 = arith.index_cast %scan3A_194 : i32 to index
      %get3A_555 = arith.constant 640 : index
      %get3A_556 = tpu.vector_load %arg13[%get3A_554, %get3A_555] {strides = array<i32>} : memref<16x1024xf32, #tpu.memory_space<vmem>>, vector<1x16xf32>,
      %get3A_557 = vector.shape_cast %get3A_556 : vector<1x16xf32> to vector<16xf32>
      %swap3A_558 = arith.index_cast %scan3A_194 : i32 to index
      %swap3A_559 = arith.constant 640 : index
      %swap3A_560 = tpu.vector_load %arg12[%swap3A_558, %swap3A_559] {strides = array<i32>} : memref<16x1024xf32, #tpu.memory_space<vmem>>, vector<1x16xf32>,
      %swap3A_561 = vector.shape_cast %swap3A_560 : vector<1x16xf32> to vector<16xf32>
      %swap3A_562 = vector.shape_cast %get3A_557 : vector<16xf32> to vector<1x16xf32>
      tpu.vector_store %arg12[%swap3A_558, %swap3A_559], %swap3A_562 {add = true, strides = array<i32>} : memref<16x1024xf32, #tpu.memory_space<vmem>>, vector<1x16xf32>,
      %get3A_563 = arith.index_cast %scan3A_194 : i32 to index
      %get3A_564 = arith.constant 656 : index
      %get3A_565 = tpu.vector_load %arg13[%get3A_563, %get3A_564] {strides = array<i32>} : memref<16x1024xf32, #tpu.memory_space<vmem>>, vector<1x16xf32>,
      %get3A_566 = vector.shape_cast %get3A_565 : vector<1x16xf32> to vector<16xf32>
      %swap3A_567 = arith.index_cast %scan3A_194 : i32 to index
      %swap3A_568 = arith.constant 656 : index
      %swap3A_569 = tpu.vector_load %arg12[%swap3A_567, %swap3A_568] {strides = array<i32>} : memref<16x1024xf32, #tpu.memory_space<vmem>>, vector<1x16xf32>,
      %swap3A_570 = vector.shape_cast %swap3A_569 : vector<1x16xf32> to vector<16xf32>
      %swap3A_571 = vector.shape_cast %get3A_566 : vector<16xf32> to vector<1x16xf32>
      tpu.vector_store %arg12[%swap3A_567, %swap3A_568], %swap3A_571 {add = true, strides = array<i32>} : memref<16x1024xf32, #tpu.memory_space<vmem>>, vector<1x16xf32>,
      %get3A_572 = arith.index_cast %scan3A_194 : i32 to index
      %get3A_573 = arith.constant 672 : index
      %get3A_574 = tpu.vector_load %arg13[%get3A_572, %get3A_573] {strides = array<i32>} : memref<16x1024xf32, #tpu.memory_space<vmem>>, vector<1x16xf32>,
      %get3A_575 = vector.shape_cast %get3A_574 : vector<1x16xf32> to vector<16xf32>
      %swap3A_576 = arith.index_cast %scan3A_194 : i32 to index
      %swap3A_577 = arith.constant 672 : index
      %swap3A_578 = tpu.vector_load %arg12[%swap3A_576, %swap3A_577] {strides = array<i32>} : memref<16x1024xf32, #tpu.memory_space<vmem>>, vector<1x16xf32>,
      %swap3A_579 = vector.shape_cast %swap3A_578 : vector<1x16xf32> to vector<16xf32>
      %swap3A_580 = vector.shape_cast %get3A_575 : vector<16xf32> to vector<1x16xf32>
      tpu.vector_store %arg12[%swap3A_576, %swap3A_577], %swap3A_580 {add = true, strides = array<i32>} : memref<16x1024xf32, #tpu.memory_space<vmem>>, vector<1x16xf32>,
      %get3A_581 = arith.index_cast %scan3A_194 : i32 to index
      %get3A_582 = arith.constant 688 : index
      %get3A_583 = tpu.vector_load %arg13[%get3A_581, %get3A_582] {strides = array<i32>} : memref<16x1024xf32, #tpu.memory_space<vmem>>, vector<1x16xf32>,
      %get3A_584 = vector.shape_cast %get3A_583 : vector<1x16xf32> to vector<16xf32>
      %swap3A_585 = arith.index_cast %scan3A_194 : i32 to index
      %swap3A_586 = arith.constant 688 : index
      %swap3A_587 = tpu.vector_load %arg12[%swap3A_585, %swap3A_586] {strides = array<i32>} : memref<16x1024xf32, #tpu.memory_space<vmem>>, vector<1x16xf32>,
      %swap3A_588 = vector.shape_cast %swap3A_587 : vector<1x16xf32> to vector<16xf32>
      %swap3A_589 = vector.shape_cast %get3A_584 : vector<16xf32> to vector<1x16xf32>
      tpu.vector_store %arg12[%swap3A_585, %swap3A_586], %swap3A_589 {add = true, strides = array<i32>} : memref<16x1024xf32, #tpu.memory_space<vmem>>, vector<1x16xf32>,
      %get3A_590 = arith.index_cast %scan3A_194 : i32 to index
      %get3A_591 = arith.constant 704 : index
      %get3A_592 = tpu.vector_load %arg13[%get3A_590, %get3A_591] {strides = array<i32>} : memref<16x1024xf32, #tpu.memory_space<vmem>>, vector<1x16xf32>,
      %get3A_593 = vector.shape_cast %get3A_592 : vector<1x16xf32> to vector<16xf32>
      %swap3A_594 = arith.index_cast %scan3A_194 : i32 to index
      %swap3A_595 = arith.constant 704 : index
      %swap3A_596 = tpu.vector_load %arg12[%swap3A_594, %swap3A_595] {strides = array<i32>} : memref<16x1024xf32, #tpu.memory_space<vmem>>, vector<1x16xf32>,
      %swap3A_597 = vector.shape_cast %swap3A_596 : vector<1x16xf32> to vector<16xf32>
      %swap3A_598 = vector.shape_cast %get3A_593 : vector<16xf32> to vector<1x16xf32>
      tpu.vector_store %arg12[%swap3A_594, %swap3A_595], %swap3A_598 {add = true, strides = array<i32>} : memref<16x1024xf32, #tpu.memory_space<vmem>>, vector<1x16xf32>,
      %get3A_599 = arith.index_cast %scan3A_194 : i32 to index
      %get3A_600 = arith.constant 720 : index
      %get3A_601 = tpu.vector_load %arg13[%get3A_599, %get3A_600] {strides = array<i32>} : memref<16x1024xf32, #tpu.memory_space<vmem>>, vector<1x16xf32>,
      %get3A_602 = vector.shape_cast %get3A_601 : vector<1x16xf32> to vector<16xf32>
      %swap3A_603 = arith.index_cast %scan3A_194 : i32 to index
      %swap3A_604 = arith.constant 720 : index
      %swap3A_605 = tpu.vector_load %arg12[%swap3A_603, %swap3A_604] {strides = array<i32>} : memref<16x1024xf32, #tpu.memory_space<vmem>>, vector<1x16xf32>,
      %swap3A_606 = vector.shape_cast %swap3A_605 : vector<1x16xf32> to vector<16xf32>
      %swap3A_607 = vector.shape_cast %get3A_602 : vector<16xf32> to vector<1x16xf32>
      tpu.vector_store %arg12[%swap3A_603, %swap3A_604], %swap3A_607 {add = true, strides = array<i32>} : memref<16x1024xf32, #tpu.memory_space<vmem>>, vector<1x16xf32>,
      %get3A_608 = arith.index_cast %scan3A_194 : i32 to index
      %get3A_609 = arith.constant 736 : index
      %get3A_610 = tpu.vector_load %arg13[%get3A_608, %get3A_609] {strides = array<i32>} : memref<16x1024xf32, #tpu.memory_space<vmem>>, vector<1x16xf32>,
      %get3A_611 = vector.shape_cast %get3A_610 : vector<1x16xf32> to vector<16xf32>
      %swap3A_612 = arith.index_cast %scan3A_194 : i32 to index
      %swap3A_613 = arith.constant 736 : index
      %swap3A_614 = tpu.vector_load %arg12[%swap3A_612, %swap3A_613] {strides = array<i32>} : memref<16x1024xf32, #tpu.memory_space<vmem>>, vector<1x16xf32>,
      %swap3A_615 = vector.shape_cast %swap3A_614 : vector<1x16xf32> to vector<16xf32>
      %swap3A_616 = vector.shape_cast %get3A_611 : vector<16xf32> to vector<1x16xf32>
      tpu.vector_store %arg12[%swap3A_612, %swap3A_613], %swap3A_616 {add = true, strides = array<i32>} : memref<16x1024xf32, #tpu.memory_space<vmem>>, vector<1x16xf32>,
      %get3A_617 = arith.index_cast %scan3A_194 : i32 to index
      %get3A_618 = arith.constant 752 : index
      %get3A_619 = tpu.vector_load %arg13[%get3A_617, %get3A_618] {strides = array<i32>} : memref<16x1024xf32, #tpu.memory_space<vmem>>, vector<1x16xf32>,
      %get3A_620 = vector.shape_cast %get3A_619 : vector<1x16xf32> to vector<16xf32>
      %swap3A_621 = arith.index_cast %scan3A_194 : i32 to index
      %swap3A_622 = arith.constant 752 : index
      %swap3A_623 = tpu.vector_load %arg12[%swap3A_621, %swap3A_622] {strides = array<i32>} : memref<16x1024xf32, #tpu.memory_space<vmem>>, vector<1x16xf32>,
      %swap3A_624 = vector.shape_cast %swap3A_623 : vector<1x16xf32> to vector<16xf32>
      %swap3A_625 = vector.shape_cast %get3A_620 : vector<16xf32> to vector<1x16xf32>
      tpu.vector_store %arg12[%swap3A_621, %swap3A_622], %swap3A_625 {add = true, strides = array<i32>} : memref<16x1024xf32, #tpu.memory_space<vmem>>, vector<1x16xf32>,
      %get3A_626 = arith.index_cast %scan3A_194 : i32 to index
      %get3A_627 = arith.constant 768 : index
      %get3A_628 = tpu.vector_load %arg13[%get3A_626, %get3A_627] {strides = array<i32>} : memref<16x1024xf32, #tpu.memory_space<vmem>>, vector<1x16xf32>,
      %get3A_629 = vector.shape_cast %get3A_628 : vector<1x16xf32> to vector<16xf32>
      %swap3A_630 = arith.index_cast %scan3A_194 : i32 to index
      %swap3A_631 = arith.constant 768 : index
      %swap3A_632 = tpu.vector_load %arg12[%swap3A_630, %swap3A_631] {strides = array<i32>} : memref<16x1024xf32, #tpu.memory_space<vmem>>, vector<1x16xf32>,
      %swap3A_633 = vector.shape_cast %swap3A_632 : vector<1x16xf32> to vector<16xf32>
      %swap3A_634 = vector.shape_cast %get3A_629 : vector<16xf32> to vector<1x16xf32>
      tpu.vector_store %arg12[%swap3A_630, %swap3A_631], %swap3A_634 {add = true, strides = array<i32>} : memref<16x1024xf32, #tpu.memory_space<vmem>>, vector<1x16xf32>,
      %get3A_635 = arith.index_cast %scan3A_194 : i32 to index
      %get3A_636 = arith.constant 784 : index
      %get3A_637 = tpu.vector_load %arg13[%get3A_635, %get3A_636] {strides = array<i32>} : memref<16x1024xf32, #tpu.memory_space<vmem>>, vector<1x16xf32>,
      %get3A_638 = vector.shape_cast %get3A_637 : vector<1x16xf32> to vector<16xf32>
      %swap3A_639 = arith.index_cast %scan3A_194 : i32 to index
      %swap3A_640 = arith.constant 784 : index
      %swap3A_641 = tpu.vector_load %arg12[%swap3A_639, %swap3A_640] {strides = array<i32>} : memref<16x1024xf32, #tpu.memory_space<vmem>>, vector<1x16xf32>,
      %swap3A_642 = vector.shape_cast %swap3A_641 : vector<1x16xf32> to vector<16xf32>
      %swap3A_643 = vector.shape_cast %get3A_638 : vector<16xf32> to vector<1x16xf32>
      tpu.vector_store %arg12[%swap3A_639, %swap3A_640], %swap3A_643 {add = true, strides = array<i32>} : memref<16x1024xf32, #tpu.memory_space<vmem>>, vector<1x16xf32>,
      %get3A_644 = arith.index_cast %scan3A_194 : i32 to index
      %get3A_645 = arith.constant 800 : index
      %get3A_646 = tpu.vector_load %arg13[%get3A_644, %get3A_645] {strides = array<i32>} : memref<16x1024xf32, #tpu.memory_space<vmem>>, vector<1x16xf32>,
      %get3A_647 = vector.shape_cast %get3A_646 : vector<1x16xf32> to vector<16xf32>
      %swap3A_648 = arith.index_cast %scan3A_194 : i32 to index
      %swap3A_649 = arith.constant 800 : index
      %swap3A_650 = tpu.vector_load %arg12[%swap3A_648, %swap3A_649] {strides = array<i32>} : memref<16x1024xf32, #tpu.memory_space<vmem>>, vector<1x16xf32>,
      %swap3A_651 = vector.shape_cast %swap3A_650 : vector<1x16xf32> to vector<16xf32>
      %swap3A_652 = vector.shape_cast %get3A_647 : vector<16xf32> to vector<1x16xf32>
      tpu.vector_store %arg12[%swap3A_648, %swap3A_649], %swap3A_652 {add = true, strides = array<i32>} : memref<16x1024xf32, #tpu.memory_space<vmem>>, vector<1x16xf32>,
      %get3A_653 = arith.index_cast %scan3A_194 : i32 to index
      %get3A_654 = arith.constant 816 : index
      %get3A_655 = tpu.vector_load %arg13[%get3A_653, %get3A_654] {strides = array<i32>} : memref<16x1024xf32, #tpu.memory_space<vmem>>, vector<1x16xf32>,
      %get3A_656 = vector.shape_cast %get3A_655 : vector<1x16xf32> to vector<16xf32>
      %swap3A_657 = arith.index_cast %scan3A_194 : i32 to index
      %swap3A_658 = arith.constant 816 : index
      %swap3A_659 = tpu.vector_load %arg12[%swap3A_657, %swap3A_658] {strides = array<i32>} : memref<16x1024xf32, #tpu.memory_space<vmem>>, vector<1x16xf32>,
      %swap3A_660 = vector.shape_cast %swap3A_659 : vector<1x16xf32> to vector<16xf32>
      %swap3A_661 = vector.shape_cast %get3A_656 : vector<16xf32> to vector<1x16xf32>
      tpu.vector_store %arg12[%swap3A_657, %swap3A_658], %swap3A_661 {add = true, strides = array<i32>} : memref<16x1024xf32, #tpu.memory_space<vmem>>, vector<1x16xf32>,
      %get3A_662 = arith.index_cast %scan3A_194 : i32 to index
      %get3A_663 = arith.constant 832 : index
      %get3A_664 = tpu.vector_load %arg13[%get3A_662, %get3A_663] {strides = array<i32>} : memref<16x1024xf32, #tpu.memory_space<vmem>>, vector<1x16xf32>,
      %get3A_665 = vector.shape_cast %get3A_664 : vector<1x16xf32> to vector<16xf32>
      %swap3A_666 = arith.index_cast %scan3A_194 : i32 to index
      %swap3A_667 = arith.constant 832 : index
      %swap3A_668 = tpu.vector_load %arg12[%swap3A_666, %swap3A_667] {strides = array<i32>} : memref<16x1024xf32, #tpu.memory_space<vmem>>, vector<1x16xf32>,
      %swap3A_669 = vector.shape_cast %swap3A_668 : vector<1x16xf32> to vector<16xf32>
      %swap3A_670 = vector.shape_cast %get3A_665 : vector<16xf32> to vector<1x16xf32>
      tpu.vector_store %arg12[%swap3A_666, %swap3A_667], %swap3A_670 {add = true, strides = array<i32>} : memref<16x1024xf32, #tpu.memory_space<vmem>>, vector<1x16xf32>,
      %get3A_671 = arith.index_cast %scan3A_194 : i32 to index
      %get3A_672 = arith.constant 848 : index
      %get3A_673 = tpu.vector_load %arg13[%get3A_671, %get3A_672] {strides = array<i32>} : memref<16x1024xf32, #tpu.memory_space<vmem>>, vector<1x16xf32>,
      %get3A_674 = vector.shape_cast %get3A_673 : vector<1x16xf32> to vector<16xf32>
      %swap3A_675 = arith.index_cast %scan3A_194 : i32 to index
      %swap3A_676 = arith.constant 848 : index
      %swap3A_677 = tpu.vector_load %arg12[%swap3A_675, %swap3A_676] {strides = array<i32>} : memref<16x1024xf32, #tpu.memory_space<vmem>>, vector<1x16xf32>,
      %swap3A_678 = vector.shape_cast %swap3A_677 : vector<1x16xf32> to vector<16xf32>
      %swap3A_679 = vector.shape_cast %get3A_674 : vector<16xf32> to vector<1x16xf32>
      tpu.vector_store %arg12[%swap3A_675, %swap3A_676], %swap3A_679 {add = true, strides = array<i32>} : memref<16x1024xf32, #tpu.memory_space<vmem>>, vector<1x16xf32>,
      %get3A_680 = arith.index_cast %scan3A_194 : i32 to index
      %get3A_681 = arith.constant 864 : index
      %get3A_682 = tpu.vector_load %arg13[%get3A_680, %get3A_681] {strides = array<i32>} : memref<16x1024xf32, #tpu.memory_space<vmem>>, vector<1x16xf32>,
      %get3A_683 = vector.shape_cast %get3A_682 : vector<1x16xf32> to vector<16xf32>
      %swap3A_684 = arith.index_cast %scan3A_194 : i32 to index
      %swap3A_685 = arith.constant 864 : index
      %swap3A_686 = tpu.vector_load %arg12[%swap3A_684, %swap3A_685] {strides = array<i32>} : memref<16x1024xf32, #tpu.memory_space<vmem>>, vector<1x16xf32>,
      %swap3A_687 = vector.shape_cast %swap3A_686 : vector<1x16xf32> to vector<16xf32>
      %swap3A_688 = vector.shape_cast %get3A_683 : vector<16xf32> to vector<1x16xf32>
      tpu.vector_store %arg12[%swap3A_684, %swap3A_685], %swap3A_688 {add = true, strides = array<i32>} : memref<16x1024xf32, #tpu.memory_space<vmem>>, vector<1x16xf32>,
      %get3A_689 = arith.index_cast %scan3A_194 : i32 to index
      %get3A_690 = arith.constant 880 : index
      %get3A_691 = tpu.vector_load %arg13[%get3A_689, %get3A_690] {strides = array<i32>} : memref<16x1024xf32, #tpu.memory_space<vmem>>, vector<1x16xf32>,
      %get3A_692 = vector.shape_cast %get3A_691 : vector<1x16xf32> to vector<16xf32>
      %swap3A_693 = arith.index_cast %scan3A_194 : i32 to index
      %swap3A_694 = arith.constant 880 : index
      %swap3A_695 = tpu.vector_load %arg12[%swap3A_693, %swap3A_694] {strides = array<i32>} : memref<16x1024xf32, #tpu.memory_space<vmem>>, vector<1x16xf32>,
      %swap3A_696 = vector.shape_cast %swap3A_695 : vector<1x16xf32> to vector<16xf32>
      %swap3A_697 = vector.shape_cast %get3A_692 : vector<16xf32> to vector<1x16xf32>
      tpu.vector_store %arg12[%swap3A_693, %swap3A_694], %swap3A_697 {add = true, strides = array<i32>} : memref<16x1024xf32, #tpu.memory_space<vmem>>, vector<1x16xf32>,
      %get3A_698 = arith.index_cast %scan3A_194 : i32 to index
      %get3A_699 = arith.constant 896 : index
      %get3A_700 = tpu.vector_load %arg13[%get3A_698, %get3A_699] {strides = array<i32>} : memref<16x1024xf32, #tpu.memory_space<vmem>>, vector<1x16xf32>,
      %get3A_701 = vector.shape_cast %get3A_700 : vector<1x16xf32> to vector<16xf32>
      %swap3A_702 = arith.index_cast %scan3A_194 : i32 to index
      %swap3A_703 = arith.constant 896 : index
      %swap3A_704 = tpu.vector_load %arg12[%swap3A_702, %swap3A_703] {strides = array<i32>} : memref<16x1024xf32, #tpu.memory_space<vmem>>, vector<1x16xf32>,
      %swap3A_705 = vector.shape_cast %swap3A_704 : vector<1x16xf32> to vector<16xf32>
      %swap3A_706 = vector.shape_cast %get3A_701 : vector<16xf32> to vector<1x16xf32>
      tpu.vector_store %arg12[%swap3A_702, %swap3A_703], %swap3A_706 {add = true, strides = array<i32>} : memref<16x1024xf32, #tpu.memory_space<vmem>>, vector<1x16xf32>,
      %get3A_707 = arith.index_cast %scan3A_194 : i32 to index
      %get3A_708 = arith.constant 912 : index
      %get3A_709 = tpu.vector_load %arg13[%get3A_707, %get3A_708] {strides = array<i32>} : memref<16x1024xf32, #tpu.memory_space<vmem>>, vector<1x16xf32>,
      %get3A_710 = vector.shape_cast %get3A_709 : vector<1x16xf32> to vector<16xf32>
      %swap3A_711 = arith.index_cast %scan3A_194 : i32 to index
      %swap3A_712 = arith.constant 912 : index
      %swap3A_713 = tpu.vector_load %arg12[%swap3A_711, %swap3A_712] {strides = array<i32>} : memref<16x1024xf32, #tpu.memory_space<vmem>>, vector<1x16xf32>,
      %swap3A_714 = vector.shape_cast %swap3A_713 : vector<1x16xf32> to vector<16xf32>
      %swap3A_715 = vector.shape_cast %get3A_710 : vector<16xf32> to vector<1x16xf32>
      tpu.vector_store %arg12[%swap3A_711, %swap3A_712], %swap3A_715 {add = true, strides = array<i32>} : memref<16x1024xf32, #tpu.memory_space<vmem>>, vector<1x16xf32>,
      %get3A_716 = arith.index_cast %scan3A_194 : i32 to index
      %get3A_717 = arith.constant 928 : index
      %get3A_718 = tpu.vector_load %arg13[%get3A_716, %get3A_717] {strides = array<i32>} : memref<16x1024xf32, #tpu.memory_space<vmem>>, vector<1x16xf32>,
      %get3A_719 = vector.shape_cast %get3A_718 : vector<1x16xf32> to vector<16xf32>
      %swap3A_720 = arith.index_cast %scan3A_194 : i32 to index
      %swap3A_721 = arith.constant 928 : index
      %swap3A_722 = tpu.vector_load %arg12[%swap3A_720, %swap3A_721] {strides = array<i32>} : memref<16x1024xf32, #tpu.memory_space<vmem>>, vector<1x16xf32>,
      %swap3A_723 = vector.shape_cast %swap3A_722 : vector<1x16xf32> to vector<16xf32>
      %swap3A_724 = vector.shape_cast %get3A_719 : vector<16xf32> to vector<1x16xf32>
      tpu.vector_store %arg12[%swap3A_720, %swap3A_721], %swap3A_724 {add = true, strides = array<i32>} : memref<16x1024xf32, #tpu.memory_space<vmem>>, vector<1x16xf32>,
      %get3A_725 = arith.index_cast %scan3A_194 : i32 to index
      %get3A_726 = arith.constant 944 : index
      %get3A_727 = tpu.vector_load %arg13[%get3A_725, %get3A_726] {strides = array<i32>} : memref<16x1024xf32, #tpu.memory_space<vmem>>, vector<1x16xf32>,
      %get3A_728 = vector.shape_cast %get3A_727 : vector<1x16xf32> to vector<16xf32>
      %swap3A_729 = arith.index_cast %scan3A_194 : i32 to index
      %swap3A_730 = arith.constant 944 : index
      %swap3A_731 = tpu.vector_load %arg12[%swap3A_729, %swap3A_730] {strides = array<i32>} : memref<16x1024xf32, #tpu.memory_space<vmem>>, vector<1x16xf32>,
      %swap3A_732 = vector.shape_cast %swap3A_731 : vector<1x16xf32> to vector<16xf32>
      %swap3A_733 = vector.shape_cast %get3A_728 : vector<16xf32> to vector<1x16xf32>
      tpu.vector_store %arg12[%swap3A_729, %swap3A_730], %swap3A_733 {add = true, strides = array<i32>} : memref<16x1024xf32, #tpu.memory_space<vmem>>, vector<1x16xf32>,
      %get3A_734 = arith.index_cast %scan3A_194 : i32 to index
      %get3A_735 = arith.constant 960 : index
      %get3A_736 = tpu.vector_load %arg13[%get3A_734, %get3A_735] {strides = array<i32>} : memref<16x1024xf32, #tpu.memory_space<vmem>>, vector<1x16xf32>,
      %get3A_737 = vector.shape_cast %get3A_736 : vector<1x16xf32> to vector<16xf32>
      %swap3A_738 = arith.index_cast %scan3A_194 : i32 to index
      %swap3A_739 = arith.constant 960 : index
      %swap3A_740 = tpu.vector_load %arg12[%swap3A_738, %swap3A_739] {strides = array<i32>} : memref<16x1024xf32, #tpu.memory_space<vmem>>, vector<1x16xf32>,
      %swap3A_741 = vector.shape_cast %swap3A_740 : vector<1x16xf32> to vector<16xf32>
      %swap3A_742 = vector.shape_cast %get3A_737 : vector<16xf32> to vector<1x16xf32>
      tpu.vector_store %arg12[%swap3A_738, %swap3A_739], %swap3A_742 {add = true, strides = array<i32>} : memref<16x1024xf32, #tpu.memory_space<vmem>>, vector<1x16xf32>,
      %get3A_743 = arith.index_cast %scan3A_194 : i32 to index
      %get3A_744 = arith.constant 976 : index
      %get3A_745 = tpu.vector_load %arg13[%get3A_743, %get3A_744] {strides = array<i32>} : memref<16x1024xf32, #tpu.memory_space<vmem>>, vector<1x16xf32>,
      %get3A_746 = vector.shape_cast %get3A_745 : vector<1x16xf32> to vector<16xf32>
      %swap3A_747 = arith.index_cast %scan3A_194 : i32 to index
      %swap3A_748 = arith.constant 976 : index
      %swap3A_749 = tpu.vector_load %arg12[%swap3A_747, %swap3A_748] {strides = array<i32>} : memref<16x1024xf32, #tpu.memory_space<vmem>>, vector<1x16xf32>,
      %swap3A_750 = vector.shape_cast %swap3A_749 : vector<1x16xf32> to vector<16xf32>
      %swap3A_751 = vector.shape_cast %get3A_746 : vector<16xf32> to vector<1x16xf32>
      tpu.vector_store %arg12[%swap3A_747, %swap3A_748], %swap3A_751 {add = true, strides = array<i32>} : memref<16x1024xf32, #tpu.memory_space<vmem>>, vector<1x16xf32>,
      %get3A_752 = arith.index_cast %scan3A_194 : i32 to index
      %get3A_753 = arith.constant 992 : index
      %get3A_754 = tpu.vector_load %arg13[%get3A_752, %get3A_753] {strides = array<i32>} : memref<16x1024xf32, #tpu.memory_space<vmem>>, vector<1x16xf32>,
      %get3A_755 = vector.shape_cast %get3A_754 : vector<1x16xf32> to vector<16xf32>
      %swap3A_756 = arith.index_cast %scan3A_194 : i32 to index
      %swap3A_757 = arith.constant 992 : index
      %swap3A_758 = tpu.vector_load %arg12[%swap3A_756, %swap3A_757] {strides = array<i32>} : memref<16x1024xf32, #tpu.memory_space<vmem>>, vector<1x16xf32>,
      %swap3A_759 = vector.shape_cast %swap3A_758 : vector<1x16xf32> to vector<16xf32>
      %swap3A_760 = vector.shape_cast %get3A_755 : vector<16xf32> to vector<1x16xf32>
      tpu.vector_store %arg12[%swap3A_756, %swap3A_757], %swap3A_760 {add = true, strides = array<i32>} : memref<16x1024xf32, #tpu.memory_space<vmem>>, vector<1x16xf32>,
      %get3A_761 = arith.index_cast %scan3A_194 : i32 to index
      %get3A_762 = arith.constant 1008 : index
      %get3A_763 = tpu.vector_load %arg13[%get3A_761, %get3A_762] {strides = array<i32>} : memref<16x1024xf32, #tpu.memory_space<vmem>>, vector<1x16xf32>,
      %get3A_764 = vector.shape_cast %get3A_763 : vector<1x16xf32> to vector<16xf32>
      %swap3A_765 = arith.index_cast %scan3A_194 : i32 to index
      %swap3A_766 = arith.constant 1008 : index
      %swap3A_767 = tpu.vector_load %arg12[%swap3A_765, %swap3A_766] {strides = array<i32>} : memref<16x1024xf32, #tpu.memory_space<vmem>>, vector<1x16xf32>,
      %swap3A_768 = vector.shape_cast %swap3A_767 : vector<1x16xf32> to vector<16xf32>
      %swap3A_769 = vector.shape_cast %get3A_764 : vector<16xf32> to vector<1x16xf32>
      tpu.vector_store %arg12[%swap3A_765, %swap3A_766], %swap3A_769 {add = true, strides = array<i32>} : memref<16x1024xf32, #tpu.memory_space<vmem>>, vector<1x16xf32>,
      %scan3A_770 = arith.constant 0 : i32
      scf.yield %scan3A_770 : i32
    }
    %scan3A_176 = arith.constant 16 : i32
    %add3A_177 = arith.constant 496 : i32
    %add3A_178 = vector.broadcast %add3A_177 : i32 to vector<16xi32>
    %add3A_179 = arith.addi %add3A_178, %iota3A : vector<16xi32>
    %mul3A_180 = arith.constant 16 : i32
    %mul3A_181 = vector.broadcast %mul3A_180 : i32 to vector<16xi32>
    %mul3A_182 = arith.muli %add3A_179, %mul3A_181 : vector<16xi32>
    %add3A_183 = vector.broadcast %add3A_37 : i32 to vector<16xi32>
    %add3A_184 = arith.addi %add3A_183, %mul3A_182 : vector<16xi32>
    %dma_start3A_185 = arith.constant 0 : i32
    %dma_start3A_186 = arith.constant 0 : i32
    %dma_start3A_187 = tpu.memref_slice %arg6[%dma_start3A_185, %dma_start3A_186] : memref<16400x1024xf32, #tpu.memory_space<hbm>> -> memref<16400x1024xf32, #tpu.memory_space<hbm>>
    tpu.enqueue_indirect_dma source(%arg12 : memref<16x1024xf32, #tpu.memory_space<vmem>>) target(%dma_start3A_187 : memref<16400x1024xf32, #tpu.memory_space<hbm>>) offsets(%add3A_184 : vector<16xi32>) semaphore(%arg23 : memref<!tpu.dma_semaphore, #tpu.memory_space<semaphore_mem>>)
    %dma_wait3A_188 = arith.constant 0 : i32
    %dma_wait3A_189 = arith.constant 0 : i32
    %dma_wait3A_190 = tpu.memref_slice %arg6[%dma_wait3A_188, %dma_wait3A_189] : memref<16400x1024xf32, #tpu.memory_space<hbm>> -> memref<16400x1024xf32, #tpu.memory_space<hbm>>
    tpu.wait_indirect_dma semaphore(%arg23 : memref<!tpu.dma_semaphore, #tpu.memory_space<semaphore_mem>>) src(%arg12 : memref<16x1024xf32, #tpu.memory_space<vmem>>) dst(%dma_wait3A_190 : memref<16400x1024xf32, #tpu.memory_space<hbm>>)
    %convert_element_type3A_191 = arith.extui %eq3A_96 : i1 to i32
    %cond3A_192 = arith.constant 0 : i32
    %cond3A_193 = arith.cmpi ne, %convert_element_type3A_191, %cond3A_192 : i32
    scf.if %cond3A_193 {
      %dma_wait3A_194 = arith.constant 0 : i32
      %dma_wait3A_195 = arith.constant 0 : i32
      %dma_wait3A_196 = tpu.memref_slice %arg16[%dma_wait3A_194, %dma_wait3A_195] : memref<2x1024xf32, #tpu.memory_space<vmem>> -> memref<1x1024xf32, #tpu.memory_space<vmem>>
      %dma_wait3A_197 = arith.constant 0 : i32
      %dma_wait3A_198 = arith.constant 0 : i32
      %dma_wait3A_199 = tpu.memref_slice %arg16[%dma_wait3A_197, %dma_wait3A_198] : memref<2x1024xf32, #tpu.memory_space<vmem>> -> memref<1x1024xf32, #tpu.memory_space<vmem>>
      tpu.wait_dma2 semaphore(%arg24 : memref<!tpu.dma_semaphore, #tpu.memory_space<semaphore_mem>>) src(%arg3 : memref<1x1024xf32, #tpu.memory_space<hbm>>) dst(%dma_wait3A_199 : memref<1x1024xf32, #tpu.memory_space<vmem>>)
      %dma_wait3A_200 = arith.constant 1 : i32
      %dma_wait3A_201 = arith.constant 0 : i32
      %dma_wait3A_202 = tpu.memref_slice %arg16[%dma_wait3A_200, %dma_wait3A_201] : memref<2x1024xf32, #tpu.memory_space<vmem>> -> memref<1x1024xf32, #tpu.memory_space<vmem>>
      %dma_wait3A_203 = arith.constant 0 : i32
      %dma_wait3A_204 = arith.constant 0 : i32
      %dma_wait3A_205 = tpu.memref_slice %arg4[%dma_wait3A_203, %dma_wait3A_204] : memref<2049x1024xf32, #tpu.memory_space<hbm>> -> memref<1x1024xf32, #tpu.memory_space<hbm>>
      %dma_wait3A_206 = arith.constant 1 : i32
      %dma_wait3A_207 = arith.constant 0 : i32
      %dma_wait3A_208 = tpu.memref_slice %arg16[%dma_wait3A_206, %dma_wait3A_207] : memref<2x1024xf32, #tpu.memory_space<vmem>> -> memref<1x1024xf32, #tpu.memory_space<vmem>>
      %dma_wait3A_209 = arith.constant 0 : i32
      %dma_wait3A_210 = arith.constant 0 : i32
      %dma_wait3A_211 = tpu.memref_slice %arg4[%dma_wait3A_209, %dma_wait3A_210] : memref<2049x1024xf32, #tpu.memory_space<hbm>> -> memref<1x1024xf32, #tpu.memory_space<hbm>>
      tpu.wait_dma2 semaphore(%arg24 : memref<!tpu.dma_semaphore, #tpu.memory_space<semaphore_mem>>) src(%dma_wait3A_211 : memref<1x1024xf32, #tpu.memory_space<hbm>>) dst(%dma_wait3A_208 : memref<1x1024xf32, #tpu.memory_space<vmem>>)
      %scan3A_212 = arith.constant 0 : i32
      %scan3A_213 = arith.constant 0 : i32
      %scan3A_214 = arith.constant 64 : i32
      %scan3A_215 = arith.addi %scan3A_213, %scan3A_214 : i32
      %scan3A_216 = arith.constant 1 : i32
      %scan3A_217 = scf.for %scan3A_237 = %scan3A_213 to %scan3A_215 step %scan3A_216 iter_args(%scan3A_238 = %scan3A_212) -> (i32)  : i32 {
        %mul3A_239 = arith.constant 16 : i32
        %mul3A_240 = arith.muli %scan3A_237, %mul3A_239 : i32
        %mul3A_241 = arith.constant 16 : i32
        %mul3A_242 = arith.muli %scan3A_237, %mul3A_241 : i32
        %get3A = arith.constant 1 : i32
        %get3A_243 = arith.index_cast %get3A : i32 to index
        %get3A_244 = arith.index_cast %mul3A_242 : i32 to index
        %get3A_245 = tpu.vector_load %arg16[%get3A_243, %get3A_244] {strides = array<i32>} : memref<2x1024xf32, #tpu.memory_space<vmem>>, vector<1x16xf32>,
        %get3A_246 = vector.shape_cast %get3A_245 : vector<1x16xf32> to vector<16xf32>
        %swap3A = arith.constant 0 : i32
        %swap3A_247 = arith.index_cast %swap3A : i32 to index
        %swap3A_248 = arith.index_cast %mul3A_240 : i32 to index
        %swap3A_249 = tpu.vector_load %arg16[%swap3A_247, %swap3A_248] {strides = array<i32>} : memref<2x1024xf32, #tpu.memory_space<vmem>>, vector<1x16xf32>,
        %swap3A_250 = vector.shape_cast %swap3A_249 : vector<1x16xf32> to vector<16xf32>
        %swap3A_251 = vector.shape_cast %get3A_246 : vector<16xf32> to vector<1x16xf32>
        tpu.vector_store %arg16[%swap3A_247, %swap3A_248], %swap3A_251 {add = true, strides = array<i32>} : memref<2x1024xf32, #tpu.memory_space<vmem>>, vector<1x16xf32>,
        %scan3A_252 = arith.constant 0 : i32
        scf.yield %scan3A_252 : i32
      }
      %scan3A_218 = arith.constant 64 : i32
      %scan3A_219 = arith.constant 0 : i32
      %scan3A_220 = arith.constant 0 : i32
      %scan3A_221 = arith.constant 16 : i32
      %scan3A_222 = arith.addi %scan3A_220, %scan3A_221 : i32
      %scan3A_223 = arith.constant 1 : i32
      %scan3A_224 = scf.for %scan3A_237 = %scan3A_220 to %scan3A_222 step %scan3A_223 iter_args(%scan3A_238 = %scan3A_219) -> (i32)  : i32 {
        %get3A = arith.constant 0 : i32
        %get3A_239 = arith.index_cast %get3A : i32 to index
        %get3A_240 = arith.constant 0 : index
        %get3A_241 = tpu.vector_load %arg16[%get3A_239, %get3A_240] {strides = array<i32>} : memref<2x1024xf32, #tpu.memory_space<vmem>>, vector<1x16xf32>,
        %get3A_242 = vector.shape_cast %get3A_241 : vector<1x16xf32> to vector<16xf32>
        %swap3A = arith.index_cast %scan3A_237 : i32 to index
        %swap3A_243 = arith.constant 0 : index
        %swap3A_244 = tpu.vector_load %arg10[%swap3A, %swap3A_243] {strides = array<i32>} : memref<16x1024xf32, #tpu.memory_space<vmem>>, vector<1x16xf32>,
        %swap3A_245 = vector.shape_cast %swap3A_244 : vector<1x16xf32> to vector<16xf32>
        %swap3A_246 = vector.shape_cast %get3A_242 : vector<16xf32> to vector<1x16xf32>
        tpu.vector_store %arg10[%swap3A, %swap3A_243], %swap3A_246 {strides = array<i32>} : memref<16x1024xf32, #tpu.memory_space<vmem>>, vector<1x16xf32>,
        %get3A_247 = arith.constant 0 : i32
        %get3A_248 = arith.index_cast %get3A_247 : i32 to index
        %get3A_249 = arith.constant 16 : index
        %get3A_250 = tpu.vector_load %arg16[%get3A_248, %get3A_249] {strides = array<i32>} : memref<2x1024xf32, #tpu.memory_space<vmem>>, vector<1x16xf32>,
        %get3A_251 = vector.shape_cast %get3A_250 : vector<1x16xf32> to vector<16xf32>
        %swap3A_252 = arith.index_cast %scan3A_237 : i32 to index
        %swap3A_253 = arith.constant 16 : index
        %swap3A_254 = tpu.vector_load %arg10[%swap3A_252, %swap3A_253] {strides = array<i32>} : memref<16x1024xf32, #tpu.memory_space<vmem>>, vector<1x16xf32>,
        %swap3A_255 = vector.shape_cast %swap3A_254 : vector<1x16xf32> to vector<16xf32>
        %swap3A_256 = vector.shape_cast %get3A_251 : vector<16xf32> to vector<1x16xf32>
        tpu.vector_store %arg10[%swap3A_252, %swap3A_253], %swap3A_256 {strides = array<i32>} : memref<16x1024xf32, #tpu.memory_space<vmem>>, vector<1x16xf32>,
        %get3A_257 = arith.constant 0 : i32
        %get3A_258 = arith.index_cast %get3A_257 : i32 to index
        %get3A_259 = arith.constant 32 : index
        %get3A_260 = tpu.vector_load %arg16[%get3A_258, %get3A_259] {strides = array<i32>} : memref<2x1024xf32, #tpu.memory_space<vmem>>, vector<1x16xf32>,
        %get3A_261 = vector.shape_cast %get3A_260 : vector<1x16xf32> to vector<16xf32>
        %swap3A_262 = arith.index_cast %scan3A_237 : i32 to index
        %swap3A_263 = arith.constant 32 : index
        %swap3A_264 = tpu.vector_load %arg10[%swap3A_262, %swap3A_263] {strides = array<i32>} : memref<16x1024xf32, #tpu.memory_space<vmem>>, vector<1x16xf32>,
        %swap3A_265 = vector.shape_cast %swap3A_264 : vector<1x16xf32> to vector<16xf32>
        %swap3A_266 = vector.shape_cast %get3A_261 : vector<16xf32> to vector<1x16xf32>
        tpu.vector_store %arg10[%swap3A_262, %swap3A_263], %swap3A_266 {strides = array<i32>} : memref<16x1024xf32, #tpu.memory_space<vmem>>, vector<1x16xf32>,
        %get3A_267 = arith.constant 0 : i32
        %get3A_268 = arith.index_cast %get3A_267 : i32 to index
        %get3A_269 = arith.constant 48 : index
        %get3A_270 = tpu.vector_load %arg16[%get3A_268, %get3A_269] {strides = array<i32>} : memref<2x1024xf32, #tpu.memory_space<vmem>>, vector<1x16xf32>,
        %get3A_271 = vector.shape_cast %get3A_270 : vector<1x16xf32> to vector<16xf32>
        %swap3A_272 = arith.index_cast %scan3A_237 : i32 to index
        %swap3A_273 = arith.constant 48 : index
        %swap3A_274 = tpu.vector_load %arg10[%swap3A_272, %swap3A_273] {strides = array<i32>} : memref<16x1024xf32, #tpu.memory_space<vmem>>, vector<1x16xf32>,
        %swap3A_275 = vector.shape_cast %swap3A_274 : vector<1x16xf32> to vector<16xf32>
        %swap3A_276 = vector.shape_cast %get3A_271 : vector<16xf32> to vector<1x16xf32>
        tpu.vector_store %arg10[%swap3A_272, %swap3A_273], %swap3A_276 {strides = array<i32>} : memref<16x1024xf32, #tpu.memory_space<vmem>>, vector<1x16xf32>,
        %get3A_277 = arith.constant 0 : i32
        %get3A_278 = arith.index_cast %get3A_277 : i32 to index
        %get3A_279 = arith.constant 64 : index
        %get3A_280 = tpu.vector_load %arg16[%get3A_278, %get3A_279] {strides = array<i32>} : memref<2x1024xf32, #tpu.memory_space<vmem>>, vector<1x16xf32>,
        %get3A_281 = vector.shape_cast %get3A_280 : vector<1x16xf32> to vector<16xf32>
        %swap3A_282 = arith.index_cast %scan3A_237 : i32 to index
        %swap3A_283 = arith.constant 64 : index
        %swap3A_284 = tpu.vector_load %arg10[%swap3A_282, %swap3A_283] {strides = array<i32>} : memref<16x1024xf32, #tpu.memory_space<vmem>>, vector<1x16xf32>,
        %swap3A_285 = vector.shape_cast %swap3A_284 : vector<1x16xf32> to vector<16xf32>
        %swap3A_286 = vector.shape_cast %get3A_281 : vector<16xf32> to vector<1x16xf32>
        tpu.vector_store %arg10[%swap3A_282, %swap3A_283], %swap3A_286 {strides = array<i32>} : memref<16x1024xf32, #tpu.memory_space<vmem>>, vector<1x16xf32>,
        %get3A_287 = arith.constant 0 : i32
        %get3A_288 = arith.index_cast %get3A_287 : i32 to index
        %get3A_289 = arith.constant 80 : index
        %get3A_290 = tpu.vector_load %arg16[%get3A_288, %get3A_289] {strides = array<i32>} : memref<2x1024xf32, #tpu.memory_space<vmem>>, vector<1x16xf32>,
        %get3A_291 = vector.shape_cast %get3A_290 : vector<1x16xf32> to vector<16xf32>
        %swap3A_292 = arith.index_cast %scan3A_237 : i32 to index
        %swap3A_293 = arith.constant 80 : index
        %swap3A_294 = tpu.vector_load %arg10[%swap3A_292, %swap3A_293] {strides = array<i32>} : memref<16x1024xf32, #tpu.memory_space<vmem>>, vector<1x16xf32>,
        %swap3A_295 = vector.shape_cast %swap3A_294 : vector<1x16xf32> to vector<16xf32>
        %swap3A_296 = vector.shape_cast %get3A_291 : vector<16xf32> to vector<1x16xf32>
        tpu.vector_store %arg10[%swap3A_292, %swap3A_293], %swap3A_296 {strides = array<i32>} : memref<16x1024xf32, #tpu.memory_space<vmem>>, vector<1x16xf32>,
        %get3A_297 = arith.constant 0 : i32
        %get3A_298 = arith.index_cast %get3A_297 : i32 to index
        %get3A_299 = arith.constant 96 : index
        %get3A_300 = tpu.vector_load %arg16[%get3A_298, %get3A_299] {strides = array<i32>} : memref<2x1024xf32, #tpu.memory_space<vmem>>, vector<1x16xf32>,
        %get3A_301 = vector.shape_cast %get3A_300 : vector<1x16xf32> to vector<16xf32>
        %swap3A_302 = arith.index_cast %scan3A_237 : i32 to index
        %swap3A_303 = arith.constant 96 : index
        %swap3A_304 = tpu.vector_load %arg10[%swap3A_302, %swap3A_303] {strides = array<i32>} : memref<16x1024xf32, #tpu.memory_space<vmem>>, vector<1x16xf32>,
        %swap3A_305 = vector.shape_cast %swap3A_304 : vector<1x16xf32> to vector<16xf32>
        %swap3A_306 = vector.shape_cast %get3A_301 : vector<16xf32> to vector<1x16xf32>
        tpu.vector_store %arg10[%swap3A_302, %swap3A_303], %swap3A_306 {strides = array<i32>} : memref<16x1024xf32, #tpu.memory_space<vmem>>, vector<1x16xf32>,
        %get3A_307 = arith.constant 0 : i32
        %get3A_308 = arith.index_cast %get3A_307 : i32 to index
        %get3A_309 = arith.constant 112 : index
        %get3A_310 = tpu.vector_load %arg16[%get3A_308, %get3A_309] {strides = array<i32>} : memref<2x1024xf32, #tpu.memory_space<vmem>>, vector<1x16xf32>,
        %get3A_311 = vector.shape_cast %get3A_310 : vector<1x16xf32> to vector<16xf32>
        %swap3A_312 = arith.index_cast %scan3A_237 : i32 to index
        %swap3A_313 = arith.constant 112 : index
        %swap3A_314 = tpu.vector_load %arg10[%swap3A_312, %swap3A_313] {strides = array<i32>} : memref<16x1024xf32, #tpu.memory_space<vmem>>, vector<1x16xf32>,
        %swap3A_315 = vector.shape_cast %swap3A_314 : vector<1x16xf32> to vector<16xf32>
        %swap3A_316 = vector.shape_cast %get3A_311 : vector<16xf32> to vector<1x16xf32>
        tpu.vector_store %arg10[%swap3A_312, %swap3A_313], %swap3A_316 {strides = array<i32>} : memref<16x1024xf32, #tpu.memory_space<vmem>>, vector<1x16xf32>,
        %get3A_317 = arith.constant 0 : i32
        %get3A_318 = arith.index_cast %get3A_317 : i32 to index
        %get3A_319 = arith.constant 128 : index
        %get3A_320 = tpu.vector_load %arg16[%get3A_318, %get3A_319] {strides = array<i32>} : memref<2x1024xf32, #tpu.memory_space<vmem>>, vector<1x16xf32>,
        %get3A_321 = vector.shape_cast %get3A_320 : vector<1x16xf32> to vector<16xf32>
        %swap3A_322 = arith.index_cast %scan3A_237 : i32 to index
        %swap3A_323 = arith.constant 128 : index
        %swap3A_324 = tpu.vector_load %arg10[%swap3A_322, %swap3A_323] {strides = array<i32>} : memref<16x1024xf32, #tpu.memory_space<vmem>>, vector<1x16xf32>,
        %swap3A_325 = vector.shape_cast %swap3A_324 : vector<1x16xf32> to vector<16xf32>
        %swap3A_326 = vector.shape_cast %get3A_321 : vector<16xf32> to vector<1x16xf32>
        tpu.vector_store %arg10[%swap3A_322, %swap3A_323], %swap3A_326 {strides = array<i32>} : memref<16x1024xf32, #tpu.memory_space<vmem>>, vector<1x16xf32>,
        %get3A_327 = arith.constant 0 : i32
        %get3A_328 = arith.index_cast %get3A_327 : i32 to index
        %get3A_329 = arith.constant 144 : index
        %get3A_330 = tpu.vector_load %arg16[%get3A_328, %get3A_329] {strides = array<i32>} : memref<2x1024xf32, #tpu.memory_space<vmem>>, vector<1x16xf32>,
        %get3A_331 = vector.shape_cast %get3A_330 : vector<1x16xf32> to vector<16xf32>
        %swap3A_332 = arith.index_cast %scan3A_237 : i32 to index
        %swap3A_333 = arith.constant 144 : index
        %swap3A_334 = tpu.vector_load %arg10[%swap3A_332, %swap3A_333] {strides = array<i32>} : memref<16x1024xf32, #tpu.memory_space<vmem>>, vector<1x16xf32>,
        %swap3A_335 = vector.shape_cast %swap3A_334 : vector<1x16xf32> to vector<16xf32>
        %swap3A_336 = vector.shape_cast %get3A_331 : vector<16xf32> to vector<1x16xf32>
        tpu.vector_store %arg10[%swap3A_332, %swap3A_333], %swap3A_336 {strides = array<i32>} : memref<16x1024xf32, #tpu.memory_space<vmem>>, vector<1x16xf32>,
        %get3A_337 = arith.constant 0 : i32
        %get3A_338 = arith.index_cast %get3A_337 : i32 to index
        %get3A_339 = arith.constant 160 : index
        %get3A_340 = tpu.vector_load %arg16[%get3A_338, %get3A_339] {strides = array<i32>} : memref<2x1024xf32, #tpu.memory_space<vmem>>, vector<1x16xf32>,
        %get3A_341 = vector.shape_cast %get3A_340 : vector<1x16xf32> to vector<16xf32>
        %swap3A_342 = arith.index_cast %scan3A_237 : i32 to index
        %swap3A_343 = arith.constant 160 : index
        %swap3A_344 = tpu.vector_load %arg10[%swap3A_342, %swap3A_343] {strides = array<i32>} : memref<16x1024xf32, #tpu.memory_space<vmem>>, vector<1x16xf32>,
        %swap3A_345 = vector.shape_cast %swap3A_344 : vector<1x16xf32> to vector<16xf32>
        %swap3A_346 = vector.shape_cast %get3A_341 : vector<16xf32> to vector<1x16xf32>
        tpu.vector_store %arg10[%swap3A_342, %swap3A_343], %swap3A_346 {strides = array<i32>} : memref<16x1024xf32, #tpu.memory_space<vmem>>, vector<1x16xf32>,
        %get3A_347 = arith.constant 0 : i32
        %get3A_348 = arith.index_cast %get3A_347 : i32 to index
        %get3A_349 = arith.constant 176 : index
        %get3A_350 = tpu.vector_load %arg16[%get3A_348, %get3A_349] {strides = array<i32>} : memref<2x1024xf32, #tpu.memory_space<vmem>>, vector<1x16xf32>,
        %get3A_351 = vector.shape_cast %get3A_350 : vector<1x16xf32> to vector<16xf32>
        %swap3A_352 = arith.index_cast %scan3A_237 : i32 to index
        %swap3A_353 = arith.constant 176 : index
        %swap3A_354 = tpu.vector_load %arg10[%swap3A_352, %swap3A_353] {strides = array<i32>} : memref<16x1024xf32, #tpu.memory_space<vmem>>, vector<1x16xf32>,
        %swap3A_355 = vector.shape_cast %swap3A_354 : vector<1x16xf32> to vector<16xf32>
        %swap3A_356 = vector.shape_cast %get3A_351 : vector<16xf32> to vector<1x16xf32>
        tpu.vector_store %arg10[%swap3A_352, %swap3A_353], %swap3A_356 {strides = array<i32>} : memref<16x1024xf32, #tpu.memory_space<vmem>>, vector<1x16xf32>,
        %get3A_357 = arith.constant 0 : i32
        %get3A_358 = arith.index_cast %get3A_357 : i32 to index
        %get3A_359 = arith.constant 192 : index
        %get3A_360 = tpu.vector_load %arg16[%get3A_358, %get3A_359] {strides = array<i32>} : memref<2x1024xf32, #tpu.memory_space<vmem>>, vector<1x16xf32>,
        %get3A_361 = vector.shape_cast %get3A_360 : vector<1x16xf32> to vector<16xf32>
        %swap3A_362 = arith.index_cast %scan3A_237 : i32 to index
        %swap3A_363 = arith.constant 192 : index
        %swap3A_364 = tpu.vector_load %arg10[%swap3A_362, %swap3A_363] {strides = array<i32>} : memref<16x1024xf32, #tpu.memory_space<vmem>>, vector<1x16xf32>,
        %swap3A_365 = vector.shape_cast %swap3A_364 : vector<1x16xf32> to vector<16xf32>
        %swap3A_366 = vector.shape_cast %get3A_361 : vector<16xf32> to vector<1x16xf32>
        tpu.vector_store %arg10[%swap3A_362, %swap3A_363], %swap3A_366 {strides = array<i32>} : memref<16x1024xf32, #tpu.memory_space<vmem>>, vector<1x16xf32>,
        %get3A_367 = arith.constant 0 : i32
        %get3A_368 = arith.index_cast %get3A_367 : i32 to index
        %get3A_369 = arith.constant 208 : index
        %get3A_370 = tpu.vector_load %arg16[%get3A_368, %get3A_369] {strides = array<i32>} : memref<2x1024xf32, #tpu.memory_space<vmem>>, vector<1x16xf32>,
        %get3A_371 = vector.shape_cast %get3A_370 : vector<1x16xf32> to vector<16xf32>
        %swap3A_372 = arith.index_cast %scan3A_237 : i32 to index
        %swap3A_373 = arith.constant 208 : index
        %swap3A_374 = tpu.vector_load %arg10[%swap3A_372, %swap3A_373] {strides = array<i32>} : memref<16x1024xf32, #tpu.memory_space<vmem>>, vector<1x16xf32>,
        %swap3A_375 = vector.shape_cast %swap3A_374 : vector<1x16xf32> to vector<16xf32>
        %swap3A_376 = vector.shape_cast %get3A_371 : vector<16xf32> to vector<1x16xf32>
        tpu.vector_store %arg10[%swap3A_372, %swap3A_373], %swap3A_376 {strides = array<i32>} : memref<16x1024xf32, #tpu.memory_space<vmem>>, vector<1x16xf32>,
        %get3A_377 = arith.constant 0 : i32
        %get3A_378 = arith.index_cast %get3A_377 : i32 to index
        %get3A_379 = arith.constant 224 : index
        %get3A_380 = tpu.vector_load %arg16[%get3A_378, %get3A_379] {strides = array<i32>} : memref<2x1024xf32, #tpu.memory_space<vmem>>, vector<1x16xf32>,
        %get3A_381 = vector.shape_cast %get3A_380 : vector<1x16xf32> to vector<16xf32>
        %swap3A_382 = arith.index_cast %scan3A_237 : i32 to index
        %swap3A_383 = arith.constant 224 : index
        %swap3A_384 = tpu.vector_load %arg10[%swap3A_382, %swap3A_383] {strides = array<i32>} : memref<16x1024xf32, #tpu.memory_space<vmem>>, vector<1x16xf32>,
        %swap3A_385 = vector.shape_cast %swap3A_384 : vector<1x16xf32> to vector<16xf32>
        %swap3A_386 = vector.shape_cast %get3A_381 : vector<16xf32> to vector<1x16xf32>
        tpu.vector_store %arg10[%swap3A_382, %swap3A_383], %swap3A_386 {strides = array<i32>} : memref<16x1024xf32, #tpu.memory_space<vmem>>, vector<1x16xf32>,
        %get3A_387 = arith.constant 0 : i32
        %get3A_388 = arith.index_cast %get3A_387 : i32 to index
        %get3A_389 = arith.constant 240 : index
        %get3A_390 = tpu.vector_load %arg16[%get3A_388, %get3A_389] {strides = array<i32>} : memref<2x1024xf32, #tpu.memory_space<vmem>>, vector<1x16xf32>,
        %get3A_391 = vector.shape_cast %get3A_390 : vector<1x16xf32> to vector<16xf32>
        %swap3A_392 = arith.index_cast %scan3A_237 : i32 to index
        %swap3A_393 = arith.constant 240 : index
        %swap3A_394 = tpu.vector_load %arg10[%swap3A_392, %swap3A_393] {strides = array<i32>} : memref<16x1024xf32, #tpu.memory_space<vmem>>, vector<1x16xf32>,
        %swap3A_395 = vector.shape_cast %swap3A_394 : vector<1x16xf32> to vector<16xf32>
        %swap3A_396 = vector.shape_cast %get3A_391 : vector<16xf32> to vector<1x16xf32>
        tpu.vector_store %arg10[%swap3A_392, %swap3A_393], %swap3A_396 {strides = array<i32>} : memref<16x1024xf32, #tpu.memory_space<vmem>>, vector<1x16xf32>,
        %get3A_397 = arith.constant 0 : i32
        %get3A_398 = arith.index_cast %get3A_397 : i32 to index
        %get3A_399 = arith.constant 256 : index
        %get3A_400 = tpu.vector_load %arg16[%get3A_398, %get3A_399] {strides = array<i32>} : memref<2x1024xf32, #tpu.memory_space<vmem>>, vector<1x16xf32>,
        %get3A_401 = vector.shape_cast %get3A_400 : vector<1x16xf32> to vector<16xf32>
        %swap3A_402 = arith.index_cast %scan3A_237 : i32 to index
        %swap3A_403 = arith.constant 256 : index
        %swap3A_404 = tpu.vector_load %arg10[%swap3A_402, %swap3A_403] {strides = array<i32>} : memref<16x1024xf32, #tpu.memory_space<vmem>>, vector<1x16xf32>,
        %swap3A_405 = vector.shape_cast %swap3A_404 : vector<1x16xf32> to vector<16xf32>
        %swap3A_406 = vector.shape_cast %get3A_401 : vector<16xf32> to vector<1x16xf32>
        tpu.vector_store %arg10[%swap3A_402, %swap3A_403], %swap3A_406 {strides = array<i32>} : memref<16x1024xf32, #tpu.memory_space<vmem>>, vector<1x16xf32>,
        %get3A_407 = arith.constant 0 : i32
        %get3A_408 = arith.index_cast %get3A_407 : i32 to index
        %get3A_409 = arith.constant 272 : index
        %get3A_410 = tpu.vector_load %arg16[%get3A_408, %get3A_409] {strides = array<i32>} : memref<2x1024xf32, #tpu.memory_space<vmem>>, vector<1x16xf32>,
        %get3A_411 = vector.shape_cast %get3A_410 : vector<1x16xf32> to vector<16xf32>
        %swap3A_412 = arith.index_cast %scan3A_237 : i32 to index
        %swap3A_413 = arith.constant 272 : index
        %swap3A_414 = tpu.vector_load %arg10[%swap3A_412, %swap3A_413] {strides = array<i32>} : memref<16x1024xf32, #tpu.memory_space<vmem>>, vector<1x16xf32>,
        %swap3A_415 = vector.shape_cast %swap3A_414 : vector<1x16xf32> to vector<16xf32>
        %swap3A_416 = vector.shape_cast %get3A_411 : vector<16xf32> to vector<1x16xf32>
        tpu.vector_store %arg10[%swap3A_412, %swap3A_413], %swap3A_416 {strides = array<i32>} : memref<16x1024xf32, #tpu.memory_space<vmem>>, vector<1x16xf32>,
        %get3A_417 = arith.constant 0 : i32
        %get3A_418 = arith.index_cast %get3A_417 : i32 to index
        %get3A_419 = arith.constant 288 : index
        %get3A_420 = tpu.vector_load %arg16[%get3A_418, %get3A_419] {strides = array<i32>} : memref<2x1024xf32, #tpu.memory_space<vmem>>, vector<1x16xf32>,
        %get3A_421 = vector.shape_cast %get3A_420 : vector<1x16xf32> to vector<16xf32>
        %swap3A_422 = arith.index_cast %scan3A_237 : i32 to index
        %swap3A_423 = arith.constant 288 : index
        %swap3A_424 = tpu.vector_load %arg10[%swap3A_422, %swap3A_423] {strides = array<i32>} : memref<16x1024xf32, #tpu.memory_space<vmem>>, vector<1x16xf32>,
        %swap3A_425 = vector.shape_cast %swap3A_424 : vector<1x16xf32> to vector<16xf32>
        %swap3A_426 = vector.shape_cast %get3A_421 : vector<16xf32> to vector<1x16xf32>
        tpu.vector_store %arg10[%swap3A_422, %swap3A_423], %swap3A_426 {strides = array<i32>} : memref<16x1024xf32, #tpu.memory_space<vmem>>, vector<1x16xf32>,
        %get3A_427 = arith.constant 0 : i32
        %get3A_428 = arith.index_cast %get3A_427 : i32 to index
        %get3A_429 = arith.constant 304 : index
        %get3A_430 = tpu.vector_load %arg16[%get3A_428, %get3A_429] {strides = array<i32>} : memref<2x1024xf32, #tpu.memory_space<vmem>>, vector<1x16xf32>,
        %get3A_431 = vector.shape_cast %get3A_430 : vector<1x16xf32> to vector<16xf32>
        %swap3A_432 = arith.index_cast %scan3A_237 : i32 to index
        %swap3A_433 = arith.constant 304 : index
        %swap3A_434 = tpu.vector_load %arg10[%swap3A_432, %swap3A_433] {strides = array<i32>} : memref<16x1024xf32, #tpu.memory_space<vmem>>, vector<1x16xf32>,
        %swap3A_435 = vector.shape_cast %swap3A_434 : vector<1x16xf32> to vector<16xf32>
        %swap3A_436 = vector.shape_cast %get3A_431 : vector<16xf32> to vector<1x16xf32>
        tpu.vector_store %arg10[%swap3A_432, %swap3A_433], %swap3A_436 {strides = array<i32>} : memref<16x1024xf32, #tpu.memory_space<vmem>>, vector<1x16xf32>,
        %get3A_437 = arith.constant 0 : i32
        %get3A_438 = arith.index_cast %get3A_437 : i32 to index
        %get3A_439 = arith.constant 320 : index
        %get3A_440 = tpu.vector_load %arg16[%get3A_438, %get3A_439] {strides = array<i32>} : memref<2x1024xf32, #tpu.memory_space<vmem>>, vector<1x16xf32>,
        %get3A_441 = vector.shape_cast %get3A_440 : vector<1x16xf32> to vector<16xf32>
        %swap3A_442 = arith.index_cast %scan3A_237 : i32 to index
        %swap3A_443 = arith.constant 320 : index
        %swap3A_444 = tpu.vector_load %arg10[%swap3A_442, %swap3A_443] {strides = array<i32>} : memref<16x1024xf32, #tpu.memory_space<vmem>>, vector<1x16xf32>,
        %swap3A_445 = vector.shape_cast %swap3A_444 : vector<1x16xf32> to vector<16xf32>
        %swap3A_446 = vector.shape_cast %get3A_441 : vector<16xf32> to vector<1x16xf32>
        tpu.vector_store %arg10[%swap3A_442, %swap3A_443], %swap3A_446 {strides = array<i32>} : memref<16x1024xf32, #tpu.memory_space<vmem>>, vector<1x16xf32>,
        %get3A_447 = arith.constant 0 : i32
        %get3A_448 = arith.index_cast %get3A_447 : i32 to index
        %get3A_449 = arith.constant 336 : index
        %get3A_450 = tpu.vector_load %arg16[%get3A_448, %get3A_449] {strides = array<i32>} : memref<2x1024xf32, #tpu.memory_space<vmem>>, vector<1x16xf32>,
        %get3A_451 = vector.shape_cast %get3A_450 : vector<1x16xf32> to vector<16xf32>
        %swap3A_452 = arith.index_cast %scan3A_237 : i32 to index
        %swap3A_453 = arith.constant 336 : index
        %swap3A_454 = tpu.vector_load %arg10[%swap3A_452, %swap3A_453] {strides = array<i32>} : memref<16x1024xf32, #tpu.memory_space<vmem>>, vector<1x16xf32>,
        %swap3A_455 = vector.shape_cast %swap3A_454 : vector<1x16xf32> to vector<16xf32>
        %swap3A_456 = vector.shape_cast %get3A_451 : vector<16xf32> to vector<1x16xf32>
        tpu.vector_store %arg10[%swap3A_452, %swap3A_453], %swap3A_456 {strides = array<i32>} : memref<16x1024xf32, #tpu.memory_space<vmem>>, vector<1x16xf32>,
        %get3A_457 = arith.constant 0 : i32
        %get3A_458 = arith.index_cast %get3A_457 : i32 to index
        %get3A_459 = arith.constant 352 : index
        %get3A_460 = tpu.vector_load %arg16[%get3A_458, %get3A_459] {strides = array<i32>} : memref<2x1024xf32, #tpu.memory_space<vmem>>, vector<1x16xf32>,
        %get3A_461 = vector.shape_cast %get3A_460 : vector<1x16xf32> to vector<16xf32>
        %swap3A_462 = arith.index_cast %scan3A_237 : i32 to index
        %swap3A_463 = arith.constant 352 : index
        %swap3A_464 = tpu.vector_load %arg10[%swap3A_462, %swap3A_463] {strides = array<i32>} : memref<16x1024xf32, #tpu.memory_space<vmem>>, vector<1x16xf32>,
        %swap3A_465 = vector.shape_cast %swap3A_464 : vector<1x16xf32> to vector<16xf32>
        %swap3A_466 = vector.shape_cast %get3A_461 : vector<16xf32> to vector<1x16xf32>
        tpu.vector_store %arg10[%swap3A_462, %swap3A_463], %swap3A_466 {strides = array<i32>} : memref<16x1024xf32, #tpu.memory_space<vmem>>, vector<1x16xf32>,
        %get3A_467 = arith.constant 0 : i32
        %get3A_468 = arith.index_cast %get3A_467 : i32 to index
        %get3A_469 = arith.constant 368 : index
        %get3A_470 = tpu.vector_load %arg16[%get3A_468, %get3A_469] {strides = array<i32>} : memref<2x1024xf32, #tpu.memory_space<vmem>>, vector<1x16xf32>,
        %get3A_471 = vector.shape_cast %get3A_470 : vector<1x16xf32> to vector<16xf32>
        %swap3A_472 = arith.index_cast %scan3A_237 : i32 to index
        %swap3A_473 = arith.constant 368 : index
        %swap3A_474 = tpu.vector_load %arg10[%swap3A_472, %swap3A_473] {strides = array<i32>} : memref<16x1024xf32, #tpu.memory_space<vmem>>, vector<1x16xf32>,
        %swap3A_475 = vector.shape_cast %swap3A_474 : vector<1x16xf32> to vector<16xf32>
        %swap3A_476 = vector.shape_cast %get3A_471 : vector<16xf32> to vector<1x16xf32>
        tpu.vector_store %arg10[%swap3A_472, %swap3A_473], %swap3A_476 {strides = array<i32>} : memref<16x1024xf32, #tpu.memory_space<vmem>>, vector<1x16xf32>,
        %get3A_477 = arith.constant 0 : i32
        %get3A_478 = arith.index_cast %get3A_477 : i32 to index
        %get3A_479 = arith.constant 384 : index
        %get3A_480 = tpu.vector_load %arg16[%get3A_478, %get3A_479] {strides = array<i32>} : memref<2x1024xf32, #tpu.memory_space<vmem>>, vector<1x16xf32>,
        %get3A_481 = vector.shape_cast %get3A_480 : vector<1x16xf32> to vector<16xf32>
        %swap3A_482 = arith.index_cast %scan3A_237 : i32 to index
        %swap3A_483 = arith.constant 384 : index
        %swap3A_484 = tpu.vector_load %arg10[%swap3A_482, %swap3A_483] {strides = array<i32>} : memref<16x1024xf32, #tpu.memory_space<vmem>>, vector<1x16xf32>,
        %swap3A_485 = vector.shape_cast %swap3A_484 : vector<1x16xf32> to vector<16xf32>
        %swap3A_486 = vector.shape_cast %get3A_481 : vector<16xf32> to vector<1x16xf32>
        tpu.vector_store %arg10[%swap3A_482, %swap3A_483], %swap3A_486 {strides = array<i32>} : memref<16x1024xf32, #tpu.memory_space<vmem>>, vector<1x16xf32>,
        %get3A_487 = arith.constant 0 : i32
        %get3A_488 = arith.index_cast %get3A_487 : i32 to index
        %get3A_489 = arith.constant 400 : index
        %get3A_490 = tpu.vector_load %arg16[%get3A_488, %get3A_489] {strides = array<i32>} : memref<2x1024xf32, #tpu.memory_space<vmem>>, vector<1x16xf32>,
        %get3A_491 = vector.shape_cast %get3A_490 : vector<1x16xf32> to vector<16xf32>
        %swap3A_492 = arith.index_cast %scan3A_237 : i32 to index
        %swap3A_493 = arith.constant 400 : index
        %swap3A_494 = tpu.vector_load %arg10[%swap3A_492, %swap3A_493] {strides = array<i32>} : memref<16x1024xf32, #tpu.memory_space<vmem>>, vector<1x16xf32>,
        %swap3A_495 = vector.shape_cast %swap3A_494 : vector<1x16xf32> to vector<16xf32>
        %swap3A_496 = vector.shape_cast %get3A_491 : vector<16xf32> to vector<1x16xf32>
        tpu.vector_store %arg10[%swap3A_492, %swap3A_493], %swap3A_496 {strides = array<i32>} : memref<16x1024xf32, #tpu.memory_space<vmem>>, vector<1x16xf32>,
        %get3A_497 = arith.constant 0 : i32
        %get3A_498 = arith.index_cast %get3A_497 : i32 to index
        %get3A_499 = arith.constant 416 : index
        %get3A_500 = tpu.vector_load %arg16[%get3A_498, %get3A_499] {strides = array<i32>} : memref<2x1024xf32, #tpu.memory_space<vmem>>, vector<1x16xf32>,
        %get3A_501 = vector.shape_cast %get3A_500 : vector<1x16xf32> to vector<16xf32>
        %swap3A_502 = arith.index_cast %scan3A_237 : i32 to index
        %swap3A_503 = arith.constant 416 : index
        %swap3A_504 = tpu.vector_load %arg10[%swap3A_502, %swap3A_503] {strides = array<i32>} : memref<16x1024xf32, #tpu.memory_space<vmem>>, vector<1x16xf32>,
        %swap3A_505 = vector.shape_cast %swap3A_504 : vector<1x16xf32> to vector<16xf32>
        %swap3A_506 = vector.shape_cast %get3A_501 : vector<16xf32> to vector<1x16xf32>
        tpu.vector_store %arg10[%swap3A_502, %swap3A_503], %swap3A_506 {strides = array<i32>} : memref<16x1024xf32, #tpu.memory_space<vmem>>, vector<1x16xf32>,
        %get3A_507 = arith.constant 0 : i32
        %get3A_508 = arith.index_cast %get3A_507 : i32 to index
        %get3A_509 = arith.constant 432 : index
        %get3A_510 = tpu.vector_load %arg16[%get3A_508, %get3A_509] {strides = array<i32>} : memref<2x1024xf32, #tpu.memory_space<vmem>>, vector<1x16xf32>,
        %get3A_511 = vector.shape_cast %get3A_510 : vector<1x16xf32> to vector<16xf32>
        %swap3A_512 = arith.index_cast %scan3A_237 : i32 to index
        %swap3A_513 = arith.constant 432 : index
        %swap3A_514 = tpu.vector_load %arg10[%swap3A_512, %swap3A_513] {strides = array<i32>} : memref<16x1024xf32, #tpu.memory_space<vmem>>, vector<1x16xf32>,
        %swap3A_515 = vector.shape_cast %swap3A_514 : vector<1x16xf32> to vector<16xf32>
        %swap3A_516 = vector.shape_cast %get3A_511 : vector<16xf32> to vector<1x16xf32>
        tpu.vector_store %arg10[%swap3A_512, %swap3A_513], %swap3A_516 {strides = array<i32>} : memref<16x1024xf32, #tpu.memory_space<vmem>>, vector<1x16xf32>,
        %get3A_517 = arith.constant 0 : i32
        %get3A_518 = arith.index_cast %get3A_517 : i32 to index
        %get3A_519 = arith.constant 448 : index
        %get3A_520 = tpu.vector_load %arg16[%get3A_518, %get3A_519] {strides = array<i32>} : memref<2x1024xf32, #tpu.memory_space<vmem>>, vector<1x16xf32>,
        %get3A_521 = vector.shape_cast %get3A_520 : vector<1x16xf32> to vector<16xf32>
        %swap3A_522 = arith.index_cast %scan3A_237 : i32 to index
        %swap3A_523 = arith.constant 448 : index
        %swap3A_524 = tpu.vector_load %arg10[%swap3A_522, %swap3A_523] {strides = array<i32>} : memref<16x1024xf32, #tpu.memory_space<vmem>>, vector<1x16xf32>,
        %swap3A_525 = vector.shape_cast %swap3A_524 : vector<1x16xf32> to vector<16xf32>
        %swap3A_526 = vector.shape_cast %get3A_521 : vector<16xf32> to vector<1x16xf32>
        tpu.vector_store %arg10[%swap3A_522, %swap3A_523], %swap3A_526 {strides = array<i32>} : memref<16x1024xf32, #tpu.memory_space<vmem>>, vector<1x16xf32>,
        %get3A_527 = arith.constant 0 : i32
        %get3A_528 = arith.index_cast %get3A_527 : i32 to index
        %get3A_529 = arith.constant 464 : index
        %get3A_530 = tpu.vector_load %arg16[%get3A_528, %get3A_529] {strides = array<i32>} : memref<2x1024xf32, #tpu.memory_space<vmem>>, vector<1x16xf32>,
        %get3A_531 = vector.shape_cast %get3A_530 : vector<1x16xf32> to vector<16xf32>
        %swap3A_532 = arith.index_cast %scan3A_237 : i32 to index
        %swap3A_533 = arith.constant 464 : index
        %swap3A_534 = tpu.vector_load %arg10[%swap3A_532, %swap3A_533] {strides = array<i32>} : memref<16x1024xf32, #tpu.memory_space<vmem>>, vector<1x16xf32>,
        %swap3A_535 = vector.shape_cast %swap3A_534 : vector<1x16xf32> to vector<16xf32>
        %swap3A_536 = vector.shape_cast %get3A_531 : vector<16xf32> to vector<1x16xf32>
        tpu.vector_store %arg10[%swap3A_532, %swap3A_533], %swap3A_536 {strides = array<i32>} : memref<16x1024xf32, #tpu.memory_space<vmem>>, vector<1x16xf32>,
        %get3A_537 = arith.constant 0 : i32
        %get3A_538 = arith.index_cast %get3A_537 : i32 to index
        %get3A_539 = arith.constant 480 : index
        %get3A_540 = tpu.vector_load %arg16[%get3A_538, %get3A_539] {strides = array<i32>} : memref<2x1024xf32, #tpu.memory_space<vmem>>, vector<1x16xf32>,
        %get3A_541 = vector.shape_cast %get3A_540 : vector<1x16xf32> to vector<16xf32>
        %swap3A_542 = arith.index_cast %scan3A_237 : i32 to index
        %swap3A_543 = arith.constant 480 : index
        %swap3A_544 = tpu.vector_load %arg10[%swap3A_542, %swap3A_543] {strides = array<i32>} : memref<16x1024xf32, #tpu.memory_space<vmem>>, vector<1x16xf32>,
        %swap3A_545 = vector.shape_cast %swap3A_544 : vector<1x16xf32> to vector<16xf32>
        %swap3A_546 = vector.shape_cast %get3A_541 : vector<16xf32> to vector<1x16xf32>
        tpu.vector_store %arg10[%swap3A_542, %swap3A_543], %swap3A_546 {strides = array<i32>} : memref<16x1024xf32, #tpu.memory_space<vmem>>, vector<1x16xf32>,
        %get3A_547 = arith.constant 0 : i32
        %get3A_548 = arith.index_cast %get3A_547 : i32 to index
        %get3A_549 = arith.constant 496 : index
        %get3A_550 = tpu.vector_load %arg16[%get3A_548, %get3A_549] {strides = array<i32>} : memref<2x1024xf32, #tpu.memory_space<vmem>>, vector<1x16xf32>,
        %get3A_551 = vector.shape_cast %get3A_550 : vector<1x16xf32> to vector<16xf32>
        %swap3A_552 = arith.index_cast %scan3A_237 : i32 to index
        %swap3A_553 = arith.constant 496 : index
        %swap3A_554 = tpu.vector_load %arg10[%swap3A_552, %swap3A_553] {strides = array<i32>} : memref<16x1024xf32, #tpu.memory_space<vmem>>, vector<1x16xf32>,
        %swap3A_555 = vector.shape_cast %swap3A_554 : vector<1x16xf32> to vector<16xf32>
        %swap3A_556 = vector.shape_cast %get3A_551 : vector<16xf32> to vector<1x16xf32>
        tpu.vector_store %arg10[%swap3A_552, %swap3A_553], %swap3A_556 {strides = array<i32>} : memref<16x1024xf32, #tpu.memory_space<vmem>>, vector<1x16xf32>,
        %get3A_557 = arith.constant 0 : i32
        %get3A_558 = arith.index_cast %get3A_557 : i32 to index
        %get3A_559 = arith.constant 512 : index
        %get3A_560 = tpu.vector_load %arg16[%get3A_558, %get3A_559] {strides = array<i32>} : memref<2x1024xf32, #tpu.memory_space<vmem>>, vector<1x16xf32>,
        %get3A_561 = vector.shape_cast %get3A_560 : vector<1x16xf32> to vector<16xf32>
        %swap3A_562 = arith.index_cast %scan3A_237 : i32 to index
        %swap3A_563 = arith.constant 512 : index
        %swap3A_564 = tpu.vector_load %arg10[%swap3A_562, %swap3A_563] {strides = array<i32>} : memref<16x1024xf32, #tpu.memory_space<vmem>>, vector<1x16xf32>,
        %swap3A_565 = vector.shape_cast %swap3A_564 : vector<1x16xf32> to vector<16xf32>
        %swap3A_566 = vector.shape_cast %get3A_561 : vector<16xf32> to vector<1x16xf32>
        tpu.vector_store %arg10[%swap3A_562, %swap3A_563], %swap3A_566 {strides = array<i32>} : memref<16x1024xf32, #tpu.memory_space<vmem>>, vector<1x16xf32>,
        %get3A_567 = arith.constant 0 : i32
        %get3A_568 = arith.index_cast %get3A_567 : i32 to index
        %get3A_569 = arith.constant 528 : index
        %get3A_570 = tpu.vector_load %arg16[%get3A_568, %get3A_569] {strides = array<i32>} : memref<2x1024xf32, #tpu.memory_space<vmem>>, vector<1x16xf32>,
        %get3A_571 = vector.shape_cast %get3A_570 : vector<1x16xf32> to vector<16xf32>
        %swap3A_572 = arith.index_cast %scan3A_237 : i32 to index
        %swap3A_573 = arith.constant 528 : index
        %swap3A_574 = tpu.vector_load %arg10[%swap3A_572, %swap3A_573] {strides = array<i32>} : memref<16x1024xf32, #tpu.memory_space<vmem>>, vector<1x16xf32>,
        %swap3A_575 = vector.shape_cast %swap3A_574 : vector<1x16xf32> to vector<16xf32>
        %swap3A_576 = vector.shape_cast %get3A_571 : vector<16xf32> to vector<1x16xf32>
        tpu.vector_store %arg10[%swap3A_572, %swap3A_573], %swap3A_576 {strides = array<i32>} : memref<16x1024xf32, #tpu.memory_space<vmem>>, vector<1x16xf32>,
        %get3A_577 = arith.constant 0 : i32
        %get3A_578 = arith.index_cast %get3A_577 : i32 to index
        %get3A_579 = arith.constant 544 : index
        %get3A_580 = tpu.vector_load %arg16[%get3A_578, %get3A_579] {strides = array<i32>} : memref<2x1024xf32, #tpu.memory_space<vmem>>, vector<1x16xf32>,
        %get3A_581 = vector.shape_cast %get3A_580 : vector<1x16xf32> to vector<16xf32>
        %swap3A_582 = arith.index_cast %scan3A_237 : i32 to index
        %swap3A_583 = arith.constant 544 : index
        %swap3A_584 = tpu.vector_load %arg10[%swap3A_582, %swap3A_583] {strides = array<i32>} : memref<16x1024xf32, #tpu.memory_space<vmem>>, vector<1x16xf32>,
        %swap3A_585 = vector.shape_cast %swap3A_584 : vector<1x16xf32> to vector<16xf32>
        %swap3A_586 = vector.shape_cast %get3A_581 : vector<16xf32> to vector<1x16xf32>
        tpu.vector_store %arg10[%swap3A_582, %swap3A_583], %swap3A_586 {strides = array<i32>} : memref<16x1024xf32, #tpu.memory_space<vmem>>, vector<1x16xf32>,
        %get3A_587 = arith.constant 0 : i32
        %get3A_588 = arith.index_cast %get3A_587 : i32 to index
        %get3A_589 = arith.constant 560 : index
        %get3A_590 = tpu.vector_load %arg16[%get3A_588, %get3A_589] {strides = array<i32>} : memref<2x1024xf32, #tpu.memory_space<vmem>>, vector<1x16xf32>,
        %get3A_591 = vector.shape_cast %get3A_590 : vector<1x16xf32> to vector<16xf32>
        %swap3A_592 = arith.index_cast %scan3A_237 : i32 to index
        %swap3A_593 = arith.constant 560 : index
        %swap3A_594 = tpu.vector_load %arg10[%swap3A_592, %swap3A_593] {strides = array<i32>} : memref<16x1024xf32, #tpu.memory_space<vmem>>, vector<1x16xf32>,
        %swap3A_595 = vector.shape_cast %swap3A_594 : vector<1x16xf32> to vector<16xf32>
        %swap3A_596 = vector.shape_cast %get3A_591 : vector<16xf32> to vector<1x16xf32>
        tpu.vector_store %arg10[%swap3A_592, %swap3A_593], %swap3A_596 {strides = array<i32>} : memref<16x1024xf32, #tpu.memory_space<vmem>>, vector<1x16xf32>,
        %get3A_597 = arith.constant 0 : i32
        %get3A_598 = arith.index_cast %get3A_597 : i32 to index
        %get3A_599 = arith.constant 576 : index
        %get3A_600 = tpu.vector_load %arg16[%get3A_598, %get3A_599] {strides = array<i32>} : memref<2x1024xf32, #tpu.memory_space<vmem>>, vector<1x16xf32>,
        %get3A_601 = vector.shape_cast %get3A_600 : vector<1x16xf32> to vector<16xf32>
        %swap3A_602 = arith.index_cast %scan3A_237 : i32 to index
        %swap3A_603 = arith.constant 576 : index
        %swap3A_604 = tpu.vector_load %arg10[%swap3A_602, %swap3A_603] {strides = array<i32>} : memref<16x1024xf32, #tpu.memory_space<vmem>>, vector<1x16xf32>,
        %swap3A_605 = vector.shape_cast %swap3A_604 : vector<1x16xf32> to vector<16xf32>
        %swap3A_606 = vector.shape_cast %get3A_601 : vector<16xf32> to vector<1x16xf32>
        tpu.vector_store %arg10[%swap3A_602, %swap3A_603], %swap3A_606 {strides = array<i32>} : memref<16x1024xf32, #tpu.memory_space<vmem>>, vector<1x16xf32>,
        %get3A_607 = arith.constant 0 : i32
        %get3A_608 = arith.index_cast %get3A_607 : i32 to index
        %get3A_609 = arith.constant 592 : index
        %get3A_610 = tpu.vector_load %arg16[%get3A_608, %get3A_609] {strides = array<i32>} : memref<2x1024xf32, #tpu.memory_space<vmem>>, vector<1x16xf32>,
        %get3A_611 = vector.shape_cast %get3A_610 : vector<1x16xf32> to vector<16xf32>
        %swap3A_612 = arith.index_cast %scan3A_237 : i32 to index
        %swap3A_613 = arith.constant 592 : index
        %swap3A_614 = tpu.vector_load %arg10[%swap3A_612, %swap3A_613] {strides = array<i32>} : memref<16x1024xf32, #tpu.memory_space<vmem>>, vector<1x16xf32>,
        %swap3A_615 = vector.shape_cast %swap3A_614 : vector<1x16xf32> to vector<16xf32>
        %swap3A_616 = vector.shape_cast %get3A_611 : vector<16xf32> to vector<1x16xf32>
        tpu.vector_store %arg10[%swap3A_612, %swap3A_613], %swap3A_616 {strides = array<i32>} : memref<16x1024xf32, #tpu.memory_space<vmem>>, vector<1x16xf32>,
        %get3A_617 = arith.constant 0 : i32
        %get3A_618 = arith.index_cast %get3A_617 : i32 to index
        %get3A_619 = arith.constant 608 : index
        %get3A_620 = tpu.vector_load %arg16[%get3A_618, %get3A_619] {strides = array<i32>} : memref<2x1024xf32, #tpu.memory_space<vmem>>, vector<1x16xf32>,
        %get3A_621 = vector.shape_cast %get3A_620 : vector<1x16xf32> to vector<16xf32>
        %swap3A_622 = arith.index_cast %scan3A_237 : i32 to index
        %swap3A_623 = arith.constant 608 : index
        %swap3A_624 = tpu.vector_load %arg10[%swap3A_622, %swap3A_623] {strides = array<i32>} : memref<16x1024xf32, #tpu.memory_space<vmem>>, vector<1x16xf32>,
        %swap3A_625 = vector.shape_cast %swap3A_624 : vector<1x16xf32> to vector<16xf32>
        %swap3A_626 = vector.shape_cast %get3A_621 : vector<16xf32> to vector<1x16xf32>
        tpu.vector_store %arg10[%swap3A_622, %swap3A_623], %swap3A_626 {strides = array<i32>} : memref<16x1024xf32, #tpu.memory_space<vmem>>, vector<1x16xf32>,
        %get3A_627 = arith.constant 0 : i32
        %get3A_628 = arith.index_cast %get3A_627 : i32 to index
        %get3A_629 = arith.constant 624 : index
        %get3A_630 = tpu.vector_load %arg16[%get3A_628, %get3A_629] {strides = array<i32>} : memref<2x1024xf32, #tpu.memory_space<vmem>>, vector<1x16xf32>,
        %get3A_631 = vector.shape_cast %get3A_630 : vector<1x16xf32> to vector<16xf32>
        %swap3A_632 = arith.index_cast %scan3A_237 : i32 to index
        %swap3A_633 = arith.constant 624 : index
        %swap3A_634 = tpu.vector_load %arg10[%swap3A_632, %swap3A_633] {strides = array<i32>} : memref<16x1024xf32, #tpu.memory_space<vmem>>, vector<1x16xf32>,
        %swap3A_635 = vector.shape_cast %swap3A_634 : vector<1x16xf32> to vector<16xf32>
        %swap3A_636 = vector.shape_cast %get3A_631 : vector<16xf32> to vector<1x16xf32>
        tpu.vector_store %arg10[%swap3A_632, %swap3A_633], %swap3A_636 {strides = array<i32>} : memref<16x1024xf32, #tpu.memory_space<vmem>>, vector<1x16xf32>,
        %get3A_637 = arith.constant 0 : i32
        %get3A_638 = arith.index_cast %get3A_637 : i32 to index
        %get3A_639 = arith.constant 640 : index
        %get3A_640 = tpu.vector_load %arg16[%get3A_638, %get3A_639] {strides = array<i32>} : memref<2x1024xf32, #tpu.memory_space<vmem>>, vector<1x16xf32>,
        %get3A_641 = vector.shape_cast %get3A_640 : vector<1x16xf32> to vector<16xf32>
        %swap3A_642 = arith.index_cast %scan3A_237 : i32 to index
        %swap3A_643 = arith.constant 640 : index
        %swap3A_644 = tpu.vector_load %arg10[%swap3A_642, %swap3A_643] {strides = array<i32>} : memref<16x1024xf32, #tpu.memory_space<vmem>>, vector<1x16xf32>,
        %swap3A_645 = vector.shape_cast %swap3A_644 : vector<1x16xf32> to vector<16xf32>
        %swap3A_646 = vector.shape_cast %get3A_641 : vector<16xf32> to vector<1x16xf32>
        tpu.vector_store %arg10[%swap3A_642, %swap3A_643], %swap3A_646 {strides = array<i32>} : memref<16x1024xf32, #tpu.memory_space<vmem>>, vector<1x16xf32>,
        %get3A_647 = arith.constant 0 : i32
        %get3A_648 = arith.index_cast %get3A_647 : i32 to index
        %get3A_649 = arith.constant 656 : index
        %get3A_650 = tpu.vector_load %arg16[%get3A_648, %get3A_649] {strides = array<i32>} : memref<2x1024xf32, #tpu.memory_space<vmem>>, vector<1x16xf32>,
        %get3A_651 = vector.shape_cast %get3A_650 : vector<1x16xf32> to vector<16xf32>
        %swap3A_652 = arith.index_cast %scan3A_237 : i32 to index
        %swap3A_653 = arith.constant 656 : index
        %swap3A_654 = tpu.vector_load %arg10[%swap3A_652, %swap3A_653] {strides = array<i32>} : memref<16x1024xf32, #tpu.memory_space<vmem>>, vector<1x16xf32>,
        %swap3A_655 = vector.shape_cast %swap3A_654 : vector<1x16xf32> to vector<16xf32>
        %swap3A_656 = vector.shape_cast %get3A_651 : vector<16xf32> to vector<1x16xf32>
        tpu.vector_store %arg10[%swap3A_652, %swap3A_653], %swap3A_656 {strides = array<i32>} : memref<16x1024xf32, #tpu.memory_space<vmem>>, vector<1x16xf32>,
        %get3A_657 = arith.constant 0 : i32
        %get3A_658 = arith.index_cast %get3A_657 : i32 to index
        %get3A_659 = arith.constant 672 : index
        %get3A_660 = tpu.vector_load %arg16[%get3A_658, %get3A_659] {strides = array<i32>} : memref<2x1024xf32, #tpu.memory_space<vmem>>, vector<1x16xf32>,
        %get3A_661 = vector.shape_cast %get3A_660 : vector<1x16xf32> to vector<16xf32>
        %swap3A_662 = arith.index_cast %scan3A_237 : i32 to index
        %swap3A_663 = arith.constant 672 : index
        %swap3A_664 = tpu.vector_load %arg10[%swap3A_662, %swap3A_663] {strides = array<i32>} : memref<16x1024xf32, #tpu.memory_space<vmem>>, vector<1x16xf32>,
        %swap3A_665 = vector.shape_cast %swap3A_664 : vector<1x16xf32> to vector<16xf32>
        %swap3A_666 = vector.shape_cast %get3A_661 : vector<16xf32> to vector<1x16xf32>
        tpu.vector_store %arg10[%swap3A_662, %swap3A_663], %swap3A_666 {strides = array<i32>} : memref<16x1024xf32, #tpu.memory_space<vmem>>, vector<1x16xf32>,
        %get3A_667 = arith.constant 0 : i32
        %get3A_668 = arith.index_cast %get3A_667 : i32 to index
        %get3A_669 = arith.constant 688 : index
        %get3A_670 = tpu.vector_load %arg16[%get3A_668, %get3A_669] {strides = array<i32>} : memref<2x1024xf32, #tpu.memory_space<vmem>>, vector<1x16xf32>,
        %get3A_671 = vector.shape_cast %get3A_670 : vector<1x16xf32> to vector<16xf32>
        %swap3A_672 = arith.index_cast %scan3A_237 : i32 to index
        %swap3A_673 = arith.constant 688 : index
        %swap3A_674 = tpu.vector_load %arg10[%swap3A_672, %swap3A_673] {strides = array<i32>} : memref<16x1024xf32, #tpu.memory_space<vmem>>, vector<1x16xf32>,
        %swap3A_675 = vector.shape_cast %swap3A_674 : vector<1x16xf32> to vector<16xf32>
        %swap3A_676 = vector.shape_cast %get3A_671 : vector<16xf32> to vector<1x16xf32>
        tpu.vector_store %arg10[%swap3A_672, %swap3A_673], %swap3A_676 {strides = array<i32>} : memref<16x1024xf32, #tpu.memory_space<vmem>>, vector<1x16xf32>,
        %get3A_677 = arith.constant 0 : i32
        %get3A_678 = arith.index_cast %get3A_677 : i32 to index
        %get3A_679 = arith.constant 704 : index
        %get3A_680 = tpu.vector_load %arg16[%get3A_678, %get3A_679] {strides = array<i32>} : memref<2x1024xf32, #tpu.memory_space<vmem>>, vector<1x16xf32>,
        %get3A_681 = vector.shape_cast %get3A_680 : vector<1x16xf32> to vector<16xf32>
        %swap3A_682 = arith.index_cast %scan3A_237 : i32 to index
        %swap3A_683 = arith.constant 704 : index
        %swap3A_684 = tpu.vector_load %arg10[%swap3A_682, %swap3A_683] {strides = array<i32>} : memref<16x1024xf32, #tpu.memory_space<vmem>>, vector<1x16xf32>,
        %swap3A_685 = vector.shape_cast %swap3A_684 : vector<1x16xf32> to vector<16xf32>
        %swap3A_686 = vector.shape_cast %get3A_681 : vector<16xf32> to vector<1x16xf32>
        tpu.vector_store %arg10[%swap3A_682, %swap3A_683], %swap3A_686 {strides = array<i32>} : memref<16x1024xf32, #tpu.memory_space<vmem>>, vector<1x16xf32>,
        %get3A_687 = arith.constant 0 : i32
        %get3A_688 = arith.index_cast %get3A_687 : i32 to index
        %get3A_689 = arith.constant 720 : index
        %get3A_690 = tpu.vector_load %arg16[%get3A_688, %get3A_689] {strides = array<i32>} : memref<2x1024xf32, #tpu.memory_space<vmem>>, vector<1x16xf32>,
        %get3A_691 = vector.shape_cast %get3A_690 : vector<1x16xf32> to vector<16xf32>
        %swap3A_692 = arith.index_cast %scan3A_237 : i32 to index
        %swap3A_693 = arith.constant 720 : index
        %swap3A_694 = tpu.vector_load %arg10[%swap3A_692, %swap3A_693] {strides = array<i32>} : memref<16x1024xf32, #tpu.memory_space<vmem>>, vector<1x16xf32>,
        %swap3A_695 = vector.shape_cast %swap3A_694 : vector<1x16xf32> to vector<16xf32>
        %swap3A_696 = vector.shape_cast %get3A_691 : vector<16xf32> to vector<1x16xf32>
        tpu.vector_store %arg10[%swap3A_692, %swap3A_693], %swap3A_696 {strides = array<i32>} : memref<16x1024xf32, #tpu.memory_space<vmem>>, vector<1x16xf32>,
        %get3A_697 = arith.constant 0 : i32
        %get3A_698 = arith.index_cast %get3A_697 : i32 to index
        %get3A_699 = arith.constant 736 : index
        %get3A_700 = tpu.vector_load %arg16[%get3A_698, %get3A_699] {strides = array<i32>} : memref<2x1024xf32, #tpu.memory_space<vmem>>, vector<1x16xf32>,
        %get3A_701 = vector.shape_cast %get3A_700 : vector<1x16xf32> to vector<16xf32>
        %swap3A_702 = arith.index_cast %scan3A_237 : i32 to index
        %swap3A_703 = arith.constant 736 : index
        %swap3A_704 = tpu.vector_load %arg10[%swap3A_702, %swap3A_703] {strides = array<i32>} : memref<16x1024xf32, #tpu.memory_space<vmem>>, vector<1x16xf32>,
        %swap3A_705 = vector.shape_cast %swap3A_704 : vector<1x16xf32> to vector<16xf32>
        %swap3A_706 = vector.shape_cast %get3A_701 : vector<16xf32> to vector<1x16xf32>
        tpu.vector_store %arg10[%swap3A_702, %swap3A_703], %swap3A_706 {strides = array<i32>} : memref<16x1024xf32, #tpu.memory_space<vmem>>, vector<1x16xf32>,
        %get3A_707 = arith.constant 0 : i32
        %get3A_708 = arith.index_cast %get3A_707 : i32 to index
        %get3A_709 = arith.constant 752 : index
        %get3A_710 = tpu.vector_load %arg16[%get3A_708, %get3A_709] {strides = array<i32>} : memref<2x1024xf32, #tpu.memory_space<vmem>>, vector<1x16xf32>,
        %get3A_711 = vector.shape_cast %get3A_710 : vector<1x16xf32> to vector<16xf32>
        %swap3A_712 = arith.index_cast %scan3A_237 : i32 to index
        %swap3A_713 = arith.constant 752 : index
        %swap3A_714 = tpu.vector_load %arg10[%swap3A_712, %swap3A_713] {strides = array<i32>} : memref<16x1024xf32, #tpu.memory_space<vmem>>, vector<1x16xf32>,
        %swap3A_715 = vector.shape_cast %swap3A_714 : vector<1x16xf32> to vector<16xf32>
        %swap3A_716 = vector.shape_cast %get3A_711 : vector<16xf32> to vector<1x16xf32>
        tpu.vector_store %arg10[%swap3A_712, %swap3A_713], %swap3A_716 {strides = array<i32>} : memref<16x1024xf32, #tpu.memory_space<vmem>>, vector<1x16xf32>,
        %get3A_717 = arith.constant 0 : i32
        %get3A_718 = arith.index_cast %get3A_717 : i32 to index
        %get3A_719 = arith.constant 768 : index
        %get3A_720 = tpu.vector_load %arg16[%get3A_718, %get3A_719] {strides = array<i32>} : memref<2x1024xf32, #tpu.memory_space<vmem>>, vector<1x16xf32>,
        %get3A_721 = vector.shape_cast %get3A_720 : vector<1x16xf32> to vector<16xf32>
        %swap3A_722 = arith.index_cast %scan3A_237 : i32 to index
        %swap3A_723 = arith.constant 768 : index
        %swap3A_724 = tpu.vector_load %arg10[%swap3A_722, %swap3A_723] {strides = array<i32>} : memref<16x1024xf32, #tpu.memory_space<vmem>>, vector<1x16xf32>,
        %swap3A_725 = vector.shape_cast %swap3A_724 : vector<1x16xf32> to vector<16xf32>
        %swap3A_726 = vector.shape_cast %get3A_721 : vector<16xf32> to vector<1x16xf32>
        tpu.vector_store %arg10[%swap3A_722, %swap3A_723], %swap3A_726 {strides = array<i32>} : memref<16x1024xf32, #tpu.memory_space<vmem>>, vector<1x16xf32>,
        %get3A_727 = arith.constant 0 : i32
        %get3A_728 = arith.index_cast %get3A_727 : i32 to index
        %get3A_729 = arith.constant 784 : index
        %get3A_730 = tpu.vector_load %arg16[%get3A_728, %get3A_729] {strides = array<i32>} : memref<2x1024xf32, #tpu.memory_space<vmem>>, vector<1x16xf32>,
        %get3A_731 = vector.shape_cast %get3A_730 : vector<1x16xf32> to vector<16xf32>
        %swap3A_732 = arith.index_cast %scan3A_237 : i32 to index
        %swap3A_733 = arith.constant 784 : index
        %swap3A_734 = tpu.vector_load %arg10[%swap3A_732, %swap3A_733] {strides = array<i32>} : memref<16x1024xf32, #tpu.memory_space<vmem>>, vector<1x16xf32>,
        %swap3A_735 = vector.shape_cast %swap3A_734 : vector<1x16xf32> to vector<16xf32>
        %swap3A_736 = vector.shape_cast %get3A_731 : vector<16xf32> to vector<1x16xf32>
        tpu.vector_store %arg10[%swap3A_732, %swap3A_733], %swap3A_736 {strides = array<i32>} : memref<16x1024xf32, #tpu.memory_space<vmem>>, vector<1x16xf32>,
        %get3A_737 = arith.constant 0 : i32
        %get3A_738 = arith.index_cast %get3A_737 : i32 to index
        %get3A_739 = arith.constant 800 : index
        %get3A_740 = tpu.vector_load %arg16[%get3A_738, %get3A_739] {strides = array<i32>} : memref<2x1024xf32, #tpu.memory_space<vmem>>, vector<1x16xf32>,
        %get3A_741 = vector.shape_cast %get3A_740 : vector<1x16xf32> to vector<16xf32>
        %swap3A_742 = arith.index_cast %scan3A_237 : i32 to index
        %swap3A_743 = arith.constant 800 : index
        %swap3A_744 = tpu.vector_load %arg10[%swap3A_742, %swap3A_743] {strides = array<i32>} : memref<16x1024xf32, #tpu.memory_space<vmem>>, vector<1x16xf32>,
        %swap3A_745 = vector.shape_cast %swap3A_744 : vector<1x16xf32> to vector<16xf32>
        %swap3A_746 = vector.shape_cast %get3A_741 : vector<16xf32> to vector<1x16xf32>
        tpu.vector_store %arg10[%swap3A_742, %swap3A_743], %swap3A_746 {strides = array<i32>} : memref<16x1024xf32, #tpu.memory_space<vmem>>, vector<1x16xf32>,
        %get3A_747 = arith.constant 0 : i32
        %get3A_748 = arith.index_cast %get3A_747 : i32 to index
        %get3A_749 = arith.constant 816 : index
        %get3A_750 = tpu.vector_load %arg16[%get3A_748, %get3A_749] {strides = array<i32>} : memref<2x1024xf32, #tpu.memory_space<vmem>>, vector<1x16xf32>,
        %get3A_751 = vector.shape_cast %get3A_750 : vector<1x16xf32> to vector<16xf32>
        %swap3A_752 = arith.index_cast %scan3A_237 : i32 to index
        %swap3A_753 = arith.constant 816 : index
        %swap3A_754 = tpu.vector_load %arg10[%swap3A_752, %swap3A_753] {strides = array<i32>} : memref<16x1024xf32, #tpu.memory_space<vmem>>, vector<1x16xf32>,
        %swap3A_755 = vector.shape_cast %swap3A_754 : vector<1x16xf32> to vector<16xf32>
        %swap3A_756 = vector.shape_cast %get3A_751 : vector<16xf32> to vector<1x16xf32>
        tpu.vector_store %arg10[%swap3A_752, %swap3A_753], %swap3A_756 {strides = array<i32>} : memref<16x1024xf32, #tpu.memory_space<vmem>>, vector<1x16xf32>,
        %get3A_757 = arith.constant 0 : i32
        %get3A_758 = arith.index_cast %get3A_757 : i32 to index
        %get3A_759 = arith.constant 832 : index
        %get3A_760 = tpu.vector_load %arg16[%get3A_758, %get3A_759] {strides = array<i32>} : memref<2x1024xf32, #tpu.memory_space<vmem>>, vector<1x16xf32>,
        %get3A_761 = vector.shape_cast %get3A_760 : vector<1x16xf32> to vector<16xf32>
        %swap3A_762 = arith.index_cast %scan3A_237 : i32 to index
        %swap3A_763 = arith.constant 832 : index
        %swap3A_764 = tpu.vector_load %arg10[%swap3A_762, %swap3A_763] {strides = array<i32>} : memref<16x1024xf32, #tpu.memory_space<vmem>>, vector<1x16xf32>,
        %swap3A_765 = vector.shape_cast %swap3A_764 : vector<1x16xf32> to vector<16xf32>
        %swap3A_766 = vector.shape_cast %get3A_761 : vector<16xf32> to vector<1x16xf32>
        tpu.vector_store %arg10[%swap3A_762, %swap3A_763], %swap3A_766 {strides = array<i32>} : memref<16x1024xf32, #tpu.memory_space<vmem>>, vector<1x16xf32>,
        %get3A_767 = arith.constant 0 : i32
        %get3A_768 = arith.index_cast %get3A_767 : i32 to index
        %get3A_769 = arith.constant 848 : index
        %get3A_770 = tpu.vector_load %arg16[%get3A_768, %get3A_769] {strides = array<i32>} : memref<2x1024xf32, #tpu.memory_space<vmem>>, vector<1x16xf32>,
        %get3A_771 = vector.shape_cast %get3A_770 : vector<1x16xf32> to vector<16xf32>
        %swap3A_772 = arith.index_cast %scan3A_237 : i32 to index
        %swap3A_773 = arith.constant 848 : index
        %swap3A_774 = tpu.vector_load %arg10[%swap3A_772, %swap3A_773] {strides = array<i32>} : memref<16x1024xf32, #tpu.memory_space<vmem>>, vector<1x16xf32>,
        %swap3A_775 = vector.shape_cast %swap3A_774 : vector<1x16xf32> to vector<16xf32>
        %swap3A_776 = vector.shape_cast %get3A_771 : vector<16xf32> to vector<1x16xf32>
        tpu.vector_store %arg10[%swap3A_772, %swap3A_773], %swap3A_776 {strides = array<i32>} : memref<16x1024xf32, #tpu.memory_space<vmem>>, vector<1x16xf32>,
        %get3A_777 = arith.constant 0 : i32
        %get3A_778 = arith.index_cast %get3A_777 : i32 to index
        %get3A_779 = arith.constant 864 : index
        %get3A_780 = tpu.vector_load %arg16[%get3A_778, %get3A_779] {strides = array<i32>} : memref<2x1024xf32, #tpu.memory_space<vmem>>, vector<1x16xf32>,
        %get3A_781 = vector.shape_cast %get3A_780 : vector<1x16xf32> to vector<16xf32>
        %swap3A_782 = arith.index_cast %scan3A_237 : i32 to index
        %swap3A_783 = arith.constant 864 : index
        %swap3A_784 = tpu.vector_load %arg10[%swap3A_782, %swap3A_783] {strides = array<i32>} : memref<16x1024xf32, #tpu.memory_space<vmem>>, vector<1x16xf32>,
        %swap3A_785 = vector.shape_cast %swap3A_784 : vector<1x16xf32> to vector<16xf32>
        %swap3A_786 = vector.shape_cast %get3A_781 : vector<16xf32> to vector<1x16xf32>
        tpu.vector_store %arg10[%swap3A_782, %swap3A_783], %swap3A_786 {strides = array<i32>} : memref<16x1024xf32, #tpu.memory_space<vmem>>, vector<1x16xf32>,
        %get3A_787 = arith.constant 0 : i32
        %get3A_788 = arith.index_cast %get3A_787 : i32 to index
        %get3A_789 = arith.constant 880 : index
        %get3A_790 = tpu.vector_load %arg16[%get3A_788, %get3A_789] {strides = array<i32>} : memref<2x1024xf32, #tpu.memory_space<vmem>>, vector<1x16xf32>,
        %get3A_791 = vector.shape_cast %get3A_790 : vector<1x16xf32> to vector<16xf32>
        %swap3A_792 = arith.index_cast %scan3A_237 : i32 to index
        %swap3A_793 = arith.constant 880 : index
        %swap3A_794 = tpu.vector_load %arg10[%swap3A_792, %swap3A_793] {strides = array<i32>} : memref<16x1024xf32, #tpu.memory_space<vmem>>, vector<1x16xf32>,
        %swap3A_795 = vector.shape_cast %swap3A_794 : vector<1x16xf32> to vector<16xf32>
        %swap3A_796 = vector.shape_cast %get3A_791 : vector<16xf32> to vector<1x16xf32>
        tpu.vector_store %arg10[%swap3A_792, %swap3A_793], %swap3A_796 {strides = array<i32>} : memref<16x1024xf32, #tpu.memory_space<vmem>>, vector<1x16xf32>,
        %get3A_797 = arith.constant 0 : i32
        %get3A_798 = arith.index_cast %get3A_797 : i32 to index
        %get3A_799 = arith.constant 896 : index
        %get3A_800 = tpu.vector_load %arg16[%get3A_798, %get3A_799] {strides = array<i32>} : memref<2x1024xf32, #tpu.memory_space<vmem>>, vector<1x16xf32>,
        %get3A_801 = vector.shape_cast %get3A_800 : vector<1x16xf32> to vector<16xf32>
        %swap3A_802 = arith.index_cast %scan3A_237 : i32 to index
        %swap3A_803 = arith.constant 896 : index
        %swap3A_804 = tpu.vector_load %arg10[%swap3A_802, %swap3A_803] {strides = array<i32>} : memref<16x1024xf32, #tpu.memory_space<vmem>>, vector<1x16xf32>,
        %swap3A_805 = vector.shape_cast %swap3A_804 : vector<1x16xf32> to vector<16xf32>
        %swap3A_806 = vector.shape_cast %get3A_801 : vector<16xf32> to vector<1x16xf32>
        tpu.vector_store %arg10[%swap3A_802, %swap3A_803], %swap3A_806 {strides = array<i32>} : memref<16x1024xf32, #tpu.memory_space<vmem>>, vector<1x16xf32>,
        %get3A_807 = arith.constant 0 : i32
        %get3A_808 = arith.index_cast %get3A_807 : i32 to index
        %get3A_809 = arith.constant 912 : index
        %get3A_810 = tpu.vector_load %arg16[%get3A_808, %get3A_809] {strides = array<i32>} : memref<2x1024xf32, #tpu.memory_space<vmem>>, vector<1x16xf32>,
        %get3A_811 = vector.shape_cast %get3A_810 : vector<1x16xf32> to vector<16xf32>
        %swap3A_812 = arith.index_cast %scan3A_237 : i32 to index
        %swap3A_813 = arith.constant 912 : index
        %swap3A_814 = tpu.vector_load %arg10[%swap3A_812, %swap3A_813] {strides = array<i32>} : memref<16x1024xf32, #tpu.memory_space<vmem>>, vector<1x16xf32>,
        %swap3A_815 = vector.shape_cast %swap3A_814 : vector<1x16xf32> to vector<16xf32>
        %swap3A_816 = vector.shape_cast %get3A_811 : vector<16xf32> to vector<1x16xf32>
        tpu.vector_store %arg10[%swap3A_812, %swap3A_813], %swap3A_816 {strides = array<i32>} : memref<16x1024xf32, #tpu.memory_space<vmem>>, vector<1x16xf32>,
        %get3A_817 = arith.constant 0 : i32
        %get3A_818 = arith.index_cast %get3A_817 : i32 to index
        %get3A_819 = arith.constant 928 : index
        %get3A_820 = tpu.vector_load %arg16[%get3A_818, %get3A_819] {strides = array<i32>} : memref<2x1024xf32, #tpu.memory_space<vmem>>, vector<1x16xf32>,
        %get3A_821 = vector.shape_cast %get3A_820 : vector<1x16xf32> to vector<16xf32>
        %swap3A_822 = arith.index_cast %scan3A_237 : i32 to index
        %swap3A_823 = arith.constant 928 : index
        %swap3A_824 = tpu.vector_load %arg10[%swap3A_822, %swap3A_823] {strides = array<i32>} : memref<16x1024xf32, #tpu.memory_space<vmem>>, vector<1x16xf32>,
        %swap3A_825 = vector.shape_cast %swap3A_824 : vector<1x16xf32> to vector<16xf32>
        %swap3A_826 = vector.shape_cast %get3A_821 : vector<16xf32> to vector<1x16xf32>
        tpu.vector_store %arg10[%swap3A_822, %swap3A_823], %swap3A_826 {strides = array<i32>} : memref<16x1024xf32, #tpu.memory_space<vmem>>, vector<1x16xf32>,
        %get3A_827 = arith.constant 0 : i32
        %get3A_828 = arith.index_cast %get3A_827 : i32 to index
        %get3A_829 = arith.constant 944 : index
        %get3A_830 = tpu.vector_load %arg16[%get3A_828, %get3A_829] {strides = array<i32>} : memref<2x1024xf32, #tpu.memory_space<vmem>>, vector<1x16xf32>,
        %get3A_831 = vector.shape_cast %get3A_830 : vector<1x16xf32> to vector<16xf32>
        %swap3A_832 = arith.index_cast %scan3A_237 : i32 to index
        %swap3A_833 = arith.constant 944 : index
        %swap3A_834 = tpu.vector_load %arg10[%swap3A_832, %swap3A_833] {strides = array<i32>} : memref<16x1024xf32, #tpu.memory_space<vmem>>, vector<1x16xf32>,
        %swap3A_835 = vector.shape_cast %swap3A_834 : vector<1x16xf32> to vector<16xf32>
        %swap3A_836 = vector.shape_cast %get3A_831 : vector<16xf32> to vector<1x16xf32>
        tpu.vector_store %arg10[%swap3A_832, %swap3A_833], %swap3A_836 {strides = array<i32>} : memref<16x1024xf32, #tpu.memory_space<vmem>>, vector<1x16xf32>,
        %get3A_837 = arith.constant 0 : i32
        %get3A_838 = arith.index_cast %get3A_837 : i32 to index
        %get3A_839 = arith.constant 960 : index
        %get3A_840 = tpu.vector_load %arg16[%get3A_838, %get3A_839] {strides = array<i32>} : memref<2x1024xf32, #tpu.memory_space<vmem>>, vector<1x16xf32>,
        %get3A_841 = vector.shape_cast %get3A_840 : vector<1x16xf32> to vector<16xf32>
        %swap3A_842 = arith.index_cast %scan3A_237 : i32 to index
        %swap3A_843 = arith.constant 960 : index
        %swap3A_844 = tpu.vector_load %arg10[%swap3A_842, %swap3A_843] {strides = array<i32>} : memref<16x1024xf32, #tpu.memory_space<vmem>>, vector<1x16xf32>,
        %swap3A_845 = vector.shape_cast %swap3A_844 : vector<1x16xf32> to vector<16xf32>
        %swap3A_846 = vector.shape_cast %get3A_841 : vector<16xf32> to vector<1x16xf32>
        tpu.vector_store %arg10[%swap3A_842, %swap3A_843], %swap3A_846 {strides = array<i32>} : memref<16x1024xf32, #tpu.memory_space<vmem>>, vector<1x16xf32>,
        %get3A_847 = arith.constant 0 : i32
        %get3A_848 = arith.index_cast %get3A_847 : i32 to index
        %get3A_849 = arith.constant 976 : index
        %get3A_850 = tpu.vector_load %arg16[%get3A_848, %get3A_849] {strides = array<i32>} : memref<2x1024xf32, #tpu.memory_space<vmem>>, vector<1x16xf32>,
        %get3A_851 = vector.shape_cast %get3A_850 : vector<1x16xf32> to vector<16xf32>
        %swap3A_852 = arith.index_cast %scan3A_237 : i32 to index
        %swap3A_853 = arith.constant 976 : index
        %swap3A_854 = tpu.vector_load %arg10[%swap3A_852, %swap3A_853] {strides = array<i32>} : memref<16x1024xf32, #tpu.memory_space<vmem>>, vector<1x16xf32>,
        %swap3A_855 = vector.shape_cast %swap3A_854 : vector<1x16xf32> to vector<16xf32>
        %swap3A_856 = vector.shape_cast %get3A_851 : vector<16xf32> to vector<1x16xf32>
        tpu.vector_store %arg10[%swap3A_852, %swap3A_853], %swap3A_856 {strides = array<i32>} : memref<16x1024xf32, #tpu.memory_space<vmem>>, vector<1x16xf32>,
        %get3A_857 = arith.constant 0 : i32
        %get3A_858 = arith.index_cast %get3A_857 : i32 to index
        %get3A_859 = arith.constant 992 : index
        %get3A_860 = tpu.vector_load %arg16[%get3A_858, %get3A_859] {strides = array<i32>} : memref<2x1024xf32, #tpu.memory_space<vmem>>, vector<1x16xf32>,
        %get3A_861 = vector.shape_cast %get3A_860 : vector<1x16xf32> to vector<16xf32>
        %swap3A_862 = arith.index_cast %scan3A_237 : i32 to index
        %swap3A_863 = arith.constant 992 : index
        %swap3A_864 = tpu.vector_load %arg10[%swap3A_862, %swap3A_863] {strides = array<i32>} : memref<16x1024xf32, #tpu.memory_space<vmem>>, vector<1x16xf32>,
        %swap3A_865 = vector.shape_cast %swap3A_864 : vector<1x16xf32> to vector<16xf32>
        %swap3A_866 = vector.shape_cast %get3A_861 : vector<16xf32> to vector<1x16xf32>
        tpu.vector_store %arg10[%swap3A_862, %swap3A_863], %swap3A_866 {strides = array<i32>} : memref<16x1024xf32, #tpu.memory_space<vmem>>, vector<1x16xf32>,
        %get3A_867 = arith.constant 0 : i32
        %get3A_868 = arith.index_cast %get3A_867 : i32 to index
        %get3A_869 = arith.constant 1008 : index
        %get3A_870 = tpu.vector_load %arg16[%get3A_868, %get3A_869] {strides = array<i32>} : memref<2x1024xf32, #tpu.memory_space<vmem>>, vector<1x16xf32>,
        %get3A_871 = vector.shape_cast %get3A_870 : vector<1x16xf32> to vector<16xf32>
        %swap3A_872 = arith.index_cast %scan3A_237 : i32 to index
        %swap3A_873 = arith.constant 1008 : index
        %swap3A_874 = tpu.vector_load %arg10[%swap3A_872, %swap3A_873] {strides = array<i32>} : memref<16x1024xf32, #tpu.memory_space<vmem>>, vector<1x16xf32>,
        %swap3A_875 = vector.shape_cast %swap3A_874 : vector<1x16xf32> to vector<16xf32>
        %swap3A_876 = vector.shape_cast %get3A_871 : vector<16xf32> to vector<1x16xf32>
        tpu.vector_store %arg10[%swap3A_872, %swap3A_873], %swap3A_876 {strides = array<i32>} : memref<16x1024xf32, #tpu.memory_space<vmem>>, vector<1x16xf32>,
        %scan3A_877 = arith.constant 0 : i32
        scf.yield %scan3A_877 : i32
      }
      %scan3A_225 = arith.constant 16 : i32
      %mul3A_226 = arith.constant 0 : i32
      %mul3A_227 = vector.broadcast %mul3A_226 : i32 to vector<16xi32>
      %mul3A_228 = arith.muli %iota3A, %mul3A_227 : vector<16xi32>
      %add3A_229 = vector.broadcast %select_n3A : i32 to vector<16xi32>
      %add3A_230 = arith.addi %mul3A_228, %add3A_229 : vector<16xi32>
      %dma_start3A_231 = arith.constant 0 : i32
      %dma_start3A_232 = arith.constant 0 : i32
      %dma_start3A_233 = tpu.memref_slice %arg6[%dma_start3A_231, %dma_start3A_232] : memref<16400x1024xf32, #tpu.memory_space<hbm>> -> memref<16400x1024xf32, #tpu.memory_space<hbm>>
      tpu.enqueue_indirect_dma source(%arg10 : memref<16x1024xf32, #tpu.memory_space<vmem>>) target(%dma_start3A_233 : memref<16400x1024xf32, #tpu.memory_space<hbm>>) offsets(%add3A_230 : vector<16xi32>) semaphore(%arg23 : memref<!tpu.dma_semaphore, #tpu.memory_space<semaphore_mem>>)
      %dma_wait3A_234 = arith.constant 0 : i32
      %dma_wait3A_235 = arith.constant 0 : i32
      %dma_wait3A_236 = tpu.memref_slice %arg6[%dma_wait3A_234, %dma_wait3A_235] : memref<16400x1024xf32, #tpu.memory_space<hbm>> -> memref<16400x1024xf32, #tpu.memory_space<hbm>>
      tpu.wait_indirect_dma semaphore(%arg23 : memref<!tpu.dma_semaphore, #tpu.memory_space<semaphore_mem>>) src(%arg10 : memref<16x1024xf32, #tpu.memory_space<vmem>>) dst(%dma_wait3A_236 : memref<16400x1024xf32, #tpu.memory_space<hbm>>)
    } else {
    }
    return
  }
}

</mosaic_0001>

<sc_bundles>
// kernel: _sc_gather.3.cloned.1.call-start
scs
__scs_entry_jumppad:
0x0: {  	(pc) =	sbr.rel $0x88, $3  }
0x1: {  	(tag) =	ssettag $0x0;
	lr =	simm.s32 $0x1  }
0x2: {  	[smem:$0x3F9D] =	sst lr;
	_ =	strace $0xD0000000  }
0x3: {  	_ = 	snop  }
0x4: {  	_ = 	snop  }
0x5: {  	_ = 	snop  }
0x6: {  	_ = 	snop  }
0x7: {  	_ = 	snop  }
__scs_overlays_trampoline_lowered:
0x8: {  	[smem:$0x3FAC] =	sst s0  }
0x9: {  	[smem:$0x3FAD] =	sst s1  }
0xa: {  	[smem:$0x3FAE] =	sst s2  }
0xb: {  	[smem:$0x3FAF] =	sst s3  }
0xc: {  	[smem:$0x3FB0] =	sst s4  }
0xd: {  	[smem:$0x3FB1] =	sst s5  }
0xe: {  	[smem:$0x3FB2] =	sst s6  }
0xf: {  	[smem:$0x3FB3] =	sst s7  }
0x10: {  	[smem:$0x3FB4] =	sst s8  }
0x11: {  	[smem:$0x3FB5] =	sst s9;
	s0 =	simm.s32 @!p0 $0x0  }
0x12: {  	s1 =	sld [smem:$0x3F9B];
	s0 =	simm.s32 @p0 $0x1  }
0x13: {  	[smem:$0x3FB6] =	sst s0;
	s0 =	simm.s32 @!p1 $0x0  }
0x14: {  	s2 =	sld [smem:$0x3F9A];
	s0 =	simm.s32 @p1 $0x1  }
0x15: {  	[smem:$0x3FB7] =	sst s0;
	s0 =	simm.s32 @!p2 $0x0  }
0x16: {  	s3 =	sld [smem:$0x3FDB];
	s0 =	simm.s32 @p2 $0x1  }
0x17: {  	s4 =	simm.s32 $0x1BF5;
	[smem:$0x3FB9] =	sst s0  }
0x18: {  	s0 =	sld [smem:$0x3F9C];
	_ =	swait.ge [sflag:s4], $0x0  }
0x19: {  	s7 =	sld [smem:$0x3F9D]  }
0x1a: {  	s8 =	sadd.s32 $0xFFFFE003, lr  }
0x1b: {  	s9 =	sadd.s32 $0xFFFFFEF7, lr;
	s5 =	simm.s32 $0xFFFFFFFF;
	p2 =	slt.u32 s8, $0xFFFFF086  }
0x1c: {  	p1 =	slt.u32 s9, $0xF7A;
	s5 =	simm.s32 @!p2 $0x0  }
0x1d: {  	s5 =	simm.s32 @p1 $0x1;
	p0 =	seq.s32 s7, s2  }
0x1e: {  	s7 =	smul.u32 @!p0 $0xF7A, s2;
	p2 =	seq.s32 @!p0 s5, $0x0  }
0x1f: {  	s9 =	smul.u32 $0xF7A, s1;
	s8 =	simm.s32 @!p0 $0x1BF5;
	p2 =	por !p2, p0  }
0x20: {  	[sflag:s8] =	ssyncset.s32 @!p0 $0xFFFFF086;
	s6 =	sadd.s32 @!p0 s3, s7;
	s7 =	simm.s32 @!p0 $0x108  }
0x21: {  	s3 =	sadd.s32 s3, s9;
	s6 =	sadd.s32 @!p0 $0x88, s6;
	s7 =	simm.s32 @p2 $0x1082  }
0x22: {  	[simem:s7], [sflag:s8] =	dma.local @!p0 [hbm:s6], $0xF7A  }
0x23: {  	s9 =	sor.u32 $0xD0000000, s2;
	s6 =	simm.s32 $0x108;
	_ =	swait.ge @!p0 [sflag:s8], $0x0  }
0x24: {  	s3 =	sadd.s32 $0x88, s3;
	s6 =	simm.s32 @!p1 $0x1082;
	[sflag:s4] =	ssyncset.s32 $0xFFFFF086  }
0x25: {  	[simem:s6], [sflag:s4] =	dma.local [hbm:s3], $0xF7A  }
0x26: {  	[smem:$0x3F9D] =	sst s1;
	(tag) =	ssettag s2;
	_ =	strace s9  }
0x27: {  	s1 =	sld [smem:$0x3FAD]  }
0x28: {  	s2 =	sld [smem:$0x3FAE]  }
0x29: {  	s4 =	sld [smem:$0x3FB0]  }
0x2a: {  	p0 =	seq.s32 s5, $0x0;
	s5 =	sld [smem:$0x3FB1]  }
0x2b: {  	s6 =	sld [smem:$0x3FB2]  }
0x2c: {  	s7 =	sld [smem:$0x3FB3]  }
0x2d: {  	s3 =	simm.s32 $0x108;
	s8 =	sld [smem:$0x3FB4]  }
0x2e: {  	s3 =	simm.s32 @!p0 $0x1082;
	s9 =	sld [smem:$0x3FB5]  }
0x2f: {  	lr =	sadd.s32 s0, s3;
	s0 =	sld [smem:$0x3FAC]  }
0x30: {  	s3 =	sld [smem:$0x3FAF]  }
0x31: {  	[smem:$0x3FB8] =	sst s10  }
0x32: {  	s10 =	sld [smem:$0x3FB6];
	_ =	sdelay $0x3  }
0x33: {  	p0 =	seq.s32 s10, $0x1;
	s10 =	sld [smem:$0x3FB8];
	_ =	sdelay $0x3  }
0x34: {  	[smem:$0x3FB8] =	sst s10  }
0x35: {  	s10 =	sld [smem:$0x3FB7];
	_ =	sdelay $0x3  }
0x36: {  	p1 =	seq.s32 s10, $0x1;
	s10 =	sld [smem:$0x3FB8];
	_ =	sdelay $0x3  }
0x37: {  	[smem:$0x3FB8] =	sst s10  }
0x38: {  	s10 =	sld [smem:$0x3FB9]  }
0x39: {  	_ = 	snop;
	(pc) =	sbr.ind lr, $3  }
0x3a: {  	_ = 	snop  }
0x3b: {  	_ = 	snop  }
0x3c: {  	p2 =	seq.s32 s10, $0x1;
	s10 =	sld [smem:$0x3FB8]  }
0x3d: {  	_ =	shalt  }
0x3e: {  	_ =	shalt  }
0x3f: {  	_ =	shalt  }
0x40: {  	_ =	shalt  }
0x41: {  	_ =	shalt  }
0x42: {  	_ =	shalt  }
0x43: {  	_ =	shalt  }
0x44: {  	_ =	shalt  }
0x45: {  	_ =	shalt  }
0x46: {  	_ =	shalt  }
0x47: {  	_ =	shalt  }
0x48: {  	_ =	shalt  }
0x49: {  	_ =	shalt  }
0x4a: {  	_ =	shalt  }
0x4b: {  	_ =	shalt  }
0x4c: {  	_ =	shalt  }
0x4d: {  	_ =	shalt  }
0x4e: {  	_ =	shalt  }
0x4f: {  	_ =	shalt  }
0x50: {  	_ =	shalt  }
0x51: {  	_ =	shalt  }
0x52: {  	_ =	shalt  }
0x53: {  	_ =	shalt  }
0x54: {  	_ =	shalt  }
0x55: {  	_ =	shalt  }
0x56: {  	_ =	shalt  }
0x57: {  	_ =	shalt  }
0x58: {  	_ =	shalt  }
0x59: {  	_ =	shalt  }
0x5a: {  	_ =	shalt  }
0x5b: {  	_ =	shalt  }
0x5c: {  	_ =	shalt  }
0x5d: {  	_ =	shalt  }
0x5e: {  	_ =	shalt  }
0x5f: {  	_ =	shalt  }
0x60: {  	_ =	shalt  }
0x61: {  	_ =	shalt  }
0x62: {  	_ =	shalt  }
0x63: {  	_ =	shalt  }
0x64: {  	_ =	shalt  }
0x65: {  	_ =	shalt  }
0x66: {  	_ =	shalt  }
0x67: {  	_ =	shalt  }
0x68: {  	_ =	shalt  }
0x69: {  	_ =	shalt  }
0x6a: {  	_ =	shalt  }
0x6b: {  	_ =	shalt  }
0x6c: {  	_ =	shalt  }
0x6d: {  	_ =	shalt  }
0x6e: {  	_ =	shalt  }
0x6f: {  	_ =	shalt  }
0x70: {  	_ =	shalt  }
0x71: {  	_ =	shalt  }
0x72: {  	_ =	shalt  }
0x73: {  	_ =	shalt  }
0x74: {  	_ =	shalt  }
0x75: {  	_ =	shalt  }
0x76: {  	_ =	shalt  }
0x77: {  	_ =	shalt  }
0x78: {  	_ =	shalt  }
0x79: {  	_ =	shalt  }
0x7a: {  	_ =	shalt  }
0x7b: {  	_ =	shalt  }
0x7c: {  	_ =	shalt  }
0x7d: {  	_ =	shalt  }
0x7e: {  	_ =	shalt  }
0x7f: {  	_ =	shalt  }
0x80: {  	_ =	shalt  }
0x81: {  	_ =	shalt  }
0x82: {  	_ =	shalt  }
0x83: {  	_ =	shalt  }
0x84: {  	_ =	shalt  }
0x85: {  	_ =	shalt  }
0x86: {  	_ =	shalt  }
0x87: {  	_ =	shalt  }
.Lfunc_end0:
.L_simem_size_0:
called_computation_lowered:
.L_overlay_start_0:
0x88: {  	s2 =	sld [smem:$0x3FD9]  }
0x89: {  	s3 =	sld [smem:$0x3FFE];
	_ =	sdelay $0x1  }
0x8a: {  	s1 =	srdreg.scid  }
0x8b: {  	s0 =	sand.u32 $0x1, s1  }
0x8c: {  	s18 =	sshll.u32 s0, $0xA;
	s2 =	sadd.s32 s3, s2  }
0x8d: {  	s2 =	sadd.s32 s2, s18  }
0x8e: {  	[smem:$0x3FC4] =	sst s2  }
0x8f: {  	_ = 	snop  }
0x90: {  	s2 =	sld [smem:$0x3FC9]  }
0x91: {  	s19 =	sld [smem:$0x3FC8]  }
0x92: {  	s4 =	sld [smem:$0x3FC7]  }
0x93: {  	s5 =	sld [smem:$0x3FC6]  }
0x94: {  	s6 =	sld [smem:$0x3FD0];
	(tm) =	ssettm $0x1  }
0x95: {  	s7 =	sld [smem:$0x3FFB];
	_ =	sdelay $0x3  }
0x96: {  	_ =	strace s7  }
0x97: {  	s7 =	sld [smem:$0x3FFC];
	_ =	sdelay $0x3  }
0x98: {  	_ =	strace s7  }
0x99: {  	s7 =	sld [smem:$0x3FFD];
	_ =	sdelay $0x3  }
0x9a: {  	_ =	strace s7  }
0x9b: {  	_ =	strace $0x8FFFFFFF  }
0x9c: {  	s20 =	sld [smem:$0x3FDB];
	_ =	sdelay $0x1  }
0x9d: {  	s8 =	simm.s32 $_scs_section_size  }
0x9e: {  	s9 =	simm.s32 $_size__tile_overlayer_lowered;
	s10 =	simm.s32 $_tile_overlayer_lowered  }
0x9f: {  	s23 =	simm.s32 $0x1BFF;
	s22 =	sshll.u32 s10, $0x1;
	s7 =	sadd.s32 s8, s20  }
0xa0: {  	s11 =	simm.s32 $0x0;
	s21 =	sshll.u32 s9, $0x1;
	s9 =	sadd.s32 s22, s7  }
0xa1: {  	[timem:s11], [sflag:s23] =	dma.local [hbm:s9], s21  }
0xa2: {  	_ =	swait.ge [sflag:s23], s21  }
0xa3: {  	s8 =	ssub.s32 $0x0, s21;
	[sflag:s23] =	ssyncset.done $0x0  }
0xa4: {  	[sflag:s23] =	ssyncadd.s32 s8;
	_ =	sdelay $0x1  }
0xa5: {  	s24 =	simm.s32 $0x1B8B  }
0xa6: {  	_ =	swait.ge [sflag:s24], $0x1  }
0xa7: {  	[sflag:s24] =	ssyncset.done $0x0  }
0xa8: {  	s25 =	simm.s32 $0x1B8E;
	[sflag:s24] =	ssyncadd.s32 $0xFFFFFFFF  }
0xa9: {  	s26 =	simm.s32 $execute0_lowered;
	[smem:$0x3FD2] =	sst s25  }
0xaa: {  	s8 =	sshll.u32 s26, $0x1;
	_ =	strace $0x80000046;
	[dreg:$0x1] =	wrdreg $0xFFFFFFFF  }
0xab: {  	s28 =	simm.s32 $_size_execute0_lowered;
	s7 =	sadd.s32 s7, s8;
	[dreg:$0x0] =	wrdreg $0x0  }
0xac: {  	s8 =	sshll.u32 s28, $0x1;
	[dreg:$0x2] =	wrdreg s7  }
0xad: {  	[dreg:$0x3] =	wrdreg s8  }
0xae: {  	[dreg:$0x4] =	wrdreg $0xC0  }
0xaf: {  	_ =	task [dreg:s11], $0x5FFFF  }
0xb0: {  	[dreg:$0x1] =	wrdreg $0xFFFFFFFF  }
0xb1: {  	[dreg:$0x0] =	wrdreg $0x60  }
0xb2: {  	[dreg:$0x2] =	wrdreg s2  }
0xb3: {  	[dreg:$0x3] =	wrdreg s19  }
0xb4: {  	[dreg:$0x4] =	wrdreg s4  }
0xb5: {  	[dreg:$0x5] =	wrdreg s5  }
0xb6: {  	[dreg:$0x6] =	wrdreg s6  }
0xb7: {  	[dreg:$0x7] =	wrdreg $0x9  }
0xb8: {  	_ =	task.clear_ibuf [dreg:s11], $0x8FFFF;
	_ =	strace $0x90000046  }
0xb9: {  	s29 =	simm.s32 $0x9;
	_ =	strace $0x80000048  }
0xba: {  	_ =	swait.ge [sflag:s29], $0x1  }
0xbb: {  	[sflag:s29] =	ssyncadd.s32 $0xFFFFFFFF  }
0xbc: {  	_ =	strace $0x90000048  }
0xbd: {  	_ =	sfence  }
0xbe: {  	s30 =	sld [smem:$0x0];
	_ =	sdelay $0x2  }
0xbf: {  	s31 =	sshll.u32 s1, $0xD;
	s1 =	sshrl.u32 s1, $0x2  }
0xc0: {  	s3 =	sand.u32 $0x4000, s31;
	s1 =	sadd.s32 s1, s30  }
0xc1: {  	s0 =	sor.u32 s3, s0;
	s1 =	sshll.u32 s1, $0x11  }
0xc2: {  	s0 =	sor.u32 s1, s0  }
0xc3: {  	s0 =	sadd.s32 $0x8F2B, s0  }
0xc4: {  	[sflag:s0] =	ssyncadd.remote.s32 $0x1  }
0xc5: {  	_ =	sfence.sel $0xFFFF  }
0xc6: {  	[dreg:$0x0] =	wrdreg $0xFFFFFFFF;
	(pc) =	sbr.abs _section_cstart, $3  }
0xc7: {  	[dreg:$0x1] =	wrdreg $0xFFFFFFFF  }
0xc8: {  	_ =	task.clear_ibuf [dreg:s11], $0x2FFFF;
	_ =	strace $0x9FFFFFFF  }
0xc9: {  	(tm) =	ssettm $0x7FFFFFFF  }
tec
execute0_lowered:
.L_overlay_start_1:
0x0: {  	(tag) =	ssettag $0x1  }
0x1: {  	s20 =	rddreg [dreg:$0x1]  }
0x2: {  	s0 =	srdreg.scid;
	s3 =	rddreg [dreg:$0x2]  }
0x3: {  	s1 =	stileid.u32;
	s8 =	rddreg [dreg:$0x3];
	s4 =	sand.u32 $0x1, s0  }
0x4: {  	s6 =	simm.s32 $0x0;
	s9 =	simm.s32 $0x1;
	s0 =	sor.u32 s4, s1  }
0x5: {  	s28 =	simm.s32 $0xB600;
	p1 =	seq.s32 s4, $0x1;
	p0 =	seq.s32 s0, $0x0  }
0x6: {  	s29 =	simm.s32 $0xBE00;
	s31 =	simm.s32 $0x7;
	p0 =	por !p0, !p1  }
0x7: {  	[smem:$0x7FF] =	sst s6;
	s0 =	simm.s32 $0x1;
	p0 =	por !p0, !p0  }
0x8: {  	s13 =	sadd.s32 $0x200, s3;
	s14 =	sadd.s32 $0x300, s3;
	s0 =	simm.s32 @!p0 $0x0  }
0x9: {  	s30 =	sadd.s32 $0x10, s20;
	s21 =	sadd.s32 $0x50, s20;
	s0 =	ssub.s32 s1, s0  }
0xa: {  	s22 =	sadd.s32 $0x60, s20;
	s23 =	sadd.s32 $0x70, s20;
	s2 =	sand.u32 $0xE0, s0  }
0xb: {  	s10 =	ssub.s32 $0x2, s4;
	s24 =	sshll.u32 s4, $0xC;
	s2 =	sshrl.u32 s2, $0x5  }
0xc: {  	s12 =	sshll.u32 s4, $0xD;
	s11 =	sshrl.u32 s10, $0x1;
	s2 =	sadd.s32 s2, s0  }
0xd: {  	s18 =	ssub.s32 s10, s11;
	s1 =	rddreg [dreg:$0x0];
	s5 =	sand.u32 $0xFFFFFFF8, s2  }
0xe: {  	s18 =	smax.u32 s18, $0x1;
	s7 =	ssub.s32 s0, s5;
	s5 =	rddreg [dreg:$0x4]  }
0xf: {  	p5 =	slt.s32 s0, $0x1;
	_ =	strace $0x80000047;
	[dreg:$0x7] =	wrdreg s18  }
0x10: {  	s25 =	sadd.s32 s12, s0;
	s26 =	sand.u32 $0x1, s0;
	[dreg:$0x8] =	wrdreg s30  }
0x11: {  	s10 =	sadd.s32 $0x200, s1;
	s11 =	sadd.s32 $0x300, s1;
	[dreg:$0xc] =	wrdreg s21  }
0x12: {  	s12 =	sadd.s32 $0x100, s3;
	s19 =	sadd.s32 $0x10, s25;
	[dreg:$0xd] =	wrdreg s22  }
0x13: {  	s25 =	sadd.s32 $0x180, s3;
	s2 =	sshrl.u32 s2, $0x3;
	[dreg:$0xe] =	wrdreg s23  }
0x14: {  	s18 =	sadd.s32 $0x40, s20;
	[dreg:$0x10] =	wrdreg s25;
	s30 =	sadd.s32 $0x380, s3  }
0x15: {  	s25 =	simm.s32 $0x11600;
	s23 =	simm.s32 $0x12600;
	p6 =	sne.s32 s7, $0x0  }
0x16: {  	v5 =	vlaneseq.u32;
	s7 =	sshll.u32 s7, $0x7;
	s15 =	sadd.s32 $0x100, s5;
	s16 =	sadd.s32 $0x200, s5  }
0x17: {  	v0 =	vmul.u32 $0x80, v5;
	s17 =	sadd.s32 $0x300, s5;
	[dreg:$0xb] =	wrdreg s18;
	p0 =	por !p5, !p6  }
0x18: {  	v3 =	vmov s19;
	[dreg:$0x12] =	wrdreg s30;
	s18 =	simm.s32 $0x10600;
	p0 =	por !p0, !p0  }
0x19: {  	v4 =	vor.u32 $0xF000, v0;
	v1 =	vshll.u32 v3, $0x3;
	s7 =	sand.u32 $0x380, s7;
	s9 =	simm.s32 @!p0 $0x0;
	p0 =	sne.s32 s4, s26  }
0x1a: {  	v7 =	vor.u32 $0xF800, v0;
	v6 =	vmov s0;
	v4 =	vadd.s32 v4, v1;
	s26 =	sadd.s32 $0x280, s3;
	s4 =	simm.s32 $0x3;
	s2 =	ssub.s32 s2, s9  }
0x1b: {  	v10 =	vand.u32 $0x7, v6;
	v3 =	vand.u32 $0x7, v3;
	v4 =	vand.u32 $0xFFFFFFC0, v4;
	s9 =	sadd.s32 $0x100, s1;
	[dreg:$0x11] =	wrdreg s26;
	s2 =	sshll.u32 s2, $0xD  }
0x1c: {  	v8 =	vor.u32 v3, v4;
	v4 =	vadd.s32 v7, v1;
	v7 =	vshll.u32 v6, $0x3;
	s26 =	simm.s32 $0x11E00;
	s2 =	sor.u32 s24, s2;
	s24 =	sadd.s32 $0x80, s3  }
.Ltmp0:
0x1d: {  	v6 =	vshrl.u32 v5, $0x3;
	v9 =	vand.u32 $0xFFFFFFC0, v4;
	v11 =	vand.u32 $0xFFFFFFC0, v7;
	s2 =	sor.u32 s7, s2;
	s7 =	sadd.s32 $0x20, s20;
	(pc) =	sbr.rel .LBB2_1-.Ltmp0, $4  }
0x1e: {  	v4 =	vand.u32 $0x7, v5;
	v5 =	vor.u32 $0x8, v5;
	v6 =	vmul.u32 $0x8, v6;
	[dreg:$0xf] =	wrdreg s24;
	s24 =	simm.s32 $0x10E00;
	s2 =	sshrl.u32 s2, $0x3  }
0x1f: {  	v12 =	vperm.xlane v8, v4;
	v13 =	vperm.xlane v8, v5;
	v7 =	vor.u32 v3, v9;
	[dreg:$0x9] =	wrdreg s7;
	s7 =	simm.s32 $0x0;
	s2 =	sadd.s32 s8, s2  }
0x20: {  	vm0 =	vmmov $0xffff;
	v8 =	vor.u32 v10, v11;
	v11 =	vperm.xlane v7, v4;
	s8 =	sadd.s32 $0x30, s20;
	[dreg:$0x6] =	wrdreg s2;
	s2 =	sshll.u32 s0, $0xB  }
0x21: {  	v9 =	vadd.s32 v6, v12;
	v10 =	vadd.s32 v6, v13;
	[dreg:$0xa] =	wrdreg s8;
	s8 =	simm.s32 $0xAE00;
	v2 =	vmov s2;
	s2 =	simm.s32 $0x4  }
.LBB2_21:
0x22: {  	s7 =	sadd.s32 $0x1, s7;
	s0 =	rddreg [dreg:$0x7]  }
0x23: {  	p1 =	sne.s32 s7, s0  }
.Ltmp1:
0x24: {  	_ = 	snop;
	(pc) =	sbr.rel @!p1 .LBB2_22-.Ltmp1, $2  }
0x25: {  	_ =	sdelay $0x2  }
0x26: {  	s23 =	simm.s32 $0x12600  }
.LBB2_1:
0x27: {  	[dreg:$0x13] =	wrdreg s7  }
0x28: {  	s0 =	rddreg [dreg:$0x6]  }
0x29: {  	s19 =	simm.s32 $0x80;
	s20 =	simm.s32 $0x400;
	s21 =	simm.s32 $0x9  }
0x2a: {  	[tilespmem:s6], [sflag:$0x9] =	stream.strided.gather [hbm4b:s0+s19], $0x200, s20, s19, $0x38;
	[tilespmem:$0x18E00] =	vst v63  }
0x2b: {  	_ =	swait.ge [sflag:s21], $0x200  }
0x2c: {  	[sflag:s21] =	ssyncset.done $0x0  }
0x2d: {  	[sflag:s21] =	ssyncadd.s32 $0xFFFFFE00  }
0x2e: {  	s0 =	simm.s32 @!p0 $0x0;
	s19 =	simm.s32 @!p0 $0x18600;
	s20 =	rddreg [dreg:$0x1]  }
0x2f: {  	[tilespmem:s19], [sflag:$0x8] =	stream.linear.gather @!p0 [hbm4b:s20+s0], $0x80, $0x38;
	[tilespmem:$0x18E00] =	vst v63  }
0x30: {  	s19 =	simm.s32 @!p0 $0x18700;
	s20 =	rddreg [dreg:$0x8]  }
0x31: {  	[tilespmem:s19], [sflag:$0x8] =	stream.linear.gather @!p0 [hbm4b:s20+s0], $0x80, $0x38;
	[tilespmem:$0x18E00] =	vst v63  }
0x32: {  	s19 =	simm.s32 @!p0 $0x18800;
	s20 =	rddreg [dreg:$0x9]  }
0x33: {  	[tilespmem:s19], [sflag:$0x8] =	stream.linear.gather @!p0 [hbm4b:s20+s0], $0x80, $0x38;
	[tilespmem:$0x18E00] =	vst v63  }
0x34: {  	s19 =	simm.s32 @!p0 $0x18900;
	s20 =	rddreg [dreg:$0xa]  }
0x35: {  	[tilespmem:s19], [sflag:$0x8] =	stream.linear.gather @!p0 [hbm4b:s20+s0], $0x80, $0x38;
	[tilespmem:$0x18E00] =	vst v63  }
0x36: {  	s19 =	simm.s32 @!p0 $0x18A00;
	s20 =	rddreg [dreg:$0xb]  }
0x37: {  	[tilespmem:s19], [sflag:$0x8] =	stream.linear.gather @!p0 [hbm4b:s20+s0], $0x80, $0x38;
	[tilespmem:$0x18E00] =	vst v63  }
0x38: {  	s19 =	simm.s32 @!p0 $0x18B00;
	s20 =	rddreg [dreg:$0xc]  }
0x39: {  	[tilespmem:s19], [sflag:$0x8] =	stream.linear.gather @!p0 [hbm4b:s20+s0], $0x80, $0x38;
	[tilespmem:$0x18E00] =	vst v63  }
0x3a: {  	s19 =	simm.s32 @!p0 $0x18C00;
	s20 =	rddreg [dreg:$0xd]  }
0x3b: {  	[tilespmem:s19], [sflag:$0x8] =	stream.linear.gather @!p0 [hbm4b:s20+s0], $0x80, $0x38;
	[tilespmem:$0x18E00] =	vst v63  }
0x3c: {  	s19 =	simm.s32 @!p0 $0x18D00;
	s20 =	rddreg [dreg:$0xe]  }
0x3d: {  	[tilespmem:s19], [sflag:$0x8] =	stream.linear.gather @!p0 [hbm4b:s20+s0], $0x80, $0x38;
	[tilespmem:$0x18E00] =	vst v63  }
0x3e: {  	s19 =	simm.s32 @!p0 $0x18680  }
0x3f: {  	[tilespmem:s19], [sflag:$0x8] =	stream.linear.gather @!p0 [hbm4b:s3+s0], $0x80, $0x38;
	[tilespmem:$0x18E00] =	vst v63  }
0x40: {  	s20 =	rddreg [dreg:$0xf];
	s19 =	simm.s32 @!p0 $0x18780  }
0x41: {  	[tilespmem:s19], [sflag:$0x8] =	stream.linear.gather @!p0 [hbm4b:s20+s0], $0x80, $0x38;
	[tilespmem:$0x18E00] =	vst v63  }
0x42: {  	s19 =	simm.s32 @!p0 $0x18880  }
0x43: {  	[tilespmem:s19], [sflag:$0x8] =	stream.linear.gather @!p0 [hbm4b:s12+s0], $0x80, $0x38;
	[tilespmem:$0x18E00] =	vst v63  }
0x44: {  	s20 =	rddreg [dreg:$0x10];
	s19 =	simm.s32 @!p0 $0x18980  }
0x45: {  	[tilespmem:s19], [sflag:$0x8] =	stream.linear.gather @!p0 [hbm4b:s20+s0], $0x80, $0x38;
	[tilespmem:$0x18E00] =	vst v63  }
0x46: {  	s19 =	simm.s32 @!p0 $0x18A80  }
0x47: {  	[tilespmem:s19], [sflag:$0x8] =	stream.linear.gather @!p0 [hbm4b:s13+s0], $0x80, $0x38;
	[tilespmem:$0x18E00] =	vst v63  }
0x48: {  	s20 =	rddreg [dreg:$0x11];
	s19 =	simm.s32 @!p0 $0x18B80  }
0x49: {  	[tilespmem:s19], [sflag:$0x8] =	stream.linear.gather @!p0 [hbm4b:s20+s0], $0x80, $0x38;
	[tilespmem:$0x18E00] =	vst v63  }
0x4a: {  	s19 =	simm.s32 @!p0 $0x18C80  }
0x4b: {  	[tilespmem:s19], [sflag:$0x8] =	stream.linear.gather @!p0 [hbm4b:s14+s0], $0x80, $0x38;
	[tilespmem:$0x18E00] =	vst v63  }
0x4c: {  	s22 =	sand.u32 $0x600, s6;
	s20 =	rddreg [dreg:$0x12];
	s19 =	simm.s32 @!p0 $0x18D80  }
0x4d: {  	[tilespmem:s19], [sflag:$0x8] =	stream.linear.gather @!p0 [hbm4b:s20+s0], $0x80, $0x38;
	[tilespmem:$0x18E00] =	vst v63  }
0x4e: {  	s30 =	sand.u32 $0x70, s6;
	s0 =	sshrl.u32 s22, $0x2  }
0x4f: {  	s0 =	sor.u32 s30, s0  }
0x50: {  	v12 =	vld [tilespmem:s0+$0x0];
	_ =	sdelay $0x3  }
0x51: {  	s21 =	simm.s32 $0x0;
	s0 =	simm.s32 $0x40  }
0x52: {  	s20 =	simm.s32 $0x10;
	s19 =	simm.s32 $0x20;
	s22 =	sand.u32 $0x600, s0;
	v13 =	vadd.s32 v2, v12;
	v12 =	vadd.s32 $0x1, v12  }
.LBB2_2:
0x53: {  	p1 =	sne.s32 s19, $0x1F0;
	s20 =	sand.u32 $0x70, s20;
	s22 =	sshrl.u32 s22, $0x2;
	[tilespmem:s21+$0x200] =	vst v13  }
0x54: {  	s22 =	sor.u32 s20, s22;
	[tilespmem:s21+$0x400] =	vst v12;
	s21 =	smov.u32 s0;
	s20 =	smov.u32 s19  }
0x55: {  	v12 =	vld [tilespmem:s22+$0x0]  }
.Ltmp2:
0x56: {  	(pc) =	sbr.rel @p1 .LBB2_2-.Ltmp2, $3  }
0x57: {  	_ =	sdelay $0x1  }
0x58: {  	s0 =	sadd.s32 $0x40, s0  }
0x59: {  	s19 =	sadd.s32 $0x10, s19;
	s22 =	sand.u32 $0x600, s0;
	s21 =	sshra.s32 s21, $0x2;
	v13 =	vadd.s32 v2, v12;
	v12 =	vadd.s32 $0x1, v12  }
0x5a: {  	s19 =	sand.u32 $0x70, s20;
	s22 =	sshrl.u32 s22, $0x2;
	[tilespmem:s21+$0x200] =	vst v13  }
0x5b: {  	[tilespmem:s21+$0x400] =	vst v12;
	s19 =	sor.u32 s19, s22  }
0x5c: {  	v12 =	vld [tilespmem:s19+$0x0];
	_ =	sdelay $0x4  }
0x5d: {  	s0 =	sshra.s32 s0, $0x2;
	v59 =	vadd.s32 v2, v12  }
0x5e: {  	v12 =	vadd.s32 $0x1, v12;
	[tilespmem:s0+$0x200] =	vst v59  }
0x5f: {  	[tilespmem:s0+$0x400] =	vst v12  }
0x60: {  	v12 =	vld [tilespmem:$0x200];
	_ =	sdelay $0x4  }
0x61: {  	v60 =	vshll.u32 v12, $0x3  }
0x62: {  	v12 =	vand.u32 $0x7, v12;
	v13 =	vand.u32 $0xFFFFFFC0, v60  }
0x63: {  	v12 =	vor.u32 v12, v13  }
0x64: {  	v13 =	vperm.xlane v12, v4;
	_ =	sdelay $0x1  }
0x65: {  	v13 =	vadd.s32 v6, v13;
	_ =	sdelay $0x3  }
0x66: {  	s7 =	simm.s32 $0x600;
	s0 =	simm.s32 $0x0  }
0x67: {  	[tilespmem:s7], [sflag:$0x1] =	stream.indirect_vreg.gather [hbm4b:s1+s0], $0x80, v13, vm0, $0xb8;
	[tilespmem:$0x18E00] =	vst v63  }
0x68: {  	s20 =	simm.s32 $0xE00;
	v12 =	vperm.xlane v12, v5  }
0x69: {  	[tilespmem:s20], [sflag:$0x1] =	stream.indirect_vreg.gather [hbm4b:s9+s0], $0x80, v13, vm0, $0xb8;
	[tilespmem:$0x18E00] =	vst v63  }
0x6a: {  	s21 =	simm.s32 $0x1600;
	v12 =	vadd.s32 v6, v12  }
0x6b: {  	[tilespmem:s21], [sflag:$0x1] =	stream.indirect_vreg.gather [hbm4b:s10+s0], $0x80, v13, vm0, $0xb8;
	[tilespmem:$0x18E00] =	vst v63  }
0x6c: {  	s22 =	simm.s32 $0x1E00  }
0x6d: {  	[tilespmem:s22], [sflag:$0x1] =	stream.indirect_vreg.gather [hbm4b:s11+s0], $0x80, v13, vm0, $0xb8;
	[tilespmem:$0x18E00] =	vst v63  }
0x6e: {  	s7 =	simm.s32 $0x2600  }
0x6f: {  	[tilespmem:s7], [sflag:$0x1] =	stream.indirect_vreg.gather [hbm4b:s1+s0], $0x80, v12, vm0, $0xb8;
	[tilespmem:$0x18E00] =	vst v63  }
0x70: {  	s20 =	simm.s32 $0x2E00  }
0x71: {  	[tilespmem:s20], [sflag:$0x1] =	stream.indirect_vreg.gather [hbm4b:s9+s0], $0x80, v12, vm0, $0xb8;
	[tilespmem:$0x18E00] =	vst v63  }
0x72: {  	s21 =	simm.s32 $0x3600  }
0x73: {  	[tilespmem:s21], [sflag:$0x1] =	stream.indirect_vreg.gather [hbm4b:s10+s0], $0x80, v12, vm0, $0xb8;
	[tilespmem:$0x18E00] =	vst v63  }
0x74: {  	s7 =	simm.s32 $0x3E00  }
0x75: {  	[tilespmem:s7], [sflag:$0x1] =	stream.indirect_vreg.gather [hbm4b:s11+s0], $0x80, v12, vm0, $0xb8;
	[tilespmem:$0x18E00] =	vst v63  }
0x76: {  	v12 =	vld [tilespmem:$0x400];
	_ =	sdelay $0x4  }
0x77: {  	v61 =	vshll.u32 v12, $0x3  }
0x78: {  	v12 =	vand.u32 $0x7, v12;
	v13 =	vand.u32 $0xFFFFFFC0, v61  }
0x79: {  	v12 =	vor.u32 v12, v13  }
0x7a: {  	v13 =	vperm.xlane v12, v4;
	_ =	sdelay $0x1  }
0x7b: {  	v13 =	vadd.s32 v6, v13;
	_ =	sdelay $0x3  }
0x7c: {  	s22 =	simm.s32 $0x4600  }
0x7d: {  	[tilespmem:s22], [sflag:$0x2] =	stream.indirect_vreg.gather [hbm4b:s3+s0], $0x80, v13, vm0, $0xb8;
	[tilespmem:$0x18E00] =	vst v63  }
0x7e: {  	s19 =	simm.s32 $0x4E00;
	v12 =	vperm.xlane v12, v5  }
0x7f: {  	[tilespmem:s19], [sflag:$0x2] =	stream.indirect_vreg.gather [hbm4b:s12+s0], $0x80, v13, vm0, $0xb8;
	[tilespmem:$0x18E00] =	vst v63  }
0x80: {  	s20 =	simm.s32 $0x5600;
	v12 =	vadd.s32 v6, v12  }
0x81: {  	[tilespmem:s20], [sflag:$0x2] =	stream.indirect_vreg.gather [hbm4b:s13+s0], $0x80, v13, vm0, $0xb8;
	[tilespmem:$0x18E00] =	vst v63  }
0x82: {  	s21 =	simm.s32 $0x5E00  }
0x83: {  	[tilespmem:s21], [sflag:$0x2] =	stream.indirect_vreg.gather [hbm4b:s14+s0], $0x80, v13, vm0, $0xb8;
	[tilespmem:$0x18E00] =	vst v63  }
0x84: {  	s22 =	simm.s32 $0x6600  }
0x85: {  	[tilespmem:s22], [sflag:$0x2] =	stream.indirect_vreg.gather [hbm4b:s3+s0], $0x80, v12, vm0, $0xb8;
	[tilespmem:$0x18E00] =	vst v63  }
0x86: {  	s19 =	simm.s32 $0x6E00  }
0x87: {  	[tilespmem:s19], [sflag:$0x2] =	stream.indirect_vreg.gather [hbm4b:s12+s0], $0x80, v12, vm0, $0xb8;
	[tilespmem:$0x18E00] =	vst v63  }
0x88: {  	s20 =	simm.s32 $0x7600  }
0x89: {  	[tilespmem:s20], [sflag:$0x2] =	stream.indirect_vreg.gather [hbm4b:s13+s0], $0x80, v12, vm0, $0xb8;
	[tilespmem:$0x18E00] =	vst v63  }
0x8a: {  	s21 =	simm.s32 $0x7E00  }
0x8b: {  	[tilespmem:s21], [sflag:$0x2] =	stream.indirect_vreg.gather [hbm4b:s14+s0], $0x80, v12, vm0, $0xb8;
	[tilespmem:$0x18E00] =	vst v63  }
0x8c: {  	v12 =	vld [tilespmem:$0x210];
	_ =	sdelay $0x4  }
0x8d: {  	v62 =	vshll.u32 v12, $0x3  }
0x8e: {  	v12 =	vand.u32 $0x7, v12;
	v13 =	vand.u32 $0xFFFFFFC0, v62  }
0x8f: {  	v12 =	vor.u32 v12, v13  }
0x90: {  	v13 =	vperm.xlane v12, v4;
	_ =	sdelay $0x1  }
0x91: {  	v13 =	vadd.s32 v6, v13;
	_ =	sdelay $0x3  }
0x92: {  	s22 =	simm.s32 $0x8600  }
0x93: {  	[tilespmem:s22], [sflag:$0x3] =	stream.indirect_vreg.gather [hbm4b:s1+s0], $0x80, v13, vm0, $0xb8;
	[tilespmem:$0x18E00] =	vst v63  }
0x94: {  	s19 =	simm.s32 $0x8E00;
	v12 =	vperm.xlane v12, v5  }
0x95: {  	[tilespmem:s19], [sflag:$0x3] =	stream.indirect_vreg.gather [hbm4b:s9+s0], $0x80, v13, vm0, $0xb8;
	[tilespmem:$0x18E00] =	vst v63  }
0x96: {  	s20 =	simm.s32 $0x9600;
	v12 =	vadd.s32 v6, v12  }
0x97: {  	[tilespmem:s20], [sflag:$0x3] =	stream.indirect_vreg.gather [hbm4b:s10+s0], $0x80, v13, vm0, $0xb8;
	[tilespmem:$0x18E00] =	vst v63  }
0x98: {  	s21 =	simm.s32 $0x9E00  }
0x99: {  	[tilespmem:s21], [sflag:$0x3] =	stream.indirect_vreg.gather [hbm4b:s11+s0], $0x80, v13, vm0, $0xb8;
	[tilespmem:$0x18E00] =	vst v63  }
0x9a: {  	s22 =	simm.s32 $0xA600  }
0x9b: {  	[tilespmem:s22], [sflag:$0x3] =	stream.indirect_vreg.gather [hbm4b:s1+s0], $0x80, v12, vm0, $0xb8;
	[tilespmem:$0x18E00] =	vst v63  }
0x9c: {  	_ = 	snop  }
0x9d: {  	[tilespmem:s8], [sflag:$0x3] =	stream.indirect_vreg.gather [hbm4b:s9+s0], $0x80, v12, vm0, $0xb8;
	[tilespmem:$0x18E00] =	vst v63  }
0x9e: {  	_ = 	snop  }
0x9f: {  	[tilespmem:s28], [sflag:$0x3] =	stream.indirect_vreg.gather [hbm4b:s10+s0], $0x80, v12, vm0, $0xb8;
	[tilespmem:$0x18E00] =	vst v63  }
0xa0: {  	_ = 	snop  }
0xa1: {  	[tilespmem:s29], [sflag:$0x3] =	stream.indirect_vreg.gather [hbm4b:s11+s0], $0x80, v12, vm0, $0xb8;
	[tilespmem:$0x18E00] =	vst v63  }
0xa2: {  	v12 =	vld [tilespmem:$0x410];
	_ =	sdelay $0x4  }
0xa3: {  	v63 =	vshll.u32 v12, $0x3  }
0xa4: {  	v12 =	vand.u32 $0x7, v12;
	v13 =	vand.u32 $0xFFFFFFC0, v63  }
0xa5: {  	v12 =	vor.u32 v12, v13  }
0xa6: {  	v13 =	vperm.xlane v12, v4;
	_ =	sdelay $0x1  }
0xa7: {  	v13 =	vadd.s32 v6, v13;
	_ =	sdelay $0x3  }
0xa8: {  	s29 =	simm.s32 $0xC600  }
0xa9: {  	[tilespmem:s29], [sflag:$0x4] =	stream.indirect_vreg.gather [hbm4b:s3+s0], $0x80, v13, vm0, $0xb8;
	[tilespmem:$0x18E00] =	vst v63  }
0xaa: {  	s8 =	simm.s32 $0xCE00;
	v12 =	vperm.xlane v12, v5  }
0xab: {  	[tilespmem:s8], [sflag:$0x4] =	stream.indirect_vreg.gather [hbm4b:s12+s0], $0x80, v13, vm0, $0xb8;
	[tilespmem:$0x18E00] =	vst v63  }
0xac: {  	s19 =	simm.s32 $0xD600;
	v12 =	vadd.s32 v6, v12  }
0xad: {  	[tilespmem:s19], [sflag:$0x4] =	stream.indirect_vreg.gather [hbm4b:s13+s0], $0x80, v13, vm0, $0xb8;
	[tilespmem:$0x18E00] =	vst v63  }
0xae: {  	s20 =	simm.s32 $0xDE00  }
0xaf: {  	[tilespmem:s20], [sflag:$0x4] =	stream.indirect_vreg.gather [hbm4b:s14+s0], $0x80, v13, vm0, $0xb8;
	[tilespmem:$0x18E00] =	vst v63  }
0xb0: {  	s21 =	simm.s32 $0xE600  }
0xb1: {  	[tilespmem:s21], [sflag:$0x4] =	stream.indirect_vreg.gather [hbm4b:s3+s0], $0x80, v12, vm0, $0xb8;
	[tilespmem:$0x18E00] =	vst v63  }
0xb2: {  	s22 =	simm.s32 $0xEE00  }
0xb3: {  	[tilespmem:s22], [sflag:$0x4] =	stream.indirect_vreg.gather [hbm4b:s12+s0], $0x80, v12, vm0, $0xb8;
	[tilespmem:$0x18E00] =	vst v63  }
0xb4: {  	s30 =	simm.s32 $0x13E00;
	s28 =	simm.s32 $0xF600;
	s29 =	simm.s32 $0xFE00  }
0xb5: {  	[tilespmem:s28], [sflag:$0x4] =	stream.indirect_vreg.gather [hbm4b:s13+s0], $0x80, v12, vm0, $0xb8;
	[tilespmem:$0x18E00] =	vst v63  }
0xb6: {  	s19 =	simm.s32 $0x0;
	s21 =	simm.s32 $0x12E00;
	s22 =	simm.s32 $0x13600  }
0xb7: {  	[tilespmem:s29], [sflag:$0x4] =	stream.indirect_vreg.gather [hbm4b:s14+s0], $0x80, v12, vm0, $0xb8;
	[tilespmem:$0x18E00] =	vst v63  }
.LBB2_4:
0xb8: {  	s7 =	simm.s32 $0x1  }
0xb9: {  	_ =	swait.ge [sflag:s7], $0x4000  }
0xba: {  	[sflag:s7] =	ssyncset.done $0x0  }
0xbb: {  	s8 =	simm.s32 $0x2;
	[sflag:s7] =	ssyncadd.s32 $0xFFFFC000  }
0xbc: {  	_ =	swait.ge [sflag:s8], $0x4000  }
0xbd: {  	s20 =	smul.u32 $0x30, s19;
	[sflag:s8] =	ssyncset.done $0x0  }
0xbe: {  	[sflag:s8] =	ssyncadd.s32 $0xFFFFC000  }
0xbf: {  	v12 =	vld [tilespmem:s20+$0x220];
	_ =	sdelay $0x4  }
0xc0: {  	v13 =	vshll.u32 v12, $0x3  }
0xc1: {  	v12 =	vand.u32 $0x7, v12;
	v13 =	vand.u32 $0xFFFFFFC0, v13  }
0xc2: {  	v12 =	vor.u32 v12, v13  }
0xc3: {  	v13 =	vperm.xlane v12, v4;
	_ =	sdelay $0x1  }
0xc4: {  	v13 =	vadd.s32 v6, v13;
	_ =	sdelay $0x4  }
0xc5: {  	[tilespmem:s18], [sflag:$0x5] =	stream.indirect_vreg.gather [hbm4b:s1+s0], $0x80, v13, vm0, $0xb8;
	[tilespmem:$0x18E00] =	vst v63  }
0xc6: {  	v12 =	vperm.xlane v12, v5  }
0xc7: {  	[tilespmem:s24], [sflag:$0x5] =	stream.indirect_vreg.gather [hbm4b:s9+s0], $0x80, v13, vm0, $0xb8;
	[tilespmem:$0x18E00] =	vst v63  }
0xc8: {  	v12 =	vadd.s32 v6, v12  }
0xc9: {  	[tilespmem:s25], [sflag:$0x5] =	stream.indirect_vreg.gather [hbm4b:s10+s0], $0x80, v13, vm0, $0xb8;
	[tilespmem:$0x18E00] =	vst v63  }
0xca: {  	_ = 	snop  }
0xcb: {  	[tilespmem:s26], [sflag:$0x5] =	stream.indirect_vreg.gather [hbm4b:s11+s0], $0x80, v13, vm0, $0xb8;
	[tilespmem:$0x18E00] =	vst v63  }
0xcc: {  	_ = 	snop  }
0xcd: {  	[tilespmem:s23], [sflag:$0x5] =	stream.indirect_vreg.gather [hbm4b:s1+s0], $0x80, v12, vm0, $0xb8;
	[tilespmem:$0x18E00] =	vst v63  }
0xce: {  	_ = 	snop  }
0xcf: {  	[tilespmem:s21], [sflag:$0x5] =	stream.indirect_vreg.gather [hbm4b:s9+s0], $0x80, v12, vm0, $0xb8;
	[tilespmem:$0x18E00] =	vst v63  }
0xd0: {  	_ = 	snop  }
0xd1: {  	[tilespmem:s22], [sflag:$0x5] =	stream.indirect_vreg.gather [hbm4b:s10+s0], $0x80, v12, vm0, $0xb8;
	[tilespmem:$0x18E00] =	vst v63  }
0xd2: {  	_ = 	snop  }
0xd3: {  	[tilespmem:s30], [sflag:$0x5] =	stream.indirect_vreg.gather [hbm4b:s11+s0], $0x80, v12, vm0, $0xb8;
	[tilespmem:$0x18E00] =	vst v63  }
0xd4: {  	v12 =	vld [tilespmem:s20+$0x420];
	_ =	sdelay $0x4  }
0xd5: {  	v63 =	vshll.u32 v12, $0x3  }
0xd6: {  	v12 =	vand.u32 $0x7, v12;
	v13 =	vand.u32 $0xFFFFFFC0, v63  }
0xd7: {  	v12 =	vor.u32 v12, v13  }
0xd8: {  	v13 =	vperm.xlane v12, v4;
	_ =	sdelay $0x1  }
0xd9: {  	v13 =	vadd.s32 v6, v13;
	_ =	sdelay $0x3  }
0xda: {  	s22 =	simm.s32 $0x14600  }
0xdb: {  	[tilespmem:s22], [sflag:$0x6] =	stream.indirect_vreg.gather [hbm4b:s3+s0], $0x80, v13, vm0, $0xb8;
	[tilespmem:$0x18E00] =	vst v63  }
0xdc: {  	s23 =	simm.s32 $0x14E00;
	v12 =	vperm.xlane v12, v5  }
0xdd: {  	[tilespmem:s23], [sflag:$0x6] =	stream.indirect_vreg.gather [hbm4b:s12+s0], $0x80, v13, vm0, $0xb8;
	[tilespmem:$0x18E00] =	vst v63  }
0xde: {  	s24 =	simm.s32 $0x15600;
	v12 =	vadd.s32 v6, v12  }
0xdf: {  	[tilespmem:s24], [sflag:$0x6] =	stream.indirect_vreg.gather [hbm4b:s13+s0], $0x80, v13, vm0, $0xb8;
	[tilespmem:$0x18E00] =	vst v63  }
0xe0: {  	s25 =	simm.s32 $0x15E00  }
0xe1: {  	[tilespmem:s25], [sflag:$0x6] =	stream.indirect_vreg.gather [hbm4b:s14+s0], $0x80, v13, vm0, $0xb8;
	[tilespmem:$0x18E00] =	vst v63  }
0xe2: {  	s26 =	simm.s32 $0x16600  }
0xe3: {  	[tilespmem:s26], [sflag:$0x6] =	stream.indirect_vreg.gather [hbm4b:s3+s0], $0x80, v12, vm0, $0xb8;
	[tilespmem:$0x18E00] =	vst v63  }
0xe4: {  	s28 =	simm.s32 $0x16E00;
	s29 =	simm.s32 $0x17600  }
0xe5: {  	[tilespmem:s28], [sflag:$0x6] =	stream.indirect_vreg.gather [hbm4b:s12+s0], $0x80, v12, vm0, $0xb8;
	[tilespmem:$0x18E00] =	vst v63  }
0xe6: {  	s21 =	simm.s32 $0x0;
	s30 =	simm.s32 $0x17E00;
	s22 =	sadd.s32 $0x20, s20  }
0xe7: {  	[tilespmem:s29], [sflag:$0x6] =	stream.indirect_vreg.gather [hbm4b:s13+s0], $0x80, v12, vm0, $0xb8;
	[tilespmem:$0x18E00] =	vst v63  }
0xe8: {  	s23 =	simm.s32 $0xFFFFC000;
	s24 =	simm.s32 $0x0;
	s25 =	simm.s32 $0x0  }
0xe9: {  	[tilespmem:s30], [sflag:$0x6] =	stream.indirect_vreg.gather [hbm4b:s14+s0], $0x80, v12, vm0, $0xb8;
	[tilespmem:$0x18E00] =	vst v63  }
.LBB2_5:
0xea: {  	s26 =	sadd.s32 $0x4000, s23  }
0xeb: {  	s28 =	sand.u32 $0x380, s25;
	s26 =	sand.u32 $0x2000, s26  }
0xec: {  	s26 =	sor.u32 s28, s26  }
0xed: {  	v12 =	vld [tilespmem:s26+$0x4600]  }
0xee: {  	v57 =	vld [tilespmem:s26+$0x4610]  }
0xef: {  	v13 =	vld [tilespmem:s26+$0x4620]  }
0xf0: {  	v14 =	vld [tilespmem:s26+$0x4630]  }
0xf1: {  	v15 =	vld [tilespmem:s26+$0x4640]  }
0xf2: {  	v16 =	vld [tilespmem:s26+$0x4650]  }
0xf3: {  	v58 =	vld [tilespmem:s26+$0x4660]  }
0xf4: {  	v59 =	vld [tilespmem:s26+$0x4670]  }
0xf5: {  	v60 =	vld [tilespmem:s26+$0x4A00]  }
0xf6: {  	v61 =	vld [tilespmem:s26+$0x4A10]  }
0xf7: {  	v62 =	vld [tilespmem:s26+$0x4A20]  }
0xf8: {  	v63 =	vld [tilespmem:s26+$0x4A30]  }
0xf9: {  	v20 =	vld [tilespmem:s26+$0x4A40]  }
0xfa: {  	v21 =	vld [tilespmem:s26+$0x4A50]  }
0xfb: {  	v22 =	vld [tilespmem:s26+$0x4A60]  }
0xfc: {  	v23 =	vld [tilespmem:s26+$0x4A70]  }
0xfd: {  	v24 =	vld [tilespmem:s26+$0x4E00]  }
0xfe: {  	v25 =	vld [tilespmem:s26+$0x4E10]  }
0xff: {  	v26 =	vld [tilespmem:s26+$0x4E20]  }
0x100: {  	v27 =	vld [tilespmem:s26+$0x4E30]  }
0x101: {  	v28 =	vld [tilespmem:s26+$0x4E40]  }
0x102: {  	v29 =	vld [tilespmem:s26+$0x4E50]  }
0x103: {  	v30 =	vld [tilespmem:s26+$0x4E60]  }
0x104: {  	v31 =	vld [tilespmem:s26+$0x4E70]  }
0x105: {  	v32 =	vld [tilespmem:s26+$0x5200]  }
0x106: {  	v33 =	vld [tilespmem:s26+$0x5210]  }
0x107: {  	v34 =	vld [tilespmem:s26+$0x5220]  }
0x108: {  	v35 =	vld [tilespmem:s26+$0x5230]  }
0x109: {  	v36 =	vld [tilespmem:s26+$0x5240]  }
0x10a: {  	v37 =	vld [tilespmem:s26+$0x5250]  }
0x10b: {  	v38 =	vld [tilespmem:s26+$0x5260]  }
0x10c: {  	v39 =	vld [tilespmem:s26+$0x5270]  }
0x10d: {  	v40 =	vld [tilespmem:s26+$0x5600]  }
0x10e: {  	v41 =	vld [tilespmem:s26+$0x5610]  }
0x10f: {  	v42 =	vld [tilespmem:s26+$0x5620]  }
0x110: {  	v43 =	vld [tilespmem:s26+$0x5630]  }
0x111: {  	v44 =	vld [tilespmem:s26+$0x5640]  }
0x112: {  	v45 =	vld [tilespmem:s26+$0x5650]  }
0x113: {  	v46 =	vld [tilespmem:s26+$0x5660]  }
0x114: {  	v47 =	vld [tilespmem:s26+$0x5670]  }
0x115: {  	v48 =	vld [tilespmem:s26+$0x5A00]  }
0x116: {  	v49 =	vld [tilespmem:s26+$0x5A10]  }
0x117: {  	v50 =	vld [tilespmem:s26+$0x5A20]  }
0x118: {  	v51 =	vld [tilespmem:s26+$0x5A30]  }
0x119: {  	v52 =	vld [tilespmem:s26+$0x5A40]  }
0x11a: {  	v53 =	vld [tilespmem:s26+$0x5A50]  }
0x11b: {  	v54 =	vld [tilespmem:s26+$0x5A60]  }
0x11c: {  	v55 =	vld [tilespmem:s26+$0x5A70]  }
0x11d: {  	v56 =	vld [tilespmem:s26+$0x5E00]  }
0x11e: {  	[tilespmem:s26+$0x600] =	vst.add.f32.msk $0xffff, v12  }
0x11f: {  	[tilespmem:s26+$0x610] =	vst.add.f32.msk $0xffff, v57  }
0x120: {  	[tilespmem:s26+$0x620] =	vst.add.f32.msk $0xffff, v13  }
0x121: {  	[tilespmem:s26+$0x630] =	vst.add.f32.msk $0xffff, v14  }
0x122: {  	[tilespmem:s26+$0x640] =	vst.add.f32.msk $0xffff, v15  }
0x123: {  	[tilespmem:s26+$0x650] =	vst.add.f32.msk $0xffff, v16  }
0x124: {  	[tilespmem:s26+$0x660] =	vst.add.f32.msk $0xffff, v58  }
0x125: {  	[tilespmem:s26+$0x670] =	vst.add.f32.msk $0xffff, v59  }
0x126: {  	[tilespmem:s26+$0xA00] =	vst.add.f32.msk $0xffff, v60  }
0x127: {  	[tilespmem:s26+$0xA10] =	vst.add.f32.msk $0xffff, v61  }
0x128: {  	[tilespmem:s26+$0xA20] =	vst.add.f32.msk $0xffff, v62  }
0x129: {  	[tilespmem:s26+$0xA30] =	vst.add.f32.msk $0xffff, v63  }
0x12a: {  	[tilespmem:s26+$0xA40] =	vst.add.f32.msk $0xffff, v20  }
0x12b: {  	[tilespmem:s26+$0xA50] =	vst.add.f32.msk $0xffff, v21  }
0x12c: {  	[tilespmem:s26+$0xA60] =	vst.add.f32.msk $0xffff, v22  }
0x12d: {  	[tilespmem:s26+$0xA70] =	vst.add.f32.msk $0xffff, v23  }
0x12e: {  	[tilespmem:s26+$0xE00] =	vst.add.f32.msk $0xffff, v24  }
0x12f: {  	[tilespmem:s26+$0xE10] =	vst.add.f32.msk $0xffff, v25  }
0x130: {  	[tilespmem:s26+$0xE20] =	vst.add.f32.msk $0xffff, v26  }
0x131: {  	[tilespmem:s26+$0xE30] =	vst.add.f32.msk $0xffff, v27  }
0x132: {  	[tilespmem:s26+$0xE40] =	vst.add.f32.msk $0xffff, v28  }
0x133: {  	[tilespmem:s26+$0xE50] =	vst.add.f32.msk $0xffff, v29  }
0x134: {  	[tilespmem:s26+$0xE60] =	vst.add.f32.msk $0xffff, v30  }
0x135: {  	[tilespmem:s26+$0xE70] =	vst.add.f32.msk $0xffff, v31  }
0x136: {  	[tilespmem:s26+$0x1200] =	vst.add.f32.msk $0xffff, v32  }
0x137: {  	[tilespmem:s26+$0x1210] =	vst.add.f32.msk $0xffff, v33  }
0x138: {  	[tilespmem:s26+$0x1220] =	vst.add.f32.msk $0xffff, v34  }
0x139: {  	[tilespmem:s26+$0x1230] =	vst.add.f32.msk $0xffff, v35  }
0x13a: {  	[tilespmem:s26+$0x1240] =	vst.add.f32.msk $0xffff, v36  }
0x13b: {  	[tilespmem:s26+$0x1250] =	vst.add.f32.msk $0xffff, v37  }
0x13c: {  	[tilespmem:s26+$0x1260] =	vst.add.f32.msk $0xffff, v38  }
0x13d: {  	[tilespmem:s26+$0x1270] =	vst.add.f32.msk $0xffff, v39  }
0x13e: {  	[tilespmem:s26+$0x1600] =	vst.add.f32.msk $0xffff, v40  }
0x13f: {  	[tilespmem:s26+$0x1610] =	vst.add.f32.msk $0xffff, v41  }
0x140: {  	[tilespmem:s26+$0x1620] =	vst.add.f32.msk $0xffff, v42  }
0x141: {  	[tilespmem:s26+$0x1630] =	vst.add.f32.msk $0xffff, v43  }
0x142: {  	[tilespmem:s26+$0x1640] =	vst.add.f32.msk $0xffff, v44  }
0x143: {  	[tilespmem:s26+$0x1650] =	vst.add.f32.msk $0xffff, v45  }
0x144: {  	[tilespmem:s26+$0x1660] =	vst.add.f32.msk $0xffff, v46  }
0x145: {  	[tilespmem:s26+$0x1670] =	vst.add.f32.msk $0xffff, v47  }
0x146: {  	[tilespmem:s26+$0x1A00] =	vst.add.f32.msk $0xffff, v48  }
0x147: {  	[tilespmem:s26+$0x1A10] =	vst.add.f32.msk $0xffff, v49  }
0x148: {  	[tilespmem:s26+$0x1A20] =	vst.add.f32.msk $0xffff, v50  }
0x149: {  	[tilespmem:s26+$0x1A30] =	vst.add.f32.msk $0xffff, v51  }
0x14a: {  	[tilespmem:s26+$0x1A40] =	vst.add.f32.msk $0xffff, v52  }
0x14b: {  	[tilespmem:s26+$0x1A50] =	vst.add.f32.msk $0xffff, v53  }
0x14c: {  	v57 =	vld [tilespmem:s26+$0x5E10]  }
0x14d: {  	v58 =	vld [tilespmem:s26+$0x5E20]  }
0x14e: {  	[tilespmem:s26+$0x1A60] =	vst.add.f32.msk $0xffff, v54  }
0x14f: {  	[tilespmem:s26+$0x1A70] =	vst.add.f32.msk $0xffff, v55  }
0x150: {  	[tilespmem:s26+$0x1E00] =	vst.add.f32.msk $0xffff, v56  }
0x151: {  	v59 =	vld [tilespmem:s26+$0x5E30]  }
0x152: {  	v60 =	vld [tilespmem:s26+$0x5E40]  }
0x153: {  	v61 =	vld [tilespmem:s26+$0x5E50]  }
0x154: {  	v62 =	vld [tilespmem:s26+$0x5E60]  }
0x155: {  	v63 =	vld [tilespmem:s26+$0x5E70]  }
0x156: {  	[tilespmem:s26+$0x1E10] =	vst.add.f32.msk $0xffff, v57  }
0x157: {  	[tilespmem:s26+$0x1E20] =	vst.add.f32.msk $0xffff, v58  }
0x158: {  	[tilespmem:s26+$0x1E30] =	vst.add.f32.msk $0xffff, v59  }
0x159: {  	s8 =	sand.u32 $0x7, s21;
	[tilespmem:s26+$0x1E40] =	vst.add.f32.msk $0xffff, v60  }
0x15a: {  	s28 =	sshll.u32 s8, $0x7;
	[tilespmem:s26+$0x1E50] =	vst.add.f32.msk $0xffff, v61  }
0x15b: {  	s28 =	sadd.s32 s28, s24;
	[tilespmem:s26+$0x1E60] =	vst.add.f32.msk $0xffff, v62  }
0x15c: {  	s18 =	sor.u32 $0x1C00, s28;
	[tilespmem:s26+$0x1E70] =	vst.add.f32.msk $0xffff, v63  }
0x15d: {  	v12 =	vld [tilespmem:s18+$0x4600];
	_ =	sdelay $0x4  }
0x15e: {  	s29 =	sor.u32 $0x1C10, s28;
	[tilespmem:s18+$0x600] =	vst.add.f32.msk $0xffff, v12  }
0x15f: {  	v12 =	vld [tilespmem:s29+$0x4600];
	_ =	sdelay $0x4  }
0x160: {  	s30 =	sor.u32 $0x1C20, s28;
	[tilespmem:s29+$0x600] =	vst.add.f32.msk $0xffff, v12  }
0x161: {  	v12 =	vld [tilespmem:s30+$0x4600];
	_ =	sdelay $0x4  }
0x162: {  	s7 =	sor.u32 $0x1C30, s28;
	[tilespmem:s30+$0x600] =	vst.add.f32.msk $0xffff, v12  }
0x163: {  	v12 =	vld [tilespmem:s7+$0x4600];
	_ =	sdelay $0x4  }
0x164: {  	s8 =	sor.u32 $0x1C40, s28;
	[tilespmem:s7+$0x600] =	vst.add.f32.msk $0xffff, v12  }
0x165: {  	v12 =	vld [tilespmem:s8+$0x4600];
	_ =	sdelay $0x4  }
0x166: {  	s18 =	sor.u32 $0x1C50, s28;
	[tilespmem:s8+$0x600] =	vst.add.f32.msk $0xffff, v12  }
0x167: {  	v12 =	vld [tilespmem:s18+$0x4600];
	_ =	sdelay $0x4  }
0x168: {  	s29 =	sor.u32 $0x1C60, s28;
	[tilespmem:s18+$0x600] =	vst.add.f32.msk $0xffff, v12  }
0x169: {  	v12 =	vld [tilespmem:s29+$0x4600];
	_ =	sdelay $0x4  }
0x16a: {  	s30 =	sor.u32 $0x1C70, s28;
	[tilespmem:s29+$0x600] =	vst.add.f32.msk $0xffff, v12  }
0x16b: {  	p1 =	sne.s32 s25, $0x780;
	v12 =	vld [tilespmem:s30+$0x4600]  }
.Ltmp3:
0x16c: {  	_ = 	snop;
	(pc) =	sbr.rel @p1 .LBB2_5-.Ltmp3, $3  }
0x16d: {  	_ =	sdelay $0x1  }
0x16e: {  	s21 =	sadd.s32 $0x1, s21  }
0x16f: {  	s23 =	sadd.s32 $0x400, s23;
	s25 =	sadd.s32 $0x80, s25;
	s24 =	sadd.s32 $0x400, s24;
	[tilespmem:s30+$0x600] =	vst.add.f32.msk $0xffff, v12  }
0x170: {  	v12 =	vmov s20  }
0x171: {  	v12 =	vshll.u32 v12, $0x7  }
0x172: {  	v12 =	vor.u32 v0, v12  }
0x173: {  	v12 =	vadd.s32 v1, v12  }
0x174: {  	v12 =	vand.u32 $0xFFFFFFC0, v12  }
0x175: {  	v12 =	vor.u32 v3, v12  }
0x176: {  	v13 =	vperm.xlane v12, v4;
	_ =	sdelay $0x1  }
0x177: {  	v13 =	vadd.s32 v6, v13;
	_ =	sdelay $0x3  }
0x178: {  	s23 =	simm.s32 $0x0;
	s21 =	simm.s32 $0x600  }
0x179: {  	[hbm4b:s5+s23] =	stream.indirect_vreg.scatter [tilespmem:s21], [sflag:$0x7], $0x80, v13, vm0, $0xb8;
	[tilespmem:$0x18E00] =	vst v63  }
0x17a: {  	s24 =	simm.s32 $0xE00;
	v12 =	vperm.xlane v12, v5  }
0x17b: {  	[hbm4b:s15+s23] =	stream.indirect_vreg.scatter [tilespmem:s24], [sflag:$0x7], $0x80, v13, vm0, $0xb8;
	[tilespmem:$0x18E00] =	vst v63  }
0x17c: {  	s25 =	simm.s32 $0x1600;
	v12 =	vadd.s32 v6, v12  }
0x17d: {  	[hbm4b:s16+s23] =	stream.indirect_vreg.scatter [tilespmem:s25], [sflag:$0x7], $0x80, v13, vm0, $0xb8;
	[tilespmem:$0x18E00] =	vst v63  }
0x17e: {  	s26 =	simm.s32 $0x1E00  }
0x17f: {  	[hbm4b:s17+s23] =	stream.indirect_vreg.scatter [tilespmem:s26], [sflag:$0x7], $0x80, v13, vm0, $0xb8;
	[tilespmem:$0x18E00] =	vst v63  }
0x180: {  	s28 =	simm.s32 $0x2600  }
0x181: {  	[hbm4b:s5+s23] =	stream.indirect_vreg.scatter [tilespmem:s28], [sflag:$0x7], $0x80, v12, vm0, $0xb8;
	[tilespmem:$0x18E00] =	vst v63  }
0x182: {  	s29 =	simm.s32 $0x2E00  }
0x183: {  	[hbm4b:s15+s23] =	stream.indirect_vreg.scatter [tilespmem:s29], [sflag:$0x7], $0x80, v12, vm0, $0xb8;
	[tilespmem:$0x18E00] =	vst v63  }
0x184: {  	s7 =	simm.s32 $0x3600  }
0x185: {  	[hbm4b:s16+s23] =	stream.indirect_vreg.scatter [tilespmem:s7], [sflag:$0x7], $0x80, v12, vm0, $0xb8;
	[tilespmem:$0x18E00] =	vst v63  }
0x186: {  	s8 =	simm.s32 $0x3E00  }
0x187: {  	[hbm4b:s17+s23] =	stream.indirect_vreg.scatter [tilespmem:s8], [sflag:$0x7], $0x80, v12, vm0, $0xb8;
	[tilespmem:$0x18E00] =	vst v63  }
0x188: {  	_ =	swait.ge [sflag:s31], $0x4000  }
0x189: {  	[sflag:s31] =	ssyncset.done $0x0  }
0x18a: {  	[sflag:s31] =	ssyncadd.s32 $0xFFFFC000  }
0x18b: {  	_ =	swait.ge [sflag:s4], $0x4000  }
0x18c: {  	[sflag:s4] =	ssyncset.done $0x0  }
0x18d: {  	[sflag:s4] =	ssyncadd.s32 $0xFFFFC000  }
0x18e: {  	_ =	swait.ge [sflag:s2], $0x4000  }
0x18f: {  	[sflag:s2] =	ssyncset.done $0x0  }
0x190: {  	[sflag:s2] =	ssyncadd.s32 $0xFFFFC000  }
0x191: {  	v61 =	vld [tilespmem:s20+$0x230];
	_ =	sdelay $0x4  }
0x192: {  	v62 =	vshll.u32 v61, $0x3  }
0x193: {  	v12 =	vand.u32 $0x7, v61;
	v13 =	vand.u32 $0xFFFFFFC0, v62  }
0x194: {  	v12 =	vor.u32 v12, v13  }
0x195: {  	v13 =	vperm.xlane v12, v4;
	_ =	sdelay $0x1  }
0x196: {  	v13 =	vadd.s32 v6, v13;
	_ =	sdelay $0x4  }
0x197: {  	[tilespmem:s21], [sflag:$0x1] =	stream.indirect_vreg.gather [hbm4b:s1+s23], $0x80, v13, vm0, $0xb8;
	[tilespmem:$0x18E00] =	vst v63  }
0x198: {  	v12 =	vperm.xlane v12, v5  }
0x199: {  	[tilespmem:s24], [sflag:$0x1] =	stream.indirect_vreg.gather [hbm4b:s9+s23], $0x80, v13, vm0, $0xb8;
	[tilespmem:$0x18E00] =	vst v63  }
0x19a: {  	v12 =	vadd.s32 v6, v12  }
0x19b: {  	[tilespmem:s25], [sflag:$0x1] =	stream.indirect_vreg.gather [hbm4b:s10+s23], $0x80, v13, vm0, $0xb8;
	[tilespmem:$0x18E00] =	vst v63  }
0x19c: {  	_ = 	snop  }
0x19d: {  	[tilespmem:s26], [sflag:$0x1] =	stream.indirect_vreg.gather [hbm4b:s11+s23], $0x80, v13, vm0, $0xb8;
	[tilespmem:$0x18E00] =	vst v63  }
0x19e: {  	_ = 	snop  }
0x19f: {  	[tilespmem:s28], [sflag:$0x1] =	stream.indirect_vreg.gather [hbm4b:s1+s23], $0x80, v12, vm0, $0xb8;
	[tilespmem:$0x18E00] =	vst v63  }
0x1a0: {  	_ = 	snop  }
0x1a1: {  	[tilespmem:s29], [sflag:$0x1] =	stream.indirect_vreg.gather [hbm4b:s9+s23], $0x80, v12, vm0, $0xb8;
	[tilespmem:$0x18E00] =	vst v63  }
0x1a2: {  	_ = 	snop  }
0x1a3: {  	[tilespmem:s7], [sflag:$0x1] =	stream.indirect_vreg.gather [hbm4b:s10+s23], $0x80, v12, vm0, $0xb8;
	[tilespmem:$0x18E00] =	vst v63  }
0x1a4: {  	_ = 	snop  }
0x1a5: {  	[tilespmem:s8], [sflag:$0x1] =	stream.indirect_vreg.gather [hbm4b:s11+s23], $0x80, v12, vm0, $0xb8;
	[tilespmem:$0x18E00] =	vst v63  }
0x1a6: {  	v12 =	vld [tilespmem:s20+$0x430];
	_ =	sdelay $0x4  }
0x1a7: {  	v63 =	vshll.u32 v12, $0x3  }
0x1a8: {  	v12 =	vand.u32 $0x7, v12;
	v13 =	vand.u32 $0xFFFFFFC0, v63  }
0x1a9: {  	v12 =	vor.u32 v12, v13  }
0x1aa: {  	v13 =	vperm.xlane v12, v4;
	_ =	sdelay $0x1  }
0x1ab: {  	v13 =	vadd.s32 v6, v13;
	_ =	sdelay $0x3  }
0x1ac: {  	s18 =	simm.s32 $0x4600  }
0x1ad: {  	[tilespmem:s18], [sflag:$0x2] =	stream.indirect_vreg.gather [hbm4b:s3+s23], $0x80, v13, vm0, $0xb8;
	[tilespmem:$0x18E00] =	vst v63  }
0x1ae: {  	s21 =	simm.s32 $0x4E00;
	v12 =	vperm.xlane v12, v5  }
0x1af: {  	[tilespmem:s21], [sflag:$0x2] =	stream.indirect_vreg.gather [hbm4b:s12+s23], $0x80, v13, vm0, $0xb8;
	[tilespmem:$0x18E00] =	vst v63  }
0x1b0: {  	s24 =	simm.s32 $0x5600;
	v12 =	vadd.s32 v6, v12  }
0x1b1: {  	[tilespmem:s24], [sflag:$0x2] =	stream.indirect_vreg.gather [hbm4b:s13+s23], $0x80, v13, vm0, $0xb8;
	[tilespmem:$0x18E00] =	vst v63  }
0x1b2: {  	s25 =	simm.s32 $0x5E00  }
0x1b3: {  	[tilespmem:s25], [sflag:$0x2] =	stream.indirect_vreg.gather [hbm4b:s14+s23], $0x80, v13, vm0, $0xb8;
	[tilespmem:$0x18E00] =	vst v63  }
0x1b4: {  	s26 =	simm.s32 $0x6600  }
0x1b5: {  	[tilespmem:s26], [sflag:$0x2] =	stream.indirect_vreg.gather [hbm4b:s3+s23], $0x80, v12, vm0, $0xb8;
	[tilespmem:$0x18E00] =	vst v63  }
0x1b6: {  	s28 =	simm.s32 $0x6E00  }
0x1b7: {  	[tilespmem:s28], [sflag:$0x2] =	stream.indirect_vreg.gather [hbm4b:s12+s23], $0x80, v12, vm0, $0xb8;
	[tilespmem:$0x18E00] =	vst v63  }
0x1b8: {  	s30 =	simm.s32 $0x7E00;
	s29 =	simm.s32 $0x7600  }
0x1b9: {  	[tilespmem:s29], [sflag:$0x2] =	stream.indirect_vreg.gather [hbm4b:s13+s23], $0x80, v12, vm0, $0xb8;
	[tilespmem:$0x18E00] =	vst v63  }
0x1ba: {  	s21 =	simm.s32 $0xFFFFC000;
	s24 =	simm.s32 $0x0;
	s25 =	simm.s32 $0x0  }
0x1bb: {  	[tilespmem:s30], [sflag:$0x2] =	stream.indirect_vreg.gather [hbm4b:s14+s23], $0x80, v12, vm0, $0xb8;
	[tilespmem:$0x18E00] =	vst v63  }
.LBB2_7:
0x1bc: {  	s26 =	sadd.s32 $0x4000, s21  }
0x1bd: {  	s28 =	sand.u32 $0x380, s25;
	s26 =	sand.u32 $0x2000, s26  }
0x1be: {  	s26 =	sor.u32 s28, s26  }
0x1bf: {  	v12 =	vld [tilespmem:s26+$0xC600]  }
0x1c0: {  	v57 =	vld [tilespmem:s26+$0xC610]  }
0x1c1: {  	v13 =	vld [tilespmem:s26+$0xC620]  }
0x1c2: {  	v14 =	vld [tilespmem:s26+$0xC630]  }
0x1c3: {  	v15 =	vld [tilespmem:s26+$0xC640]  }
0x1c4: {  	v16 =	vld [tilespmem:s26+$0xC650]  }
0x1c5: {  	v58 =	vld [tilespmem:s26+$0xC660]  }
0x1c6: {  	v59 =	vld [tilespmem:s26+$0xC670]  }
0x1c7: {  	v60 =	vld [tilespmem:s26+$0xCA00]  }
0x1c8: {  	v61 =	vld [tilespmem:s26+$0xCA10]  }
0x1c9: {  	v62 =	vld [tilespmem:s26+$0xCA20]  }
0x1ca: {  	v63 =	vld [tilespmem:s26+$0xCA30]  }
0x1cb: {  	v20 =	vld [tilespmem:s26+$0xCA40]  }
0x1cc: {  	v21 =	vld [tilespmem:s26+$0xCA50]  }
0x1cd: {  	v22 =	vld [tilespmem:s26+$0xCA60]  }
0x1ce: {  	v23 =	vld [tilespmem:s26+$0xCA70]  }
0x1cf: {  	v24 =	vld [tilespmem:s26+$0xCE00]  }
0x1d0: {  	v25 =	vld [tilespmem:s26+$0xCE10]  }
0x1d1: {  	v26 =	vld [tilespmem:s26+$0xCE20]  }
0x1d2: {  	v27 =	vld [tilespmem:s26+$0xCE30]  }
0x1d3: {  	v28 =	vld [tilespmem:s26+$0xCE40]  }
0x1d4: {  	v29 =	vld [tilespmem:s26+$0xCE50]  }
0x1d5: {  	v30 =	vld [tilespmem:s26+$0xCE60]  }
0x1d6: {  	v31 =	vld [tilespmem:s26+$0xCE70]  }
0x1d7: {  	v32 =	vld [tilespmem:s26+$0xD200]  }
0x1d8: {  	v33 =	vld [tilespmem:s26+$0xD210]  }
0x1d9: {  	v34 =	vld [tilespmem:s26+$0xD220]  }
0x1da: {  	v35 =	vld [tilespmem:s26+$0xD230]  }
0x1db: {  	v36 =	vld [tilespmem:s26+$0xD240]  }
0x1dc: {  	v37 =	vld [tilespmem:s26+$0xD250]  }
0x1dd: {  	v38 =	vld [tilespmem:s26+$0xD260]  }
0x1de: {  	v39 =	vld [tilespmem:s26+$0xD270]  }
0x1df: {  	v40 =	vld [tilespmem:s26+$0xD600]  }
0x1e0: {  	v41 =	vld [tilespmem:s26+$0xD610]  }
0x1e1: {  	v42 =	vld [tilespmem:s26+$0xD620]  }
0x1e2: {  	v43 =	vld [tilespmem:s26+$0xD630]  }
0x1e3: {  	v44 =	vld [tilespmem:s26+$0xD640]  }
0x1e4: {  	v45 =	vld [tilespmem:s26+$0xD650]  }
0x1e5: {  	v46 =	vld [tilespmem:s26+$0xD660]  }
0x1e6: {  	v47 =	vld [tilespmem:s26+$0xD670]  }
0x1e7: {  	v48 =	vld [tilespmem:s26+$0xDA00]  }
0x1e8: {  	v49 =	vld [tilespmem:s26+$0xDA10]  }
0x1e9: {  	v50 =	vld [tilespmem:s26+$0xDA20]  }
0x1ea: {  	v51 =	vld [tilespmem:s26+$0xDA30]  }
0x1eb: {  	v52 =	vld [tilespmem:s26+$0xDA40]  }
0x1ec: {  	v53 =	vld [tilespmem:s26+$0xDA50]  }
0x1ed: {  	v54 =	vld [tilespmem:s26+$0xDA60]  }
0x1ee: {  	v55 =	vld [tilespmem:s26+$0xDA70]  }
0x1ef: {  	v56 =	vld [tilespmem:s26+$0xDE00]  }
0x1f0: {  	[tilespmem:s26+$0x8600] =	vst.add.f32.msk $0xffff, v12  }
0x1f1: {  	[tilespmem:s26+$0x8610] =	vst.add.f32.msk $0xffff, v57  }
0x1f2: {  	[tilespmem:s26+$0x8620] =	vst.add.f32.msk $0xffff, v13  }
0x1f3: {  	[tilespmem:s26+$0x8630] =	vst.add.f32.msk $0xffff, v14  }
0x1f4: {  	[tilespmem:s26+$0x8640] =	vst.add.f32.msk $0xffff, v15  }
0x1f5: {  	[tilespmem:s26+$0x8650] =	vst.add.f32.msk $0xffff, v16  }
0x1f6: {  	[tilespmem:s26+$0x8660] =	vst.add.f32.msk $0xffff, v58  }
0x1f7: {  	[tilespmem:s26+$0x8670] =	vst.add.f32.msk $0xffff, v59  }
0x1f8: {  	[tilespmem:s26+$0x8A00] =	vst.add.f32.msk $0xffff, v60  }
0x1f9: {  	[tilespmem:s26+$0x8A10] =	vst.add.f32.msk $0xffff, v61  }
0x1fa: {  	[tilespmem:s26+$0x8A20] =	vst.add.f32.msk $0xffff, v62  }
0x1fb: {  	[tilespmem:s26+$0x8A30] =	vst.add.f32.msk $0xffff, v63  }
0x1fc: {  	[tilespmem:s26+$0x8A40] =	vst.add.f32.msk $0xffff, v20  }
0x1fd: {  	[tilespmem:s26+$0x8A50] =	vst.add.f32.msk $0xffff, v21  }
0x1fe: {  	[tilespmem:s26+$0x8A60] =	vst.add.f32.msk $0xffff, v22  }
0x1ff: {  	[tilespmem:s26+$0x8A70] =	vst.add.f32.msk $0xffff, v23  }
0x200: {  	[tilespmem:s26+$0x8E00] =	vst.add.f32.msk $0xffff, v24  }
0x201: {  	[tilespmem:s26+$0x8E10] =	vst.add.f32.msk $0xffff, v25  }
0x202: {  	[tilespmem:s26+$0x8E20] =	vst.add.f32.msk $0xffff, v26  }
0x203: {  	[tilespmem:s26+$0x8E30] =	vst.add.f32.msk $0xffff, v27  }
0x204: {  	[tilespmem:s26+$0x8E40] =	vst.add.f32.msk $0xffff, v28  }
0x205: {  	[tilespmem:s26+$0x8E50] =	vst.add.f32.msk $0xffff, v29  }
0x206: {  	[tilespmem:s26+$0x8E60] =	vst.add.f32.msk $0xffff, v30  }
0x207: {  	[tilespmem:s26+$0x8E70] =	vst.add.f32.msk $0xffff, v31  }
0x208: {  	[tilespmem:s26+$0x9200] =	vst.add.f32.msk $0xffff, v32  }
0x209: {  	[tilespmem:s26+$0x9210] =	vst.add.f32.msk $0xffff, v33  }
0x20a: {  	[tilespmem:s26+$0x9220] =	vst.add.f32.msk $0xffff, v34  }
0x20b: {  	[tilespmem:s26+$0x9230] =	vst.add.f32.msk $0xffff, v35  }
0x20c: {  	[tilespmem:s26+$0x9240] =	vst.add.f32.msk $0xffff, v36  }
0x20d: {  	[tilespmem:s26+$0x9250] =	vst.add.f32.msk $0xffff, v37  }
0x20e: {  	[tilespmem:s26+$0x9260] =	vst.add.f32.msk $0xffff, v38  }
0x20f: {  	[tilespmem:s26+$0x9270] =	vst.add.f32.msk $0xffff, v39  }
0x210: {  	[tilespmem:s26+$0x9600] =	vst.add.f32.msk $0xffff, v40  }
0x211: {  	[tilespmem:s26+$0x9610] =	vst.add.f32.msk $0xffff, v41  }
0x212: {  	[tilespmem:s26+$0x9620] =	vst.add.f32.msk $0xffff, v42  }
0x213: {  	[tilespmem:s26+$0x9630] =	vst.add.f32.msk $0xffff, v43  }
0x214: {  	[tilespmem:s26+$0x9640] =	vst.add.f32.msk $0xffff, v44  }
0x215: {  	[tilespmem:s26+$0x9650] =	vst.add.f32.msk $0xffff, v45  }
0x216: {  	[tilespmem:s26+$0x9660] =	vst.add.f32.msk $0xffff, v46  }
0x217: {  	[tilespmem:s26+$0x9670] =	vst.add.f32.msk $0xffff, v47  }
0x218: {  	[tilespmem:s26+$0x9A00] =	vst.add.f32.msk $0xffff, v48  }
0x219: {  	[tilespmem:s26+$0x9A10] =	vst.add.f32.msk $0xffff, v49  }
0x21a: {  	[tilespmem:s26+$0x9A20] =	vst.add.f32.msk $0xffff, v50  }
0x21b: {  	[tilespmem:s26+$0x9A30] =	vst.add.f32.msk $0xffff, v51  }
0x21c: {  	[tilespmem:s26+$0x9A40] =	vst.add.f32.msk $0xffff, v52  }
0x21d: {  	[tilespmem:s26+$0x9A50] =	vst.add.f32.msk $0xffff, v53  }
0x21e: {  	v57 =	vld [tilespmem:s26+$0xDE10]  }
0x21f: {  	v58 =	vld [tilespmem:s26+$0xDE20]  }
0x220: {  	[tilespmem:s26+$0x9A60] =	vst.add.f32.msk $0xffff, v54  }
0x221: {  	[tilespmem:s26+$0x9A70] =	vst.add.f32.msk $0xffff, v55  }
0x222: {  	[tilespmem:s26+$0x9E00] =	vst.add.f32.msk $0xffff, v56  }
0x223: {  	v59 =	vld [tilespmem:s26+$0xDE30]  }
0x224: {  	v60 =	vld [tilespmem:s26+$0xDE40]  }
0x225: {  	v61 =	vld [tilespmem:s26+$0xDE50]  }
0x226: {  	v62 =	vld [tilespmem:s26+$0xDE60]  }
0x227: {  	v63 =	vld [tilespmem:s26+$0xDE70]  }
0x228: {  	[tilespmem:s26+$0x9E10] =	vst.add.f32.msk $0xffff, v57  }
0x229: {  	[tilespmem:s26+$0x9E20] =	vst.add.f32.msk $0xffff, v58  }
0x22a: {  	[tilespmem:s26+$0x9E30] =	vst.add.f32.msk $0xffff, v59  }
0x22b: {  	s8 =	sand.u32 $0x7, s23;
	[tilespmem:s26+$0x9E40] =	vst.add.f32.msk $0xffff, v60  }
0x22c: {  	s28 =	sshll.u32 s8, $0x7;
	[tilespmem:s26+$0x9E50] =	vst.add.f32.msk $0xffff, v61  }
0x22d: {  	s28 =	sadd.s32 s28, s24;
	[tilespmem:s26+$0x9E60] =	vst.add.f32.msk $0xffff, v62  }
0x22e: {  	s18 =	sor.u32 $0x1C00, s28;
	[tilespmem:s26+$0x9E70] =	vst.add.f32.msk $0xffff, v63  }
0x22f: {  	v12 =	vld [tilespmem:s18+$0xC600];
	_ =	sdelay $0x4  }
0x230: {  	s29 =	sor.u32 $0x1C10, s28;
	[tilespmem:s18+$0x8600] =	vst.add.f32.msk $0xffff, v12  }
0x231: {  	v12 =	vld [tilespmem:s29+$0xC600];
	_ =	sdelay $0x4  }
0x232: {  	s30 =	sor.u32 $0x1C20, s28;
	[tilespmem:s29+$0x8600] =	vst.add.f32.msk $0xffff, v12  }
0x233: {  	v12 =	vld [tilespmem:s30+$0xC600];
	_ =	sdelay $0x4  }
0x234: {  	s7 =	sor.u32 $0x1C30, s28;
	[tilespmem:s30+$0x8600] =	vst.add.f32.msk $0xffff, v12  }
0x235: {  	v12 =	vld [tilespmem:s7+$0xC600];
	_ =	sdelay $0x4  }
0x236: {  	s8 =	sor.u32 $0x1C40, s28;
	[tilespmem:s7+$0x8600] =	vst.add.f32.msk $0xffff, v12  }
0x237: {  	v12 =	vld [tilespmem:s8+$0xC600];
	_ =	sdelay $0x4  }
0x238: {  	s18 =	sor.u32 $0x1C50, s28;
	[tilespmem:s8+$0x8600] =	vst.add.f32.msk $0xffff, v12  }
0x239: {  	v12 =	vld [tilespmem:s18+$0xC600];
	_ =	sdelay $0x4  }
0x23a: {  	s29 =	sor.u32 $0x1C60, s28;
	[tilespmem:s18+$0x8600] =	vst.add.f32.msk $0xffff, v12  }
0x23b: {  	v12 =	vld [tilespmem:s29+$0xC600];
	_ =	sdelay $0x4  }
0x23c: {  	s30 =	sor.u32 $0x1C70, s28;
	[tilespmem:s29+$0x8600] =	vst.add.f32.msk $0xffff, v12  }
0x23d: {  	p1 =	sne.s32 s25, $0x780;
	v12 =	vld [tilespmem:s30+$0xC600]  }
.Ltmp4:
0x23e: {  	_ = 	snop;
	(pc) =	sbr.rel @p1 .LBB2_7-.Ltmp4, $3  }
0x23f: {  	_ =	sdelay $0x1  }
0x240: {  	s23 =	sadd.s32 $0x1, s23  }
0x241: {  	s21 =	sadd.s32 $0x400, s21;
	s25 =	sadd.s32 $0x80, s25;
	s24 =	sadd.s32 $0x400, s24;
	[tilespmem:s30+$0x8600] =	vst.add.f32.msk $0xffff, v12  }
0x242: {  	s21 =	sadd.s32 $0x10, s20  }
0x243: {  	v12 =	vmov s21  }
0x244: {  	v12 =	vshll.u32 v12, $0x7  }
0x245: {  	v12 =	vor.u32 v0, v12  }
0x246: {  	v12 =	vadd.s32 v1, v12  }
0x247: {  	v12 =	vand.u32 $0xFFFFFFC0, v12  }
0x248: {  	v12 =	vor.u32 v3, v12  }
0x249: {  	v13 =	vperm.xlane v12, v4;
	_ =	sdelay $0x1  }
0x24a: {  	v13 =	vadd.s32 v6, v13;
	_ =	sdelay $0x3  }
0x24b: {  	s23 =	simm.s32 $0x0;
	s21 =	simm.s32 $0x8600  }
0x24c: {  	[hbm4b:s5+s23] =	stream.indirect_vreg.scatter [tilespmem:s21], [sflag:$0x7], $0x80, v13, vm0, $0xb8;
	[tilespmem:$0x18E00] =	vst v63  }
0x24d: {  	s24 =	simm.s32 $0x8E00;
	v12 =	vperm.xlane v12, v5  }
0x24e: {  	[hbm4b:s15+s23] =	stream.indirect_vreg.scatter [tilespmem:s24], [sflag:$0x7], $0x80, v13, vm0, $0xb8;
	[tilespmem:$0x18E00] =	vst v63  }
0x24f: {  	s25 =	simm.s32 $0x9600;
	v12 =	vadd.s32 v6, v12  }
0x250: {  	[hbm4b:s16+s23] =	stream.indirect_vreg.scatter [tilespmem:s25], [sflag:$0x7], $0x80, v13, vm0, $0xb8;
	[tilespmem:$0x18E00] =	vst v63  }
0x251: {  	s26 =	simm.s32 $0x9E00  }
0x252: {  	[hbm4b:s17+s23] =	stream.indirect_vreg.scatter [tilespmem:s26], [sflag:$0x7], $0x80, v13, vm0, $0xb8;
	[tilespmem:$0x18E00] =	vst v63  }
0x253: {  	s7 =	simm.s32 $0xA600  }
0x254: {  	[hbm4b:s5+s23] =	stream.indirect_vreg.scatter [tilespmem:s7], [sflag:$0x7], $0x80, v12, vm0, $0xb8;
	[tilespmem:$0x18E00] =	vst v63  }
0x255: {  	s28 =	simm.s32 $0xAE00  }
0x256: {  	[hbm4b:s15+s23] =	stream.indirect_vreg.scatter [tilespmem:s28], [sflag:$0x7], $0x80, v12, vm0, $0xb8;
	[tilespmem:$0x18E00] =	vst v63  }
0x257: {  	s29 =	simm.s32 $0xB600  }
0x258: {  	[hbm4b:s16+s23] =	stream.indirect_vreg.scatter [tilespmem:s29], [sflag:$0x7], $0x80, v12, vm0, $0xb8;
	[tilespmem:$0x18E00] =	vst v63  }
0x259: {  	s18 =	simm.s32 $0xBE00  }
0x25a: {  	[hbm4b:s17+s23] =	stream.indirect_vreg.scatter [tilespmem:s18], [sflag:$0x7], $0x80, v12, vm0, $0xb8;
	[tilespmem:$0x18E00] =	vst v63  }
0x25b: {  	_ =	swait.ge [sflag:s31], $0x4000  }
0x25c: {  	[sflag:s31] =	ssyncset.done $0x0  }
0x25d: {  	s8 =	simm.s32 $0x5;
	[sflag:s31] =	ssyncadd.s32 $0xFFFFC000  }
0x25e: {  	_ =	swait.ge [sflag:s8], $0x4000  }
0x25f: {  	[sflag:s8] =	ssyncset.done $0x0  }
0x260: {  	s30 =	simm.s32 $0x6;
	[sflag:s8] =	ssyncadd.s32 $0xFFFFC000  }
0x261: {  	_ =	swait.ge [sflag:s30], $0x4000  }
0x262: {  	[sflag:s30] =	ssyncset.done $0x0  }
0x263: {  	[sflag:s30] =	ssyncadd.s32 $0xFFFFC000  }
0x264: {  	v61 =	vld [tilespmem:s20+$0x240];
	_ =	sdelay $0x4  }
0x265: {  	v62 =	vshll.u32 v61, $0x3  }
0x266: {  	v12 =	vand.u32 $0x7, v61;
	v13 =	vand.u32 $0xFFFFFFC0, v62  }
0x267: {  	v12 =	vor.u32 v12, v13  }
0x268: {  	v13 =	vperm.xlane v12, v4;
	_ =	sdelay $0x1  }
0x269: {  	v13 =	vadd.s32 v6, v13;
	_ =	sdelay $0x4  }
0x26a: {  	[tilespmem:s21], [sflag:$0x3] =	stream.indirect_vreg.gather [hbm4b:s1+s23], $0x80, v13, vm0, $0xb8;
	[tilespmem:$0x18E00] =	vst v63  }
0x26b: {  	v12 =	vperm.xlane v12, v5  }
0x26c: {  	[tilespmem:s24], [sflag:$0x3] =	stream.indirect_vreg.gather [hbm4b:s9+s23], $0x80, v13, vm0, $0xb8;
	[tilespmem:$0x18E00] =	vst v63  }
0x26d: {  	v12 =	vadd.s32 v6, v12  }
0x26e: {  	[tilespmem:s25], [sflag:$0x3] =	stream.indirect_vreg.gather [hbm4b:s10+s23], $0x80, v13, vm0, $0xb8;
	[tilespmem:$0x18E00] =	vst v63  }
0x26f: {  	_ = 	snop  }
0x270: {  	[tilespmem:s26], [sflag:$0x3] =	stream.indirect_vreg.gather [hbm4b:s11+s23], $0x80, v13, vm0, $0xb8;
	[tilespmem:$0x18E00] =	vst v63  }
0x271: {  	_ = 	snop  }
0x272: {  	[tilespmem:s7], [sflag:$0x3] =	stream.indirect_vreg.gather [hbm4b:s1+s23], $0x80, v12, vm0, $0xb8;
	[tilespmem:$0x18E00] =	vst v63  }
0x273: {  	_ = 	snop  }
0x274: {  	[tilespmem:s28], [sflag:$0x3] =	stream.indirect_vreg.gather [hbm4b:s9+s23], $0x80, v12, vm0, $0xb8;
	[tilespmem:$0x18E00] =	vst v63  }
0x275: {  	_ = 	snop  }
0x276: {  	[tilespmem:s29], [sflag:$0x3] =	stream.indirect_vreg.gather [hbm4b:s10+s23], $0x80, v12, vm0, $0xb8;
	[tilespmem:$0x18E00] =	vst v63  }
0x277: {  	_ = 	snop  }
0x278: {  	[tilespmem:s18], [sflag:$0x3] =	stream.indirect_vreg.gather [hbm4b:s11+s23], $0x80, v12, vm0, $0xb8;
	[tilespmem:$0x18E00] =	vst v63  }
0x279: {  	v12 =	vld [tilespmem:s20+$0x440];
	_ =	sdelay $0x4  }
0x27a: {  	v63 =	vshll.u32 v12, $0x3  }
0x27b: {  	v12 =	vand.u32 $0x7, v12;
	v13 =	vand.u32 $0xFFFFFFC0, v63  }
0x27c: {  	v12 =	vor.u32 v12, v13  }
0x27d: {  	v13 =	vperm.xlane v12, v4;
	_ =	sdelay $0x1  }
0x27e: {  	v13 =	vadd.s32 v6, v13;
	_ =	sdelay $0x3  }
0x27f: {  	s30 =	simm.s32 $0xC600  }
0x280: {  	[tilespmem:s30], [sflag:$0x4] =	stream.indirect_vreg.gather [hbm4b:s3+s23], $0x80, v13, vm0, $0xb8;
	[tilespmem:$0x18E00] =	vst v63  }
0x281: {  	s18 =	simm.s32 $0xCE00;
	v12 =	vperm.xlane v12, v5  }
0x282: {  	[tilespmem:s18], [sflag:$0x4] =	stream.indirect_vreg.gather [hbm4b:s12+s23], $0x80, v13, vm0, $0xb8;
	[tilespmem:$0x18E00] =	vst v63  }
0x283: {  	s20 =	simm.s32 $0xD600;
	v12 =	vadd.s32 v6, v12  }
0x284: {  	[tilespmem:s20], [sflag:$0x4] =	stream.indirect_vreg.gather [hbm4b:s13+s23], $0x80, v13, vm0, $0xb8;
	[tilespmem:$0x18E00] =	vst v63  }
0x285: {  	s21 =	simm.s32 $0xDE00  }
0x286: {  	[tilespmem:s21], [sflag:$0x4] =	stream.indirect_vreg.gather [hbm4b:s14+s23], $0x80, v13, vm0, $0xb8;
	[tilespmem:$0x18E00] =	vst v63  }
0x287: {  	s24 =	simm.s32 $0xE600  }
0x288: {  	[tilespmem:s24], [sflag:$0x4] =	stream.indirect_vreg.gather [hbm4b:s3+s23], $0x80, v12, vm0, $0xb8;
	[tilespmem:$0x18E00] =	vst v63  }
0x289: {  	s8 =	simm.s32 $0xAE00;
	s25 =	simm.s32 $0xEE00;
	s26 =	simm.s32 $0xF600  }
0x28a: {  	[tilespmem:s25], [sflag:$0x4] =	stream.indirect_vreg.gather [hbm4b:s12+s23], $0x80, v12, vm0, $0xb8;
	[tilespmem:$0x18E00] =	vst v63  }
0x28b: {  	s28 =	simm.s32 $0xB600;
	s29 =	simm.s32 $0xBE00;
	s30 =	simm.s32 $0xFE00  }
0x28c: {  	[tilespmem:s26], [sflag:$0x4] =	stream.indirect_vreg.gather [hbm4b:s13+s23], $0x80, v12, vm0, $0xb8;
	[tilespmem:$0x18E00] =	vst v63  }
0x28d: {  	s20 =	simm.s32 $0xFFFFC000;
	s21 =	simm.s32 $0x0;
	s24 =	simm.s32 $0x0  }
0x28e: {  	[tilespmem:s30], [sflag:$0x4] =	stream.indirect_vreg.gather [hbm4b:s14+s23], $0x80, v12, vm0, $0xb8;
	[tilespmem:$0x18E00] =	vst v63  }
.LBB2_9:
0x28f: {  	s25 =	sadd.s32 $0x4000, s20  }
0x290: {  	s26 =	sand.u32 $0x380, s24;
	s25 =	sand.u32 $0x2000, s25  }
0x291: {  	s25 =	sor.u32 s26, s25  }
0x292: {  	v12 =	vld [tilespmem:s25+$0x14600]  }
0x293: {  	v57 =	vld [tilespmem:s25+$0x14610]  }
0x294: {  	v13 =	vld [tilespmem:s25+$0x14620]  }
0x295: {  	v14 =	vld [tilespmem:s25+$0x14630]  }
0x296: {  	v15 =	vld [tilespmem:s25+$0x14640]  }
0x297: {  	v16 =	vld [tilespmem:s25+$0x14650]  }
0x298: {  	v58 =	vld [tilespmem:s25+$0x14660]  }
0x299: {  	v59 =	vld [tilespmem:s25+$0x14670]  }
0x29a: {  	v60 =	vld [tilespmem:s25+$0x14A00]  }
0x29b: {  	v61 =	vld [tilespmem:s25+$0x14A10]  }
0x29c: {  	v62 =	vld [tilespmem:s25+$0x14A20]  }
0x29d: {  	v63 =	vld [tilespmem:s25+$0x14A30]  }
0x29e: {  	v20 =	vld [tilespmem:s25+$0x14A40]  }
0x29f: {  	v21 =	vld [tilespmem:s25+$0x14A50]  }
0x2a0: {  	v22 =	vld [tilespmem:s25+$0x14A60]  }
0x2a1: {  	v23 =	vld [tilespmem:s25+$0x14A70]  }
0x2a2: {  	v24 =	vld [tilespmem:s25+$0x14E00]  }
0x2a3: {  	v25 =	vld [tilespmem:s25+$0x14E10]  }
0x2a4: {  	v26 =	vld [tilespmem:s25+$0x14E20]  }
0x2a5: {  	v27 =	vld [tilespmem:s25+$0x14E30]  }
0x2a6: {  	v28 =	vld [tilespmem:s25+$0x14E40]  }
0x2a7: {  	v29 =	vld [tilespmem:s25+$0x14E50]  }
0x2a8: {  	v30 =	vld [tilespmem:s25+$0x14E60]  }
0x2a9: {  	v31 =	vld [tilespmem:s25+$0x14E70]  }
0x2aa: {  	v32 =	vld [tilespmem:s25+$0x15200]  }
0x2ab: {  	v33 =	vld [tilespmem:s25+$0x15210]  }
0x2ac: {  	v34 =	vld [tilespmem:s25+$0x15220]  }
0x2ad: {  	v35 =	vld [tilespmem:s25+$0x15230]  }
0x2ae: {  	v36 =	vld [tilespmem:s25+$0x15240]  }
0x2af: {  	v37 =	vld [tilespmem:s25+$0x15250]  }
0x2b0: {  	v38 =	vld [tilespmem:s25+$0x15260]  }
0x2b1: {  	v39 =	vld [tilespmem:s25+$0x15270]  }
0x2b2: {  	v40 =	vld [tilespmem:s25+$0x15600]  }
0x2b3: {  	v41 =	vld [tilespmem:s25+$0x15610]  }
0x2b4: {  	v42 =	vld [tilespmem:s25+$0x15620]  }
0x2b5: {  	v43 =	vld [tilespmem:s25+$0x15630]  }
0x2b6: {  	v44 =	vld [tilespmem:s25+$0x15640]  }
0x2b7: {  	v45 =	vld [tilespmem:s25+$0x15650]  }
0x2b8: {  	v46 =	vld [tilespmem:s25+$0x15660]  }
0x2b9: {  	v47 =	vld [tilespmem:s25+$0x15670]  }
0x2ba: {  	v48 =	vld [tilespmem:s25+$0x15A00]  }
0x2bb: {  	v49 =	vld [tilespmem:s25+$0x15A10]  }
0x2bc: {  	v50 =	vld [tilespmem:s25+$0x15A20]  }
0x2bd: {  	v51 =	vld [tilespmem:s25+$0x15A30]  }
0x2be: {  	v52 =	vld [tilespmem:s25+$0x15A40]  }
0x2bf: {  	v53 =	vld [tilespmem:s25+$0x15A50]  }
0x2c0: {  	v54 =	vld [tilespmem:s25+$0x15A60]  }
0x2c1: {  	v55 =	vld [tilespmem:s25+$0x15A70]  }
0x2c2: {  	v56 =	vld [tilespmem:s25+$0x15E00]  }
0x2c3: {  	[tilespmem:s25+$0x10600] =	vst.add.f32.msk $0xffff, v12  }
0x2c4: {  	[tilespmem:s25+$0x10610] =	vst.add.f32.msk $0xffff, v57  }
0x2c5: {  	[tilespmem:s25+$0x10620] =	vst.add.f32.msk $0xffff, v13  }
0x2c6: {  	[tilespmem:s25+$0x10630] =	vst.add.f32.msk $0xffff, v14  }
0x2c7: {  	[tilespmem:s25+$0x10640] =	vst.add.f32.msk $0xffff, v15  }
0x2c8: {  	[tilespmem:s25+$0x10650] =	vst.add.f32.msk $0xffff, v16  }
0x2c9: {  	[tilespmem:s25+$0x10660] =	vst.add.f32.msk $0xffff, v58  }
0x2ca: {  	[tilespmem:s25+$0x10670] =	vst.add.f32.msk $0xffff, v59  }
0x2cb: {  	[tilespmem:s25+$0x10A00] =	vst.add.f32.msk $0xffff, v60  }
0x2cc: {  	[tilespmem:s25+$0x10A10] =	vst.add.f32.msk $0xffff, v61  }
0x2cd: {  	[tilespmem:s25+$0x10A20] =	vst.add.f32.msk $0xffff, v62  }
0x2ce: {  	[tilespmem:s25+$0x10A30] =	vst.add.f32.msk $0xffff, v63  }
0x2cf: {  	[tilespmem:s25+$0x10A40] =	vst.add.f32.msk $0xffff, v20  }
0x2d0: {  	[tilespmem:s25+$0x10A50] =	vst.add.f32.msk $0xffff, v21  }
0x2d1: {  	[tilespmem:s25+$0x10A60] =	vst.add.f32.msk $0xffff, v22  }
0x2d2: {  	[tilespmem:s25+$0x10A70] =	vst.add.f32.msk $0xffff, v23  }
0x2d3: {  	[tilespmem:s25+$0x10E00] =	vst.add.f32.msk $0xffff, v24  }
0x2d4: {  	[tilespmem:s25+$0x10E10] =	vst.add.f32.msk $0xffff, v25  }
0x2d5: {  	[tilespmem:s25+$0x10E20] =	vst.add.f32.msk $0xffff, v26  }
0x2d6: {  	[tilespmem:s25+$0x10E30] =	vst.add.f32.msk $0xffff, v27  }
0x2d7: {  	[tilespmem:s25+$0x10E40] =	vst.add.f32.msk $0xffff, v28  }
0x2d8: {  	[tilespmem:s25+$0x10E50] =	vst.add.f32.msk $0xffff, v29  }
0x2d9: {  	[tilespmem:s25+$0x10E60] =	vst.add.f32.msk $0xffff, v30  }
0x2da: {  	[tilespmem:s25+$0x10E70] =	vst.add.f32.msk $0xffff, v31  }
0x2db: {  	[tilespmem:s25+$0x11200] =	vst.add.f32.msk $0xffff, v32  }
0x2dc: {  	[tilespmem:s25+$0x11210] =	vst.add.f32.msk $0xffff, v33  }
0x2dd: {  	[tilespmem:s25+$0x11220] =	vst.add.f32.msk $0xffff, v34  }
0x2de: {  	[tilespmem:s25+$0x11230] =	vst.add.f32.msk $0xffff, v35  }
0x2df: {  	[tilespmem:s25+$0x11240] =	vst.add.f32.msk $0xffff, v36  }
0x2e0: {  	[tilespmem:s25+$0x11250] =	vst.add.f32.msk $0xffff, v37  }
0x2e1: {  	[tilespmem:s25+$0x11260] =	vst.add.f32.msk $0xffff, v38  }
0x2e2: {  	[tilespmem:s25+$0x11270] =	vst.add.f32.msk $0xffff, v39  }
0x2e3: {  	[tilespmem:s25+$0x11600] =	vst.add.f32.msk $0xffff, v40  }
0x2e4: {  	[tilespmem:s25+$0x11610] =	vst.add.f32.msk $0xffff, v41  }
0x2e5: {  	[tilespmem:s25+$0x11620] =	vst.add.f32.msk $0xffff, v42  }
0x2e6: {  	[tilespmem:s25+$0x11630] =	vst.add.f32.msk $0xffff, v43  }
0x2e7: {  	[tilespmem:s25+$0x11640] =	vst.add.f32.msk $0xffff, v44  }
0x2e8: {  	[tilespmem:s25+$0x11650] =	vst.add.f32.msk $0xffff, v45  }
0x2e9: {  	[tilespmem:s25+$0x11660] =	vst.add.f32.msk $0xffff, v46  }
0x2ea: {  	[tilespmem:s25+$0x11670] =	vst.add.f32.msk $0xffff, v47  }
0x2eb: {  	[tilespmem:s25+$0x11A00] =	vst.add.f32.msk $0xffff, v48  }
0x2ec: {  	[tilespmem:s25+$0x11A10] =	vst.add.f32.msk $0xffff, v49  }
0x2ed: {  	[tilespmem:s25+$0x11A20] =	vst.add.f32.msk $0xffff, v50  }
0x2ee: {  	[tilespmem:s25+$0x11A30] =	vst.add.f32.msk $0xffff, v51  }
0x2ef: {  	[tilespmem:s25+$0x11A40] =	vst.add.f32.msk $0xffff, v52  }
0x2f0: {  	[tilespmem:s25+$0x11A50] =	vst.add.f32.msk $0xffff, v53  }
0x2f1: {  	v57 =	vld [tilespmem:s25+$0x15E10]  }
0x2f2: {  	v58 =	vld [tilespmem:s25+$0x15E20]  }
0x2f3: {  	[tilespmem:s25+$0x11A60] =	vst.add.f32.msk $0xffff, v54  }
0x2f4: {  	[tilespmem:s25+$0x11A70] =	vst.add.f32.msk $0xffff, v55  }
0x2f5: {  	[tilespmem:s25+$0x11E00] =	vst.add.f32.msk $0xffff, v56  }
0x2f6: {  	v59 =	vld [tilespmem:s25+$0x15E30]  }
0x2f7: {  	v60 =	vld [tilespmem:s25+$0x15E40]  }
0x2f8: {  	v61 =	vld [tilespmem:s25+$0x15E50]  }
0x2f9: {  	v62 =	vld [tilespmem:s25+$0x15E60]  }
0x2fa: {  	v63 =	vld [tilespmem:s25+$0x15E70]  }
0x2fb: {  	[tilespmem:s25+$0x11E10] =	vst.add.f32.msk $0xffff, v57  }
0x2fc: {  	[tilespmem:s25+$0x11E20] =	vst.add.f32.msk $0xffff, v58  }
0x2fd: {  	[tilespmem:s25+$0x11E30] =	vst.add.f32.msk $0xffff, v59  }
0x2fe: {  	s7 =	sand.u32 $0x7, s23;
	[tilespmem:s25+$0x11E40] =	vst.add.f32.msk $0xffff, v60  }
0x2ff: {  	s26 =	sshll.u32 s7, $0x7;
	[tilespmem:s25+$0x11E50] =	vst.add.f32.msk $0xffff, v61  }
0x300: {  	s26 =	sadd.s32 s26, s21;
	[tilespmem:s25+$0x11E60] =	vst.add.f32.msk $0xffff, v62  }
0x301: {  	s18 =	sor.u32 $0x1C00, s26;
	[tilespmem:s25+$0x11E70] =	vst.add.f32.msk $0xffff, v63  }
0x302: {  	v12 =	vld [tilespmem:s18+$0x14600];
	_ =	sdelay $0x4  }
0x303: {  	s30 =	sor.u32 $0x1C10, s26;
	[tilespmem:s18+$0x10600] =	vst.add.f32.msk $0xffff, v12  }
0x304: {  	v12 =	vld [tilespmem:s30+$0x14600];
	_ =	sdelay $0x4  }
0x305: {  	s7 =	sor.u32 $0x1C20, s26;
	[tilespmem:s30+$0x10600] =	vst.add.f32.msk $0xffff, v12  }
0x306: {  	v12 =	vld [tilespmem:s7+$0x14600];
	_ =	sdelay $0x4  }
0x307: {  	s18 =	sor.u32 $0x1C30, s26;
	[tilespmem:s7+$0x10600] =	vst.add.f32.msk $0xffff, v12  }
0x308: {  	v12 =	vld [tilespmem:s18+$0x14600];
	_ =	sdelay $0x4  }
0x309: {  	s30 =	sor.u32 $0x1C40, s26;
	[tilespmem:s18+$0x10600] =	vst.add.f32.msk $0xffff, v12  }
0x30a: {  	v12 =	vld [tilespmem:s30+$0x14600];
	_ =	sdelay $0x4  }
0x30b: {  	s7 =	sor.u32 $0x1C50, s26;
	[tilespmem:s30+$0x10600] =	vst.add.f32.msk $0xffff, v12  }
0x30c: {  	v12 =	vld [tilespmem:s7+$0x14600];
	_ =	sdelay $0x4  }
0x30d: {  	s18 =	sor.u32 $0x1C60, s26;
	[tilespmem:s7+$0x10600] =	vst.add.f32.msk $0xffff, v12  }
0x30e: {  	v12 =	vld [tilespmem:s18+$0x14600];
	_ =	sdelay $0x4  }
0x30f: {  	s30 =	sor.u32 $0x1C70, s26;
	[tilespmem:s18+$0x10600] =	vst.add.f32.msk $0xffff, v12  }
0x310: {  	p1 =	sne.s32 s24, $0x780;
	v12 =	vld [tilespmem:s30+$0x14600]  }
.Ltmp5:
0x311: {  	_ = 	snop;
	(pc) =	sbr.rel @p1 .LBB2_9-.Ltmp5, $3  }
0x312: {  	_ =	sdelay $0x1  }
0x313: {  	s23 =	sadd.s32 $0x1, s23  }
0x314: {  	s20 =	sadd.s32 $0x400, s20;
	s24 =	sadd.s32 $0x80, s24;
	s21 =	sadd.s32 $0x400, s21;
	[tilespmem:s30+$0x10600] =	vst.add.f32.msk $0xffff, v12  }
0x315: {  	v12 =	vmov s22  }
0x316: {  	v12 =	vshll.u32 v12, $0x7  }
0x317: {  	v12 =	vor.u32 v0, v12  }
0x318: {  	v12 =	vadd.s32 v1, v12  }
0x319: {  	v12 =	vand.u32 $0xFFFFFFC0, v12  }
0x31a: {  	v12 =	vor.u32 v3, v12  }
0x31b: {  	v13 =	vperm.xlane v12, v4;
	_ =	sdelay $0x1  }
0x31c: {  	v13 =	vadd.s32 v6, v13;
	_ =	sdelay $0x3  }
0x31d: {  	s18 =	simm.s32 $0x10600  }
0x31e: {  	[hbm4b:s5+s6] =	stream.indirect_vreg.scatter [tilespmem:s18], [sflag:$0x7], $0x80, v13, vm0, $0xb8;
	[tilespmem:$0x18E00] =	vst v63  }
0x31f: {  	s24 =	simm.s32 $0x10E00;
	v12 =	vperm.xlane v12, v5  }
0x320: {  	[hbm4b:s15+s6] =	stream.indirect_vreg.scatter [tilespmem:s24], [sflag:$0x7], $0x80, v13, vm0, $0xb8;
	[tilespmem:$0x18E00] =	vst v63  }
0x321: {  	s25 =	simm.s32 $0x11600;
	v12 =	vadd.s32 v6, v12  }
0x322: {  	[hbm4b:s16+s6] =	stream.indirect_vreg.scatter [tilespmem:s25], [sflag:$0x7], $0x80, v13, vm0, $0xb8;
	[tilespmem:$0x18E00] =	vst v63  }
0x323: {  	s26 =	simm.s32 $0x11E00  }
0x324: {  	[hbm4b:s17+s6] =	stream.indirect_vreg.scatter [tilespmem:s26], [sflag:$0x7], $0x80, v13, vm0, $0xb8;
	[tilespmem:$0x18E00] =	vst v63  }
0x325: {  	s23 =	simm.s32 $0x12600  }
0x326: {  	[hbm4b:s5+s6] =	stream.indirect_vreg.scatter [tilespmem:s23], [sflag:$0x7], $0x80, v12, vm0, $0xb8;
	[tilespmem:$0x18E00] =	vst v63  }
0x327: {  	s21 =	simm.s32 $0x12E00;
	s19 =	sadd.s32 $0x1, s19  }
0x328: {  	[hbm4b:s15+s6] =	stream.indirect_vreg.scatter [tilespmem:s21], [sflag:$0x7], $0x80, v12, vm0, $0xb8;
	[tilespmem:$0x18E00] =	vst v63  }
0x329: {  	s22 =	simm.s32 $0x13600;
	p1 =	sne.s32 s19, $0xA  }
0x32a: {  	[hbm4b:s16+s6] =	stream.indirect_vreg.scatter [tilespmem:s22], [sflag:$0x7], $0x80, v12, vm0, $0xb8;
	[tilespmem:$0x18E00] =	vst v63  }
.Ltmp6:
0x32b: {  	s30 =	simm.s32 $0x13E00;
	(pc) =	sbr.rel @p1 .LBB2_4-.Ltmp6, $4  }
0x32c: {  	[hbm4b:s17+s6] =	stream.indirect_vreg.scatter [tilespmem:s30], [sflag:$0x7], $0x80, v12, vm0, $0xb8;
	[tilespmem:$0x18E00] =	vst v63  }
0x32d: {  	_ =	swait.ge [sflag:s31], $0x4000  }
0x32e: {  	[sflag:s31] =	ssyncset.done $0x0  }
0x32f: {  	[sflag:s31] =	ssyncadd.s32 $0xFFFFC000  }
0x330: {  	s0 =	simm.s32 $0x1  }
0x331: {  	_ =	swait.ge [sflag:s0], $0x4000  }
0x332: {  	[sflag:s0] =	ssyncset.done $0x0  }
0x333: {  	s30 =	simm.s32 $0x2;
	[sflag:s0] =	ssyncadd.s32 $0xFFFFC000  }
0x334: {  	_ =	swait.ge [sflag:s30], $0x4000  }
0x335: {  	s19 =	simm.s32 $0xFFFFC000;
	s20 =	simm.s32 $0x0;
	[sflag:s30] =	ssyncset.done $0x0  }
0x336: {  	s21 =	simm.s32 $0x0;
	s0 =	simm.s32 $0x0;
	[sflag:s30] =	ssyncadd.s32 $0xFFFFC000  }
.LBB2_12:
0x337: {  	s22 =	sadd.s32 $0x4000, s19  }
0x338: {  	s23 =	sand.u32 $0x380, s21;
	s22 =	sand.u32 $0x2000, s22  }
0x339: {  	s22 =	sor.u32 s23, s22  }
0x33a: {  	v12 =	vld [tilespmem:s22+$0x4600]  }
0x33b: {  	v57 =	vld [tilespmem:s22+$0x4610]  }
0x33c: {  	v13 =	vld [tilespmem:s22+$0x4620]  }
0x33d: {  	v14 =	vld [tilespmem:s22+$0x4630]  }
0x33e: {  	v15 =	vld [tilespmem:s22+$0x4640]  }
0x33f: {  	v16 =	vld [tilespmem:s22+$0x4650]  }
0x340: {  	v58 =	vld [tilespmem:s22+$0x4660]  }
0x341: {  	v59 =	vld [tilespmem:s22+$0x4670]  }
0x342: {  	v60 =	vld [tilespmem:s22+$0x4A00]  }
0x343: {  	v61 =	vld [tilespmem:s22+$0x4A10]  }
0x344: {  	v62 =	vld [tilespmem:s22+$0x4A20]  }
0x345: {  	v63 =	vld [tilespmem:s22+$0x4A30]  }
0x346: {  	v20 =	vld [tilespmem:s22+$0x4A40]  }
0x347: {  	v21 =	vld [tilespmem:s22+$0x4A50]  }
0x348: {  	v22 =	vld [tilespmem:s22+$0x4A60]  }
0x349: {  	v23 =	vld [tilespmem:s22+$0x4A70]  }
0x34a: {  	v24 =	vld [tilespmem:s22+$0x4E00]  }
0x34b: {  	v25 =	vld [tilespmem:s22+$0x4E10]  }
0x34c: {  	v26 =	vld [tilespmem:s22+$0x4E20]  }
0x34d: {  	v27 =	vld [tilespmem:s22+$0x4E30]  }
0x34e: {  	v28 =	vld [tilespmem:s22+$0x4E40]  }
0x34f: {  	v29 =	vld [tilespmem:s22+$0x4E50]  }
0x350: {  	v30 =	vld [tilespmem:s22+$0x4E60]  }
0x351: {  	v31 =	vld [tilespmem:s22+$0x4E70]  }
0x352: {  	v32 =	vld [tilespmem:s22+$0x5200]  }
0x353: {  	v33 =	vld [tilespmem:s22+$0x5210]  }
0x354: {  	v34 =	vld [tilespmem:s22+$0x5220]  }
0x355: {  	v35 =	vld [tilespmem:s22+$0x5230]  }
0x356: {  	v36 =	vld [tilespmem:s22+$0x5240]  }
0x357: {  	v37 =	vld [tilespmem:s22+$0x5250]  }
0x358: {  	v38 =	vld [tilespmem:s22+$0x5260]  }
0x359: {  	v39 =	vld [tilespmem:s22+$0x5270]  }
0x35a: {  	v40 =	vld [tilespmem:s22+$0x5600]  }
0x35b: {  	v41 =	vld [tilespmem:s22+$0x5610]  }
0x35c: {  	v42 =	vld [tilespmem:s22+$0x5620]  }
0x35d: {  	v43 =	vld [tilespmem:s22+$0x5630]  }
0x35e: {  	v44 =	vld [tilespmem:s22+$0x5640]  }
0x35f: {  	v45 =	vld [tilespmem:s22+$0x5650]  }
0x360: {  	v46 =	vld [tilespmem:s22+$0x5660]  }
0x361: {  	v47 =	vld [tilespmem:s22+$0x5670]  }
0x362: {  	v48 =	vld [tilespmem:s22+$0x5A00]  }
0x363: {  	v49 =	vld [tilespmem:s22+$0x5A10]  }
0x364: {  	v50 =	vld [tilespmem:s22+$0x5A20]  }
0x365: {  	v51 =	vld [tilespmem:s22+$0x5A30]  }
0x366: {  	v52 =	vld [tilespmem:s22+$0x5A40]  }
0x367: {  	v53 =	vld [tilespmem:s22+$0x5A50]  }
0x368: {  	v54 =	vld [tilespmem:s22+$0x5A60]  }
0x369: {  	v55 =	vld [tilespmem:s22+$0x5A70]  }
0x36a: {  	v56 =	vld [tilespmem:s22+$0x5E00]  }
0x36b: {  	[tilespmem:s22+$0x600] =	vst.add.f32.msk $0xffff, v12  }
0x36c: {  	[tilespmem:s22+$0x610] =	vst.add.f32.msk $0xffff, v57  }
0x36d: {  	[tilespmem:s22+$0x620] =	vst.add.f32.msk $0xffff, v13  }
0x36e: {  	[tilespmem:s22+$0x630] =	vst.add.f32.msk $0xffff, v14  }
0x36f: {  	[tilespmem:s22+$0x640] =	vst.add.f32.msk $0xffff, v15  }
0x370: {  	[tilespmem:s22+$0x650] =	vst.add.f32.msk $0xffff, v16  }
0x371: {  	[tilespmem:s22+$0x660] =	vst.add.f32.msk $0xffff, v58  }
0x372: {  	[tilespmem:s22+$0x670] =	vst.add.f32.msk $0xffff, v59  }
0x373: {  	[tilespmem:s22+$0xA00] =	vst.add.f32.msk $0xffff, v60  }
0x374: {  	[tilespmem:s22+$0xA10] =	vst.add.f32.msk $0xffff, v61  }
0x375: {  	[tilespmem:s22+$0xA20] =	vst.add.f32.msk $0xffff, v62  }
0x376: {  	[tilespmem:s22+$0xA30] =	vst.add.f32.msk $0xffff, v63  }
0x377: {  	[tilespmem:s22+$0xA40] =	vst.add.f32.msk $0xffff, v20  }
0x378: {  	[tilespmem:s22+$0xA50] =	vst.add.f32.msk $0xffff, v21  }
0x379: {  	[tilespmem:s22+$0xA60] =	vst.add.f32.msk $0xffff, v22  }
0x37a: {  	[tilespmem:s22+$0xA70] =	vst.add.f32.msk $0xffff, v23  }
0x37b: {  	[tilespmem:s22+$0xE00] =	vst.add.f32.msk $0xffff, v24  }
0x37c: {  	[tilespmem:s22+$0xE10] =	vst.add.f32.msk $0xffff, v25  }
0x37d: {  	[tilespmem:s22+$0xE20] =	vst.add.f32.msk $0xffff, v26  }
0x37e: {  	[tilespmem:s22+$0xE30] =	vst.add.f32.msk $0xffff, v27  }
0x37f: {  	[tilespmem:s22+$0xE40] =	vst.add.f32.msk $0xffff, v28  }
0x380: {  	[tilespmem:s22+$0xE50] =	vst.add.f32.msk $0xffff, v29  }
0x381: {  	[tilespmem:s22+$0xE60] =	vst.add.f32.msk $0xffff, v30  }
0x382: {  	[tilespmem:s22+$0xE70] =	vst.add.f32.msk $0xffff, v31  }
0x383: {  	[tilespmem:s22+$0x1200] =	vst.add.f32.msk $0xffff, v32  }
0x384: {  	[tilespmem:s22+$0x1210] =	vst.add.f32.msk $0xffff, v33  }
0x385: {  	[tilespmem:s22+$0x1220] =	vst.add.f32.msk $0xffff, v34  }
0x386: {  	[tilespmem:s22+$0x1230] =	vst.add.f32.msk $0xffff, v35  }
0x387: {  	[tilespmem:s22+$0x1240] =	vst.add.f32.msk $0xffff, v36  }
0x388: {  	[tilespmem:s22+$0x1250] =	vst.add.f32.msk $0xffff, v37  }
0x389: {  	[tilespmem:s22+$0x1260] =	vst.add.f32.msk $0xffff, v38  }
0x38a: {  	[tilespmem:s22+$0x1270] =	vst.add.f32.msk $0xffff, v39  }
0x38b: {  	[tilespmem:s22+$0x1600] =	vst.add.f32.msk $0xffff, v40  }
0x38c: {  	[tilespmem:s22+$0x1610] =	vst.add.f32.msk $0xffff, v41  }
0x38d: {  	[tilespmem:s22+$0x1620] =	vst.add.f32.msk $0xffff, v42  }
0x38e: {  	[tilespmem:s22+$0x1630] =	vst.add.f32.msk $0xffff, v43  }
0x38f: {  	[tilespmem:s22+$0x1640] =	vst.add.f32.msk $0xffff, v44  }
0x390: {  	[tilespmem:s22+$0x1650] =	vst.add.f32.msk $0xffff, v45  }
0x391: {  	[tilespmem:s22+$0x1660] =	vst.add.f32.msk $0xffff, v46  }
0x392: {  	[tilespmem:s22+$0x1670] =	vst.add.f32.msk $0xffff, v47  }
0x393: {  	[tilespmem:s22+$0x1A00] =	vst.add.f32.msk $0xffff, v48  }
0x394: {  	[tilespmem:s22+$0x1A10] =	vst.add.f32.msk $0xffff, v49  }
0x395: {  	[tilespmem:s22+$0x1A20] =	vst.add.f32.msk $0xffff, v50  }
0x396: {  	[tilespmem:s22+$0x1A30] =	vst.add.f32.msk $0xffff, v51  }
0x397: {  	[tilespmem:s22+$0x1A40] =	vst.add.f32.msk $0xffff, v52  }
0x398: {  	[tilespmem:s22+$0x1A50] =	vst.add.f32.msk $0xffff, v53  }
0x399: {  	v57 =	vld [tilespmem:s22+$0x5E10]  }
0x39a: {  	v58 =	vld [tilespmem:s22+$0x5E20]  }
0x39b: {  	[tilespmem:s22+$0x1A60] =	vst.add.f32.msk $0xffff, v54  }
0x39c: {  	[tilespmem:s22+$0x1A70] =	vst.add.f32.msk $0xffff, v55  }
0x39d: {  	[tilespmem:s22+$0x1E00] =	vst.add.f32.msk $0xffff, v56  }
0x39e: {  	v59 =	vld [tilespmem:s22+$0x5E30]  }
0x39f: {  	v60 =	vld [tilespmem:s22+$0x5E40]  }
0x3a0: {  	v61 =	vld [tilespmem:s22+$0x5E50]  }
0x3a1: {  	v62 =	vld [tilespmem:s22+$0x5E60]  }
0x3a2: {  	v63 =	vld [tilespmem:s22+$0x5E70]  }
0x3a3: {  	[tilespmem:s22+$0x1E10] =	vst.add.f32.msk $0xffff, v57  }
0x3a4: {  	[tilespmem:s22+$0x1E20] =	vst.add.f32.msk $0xffff, v58  }
0x3a5: {  	[tilespmem:s22+$0x1E30] =	vst.add.f32.msk $0xffff, v59  }
0x3a6: {  	s30 =	sand.u32 $0x7, s0;
	[tilespmem:s22+$0x1E40] =	vst.add.f32.msk $0xffff, v60  }
0x3a7: {  	s23 =	sshll.u32 s30, $0x7;
	[tilespmem:s22+$0x1E50] =	vst.add.f32.msk $0xffff, v61  }
0x3a8: {  	s23 =	sadd.s32 s23, s20;
	[tilespmem:s22+$0x1E60] =	vst.add.f32.msk $0xffff, v62  }
0x3a9: {  	s7 =	sor.u32 $0x1C00, s23;
	[tilespmem:s22+$0x1E70] =	vst.add.f32.msk $0xffff, v63  }
0x3aa: {  	v12 =	vld [tilespmem:s7+$0x4600];
	_ =	sdelay $0x4  }
0x3ab: {  	s30 =	sor.u32 $0x1C10, s23;
	[tilespmem:s7+$0x600] =	vst.add.f32.msk $0xffff, v12  }
0x3ac: {  	v12 =	vld [tilespmem:s30+$0x4600];
	_ =	sdelay $0x4  }
0x3ad: {  	s7 =	sor.u32 $0x1C20, s23;
	[tilespmem:s30+$0x600] =	vst.add.f32.msk $0xffff, v12  }
0x3ae: {  	v12 =	vld [tilespmem:s7+$0x4600];
	_ =	sdelay $0x4  }
0x3af: {  	s30 =	sor.u32 $0x1C30, s23;
	[tilespmem:s7+$0x600] =	vst.add.f32.msk $0xffff, v12  }
0x3b0: {  	v12 =	vld [tilespmem:s30+$0x4600];
	_ =	sdelay $0x4  }
0x3b1: {  	s7 =	sor.u32 $0x1C40, s23;
	[tilespmem:s30+$0x600] =	vst.add.f32.msk $0xffff, v12  }
0x3b2: {  	v12 =	vld [tilespmem:s7+$0x4600];
	_ =	sdelay $0x4  }
0x3b3: {  	s30 =	sor.u32 $0x1C50, s23;
	[tilespmem:s7+$0x600] =	vst.add.f32.msk $0xffff, v12  }
0x3b4: {  	v12 =	vld [tilespmem:s30+$0x4600];
	_ =	sdelay $0x4  }
0x3b5: {  	s7 =	sor.u32 $0x1C60, s23;
	[tilespmem:s30+$0x600] =	vst.add.f32.msk $0xffff, v12  }
0x3b6: {  	v12 =	vld [tilespmem:s7+$0x4600];
	_ =	sdelay $0x4  }
0x3b7: {  	s30 =	sor.u32 $0x1C70, s23;
	[tilespmem:s7+$0x600] =	vst.add.f32.msk $0xffff, v12  }
0x3b8: {  	p1 =	sne.s32 s21, $0x780;
	v12 =	vld [tilespmem:s30+$0x4600]  }
.Ltmp7:
0x3b9: {  	_ = 	snop;
	(pc) =	sbr.rel @p1 .LBB2_12-.Ltmp7, $3  }
0x3ba: {  	_ =	sdelay $0x1  }
0x3bb: {  	s0 =	sadd.s32 $0x1, s0  }
0x3bc: {  	s19 =	sadd.s32 $0x400, s19;
	s21 =	sadd.s32 $0x80, s21;
	s20 =	sadd.s32 $0x400, s20;
	[tilespmem:s30+$0x600] =	vst.add.f32.msk $0xffff, v12  }
0x3bd: {  	_ =	sdelay $0x2  }
0x3be: {  	s0 =	simm.s32 $0x0;
	s19 =	simm.s32 $0x600  }
0x3bf: {  	[hbm4b:s5+s0] =	stream.indirect_vreg.scatter [tilespmem:s19], [sflag:$0x7], $0x80, v9, vm0, $0xb8;
	[tilespmem:$0x18E00] =	vst v63  }
0x3c0: {  	s7 =	simm.s32 $0xE00  }
0x3c1: {  	[hbm4b:s15+s0] =	stream.indirect_vreg.scatter [tilespmem:s7], [sflag:$0x7], $0x80, v9, vm0, $0xb8;
	[tilespmem:$0x18E00] =	vst v63  }
0x3c2: {  	s20 =	simm.s32 $0x1600  }
0x3c3: {  	[hbm4b:s16+s0] =	stream.indirect_vreg.scatter [tilespmem:s20], [sflag:$0x7], $0x80, v9, vm0, $0xb8;
	[tilespmem:$0x18E00] =	vst v63  }
0x3c4: {  	s21 =	simm.s32 $0x1E00  }
0x3c5: {  	[hbm4b:s17+s0] =	stream.indirect_vreg.scatter [tilespmem:s21], [sflag:$0x7], $0x80, v9, vm0, $0xb8;
	[tilespmem:$0x18E00] =	vst v63  }
0x3c6: {  	s22 =	simm.s32 $0x2600  }
0x3c7: {  	[hbm4b:s5+s0] =	stream.indirect_vreg.scatter [tilespmem:s22], [sflag:$0x7], $0x80, v10, vm0, $0xb8;
	[tilespmem:$0x18E00] =	vst v63  }
0x3c8: {  	s23 =	simm.s32 $0x2E00  }
0x3c9: {  	[hbm4b:s15+s0] =	stream.indirect_vreg.scatter [tilespmem:s23], [sflag:$0x7], $0x80, v10, vm0, $0xb8;
	[tilespmem:$0x18E00] =	vst v63  }
0x3ca: {  	s30 =	simm.s32 $0x3600  }
0x3cb: {  	[hbm4b:s16+s0] =	stream.indirect_vreg.scatter [tilespmem:s30], [sflag:$0x7], $0x80, v10, vm0, $0xb8;
	[tilespmem:$0x18E00] =	vst v63  }
0x3cc: {  	s7 =	simm.s32 $0x3E00  }
0x3cd: {  	[hbm4b:s17+s0] =	stream.indirect_vreg.scatter [tilespmem:s7], [sflag:$0x7], $0x80, v10, vm0, $0xb8;
	[tilespmem:$0x18E00] =	vst v63  }
0x3ce: {  	_ =	swait.ge [sflag:s31], $0x4000  }
0x3cf: {  	[sflag:s31] =	ssyncset.done $0x0  }
0x3d0: {  	[sflag:s31] =	ssyncadd.s32 $0xFFFFC000  }
0x3d1: {  	_ =	swait.ge [sflag:s4], $0x4000  }
0x3d2: {  	[sflag:s4] =	ssyncset.done $0x0  }
0x3d3: {  	[sflag:s4] =	ssyncadd.s32 $0xFFFFC000  }
0x3d4: {  	_ =	swait.ge [sflag:s2], $0x4000  }
0x3d5: {  	s19 =	simm.s32 $0xFFFFC000;
	[sflag:s2] =	ssyncset.done $0x0  }
0x3d6: {  	s20 =	simm.s32 $0x0;
	s21 =	simm.s32 $0x0;
	[sflag:s2] =	ssyncadd.s32 $0xFFFFC000  }
.LBB2_14:
0x3d7: {  	s22 =	sadd.s32 $0x4000, s19  }
0x3d8: {  	s23 =	sand.u32 $0x380, s21;
	s22 =	sand.u32 $0x2000, s22  }
0x3d9: {  	s22 =	sor.u32 s23, s22  }
0x3da: {  	v12 =	vld [tilespmem:s22+$0xC600]  }
0x3db: {  	v57 =	vld [tilespmem:s22+$0xC610]  }
0x3dc: {  	v13 =	vld [tilespmem:s22+$0xC620]  }
0x3dd: {  	v14 =	vld [tilespmem:s22+$0xC630]  }
0x3de: {  	v15 =	vld [tilespmem:s22+$0xC640]  }
0x3df: {  	v16 =	vld [tilespmem:s22+$0xC650]  }
0x3e0: {  	v58 =	vld [tilespmem:s22+$0xC660]  }
0x3e1: {  	v59 =	vld [tilespmem:s22+$0xC670]  }
0x3e2: {  	v60 =	vld [tilespmem:s22+$0xCA00]  }
0x3e3: {  	v61 =	vld [tilespmem:s22+$0xCA10]  }
0x3e4: {  	v62 =	vld [tilespmem:s22+$0xCA20]  }
0x3e5: {  	v63 =	vld [tilespmem:s22+$0xCA30]  }
0x3e6: {  	v20 =	vld [tilespmem:s22+$0xCA40]  }
0x3e7: {  	v21 =	vld [tilespmem:s22+$0xCA50]  }
0x3e8: {  	v22 =	vld [tilespmem:s22+$0xCA60]  }
0x3e9: {  	v23 =	vld [tilespmem:s22+$0xCA70]  }
0x3ea: {  	v24 =	vld [tilespmem:s22+$0xCE00]  }
0x3eb: {  	v25 =	vld [tilespmem:s22+$0xCE10]  }
0x3ec: {  	v26 =	vld [tilespmem:s22+$0xCE20]  }
0x3ed: {  	v27 =	vld [tilespmem:s22+$0xCE30]  }
0x3ee: {  	v28 =	vld [tilespmem:s22+$0xCE40]  }
0x3ef: {  	v29 =	vld [tilespmem:s22+$0xCE50]  }
0x3f0: {  	v30 =	vld [tilespmem:s22+$0xCE60]  }
0x3f1: {  	v31 =	vld [tilespmem:s22+$0xCE70]  }
0x3f2: {  	v32 =	vld [tilespmem:s22+$0xD200]  }
0x3f3: {  	v33 =	vld [tilespmem:s22+$0xD210]  }
0x3f4: {  	v34 =	vld [tilespmem:s22+$0xD220]  }
0x3f5: {  	v35 =	vld [tilespmem:s22+$0xD230]  }
0x3f6: {  	v36 =	vld [tilespmem:s22+$0xD240]  }
0x3f7: {  	v37 =	vld [tilespmem:s22+$0xD250]  }
0x3f8: {  	v38 =	vld [tilespmem:s22+$0xD260]  }
0x3f9: {  	v39 =	vld [tilespmem:s22+$0xD270]  }
0x3fa: {  	v40 =	vld [tilespmem:s22+$0xD600]  }
0x3fb: {  	v41 =	vld [tilespmem:s22+$0xD610]  }
0x3fc: {  	v42 =	vld [tilespmem:s22+$0xD620]  }
0x3fd: {  	v43 =	vld [tilespmem:s22+$0xD630]  }
0x3fe: {  	v44 =	vld [tilespmem:s22+$0xD640]  }
0x3ff: {  	v45 =	vld [tilespmem:s22+$0xD650]  }
0x400: {  	v46 =	vld [tilespmem:s22+$0xD660]  }
0x401: {  	v47 =	vld [tilespmem:s22+$0xD670]  }
0x402: {  	v48 =	vld [tilespmem:s22+$0xDA00]  }
0x403: {  	v49 =	vld [tilespmem:s22+$0xDA10]  }
0x404: {  	v50 =	vld [tilespmem:s22+$0xDA20]  }
0x405: {  	v51 =	vld [tilespmem:s22+$0xDA30]  }
0x406: {  	v52 =	vld [tilespmem:s22+$0xDA40]  }
0x407: {  	v53 =	vld [tilespmem:s22+$0xDA50]  }
0x408: {  	v54 =	vld [tilespmem:s22+$0xDA60]  }
0x409: {  	v55 =	vld [tilespmem:s22+$0xDA70]  }
0x40a: {  	v56 =	vld [tilespmem:s22+$0xDE00]  }
0x40b: {  	[tilespmem:s22+$0x8600] =	vst.add.f32.msk $0xffff, v12  }
0x40c: {  	[tilespmem:s22+$0x8610] =	vst.add.f32.msk $0xffff, v57  }
0x40d: {  	[tilespmem:s22+$0x8620] =	vst.add.f32.msk $0xffff, v13  }
0x40e: {  	[tilespmem:s22+$0x8630] =	vst.add.f32.msk $0xffff, v14  }
0x40f: {  	[tilespmem:s22+$0x8640] =	vst.add.f32.msk $0xffff, v15  }
0x410: {  	[tilespmem:s22+$0x8650] =	vst.add.f32.msk $0xffff, v16  }
0x411: {  	[tilespmem:s22+$0x8660] =	vst.add.f32.msk $0xffff, v58  }
0x412: {  	[tilespmem:s22+$0x8670] =	vst.add.f32.msk $0xffff, v59  }
0x413: {  	[tilespmem:s22+$0x8A00] =	vst.add.f32.msk $0xffff, v60  }
0x414: {  	[tilespmem:s22+$0x8A10] =	vst.add.f32.msk $0xffff, v61  }
0x415: {  	[tilespmem:s22+$0x8A20] =	vst.add.f32.msk $0xffff, v62  }
0x416: {  	[tilespmem:s22+$0x8A30] =	vst.add.f32.msk $0xffff, v63  }
0x417: {  	[tilespmem:s22+$0x8A40] =	vst.add.f32.msk $0xffff, v20  }
0x418: {  	[tilespmem:s22+$0x8A50] =	vst.add.f32.msk $0xffff, v21  }
0x419: {  	[tilespmem:s22+$0x8A60] =	vst.add.f32.msk $0xffff, v22  }
0x41a: {  	[tilespmem:s22+$0x8A70] =	vst.add.f32.msk $0xffff, v23  }
0x41b: {  	[tilespmem:s22+$0x8E00] =	vst.add.f32.msk $0xffff, v24  }
0x41c: {  	[tilespmem:s22+$0x8E10] =	vst.add.f32.msk $0xffff, v25  }
0x41d: {  	[tilespmem:s22+$0x8E20] =	vst.add.f32.msk $0xffff, v26  }
0x41e: {  	[tilespmem:s22+$0x8E30] =	vst.add.f32.msk $0xffff, v27  }
0x41f: {  	[tilespmem:s22+$0x8E40] =	vst.add.f32.msk $0xffff, v28  }
0x420: {  	[tilespmem:s22+$0x8E50] =	vst.add.f32.msk $0xffff, v29  }
0x421: {  	[tilespmem:s22+$0x8E60] =	vst.add.f32.msk $0xffff, v30  }
0x422: {  	[tilespmem:s22+$0x8E70] =	vst.add.f32.msk $0xffff, v31  }
0x423: {  	[tilespmem:s22+$0x9200] =	vst.add.f32.msk $0xffff, v32  }
0x424: {  	[tilespmem:s22+$0x9210] =	vst.add.f32.msk $0xffff, v33  }
0x425: {  	[tilespmem:s22+$0x9220] =	vst.add.f32.msk $0xffff, v34  }
0x426: {  	[tilespmem:s22+$0x9230] =	vst.add.f32.msk $0xffff, v35  }
0x427: {  	[tilespmem:s22+$0x9240] =	vst.add.f32.msk $0xffff, v36  }
0x428: {  	[tilespmem:s22+$0x9250] =	vst.add.f32.msk $0xffff, v37  }
0x429: {  	[tilespmem:s22+$0x9260] =	vst.add.f32.msk $0xffff, v38  }
0x42a: {  	[tilespmem:s22+$0x9270] =	vst.add.f32.msk $0xffff, v39  }
0x42b: {  	[tilespmem:s22+$0x9600] =	vst.add.f32.msk $0xffff, v40  }
0x42c: {  	[tilespmem:s22+$0x9610] =	vst.add.f32.msk $0xffff, v41  }
0x42d: {  	[tilespmem:s22+$0x9620] =	vst.add.f32.msk $0xffff, v42  }
0x42e: {  	[tilespmem:s22+$0x9630] =	vst.add.f32.msk $0xffff, v43  }
0x42f: {  	[tilespmem:s22+$0x9640] =	vst.add.f32.msk $0xffff, v44  }
0x430: {  	[tilespmem:s22+$0x9650] =	vst.add.f32.msk $0xffff, v45  }
0x431: {  	[tilespmem:s22+$0x9660] =	vst.add.f32.msk $0xffff, v46  }
0x432: {  	[tilespmem:s22+$0x9670] =	vst.add.f32.msk $0xffff, v47  }
0x433: {  	[tilespmem:s22+$0x9A00] =	vst.add.f32.msk $0xffff, v48  }
0x434: {  	[tilespmem:s22+$0x9A10] =	vst.add.f32.msk $0xffff, v49  }
0x435: {  	[tilespmem:s22+$0x9A20] =	vst.add.f32.msk $0xffff, v50  }
0x436: {  	[tilespmem:s22+$0x9A30] =	vst.add.f32.msk $0xffff, v51  }
0x437: {  	[tilespmem:s22+$0x9A40] =	vst.add.f32.msk $0xffff, v52  }
0x438: {  	[tilespmem:s22+$0x9A50] =	vst.add.f32.msk $0xffff, v53  }
0x439: {  	v57 =	vld [tilespmem:s22+$0xDE10]  }
0x43a: {  	v58 =	vld [tilespmem:s22+$0xDE20]  }
0x43b: {  	[tilespmem:s22+$0x9A60] =	vst.add.f32.msk $0xffff, v54  }
0x43c: {  	[tilespmem:s22+$0x9A70] =	vst.add.f32.msk $0xffff, v55  }
0x43d: {  	[tilespmem:s22+$0x9E00] =	vst.add.f32.msk $0xffff, v56  }
0x43e: {  	v59 =	vld [tilespmem:s22+$0xDE30]  }
0x43f: {  	v60 =	vld [tilespmem:s22+$0xDE40]  }
0x440: {  	v61 =	vld [tilespmem:s22+$0xDE50]  }
0x441: {  	v62 =	vld [tilespmem:s22+$0xDE60]  }
0x442: {  	v63 =	vld [tilespmem:s22+$0xDE70]  }
0x443: {  	[tilespmem:s22+$0x9E10] =	vst.add.f32.msk $0xffff, v57  }
0x444: {  	[tilespmem:s22+$0x9E20] =	vst.add.f32.msk $0xffff, v58  }
0x445: {  	[tilespmem:s22+$0x9E30] =	vst.add.f32.msk $0xffff, v59  }
0x446: {  	s30 =	sand.u32 $0x7, s0;
	[tilespmem:s22+$0x9E40] =	vst.add.f32.msk $0xffff, v60  }
0x447: {  	s23 =	sshll.u32 s30, $0x7;
	[tilespmem:s22+$0x9E50] =	vst.add.f32.msk $0xffff, v61  }
0x448: {  	s23 =	sadd.s32 s23, s20;
	[tilespmem:s22+$0x9E60] =	vst.add.f32.msk $0xffff, v62  }
0x449: {  	s7 =	sor.u32 $0x1C00, s23;
	[tilespmem:s22+$0x9E70] =	vst.add.f32.msk $0xffff, v63  }
0x44a: {  	v12 =	vld [tilespmem:s7+$0xC600];
	_ =	sdelay $0x4  }
0x44b: {  	s30 =	sor.u32 $0x1C10, s23;
	[tilespmem:s7+$0x8600] =	vst.add.f32.msk $0xffff, v12  }
0x44c: {  	v12 =	vld [tilespmem:s30+$0xC600];
	_ =	sdelay $0x4  }
0x44d: {  	s7 =	sor.u32 $0x1C20, s23;
	[tilespmem:s30+$0x8600] =	vst.add.f32.msk $0xffff, v12  }
0x44e: {  	v12 =	vld [tilespmem:s7+$0xC600];
	_ =	sdelay $0x4  }
0x44f: {  	s30 =	sor.u32 $0x1C30, s23;
	[tilespmem:s7+$0x8600] =	vst.add.f32.msk $0xffff, v12  }
0x450: {  	v12 =	vld [tilespmem:s30+$0xC600];
	_ =	sdelay $0x4  }
0x451: {  	s7 =	sor.u32 $0x1C40, s23;
	[tilespmem:s30+$0x8600] =	vst.add.f32.msk $0xffff, v12  }
0x452: {  	v12 =	vld [tilespmem:s7+$0xC600];
	_ =	sdelay $0x4  }
0x453: {  	s30 =	sor.u32 $0x1C50, s23;
	[tilespmem:s7+$0x8600] =	vst.add.f32.msk $0xffff, v12  }
0x454: {  	v12 =	vld [tilespmem:s30+$0xC600];
	_ =	sdelay $0x4  }
0x455: {  	s7 =	sor.u32 $0x1C60, s23;
	[tilespmem:s30+$0x8600] =	vst.add.f32.msk $0xffff, v12  }
0x456: {  	v12 =	vld [tilespmem:s7+$0xC600];
	_ =	sdelay $0x4  }
0x457: {  	s30 =	sor.u32 $0x1C70, s23;
	[tilespmem:s7+$0x8600] =	vst.add.f32.msk $0xffff, v12  }
0x458: {  	p1 =	sne.s32 s21, $0x780;
	v12 =	vld [tilespmem:s30+$0xC600]  }
.Ltmp8:
0x459: {  	_ = 	snop;
	(pc) =	sbr.rel @p1 .LBB2_14-.Ltmp8, $3  }
0x45a: {  	_ =	sdelay $0x1  }
0x45b: {  	s0 =	sadd.s32 $0x1, s0  }
0x45c: {  	s19 =	sadd.s32 $0x400, s19;
	s21 =	sadd.s32 $0x80, s21;
	s20 =	sadd.s32 $0x400, s20;
	[tilespmem:s30+$0x8600] =	vst.add.f32.msk $0xffff, v12  }
0x45d: {  	v12 =	vadd.s32 v6, v11;
	_ =	sdelay $0x3  }
0x45e: {  	s0 =	simm.s32 $0x8600  }
0x45f: {  	[hbm4b:s5+s6] =	stream.indirect_vreg.scatter [tilespmem:s0], [sflag:$0x7], $0x80, v12, vm0, $0xb8;
	[tilespmem:$0x18E00] =	vst v63  }
0x460: {  	v13 =	vperm.xlane v7, v5;
	s21 =	simm.s32 $0x8E00  }
0x461: {  	[hbm4b:s15+s6] =	stream.indirect_vreg.scatter [tilespmem:s21], [sflag:$0x7], $0x80, v12, vm0, $0xb8;
	[tilespmem:$0x18E00] =	vst v63  }
0x462: {  	s22 =	simm.s32 $0x9600;
	v13 =	vadd.s32 v6, v13  }
0x463: {  	[hbm4b:s16+s6] =	stream.indirect_vreg.scatter [tilespmem:s22], [sflag:$0x7], $0x80, v12, vm0, $0xb8;
	[tilespmem:$0x18E00] =	vst v63  }
0x464: {  	s23 =	simm.s32 $0x9E00  }
0x465: {  	[hbm4b:s17+s6] =	stream.indirect_vreg.scatter [tilespmem:s23], [sflag:$0x7], $0x80, v12, vm0, $0xb8;
	[tilespmem:$0x18E00] =	vst v63  }
0x466: {  	s30 =	simm.s32 $0xA600  }
0x467: {  	[hbm4b:s5+s6] =	stream.indirect_vreg.scatter [tilespmem:s30], [sflag:$0x7], $0x80, v13, vm0, $0xb8;
	[tilespmem:$0x18E00] =	vst v63  }
0x468: {  	_ = 	snop  }
0x469: {  	[hbm4b:s15+s6] =	stream.indirect_vreg.scatter [tilespmem:s8], [sflag:$0x7], $0x80, v13, vm0, $0xb8;
	[tilespmem:$0x18E00] =	vst v63  }
0x46a: {  	_ = 	snop  }
0x46b: {  	[hbm4b:s16+s6] =	stream.indirect_vreg.scatter [tilespmem:s28], [sflag:$0x7], $0x80, v13, vm0, $0xb8;
	[tilespmem:$0x18E00] =	vst v63  }
.Ltmp9:
0x46c: {  	_ = 	snop;
	(pc) =	sbr.rel @p0 .LBB2_21-.Ltmp9, $4  }
0x46d: {  	[hbm4b:s17+s6] =	stream.indirect_vreg.scatter [tilespmem:s29], [sflag:$0x7], $0x80, v13, vm0, $0xb8;
	[tilespmem:$0x18E00] =	vst v63  }
0x46e: {  	_ =	swait.ge [sflag:s31], $0x4000  }
0x46f: {  	[sflag:s31] =	ssyncset.done $0x0  }
0x470: {  	s7 =	rddreg [dreg:$0x13];
	[sflag:s31] =	ssyncadd.s32 $0xFFFFC000  }
0x471: {  	s7 =	simm.s32 $0x8  }
0x472: {  	_ =	swait.ge [sflag:s7], $0x400  }
0x473: {  	[sflag:s7] =	ssyncset.done $0x0  }
0x474: {  	s0 =	simm.s32 $0x0;
	[sflag:s7] =	ssyncadd.s32 $0xFFFFFC00  }
0x475: {  	s19 =	sand.u32 $0x70, s0;
	s20 =	sand.u32 $0x700, s0;
	_ =	swait.ge [sflag:s7], $0x400  }
0x476: {  	s19 =	sor.u32 s19, s20;
	[sflag:s7] =	ssyncset.done $0x0  }
0x477: {  	s21 =	sadd.s32 $0x18600, s19;
	[sflag:s7] =	ssyncadd.s32 $0xFFFFFC00  }
0x478: {  	s20 =	simm.s32 $0x10;
	v12 =	vld [tilespmem:s21+$0x80];
	s21 =	simm.s32 $0x0  }
.LBB2_17:
0x479: {  	p1 =	sne.s32 s20, $0x3F0  }
.Ltmp10:
0x47a: {  	s22 =	sand.u32 $0x70, s20;
	s21 =	sadd.s32 $0x20, s21;
	(pc) =	sbr.rel @p1 .LBB2_17-.Ltmp10, $4  }
0x47b: {  	s20 =	sadd.s32 $0x10, s20;
	s23 =	sand.u32 $0x700, s21  }
0x47c: {  	s22 =	sor.u32 s22, s23  }
0x47d: {  	s23 =	sadd.s32 $0x18600, s22;
	[tilespmem:s19+$0x18600] =	vst.add.f32.msk $0xffff, v12;
	s19 =	smov.u32 s22  }
0x47e: {  	v12 =	vld [tilespmem:s23+$0x80]  }
0x47f: {  	_ =	sdelay $0x3  }
0x480: {  	s20 =	simm.s32 $0x0;
	s21 =	simm.s32 $0x0;
	[tilespmem:s19+$0x18600] =	vst.add.f32.msk $0xffff, v12;
	s19 =	simm.s32 $0xFFFFC000  }
.LBB2_19:
0x481: {  	v12 =	vld [tilespmem:$0x18600];
	_ =	sdelay $0x1  }
0x482: {  	s22 =	sadd.s32 $0x4000, s19  }
0x483: {  	s23 =	sand.u32 $0x380, s21;
	s22 =	sand.u32 $0x2000, s22  }
0x484: {  	s22 =	sor.u32 s23, s22  }
0x485: {  	[tilespmem:s22+$0x600] =	vst v12  }
0x486: {  	v12 =	vld [tilespmem:$0x18610];
	_ =	sdelay $0x4  }
0x487: {  	[tilespmem:s22+$0x610] =	vst v12  }
0x488: {  	v12 =	vld [tilespmem:$0x18620];
	_ =	sdelay $0x4  }
0x489: {  	[tilespmem:s22+$0x620] =	vst v12  }
0x48a: {  	v12 =	vld [tilespmem:$0x18630];
	_ =	sdelay $0x4  }
0x48b: {  	[tilespmem:s22+$0x630] =	vst v12  }
0x48c: {  	v12 =	vld [tilespmem:$0x18640];
	_ =	sdelay $0x4  }
0x48d: {  	[tilespmem:s22+$0x640] =	vst v12  }
0x48e: {  	v12 =	vld [tilespmem:$0x18650];
	_ =	sdelay $0x4  }
0x48f: {  	[tilespmem:s22+$0x650] =	vst v12  }
0x490: {  	v12 =	vld [tilespmem:$0x18660];
	_ =	sdelay $0x4  }
0x491: {  	[tilespmem:s22+$0x660] =	vst v12  }
0x492: {  	v12 =	vld [tilespmem:$0x18670];
	_ =	sdelay $0x4  }
0x493: {  	[tilespmem:s22+$0x670] =	vst v12  }
0x494: {  	v12 =	vld [tilespmem:$0x18700];
	_ =	sdelay $0x4  }
0x495: {  	[tilespmem:s22+$0xA00] =	vst v12  }
0x496: {  	v12 =	vld [tilespmem:$0x18710];
	_ =	sdelay $0x4  }
0x497: {  	[tilespmem:s22+$0xA10] =	vst v12  }
0x498: {  	v12 =	vld [tilespmem:$0x18720];
	_ =	sdelay $0x4  }
0x499: {  	[tilespmem:s22+$0xA20] =	vst v12  }
0x49a: {  	v12 =	vld [tilespmem:$0x18730];
	_ =	sdelay $0x4  }
0x49b: {  	[tilespmem:s22+$0xA30] =	vst v12  }
0x49c: {  	v12 =	vld [tilespmem:$0x18740];
	_ =	sdelay $0x4  }
0x49d: {  	[tilespmem:s22+$0xA40] =	vst v12  }
0x49e: {  	v12 =	vld [tilespmem:$0x18750];
	_ =	sdelay $0x4  }
0x49f: {  	[tilespmem:s22+$0xA50] =	vst v12  }
0x4a0: {  	v12 =	vld [tilespmem:$0x18760];
	_ =	sdelay $0x4  }
0x4a1: {  	[tilespmem:s22+$0xA60] =	vst v12  }
0x4a2: {  	v12 =	vld [tilespmem:$0x18770];
	_ =	sdelay $0x4  }
0x4a3: {  	[tilespmem:s22+$0xA70] =	vst v12  }
0x4a4: {  	v12 =	vld [tilespmem:$0x18800];
	_ =	sdelay $0x4  }
0x4a5: {  	[tilespmem:s22+$0xE00] =	vst v12  }
0x4a6: {  	v12 =	vld [tilespmem:$0x18810];
	_ =	sdelay $0x4  }
0x4a7: {  	[tilespmem:s22+$0xE10] =	vst v12  }
0x4a8: {  	v12 =	vld [tilespmem:$0x18820];
	_ =	sdelay $0x4  }
0x4a9: {  	[tilespmem:s22+$0xE20] =	vst v12  }
0x4aa: {  	v12 =	vld [tilespmem:$0x18830];
	_ =	sdelay $0x4  }
0x4ab: {  	[tilespmem:s22+$0xE30] =	vst v12  }
0x4ac: {  	v12 =	vld [tilespmem:$0x18840];
	_ =	sdelay $0x4  }
0x4ad: {  	[tilespmem:s22+$0xE40] =	vst v12  }
0x4ae: {  	v12 =	vld [tilespmem:$0x18850];
	_ =	sdelay $0x4  }
0x4af: {  	[tilespmem:s22+$0xE50] =	vst v12  }
0x4b0: {  	v12 =	vld [tilespmem:$0x18860];
	_ =	sdelay $0x4  }
0x4b1: {  	[tilespmem:s22+$0xE60] =	vst v12  }
0x4b2: {  	v12 =	vld [tilespmem:$0x18870];
	_ =	sdelay $0x4  }
0x4b3: {  	[tilespmem:s22+$0xE70] =	vst v12  }
0x4b4: {  	v12 =	vld [tilespmem:$0x18900];
	_ =	sdelay $0x4  }
0x4b5: {  	[tilespmem:s22+$0x1200] =	vst v12  }
0x4b6: {  	v12 =	vld [tilespmem:$0x18910];
	_ =	sdelay $0x4  }
0x4b7: {  	[tilespmem:s22+$0x1210] =	vst v12  }
0x4b8: {  	v12 =	vld [tilespmem:$0x18920];
	_ =	sdelay $0x4  }
0x4b9: {  	[tilespmem:s22+$0x1220] =	vst v12  }
0x4ba: {  	v12 =	vld [tilespmem:$0x18930];
	_ =	sdelay $0x4  }
0x4bb: {  	[tilespmem:s22+$0x1230] =	vst v12  }
0x4bc: {  	v12 =	vld [tilespmem:$0x18940];
	_ =	sdelay $0x4  }
0x4bd: {  	[tilespmem:s22+$0x1240] =	vst v12  }
0x4be: {  	v12 =	vld [tilespmem:$0x18950];
	_ =	sdelay $0x4  }
0x4bf: {  	[tilespmem:s22+$0x1250] =	vst v12  }
0x4c0: {  	v12 =	vld [tilespmem:$0x18960];
	_ =	sdelay $0x4  }
0x4c1: {  	[tilespmem:s22+$0x1260] =	vst v12  }
0x4c2: {  	v12 =	vld [tilespmem:$0x18970];
	_ =	sdelay $0x4  }
0x4c3: {  	[tilespmem:s22+$0x1270] =	vst v12  }
0x4c4: {  	v12 =	vld [tilespmem:$0x18A00];
	_ =	sdelay $0x4  }
0x4c5: {  	[tilespmem:s22+$0x1600] =	vst v12  }
0x4c6: {  	v12 =	vld [tilespmem:$0x18A10];
	_ =	sdelay $0x4  }
0x4c7: {  	[tilespmem:s22+$0x1610] =	vst v12  }
0x4c8: {  	v12 =	vld [tilespmem:$0x18A20];
	_ =	sdelay $0x4  }
0x4c9: {  	[tilespmem:s22+$0x1620] =	vst v12  }
0x4ca: {  	v12 =	vld [tilespmem:$0x18A30];
	_ =	sdelay $0x4  }
0x4cb: {  	[tilespmem:s22+$0x1630] =	vst v12  }
0x4cc: {  	v12 =	vld [tilespmem:$0x18A40];
	_ =	sdelay $0x4  }
0x4cd: {  	[tilespmem:s22+$0x1640] =	vst v12  }
0x4ce: {  	v12 =	vld [tilespmem:$0x18A50];
	_ =	sdelay $0x4  }
0x4cf: {  	[tilespmem:s22+$0x1650] =	vst v12  }
0x4d0: {  	v12 =	vld [tilespmem:$0x18A60];
	_ =	sdelay $0x4  }
0x4d1: {  	[tilespmem:s22+$0x1660] =	vst v12  }
0x4d2: {  	v12 =	vld [tilespmem:$0x18A70];
	_ =	sdelay $0x4  }
0x4d3: {  	[tilespmem:s22+$0x1670] =	vst v12  }
0x4d4: {  	v12 =	vld [tilespmem:$0x18B00];
	_ =	sdelay $0x4  }
0x4d5: {  	[tilespmem:s22+$0x1A00] =	vst v12  }
0x4d6: {  	v12 =	vld [tilespmem:$0x18B10];
	_ =	sdelay $0x4  }
0x4d7: {  	[tilespmem:s22+$0x1A10] =	vst v12  }
0x4d8: {  	v12 =	vld [tilespmem:$0x18B20];
	_ =	sdelay $0x4  }
0x4d9: {  	[tilespmem:s22+$0x1A20] =	vst v12  }
0x4da: {  	v12 =	vld [tilespmem:$0x18B30];
	_ =	sdelay $0x4  }
0x4db: {  	[tilespmem:s22+$0x1A30] =	vst v12  }
0x4dc: {  	v12 =	vld [tilespmem:$0x18B40];
	_ =	sdelay $0x4  }
0x4dd: {  	[tilespmem:s22+$0x1A40] =	vst v12  }
0x4de: {  	v12 =	vld [tilespmem:$0x18B50];
	_ =	sdelay $0x4  }
0x4df: {  	[tilespmem:s22+$0x1A50] =	vst v12  }
0x4e0: {  	v12 =	vld [tilespmem:$0x18B60];
	_ =	sdelay $0x4  }
0x4e1: {  	[tilespmem:s22+$0x1A60] =	vst v12  }
0x4e2: {  	v12 =	vld [tilespmem:$0x18B70];
	_ =	sdelay $0x4  }
0x4e3: {  	[tilespmem:s22+$0x1A70] =	vst v12  }
0x4e4: {  	v12 =	vld [tilespmem:$0x18C00];
	_ =	sdelay $0x4  }
0x4e5: {  	[tilespmem:s22+$0x1E00] =	vst v12  }
0x4e6: {  	v12 =	vld [tilespmem:$0x18C10];
	_ =	sdelay $0x4  }
0x4e7: {  	[tilespmem:s22+$0x1E10] =	vst v12  }
0x4e8: {  	v12 =	vld [tilespmem:$0x18C20];
	_ =	sdelay $0x4  }
0x4e9: {  	[tilespmem:s22+$0x1E20] =	vst v12  }
0x4ea: {  	v12 =	vld [tilespmem:$0x18C30];
	_ =	sdelay $0x4  }
0x4eb: {  	[tilespmem:s22+$0x1E30] =	vst v12  }
0x4ec: {  	v12 =	vld [tilespmem:$0x18C40];
	_ =	sdelay $0x4  }
0x4ed: {  	[tilespmem:s22+$0x1E40] =	vst v12  }
0x4ee: {  	v12 =	vld [tilespmem:$0x18C50];
	_ =	sdelay $0x4  }
0x4ef: {  	[tilespmem:s22+$0x1E50] =	vst v12  }
0x4f0: {  	v12 =	vld [tilespmem:$0x18C60];
	_ =	sdelay $0x4  }
0x4f1: {  	[tilespmem:s22+$0x1E60] =	vst v12  }
0x4f2: {  	v12 =	vld [tilespmem:$0x18C70];
	_ =	sdelay $0x4  }
0x4f3: {  	[tilespmem:s22+$0x1E70] =	vst v12  }
0x4f4: {  	v12 =	vld [tilespmem:$0x18D00]  }
0x4f5: {  	s23 =	sand.u32 $0x7, s0  }
0x4f6: {  	s22 =	sshll.u32 s23, $0x7  }
0x4f7: {  	s22 =	sadd.s32 s22, s20  }
0x4f8: {  	s30 =	sor.u32 $0x1C00, s22  }
0x4f9: {  	[tilespmem:s30+$0x600] =	vst v12  }
0x4fa: {  	v12 =	vld [tilespmem:$0x18D10];
	_ =	sdelay $0x3  }
0x4fb: {  	s7 =	sor.u32 $0x1C10, s22  }
0x4fc: {  	[tilespmem:s7+$0x600] =	vst v12  }
0x4fd: {  	v12 =	vld [tilespmem:$0x18D20];
	_ =	sdelay $0x3  }
0x4fe: {  	s30 =	sor.u32 $0x1C20, s22  }
0x4ff: {  	[tilespmem:s30+$0x600] =	vst v12  }
0x500: {  	v12 =	vld [tilespmem:$0x18D30];
	_ =	sdelay $0x3  }
0x501: {  	s7 =	sor.u32 $0x1C30, s22  }
0x502: {  	[tilespmem:s7+$0x600] =	vst v12  }
0x503: {  	v12 =	vld [tilespmem:$0x18D40];
	_ =	sdelay $0x3  }
0x504: {  	s30 =	sor.u32 $0x1C40, s22  }
0x505: {  	[tilespmem:s30+$0x600] =	vst v12  }
0x506: {  	v12 =	vld [tilespmem:$0x18D50];
	_ =	sdelay $0x3  }
0x507: {  	s7 =	sor.u32 $0x1C50, s22  }
0x508: {  	[tilespmem:s7+$0x600] =	vst v12  }
0x509: {  	v12 =	vld [tilespmem:$0x18D60];
	_ =	sdelay $0x3  }
0x50a: {  	s30 =	sor.u32 $0x1C60, s22  }
0x50b: {  	[tilespmem:s30+$0x600] =	vst v12  }
0x50c: {  	p1 =	sne.s32 s21, $0x780;
	v12 =	vld [tilespmem:$0x18D70]  }
.Ltmp11:
0x50d: {  	_ = 	snop;
	(pc) =	sbr.rel @p1 .LBB2_19-.Ltmp11, $3  }
0x50e: {  	_ =	sdelay $0x1  }
0x50f: {  	s19 =	sadd.s32 $0x400, s19;
	s22 =	sor.u32 $0x1C70, s22  }
0x510: {  	s21 =	sadd.s32 $0x80, s21;
	s0 =	sadd.s32 $0x1, s0;
	s20 =	sadd.s32 $0x400, s20;
	[tilespmem:s22+$0x600] =	vst v12  }
0x511: {  	v12 =	vperm.xlane v8, v4;
	_ =	sdelay $0x1  }
0x512: {  	v12 =	vadd.s32 v6, v12;
	_ =	sdelay $0x3  }
0x513: {  	s0 =	simm.s32 $0x600  }
0x514: {  	[hbm4b:s5+s6] =	stream.indirect_vreg.scatter [tilespmem:s0], [sflag:$0x7], $0x80, v12, vm0, $0xb8;
	[tilespmem:$0x18E00] =	vst v63  }
0x515: {  	v13 =	vperm.xlane v8, v5;
	s7 =	simm.s32 $0xE00  }
0x516: {  	[hbm4b:s15+s6] =	stream.indirect_vreg.scatter [tilespmem:s7], [sflag:$0x7], $0x80, v12, vm0, $0xb8;
	[tilespmem:$0x18E00] =	vst v63  }
0x517: {  	s19 =	simm.s32 $0x1600;
	v13 =	vadd.s32 v6, v13  }
0x518: {  	[hbm4b:s16+s6] =	stream.indirect_vreg.scatter [tilespmem:s19], [sflag:$0x7], $0x80, v12, vm0, $0xb8;
	[tilespmem:$0x18E00] =	vst v63  }
0x519: {  	s20 =	simm.s32 $0x1E00  }
0x51a: {  	[hbm4b:s17+s6] =	stream.indirect_vreg.scatter [tilespmem:s20], [sflag:$0x7], $0x80, v12, vm0, $0xb8;
	[tilespmem:$0x18E00] =	vst v63  }
0x51b: {  	s21 =	simm.s32 $0x2600  }
0x51c: {  	[hbm4b:s5+s6] =	stream.indirect_vreg.scatter [tilespmem:s21], [sflag:$0x7], $0x80, v13, vm0, $0xb8;
	[tilespmem:$0x18E00] =	vst v63  }
0x51d: {  	s22 =	simm.s32 $0x2E00  }
0x51e: {  	[hbm4b:s15+s6] =	stream.indirect_vreg.scatter [tilespmem:s22], [sflag:$0x7], $0x80, v13, vm0, $0xb8;
	[tilespmem:$0x18E00] =	vst v63  }
0x51f: {  	s23 =	simm.s32 $0x3600  }
0x520: {  	[hbm4b:s16+s6] =	stream.indirect_vreg.scatter [tilespmem:s23], [sflag:$0x7], $0x80, v13, vm0, $0xb8;
	[tilespmem:$0x18E00] =	vst v63  }
.Ltmp12:
0x521: {  	s30 =	simm.s32 $0x3E00;
	(pc) =	sbr.rel .LBB2_21-.Ltmp12, $4  }
0x522: {  	[hbm4b:s17+s6] =	stream.indirect_vreg.scatter [tilespmem:s30], [sflag:$0x7], $0x80, v13, vm0, $0xb8;
	[tilespmem:$0x18E00] =	vst v63  }
0x523: {  	_ =	swait.ge [sflag:s31], $0x4000  }
0x524: {  	[sflag:s31] =	ssyncset.done $0x0  }
0x525: {  	s7 =	rddreg [dreg:$0x13];
	[sflag:s31] =	ssyncadd.s32 $0xFFFFC000  }
.LBB2_22:
0x526: {  	_ =	sfence.sel $0x180000  }
0x527: {  	[bflag:$0x0] =	sbarrier.arrive $0xFFFF  }
0x528: {  	_ =	strace $0x90000047  }
0x529: {  	s0 =	stileid.u32;
	[bflag:$0x2] =	sbarrier.arrive $0xFFFF  }
0x52a: {  	p0 =	sne.s32 s0, $0x0;
	s0 =	rddreg [dreg:$0x5]  }
0x52b: {  	s0 =	sadd.s32 @!p0 $0x100000, s0  }
0x52c: {  	[sflag:s0] =	ssyncadd.tile.s32 @!p0 $0x1;
	_ =	shalt  }
.Lfunc_end2:
_tile_overlayer_lowered:
.L_overlay_start_2:
0x52d: {  	(tag) =	ssettag $0x2  }
0x52e: {  	s0 =	rddreg [dreg:$0x0];
	s2 =	stileid.u32  }
0x52f: {  	s1 =	rddreg [dreg:$0x1];
	p0 =	sne.s32 s2, $0x0  }
0x530: {  	s3 =	rddreg [dreg:$0x2];
	[bflag:$0x3] =	sbarrier.arrive $0xFFFF;
	s2 =	simm.s32 @!p0 $0x1C09  }
0x531: {  	[timem:s3], [sflag:s2] =	dma.local @!p0 [hbm:s0], s1  }
0x532: {  	s0 =	simm.s32 @!p0 $0x9  }
0x533: {  	_ =	swait.ge @!p0 [sflag:s0], s1  }
0x534: {  	s1 =	ssub.s32 @!p0 $0x0, s1;
	[sflag:s0] =	ssyncset.done @!p0 $0x0  }
0x535: {  	[sflag:s0] =	ssyncadd.s32 @!p0 s1  }
0x536: {  	[bflag:$0x3] =	sbarrier.arrive $0xFFFF  }
0x537: {  	_ =	shalt  }

</sc_bundles>
